<compile_context>
chip_gen: v7x
topology: tpu7x:2x2x1
jax: 0.10.2.dev20260603
libtpu: 0.0.44.dev20260713+nightly
codegen_flags: <defaults>
</compile_context>

<pallas_src>
import functools

import jax
import jax.numpy as jnp
from jax import lax
from jax.experimental import pallas as pl
from jax.experimental.pallas import tpu as pltpu
from jax.experimental.pallas import tpu_sc as plsc

ROWS = 64
N = 100000
L = 16
VREGS = N // L
NB = 512
NCHUNK = NB // L
P_TOP = 0.5
C = 10
NCH = 5
CH = N // NCH
CHI = CH // (C * L)

LOG2E = 1.4426950408889634
MAGIC = 12582912.0
EC = (0.009554111398756504, 0.05587037280201912, 0.2402469664812088,
      0.6931280493736267, 0.999999463558197)

_mesh = plsc.VectorSubcoreMesh(
    core_axis_name="c", subcore_axis_name="s", num_cores=2, num_subcores=16
)


def _poly_exp(xs):
    f = jnp.float32
    zs = [x * f(LOG2E) for x in xs]
    ts = [z + f(MAGIC) for z in zs]
    nfs = [t - f(MAGIC) for t in ts]
    us = [z - nf for z, nf in zip(zs, nfs)]
    ps = [f(EC[0]) * u + f(EC[1]) for u in us]
    for c in EC[2:]:
        ps = [p * u + f(c) for p, u in zip(ps, us)]
    tbs = [plsc.bitcast(t, jnp.int32) for t in ts]
    scs = [(tb << 23) + (127 << 23) for tb in tbs]
    scs = [plsc.bitcast(sc, jnp.float32) for sc in scs]
    return [p * sc for p, sc in zip(ps, scs)]


@functools.partial(
    pl.kernel,
    out_type=jax.ShapeDtypeStruct((ROWS, N), jnp.float32),
    mesh=_mesh,
    scratch_types=[
        pltpu.VMEM((N,), jnp.float32),
        pltpu.VMEM((NB * L,), jnp.float32),
        pltpu.VMEM((NB + L,), jnp.float32),
        pltpu.SemaphoreType.DMA((NCH,)),
        pltpu.SemaphoreType.DMA((NCH,)),
    ],
    compiler_params=pltpu.CompilerParams(needs_layout_passes=False),
)
def _nucleus_kernel(logits_hbm, out_hbm, row_v, hist_v, sbuf_v, sem_in, sem_out):
    wid = lax.axis_index("s") * 2 + lax.axis_index("c")
    lanes = lax.iota(jnp.int32, L)
    lane_base = lanes * NB
    zf = jnp.zeros((L,), jnp.float32)

    def zero_hist():
        def zero_body(i, _):
            for u in range(8):
                hist_v[pl.ds((i * 8 + u) * L, L)] = zf
            return 0
        lax.fori_loop(0, NB // 8, zero_body, 0)

    def suffix_sums(a_above):
        sbuf_v[pl.ds(NB, L)] = a_above

        def suffix_body(k, carry_v):
            cc = NCHUNK - 1 - k
            tot = zf
            for l in range(L):
                tot = tot + hist_v[pl.ds(l * NB + cc * L, L)]
            suf = lax.rev(plsc.cumsum(lax.rev(tot, (0,))), (0,))
            s_chunk = suf + carry_v
            sbuf_v[pl.ds(cc * L, L)] = s_chunk
            return jnp.full((L,), jnp.max(s_chunk))

        return lax.fori_loop(0, NCHUNK, suffix_body, a_above)

    def pick_bin(p_mass):
        def count_body(k, cnt):
            s_chunk = sbuf_v[pl.ds(k * L, L)]
            return cnt + plsc.all_reduce_population_count(s_chunk >= p_mass)

        cnt = lax.fori_loop(0, NCHUNK, count_body, jnp.zeros((L,), jnp.int32))
        b_lvl = jnp.maximum(cnt - 1, 0)
        a_next = plsc.load_gather(sbuf_v, [b_lvl + 1])
        return b_lvl, a_next

    def run_level(shift, prefix, a_above, p_mass):
        zero_hist()

        def scan_body(i, _):
            es = [row_v[pl.ds((i * C + u) * L, L)] for u in range(C)]
            keys = [plsc.bitcast(e, jnp.int32) for e in es]
            sels = [lax.shift_right_logical(k, shift + 9) == prefix
                    for k in keys]
            bs = [lax.shift_right_logical(k, shift) & (NB - 1) for k in keys]
            idxs = [lane_base + b for b in bs]
            for u in range(C):
                plsc.addupdate_scatter(hist_v, [idxs[u]], es[u], mask=sels[u])
            return 0
        lax.fori_loop(0, VREGS // C, scan_body, 0)
        suffix_sums(a_above)
        return pick_bin(p_mass)

    for j in range(2):
        row = wid * 2 + j
        pltpu.async_copy(logits_hbm.at[row], row_v, sem_in.at[0]).wait()
        zero_hist()

        def exp_body(i, _):
            xs = [row_v[pl.ds((i * C + u) * L, L)] for u in range(C)]
            es = _poly_exp(xs)
            for u in range(C):
                row_v[pl.ds((i * C + u) * L, L)] = es[u]
            keys = [plsc.bitcast(e, jnp.int32) for e in es]
            bs = [lax.shift_right_logical(k, 22) for k in keys]
            idxs = [lane_base + b for b in bs]
            for u in range(C):
                plsc.addupdate_scatter(hist_v, [idxs[u]], es[u])
            return 0
        lax.fori_loop(0, VREGS // C, exp_body, 0)

        z_vec = suffix_sums(zf)
        p_mass = jnp.float32(P_TOP) * z_vec
        inv_z = jnp.ones((L,), jnp.float32) / z_vec

        b1, a1 = pick_bin(p_mass)
        b2, a2 = run_level(13, b1, a1, p_mass)
        b3, _ = run_level(4, (b1 * NB) + b2, a2, p_mass)
        kmin = ((b1 * NB) + b2) * NB + b3

        def out_body(i, _):
            es = [row_v[pl.ds((i * C + u) * L, L)] for u in range(C)]
            keys = [plsc.bitcast(e, jnp.int32) for e in es]
            keeps = [lax.shift_right_logical(k, 4) >= kmin for k in keys]
            outs = [jnp.where(kp, e * inv_z, 0.0)
                    for kp, e in zip(keeps, es)]
            for u in range(C):
                row_v[pl.ds((i * C + u) * L, L)] = outs[u]
            return 0
        lax.fori_loop(0, VREGS // C, out_body, 0)
        pltpu.async_copy(row_v, out_hbm.at[row], sem_out.at[0]).wait()


def kernel(logits):
    return _nucleus_kernel(logits)

# --- scband reference (transcript-rebuilt; emitter-appended) ---
"""Pipeline reference for scband-generator-26190710571539 (READ-ONLY COPY).

The authoritative reference and input builder live on the scoring server;
editing this copy changes nothing except your own understanding.
"""

import jax, jax.numpy as jnp
import numpy as np

NUCLEUS_P = 0.5

def setup_inputs(seed: int = 0) -> dict:
    key = jax.random.key(seed)
    logits = jax.random.normal(key, (64, 100000), dtype=jnp.float32)
    return {"logits": logits}

def reference(logits):
    # Faithful vectorized translation of Generator.select_nucleus:
    #   probs = softmax(out); sort descending; accumulate until cumsum > p;
    #   keep those token indices (the element that pushes cumsum over p is included).
    p = NUCLEUS_P
    probs = jax.nn.softmax(logits, axis=-1)
    sorted_idx = jnp.argsort(-probs, axis=-1)
    sorted_probs = jnp.take_along_axis(probs, sorted_idx, axis=-1)
    cumsum = jnp.cumsum(sorted_probs, axis=-1)
    # element i is kept iff cumulative mass BEFORE it is < p (inclusive cutoff)
    mask_sorted = (cumsum - sorted_probs) < p
    inv = jnp.argsort(sorted_idx, axis=-1)
    mask = jnp.take_along_axis(mask_sorted, inv, axis=-1)
    filtered_probs = probs * mask.astype(probs.dtype)
    return filtered_probs

if __name__ == "__main__":
    import jax
    _d = setup_inputs()
    print(jax.jit(kernel)(*tuple(_d.values())))

</pallas_src>

<mosaic_0001>
#map = affine_map<(d0, d1) -> (0, 0)>
module attributes {stable_mosaic.version = 14 : i64} {
  func.func @_nucleus_kernel(%arg0: i32, %arg1: i32, %arg2: memref<64x100000xf32, #tpu.memory_space<hbm>>, %arg3: memref<64x100000xf32, #tpu.memory_space<hbm>>, %arg4: memref<100000xf32, #tpu.memory_space<vmem>>, %arg5: memref<8192xf32, #tpu.memory_space<vmem>>, %arg6: memref<528xf32, #tpu.memory_space<vmem>>, %arg7: memref<5x!tpu.dma_semaphore, #tpu.memory_space<semaphore_mem>>, %arg8: memref<5x!tpu.dma_semaphore, #tpu.memory_space<semaphore_mem>>) attributes {dimension_semantics = [#tpu.dimension_semantics<core_parallel>, #tpu.dimension_semantics<subcore_parallel>], iteration_bounds = array<i64: 2, 16>, scalar_prefetch = 0 : i64, scratch_operands = 5 : i64, tpu.core_type = #tpu.core_type<sc_vector_subcore>, window_params = [{transform_indices = #map}, {transform_indices = #map}]} {
    %mul3A = arith.constant 2 : i32
    %mul3A_0 = arith.muli %arg1, %mul3A : i32
    %add3A = arith.addi %mul3A_0, %arg0 : i32
    %iota3A = tpu.iota {dimensions = array<i32: 0>} : vector<16xi32>
    %mul3A_1 = arith.constant 512 : i32
    %mul3A_2 = vector.broadcast %mul3A_1 : i32 to vector<16xi32>
    %mul3A_3 = arith.muli %iota3A, %mul3A_2 : vector<16xi32>
    %broadcast_in_dim3A = arith.constant 0.000000e+00 : f32
    %broadcast_in_dim3A_4 = vector.broadcast %broadcast_in_dim3A : f32 to vector<16xf32>
    %mul3A_5 = arith.constant 2 : i32
    %mul3A_6 = arith.muli %add3A, %mul3A_5 : i32
    %add3A_7 = arith.constant 0 : i32
    %add3A_8 = arith.addi %mul3A_6, %add3A_7 : i32
    %dma_start3A = arith.constant 0 : i32
    %dma_start3A_9 = arith.constant 0 : i32
    %dma_start3A_10 = tpu.memref_slice %arg2[%add3A_8, %dma_start3A_9] : memref<64x100000xf32, #tpu.memory_space<hbm>> -> memref<1x100000xf32, #tpu.memory_space<hbm>>
    %dma_start3A_11 = tpu.memref_squeeze %dma_start3A_10 : memref<1x100000xf32, #tpu.memory_space<hbm>> -> memref<100000xf32, #tpu.memory_space<hbm>>
    %dma_start3A_12 = tpu.memref_slice %arg7[%dma_start3A] : memref<5x!tpu.dma_semaphore, #tpu.memory_space<semaphore_mem>> -> memref<1x!tpu.dma_semaphore, #tpu.memory_space<semaphore_mem>>
    %dma_start3A_13 = tpu.memref_squeeze %dma_start3A_12 : memref<1x!tpu.dma_semaphore, #tpu.memory_space<semaphore_mem>> -> memref<!tpu.dma_semaphore, #tpu.memory_space<semaphore_mem>>
    %dma_start3A_14 = arith.constant 0 : i32
    %dma_start3A_15 = tpu.memref_slice %arg2[%add3A_8, %dma_start3A_14] : memref<64x100000xf32, #tpu.memory_space<hbm>> -> memref<1x100000xf32, #tpu.memory_space<hbm>>
    %dma_start3A_16 = tpu.memref_squeeze %dma_start3A_15 : memref<1x100000xf32, #tpu.memory_space<hbm>> -> memref<100000xf32, #tpu.memory_space<hbm>>
    tpu.enqueue_dma source(%dma_start3A_16 : memref<100000xf32, #tpu.memory_space<hbm>>) target(%arg4 : memref<100000xf32, #tpu.memory_space<vmem>>) target_semaphore(%dma_start3A_13 : memref<!tpu.dma_semaphore, #tpu.memory_space<semaphore_mem>>)
    %dma_wait3A = arith.constant 0 : i32
    %dma_wait3A_17 = arith.constant 0 : i32
    %dma_wait3A_18 = tpu.memref_slice %arg2[%add3A_8, %dma_wait3A_17] : memref<64x100000xf32, #tpu.memory_space<hbm>> -> memref<1x100000xf32, #tpu.memory_space<hbm>>
    %dma_wait3A_19 = tpu.memref_squeeze %dma_wait3A_18 : memref<1x100000xf32, #tpu.memory_space<hbm>> -> memref<100000xf32, #tpu.memory_space<hbm>>
    %dma_wait3A_20 = tpu.memref_slice %arg7[%dma_wait3A] : memref<5x!tpu.dma_semaphore, #tpu.memory_space<semaphore_mem>> -> memref<1x!tpu.dma_semaphore, #tpu.memory_space<semaphore_mem>>
    %dma_wait3A_21 = tpu.memref_squeeze %dma_wait3A_20 : memref<1x!tpu.dma_semaphore, #tpu.memory_space<semaphore_mem>> -> memref<!tpu.dma_semaphore, #tpu.memory_space<semaphore_mem>>
    %dma_wait3A_22 = arith.constant 0 : i32
    %dma_wait3A_23 = tpu.memref_slice %arg2[%add3A_8, %dma_wait3A_22] : memref<64x100000xf32, #tpu.memory_space<hbm>> -> memref<1x100000xf32, #tpu.memory_space<hbm>>
    %dma_wait3A_24 = tpu.memref_squeeze %dma_wait3A_23 : memref<1x100000xf32, #tpu.memory_space<hbm>> -> memref<100000xf32, #tpu.memory_space<hbm>>
    tpu.wait_dma2 semaphore(%dma_wait3A_21 : memref<!tpu.dma_semaphore, #tpu.memory_space<semaphore_mem>>) src(%dma_wait3A_24 : memref<100000xf32, #tpu.memory_space<hbm>>) dst(%arg4 : memref<100000xf32, #tpu.memory_space<vmem>>)
    %scan3A = arith.constant 0 : i32
    %scan3A_25 = arith.constant 0 : i32
    %scan3A_26 = arith.constant 64 : i32
    %scan3A_27 = arith.addi %scan3A_25, %scan3A_26 : i32
    %scan3A_28 = arith.constant 1 : i32
    %scan3A_29 = scf.for %scan3A_367 = %scan3A_25 to %scan3A_27 step %scan3A_28 iter_args(%scan3A_368 = %scan3A) -> (i32)  : i32 {
      %mul3A_369 = arith.constant 8 : i32
      %mul3A_370 = arith.muli %scan3A_367, %mul3A_369 : i32
      %add3A_371 = arith.constant 0 : i32
      %add3A_372 = arith.addi %mul3A_370, %add3A_371 : i32
      %mul3A_373 = arith.constant 16 : i32
      %mul3A_374 = arith.muli %add3A_372, %mul3A_373 : i32
      %swap3A_375 = arith.index_cast %mul3A_374 : i32 to index
      %swap3A_376 = tpu.vector_load %arg5[%swap3A_375] {strides = array<i32>} : memref<8192xf32, #tpu.memory_space<vmem>>, vector<16xf32>,
      tpu.vector_store %arg5[%swap3A_375], %broadcast_in_dim3A_4 {strides = array<i32>} : memref<8192xf32, #tpu.memory_space<vmem>>, vector<16xf32>,
      %mul3A_377 = arith.constant 8 : i32
      %mul3A_378 = arith.muli %scan3A_367, %mul3A_377 : i32
      %add3A_379 = arith.constant 1 : i32
      %add3A_380 = arith.addi %mul3A_378, %add3A_379 : i32
      %mul3A_381 = arith.constant 16 : i32
      %mul3A_382 = arith.muli %add3A_380, %mul3A_381 : i32
      %swap3A_383 = arith.index_cast %mul3A_382 : i32 to index
      %swap3A_384 = tpu.vector_load %arg5[%swap3A_383] {strides = array<i32>} : memref<8192xf32, #tpu.memory_space<vmem>>, vector<16xf32>,
      tpu.vector_store %arg5[%swap3A_383], %broadcast_in_dim3A_4 {strides = array<i32>} : memref<8192xf32, #tpu.memory_space<vmem>>, vector<16xf32>,
      %mul3A_385 = arith.constant 8 : i32
      %mul3A_386 = arith.muli %scan3A_367, %mul3A_385 : i32
      %add3A_387 = arith.constant 2 : i32
      %add3A_388 = arith.addi %mul3A_386, %add3A_387 : i32
      %mul3A_389 = arith.constant 16 : i32
      %mul3A_390 = arith.muli %add3A_388, %mul3A_389 : i32
      %swap3A_391 = arith.index_cast %mul3A_390 : i32 to index
      %swap3A_392 = tpu.vector_load %arg5[%swap3A_391] {strides = array<i32>} : memref<8192xf32, #tpu.memory_space<vmem>>, vector<16xf32>,
      tpu.vector_store %arg5[%swap3A_391], %broadcast_in_dim3A_4 {strides = array<i32>} : memref<8192xf32, #tpu.memory_space<vmem>>, vector<16xf32>,
      %mul3A_393 = arith.constant 8 : i32
      %mul3A_394 = arith.muli %scan3A_367, %mul3A_393 : i32
      %add3A_395 = arith.constant 3 : i32
      %add3A_396 = arith.addi %mul3A_394, %add3A_395 : i32
      %mul3A_397 = arith.constant 16 : i32
      %mul3A_398 = arith.muli %add3A_396, %mul3A_397 : i32
      %swap3A_399 = arith.index_cast %mul3A_398 : i32 to index
      %swap3A_400 = tpu.vector_load %arg5[%swap3A_399] {strides = array<i32>} : memref<8192xf32, #tpu.memory_space<vmem>>, vector<16xf32>,
      tpu.vector_store %arg5[%swap3A_399], %broadcast_in_dim3A_4 {strides = array<i32>} : memref<8192xf32, #tpu.memory_space<vmem>>, vector<16xf32>,
      %mul3A_401 = arith.constant 8 : i32
      %mul3A_402 = arith.muli %scan3A_367, %mul3A_401 : i32
      %add3A_403 = arith.constant 4 : i32
      %add3A_404 = arith.addi %mul3A_402, %add3A_403 : i32
      %mul3A_405 = arith.constant 16 : i32
      %mul3A_406 = arith.muli %add3A_404, %mul3A_405 : i32
      %swap3A_407 = arith.index_cast %mul3A_406 : i32 to index
      %swap3A_408 = tpu.vector_load %arg5[%swap3A_407] {strides = array<i32>} : memref<8192xf32, #tpu.memory_space<vmem>>, vector<16xf32>,
      tpu.vector_store %arg5[%swap3A_407], %broadcast_in_dim3A_4 {strides = array<i32>} : memref<8192xf32, #tpu.memory_space<vmem>>, vector<16xf32>,
      %mul3A_409 = arith.constant 8 : i32
      %mul3A_410 = arith.muli %scan3A_367, %mul3A_409 : i32
      %add3A_411 = arith.constant 5 : i32
      %add3A_412 = arith.addi %mul3A_410, %add3A_411 : i32
      %mul3A_413 = arith.constant 16 : i32
      %mul3A_414 = arith.muli %add3A_412, %mul3A_413 : i32
      %swap3A_415 = arith.index_cast %mul3A_414 : i32 to index
      %swap3A_416 = tpu.vector_load %arg5[%swap3A_415] {strides = array<i32>} : memref<8192xf32, #tpu.memory_space<vmem>>, vector<16xf32>,
      tpu.vector_store %arg5[%swap3A_415], %broadcast_in_dim3A_4 {strides = array<i32>} : memref<8192xf32, #tpu.memory_space<vmem>>, vector<16xf32>,
      %mul3A_417 = arith.constant 8 : i32
      %mul3A_418 = arith.muli %scan3A_367, %mul3A_417 : i32
      %add3A_419 = arith.constant 6 : i32
      %add3A_420 = arith.addi %mul3A_418, %add3A_419 : i32
      %mul3A_421 = arith.constant 16 : i32
      %mul3A_422 = arith.muli %add3A_420, %mul3A_421 : i32
      %swap3A_423 = arith.index_cast %mul3A_422 : i32 to index
      %swap3A_424 = tpu.vector_load %arg5[%swap3A_423] {strides = array<i32>} : memref<8192xf32, #tpu.memory_space<vmem>>, vector<16xf32>,
      tpu.vector_store %arg5[%swap3A_423], %broadcast_in_dim3A_4 {strides = array<i32>} : memref<8192xf32, #tpu.memory_space<vmem>>, vector<16xf32>,
      %mul3A_425 = arith.constant 8 : i32
      %mul3A_426 = arith.muli %scan3A_367, %mul3A_425 : i32
      %add3A_427 = arith.constant 7 : i32
      %add3A_428 = arith.addi %mul3A_426, %add3A_427 : i32
      %mul3A_429 = arith.constant 16 : i32
      %mul3A_430 = arith.muli %add3A_428, %mul3A_429 : i32
      %swap3A_431 = arith.index_cast %mul3A_430 : i32 to index
      %swap3A_432 = tpu.vector_load %arg5[%swap3A_431] {strides = array<i32>} : memref<8192xf32, #tpu.memory_space<vmem>>, vector<16xf32>,
      tpu.vector_store %arg5[%swap3A_431], %broadcast_in_dim3A_4 {strides = array<i32>} : memref<8192xf32, #tpu.memory_space<vmem>>, vector<16xf32>,
      %scan3A_433 = arith.constant 0 : i32
      scf.yield %scan3A_433 : i32
    }
    %scan3A_30 = arith.constant 64 : i32
    %scan3A_31 = arith.constant 0 : i32
    %scan3A_32 = arith.constant 0 : i32
    %scan3A_33 = arith.constant 625 : i32
    %scan3A_34 = arith.addi %scan3A_32, %scan3A_33 : i32
    %scan3A_35 = arith.constant 1 : i32
    %scan3A_36 = scf.for %scan3A_367 = %scan3A_32 to %scan3A_34 step %scan3A_35 iter_args(%scan3A_368 = %scan3A_31) -> (i32)  : i32 {
      %mul3A_369 = arith.constant 10 : i32
      %mul3A_370 = arith.muli %scan3A_367, %mul3A_369 : i32
      %add3A_371 = arith.constant 0 : i32
      %add3A_372 = arith.addi %mul3A_370, %add3A_371 : i32
      %mul3A_373 = arith.constant 16 : i32
      %mul3A_374 = arith.muli %add3A_372, %mul3A_373 : i32
      %get3A = arith.index_cast %mul3A_374 : i32 to index
      %get3A_375 = tpu.vector_load %arg4[%get3A] {strides = array<i32>} : memref<100000xf32, #tpu.memory_space<vmem>>, vector<16xf32>,
      %mul3A_376 = arith.constant 10 : i32
      %mul3A_377 = arith.muli %scan3A_367, %mul3A_376 : i32
      %add3A_378 = arith.constant 1 : i32
      %add3A_379 = arith.addi %mul3A_377, %add3A_378 : i32
      %mul3A_380 = arith.constant 16 : i32
      %mul3A_381 = arith.muli %add3A_379, %mul3A_380 : i32
      %get3A_382 = arith.index_cast %mul3A_381 : i32 to index
      %get3A_383 = tpu.vector_load %arg4[%get3A_382] {strides = array<i32>} : memref<100000xf32, #tpu.memory_space<vmem>>, vector<16xf32>,
      %mul3A_384 = arith.constant 10 : i32
      %mul3A_385 = arith.muli %scan3A_367, %mul3A_384 : i32
      %add3A_386 = arith.constant 2 : i32
      %add3A_387 = arith.addi %mul3A_385, %add3A_386 : i32
      %mul3A_388 = arith.constant 16 : i32
      %mul3A_389 = arith.muli %add3A_387, %mul3A_388 : i32
      %get3A_390 = arith.index_cast %mul3A_389 : i32 to index
      %get3A_391 = tpu.vector_load %arg4[%get3A_390] {strides = array<i32>} : memref<100000xf32, #tpu.memory_space<vmem>>, vector<16xf32>,
      %mul3A_392 = arith.constant 10 : i32
      %mul3A_393 = arith.muli %scan3A_367, %mul3A_392 : i32
      %add3A_394 = arith.constant 3 : i32
      %add3A_395 = arith.addi %mul3A_393, %add3A_394 : i32
      %mul3A_396 = arith.constant 16 : i32
      %mul3A_397 = arith.muli %add3A_395, %mul3A_396 : i32
      %get3A_398 = arith.index_cast %mul3A_397 : i32 to index
      %get3A_399 = tpu.vector_load %arg4[%get3A_398] {strides = array<i32>} : memref<100000xf32, #tpu.memory_space<vmem>>, vector<16xf32>,
      %mul3A_400 = arith.constant 10 : i32
      %mul3A_401 = arith.muli %scan3A_367, %mul3A_400 : i32
      %add3A_402 = arith.constant 4 : i32
      %add3A_403 = arith.addi %mul3A_401, %add3A_402 : i32
      %mul3A_404 = arith.constant 16 : i32
      %mul3A_405 = arith.muli %add3A_403, %mul3A_404 : i32
      %get3A_406 = arith.index_cast %mul3A_405 : i32 to index
      %get3A_407 = tpu.vector_load %arg4[%get3A_406] {strides = array<i32>} : memref<100000xf32, #tpu.memory_space<vmem>>, vector<16xf32>,
      %mul3A_408 = arith.constant 10 : i32
      %mul3A_409 = arith.muli %scan3A_367, %mul3A_408 : i32
      %add3A_410 = arith.constant 5 : i32
      %add3A_411 = arith.addi %mul3A_409, %add3A_410 : i32
      %mul3A_412 = arith.constant 16 : i32
      %mul3A_413 = arith.muli %add3A_411, %mul3A_412 : i32
      %get3A_414 = arith.index_cast %mul3A_413 : i32 to index
      %get3A_415 = tpu.vector_load %arg4[%get3A_414] {strides = array<i32>} : memref<100000xf32, #tpu.memory_space<vmem>>, vector<16xf32>,
      %mul3A_416 = arith.constant 10 : i32
      %mul3A_417 = arith.muli %scan3A_367, %mul3A_416 : i32
      %add3A_418 = arith.constant 6 : i32
      %add3A_419 = arith.addi %mul3A_417, %add3A_418 : i32
      %mul3A_420 = arith.constant 16 : i32
      %mul3A_421 = arith.muli %add3A_419, %mul3A_420 : i32
      %get3A_422 = arith.index_cast %mul3A_421 : i32 to index
      %get3A_423 = tpu.vector_load %arg4[%get3A_422] {strides = array<i32>} : memref<100000xf32, #tpu.memory_space<vmem>>, vector<16xf32>,
      %mul3A_424 = arith.constant 10 : i32
      %mul3A_425 = arith.muli %scan3A_367, %mul3A_424 : i32
      %add3A_426 = arith.constant 7 : i32
      %add3A_427 = arith.addi %mul3A_425, %add3A_426 : i32
      %mul3A_428 = arith.constant 16 : i32
      %mul3A_429 = arith.muli %add3A_427, %mul3A_428 : i32
      %get3A_430 = arith.index_cast %mul3A_429 : i32 to index
      %get3A_431 = tpu.vector_load %arg4[%get3A_430] {strides = array<i32>} : memref<100000xf32, #tpu.memory_space<vmem>>, vector<16xf32>,
      %mul3A_432 = arith.constant 10 : i32
      %mul3A_433 = arith.muli %scan3A_367, %mul3A_432 : i32
      %add3A_434 = arith.constant 8 : i32
      %add3A_435 = arith.addi %mul3A_433, %add3A_434 : i32
      %mul3A_436 = arith.constant 16 : i32
      %mul3A_437 = arith.muli %add3A_435, %mul3A_436 : i32
      %get3A_438 = arith.index_cast %mul3A_437 : i32 to index
      %get3A_439 = tpu.vector_load %arg4[%get3A_438] {strides = array<i32>} : memref<100000xf32, #tpu.memory_space<vmem>>, vector<16xf32>,
      %mul3A_440 = arith.constant 10 : i32
      %mul3A_441 = arith.muli %scan3A_367, %mul3A_440 : i32
      %add3A_442 = arith.constant 9 : i32
      %add3A_443 = arith.addi %mul3A_441, %add3A_442 : i32
      %mul3A_444 = arith.constant 16 : i32
      %mul3A_445 = arith.muli %add3A_443, %mul3A_444 : i32
      %get3A_446 = arith.index_cast %mul3A_445 : i32 to index
      %get3A_447 = tpu.vector_load %arg4[%get3A_446] {strides = array<i32>} : memref<100000xf32, #tpu.memory_space<vmem>>, vector<16xf32>,
      %mul3A_448 = arith.constant 1.44269502 : f32
      %mul3A_449 = vector.broadcast %mul3A_448 : f32 to vector<16xf32>
      %mul3A_450 = arith.mulf %get3A_375, %mul3A_449 : vector<16xf32>
      %mul3A_451 = arith.constant 1.44269502 : f32
      %mul3A_452 = vector.broadcast %mul3A_451 : f32 to vector<16xf32>
      %mul3A_453 = arith.mulf %get3A_383, %mul3A_452 : vector<16xf32>
      %mul3A_454 = arith.constant 1.44269502 : f32
      %mul3A_455 = vector.broadcast %mul3A_454 : f32 to vector<16xf32>
      %mul3A_456 = arith.mulf %get3A_391, %mul3A_455 : vector<16xf32>
      %mul3A_457 = arith.constant 1.44269502 : f32
      %mul3A_458 = vector.broadcast %mul3A_457 : f32 to vector<16xf32>
      %mul3A_459 = arith.mulf %get3A_399, %mul3A_458 : vector<16xf32>
      %mul3A_460 = arith.constant 1.44269502 : f32
      %mul3A_461 = vector.broadcast %mul3A_460 : f32 to vector<16xf32>
      %mul3A_462 = arith.mulf %get3A_407, %mul3A_461 : vector<16xf32>
      %mul3A_463 = arith.constant 1.44269502 : f32
      %mul3A_464 = vector.broadcast %mul3A_463 : f32 to vector<16xf32>
      %mul3A_465 = arith.mulf %get3A_415, %mul3A_464 : vector<16xf32>
      %mul3A_466 = arith.constant 1.44269502 : f32
      %mul3A_467 = vector.broadcast %mul3A_466 : f32 to vector<16xf32>
      %mul3A_468 = arith.mulf %get3A_423, %mul3A_467 : vector<16xf32>
      %mul3A_469 = arith.constant 1.44269502 : f32
      %mul3A_470 = vector.broadcast %mul3A_469 : f32 to vector<16xf32>
      %mul3A_471 = arith.mulf %get3A_431, %mul3A_470 : vector<16xf32>
      %mul3A_472 = arith.constant 1.44269502 : f32
      %mul3A_473 = vector.broadcast %mul3A_472 : f32 to vector<16xf32>
      %mul3A_474 = arith.mulf %get3A_439, %mul3A_473 : vector<16xf32>
      %mul3A_475 = arith.constant 1.44269502 : f32
      %mul3A_476 = vector.broadcast %mul3A_475 : f32 to vector<16xf32>
      %mul3A_477 = arith.mulf %get3A_447, %mul3A_476 : vector<16xf32>
      %add3A_478 = arith.constant 0x4B400000 : f32
      %add3A_479 = vector.broadcast %add3A_478 : f32 to vector<16xf32>
      %add3A_480 = arith.addf %mul3A_450, %add3A_479 : vector<16xf32>
      %add3A_481 = arith.constant 0x4B400000 : f32
      %add3A_482 = vector.broadcast %add3A_481 : f32 to vector<16xf32>
      %add3A_483 = arith.addf %mul3A_453, %add3A_482 : vector<16xf32>
      %add3A_484 = arith.constant 0x4B400000 : f32
      %add3A_485 = vector.broadcast %add3A_484 : f32 to vector<16xf32>
      %add3A_486 = arith.addf %mul3A_456, %add3A_485 : vector<16xf32>
      %add3A_487 = arith.constant 0x4B400000 : f32
      %add3A_488 = vector.broadcast %add3A_487 : f32 to vector<16xf32>
      %add3A_489 = arith.addf %mul3A_459, %add3A_488 : vector<16xf32>
      %add3A_490 = arith.constant 0x4B400000 : f32
      %add3A_491 = vector.broadcast %add3A_490 : f32 to vector<16xf32>
      %add3A_492 = arith.addf %mul3A_462, %add3A_491 : vector<16xf32>
      %add3A_493 = arith.constant 0x4B400000 : f32
      %add3A_494 = vector.broadcast %add3A_493 : f32 to vector<16xf32>
      %add3A_495 = arith.addf %mul3A_465, %add3A_494 : vector<16xf32>
      %add3A_496 = arith.constant 0x4B400000 : f32
      %add3A_497 = vector.broadcast %add3A_496 : f32 to vector<16xf32>
      %add3A_498 = arith.addf %mul3A_468, %add3A_497 : vector<16xf32>
      %add3A_499 = arith.constant 0x4B400000 : f32
      %add3A_500 = vector.broadcast %add3A_499 : f32 to vector<16xf32>
      %add3A_501 = arith.addf %mul3A_471, %add3A_500 : vector<16xf32>
      %add3A_502 = arith.constant 0x4B400000 : f32
      %add3A_503 = vector.broadcast %add3A_502 : f32 to vector<16xf32>
      %add3A_504 = arith.addf %mul3A_474, %add3A_503 : vector<16xf32>
      %add3A_505 = arith.constant 0x4B400000 : f32
      %add3A_506 = vector.broadcast %add3A_505 : f32 to vector<16xf32>
      %add3A_507 = arith.addf %mul3A_477, %add3A_506 : vector<16xf32>
      %sub3A_508 = arith.constant 0x4B400000 : f32
      %sub3A_509 = vector.broadcast %sub3A_508 : f32 to vector<16xf32>
      %sub3A_510 = arith.subf %add3A_480, %sub3A_509 : vector<16xf32>
      %sub3A_511 = arith.constant 0x4B400000 : f32
      %sub3A_512 = vector.broadcast %sub3A_511 : f32 to vector<16xf32>
      %sub3A_513 = arith.subf %add3A_483, %sub3A_512 : vector<16xf32>
      %sub3A_514 = arith.constant 0x4B400000 : f32
      %sub3A_515 = vector.broadcast %sub3A_514 : f32 to vector<16xf32>
      %sub3A_516 = arith.subf %add3A_486, %sub3A_515 : vector<16xf32>
      %sub3A_517 = arith.constant 0x4B400000 : f32
      %sub3A_518 = vector.broadcast %sub3A_517 : f32 to vector<16xf32>
      %sub3A_519 = arith.subf %add3A_489, %sub3A_518 : vector<16xf32>
      %sub3A_520 = arith.constant 0x4B400000 : f32
      %sub3A_521 = vector.broadcast %sub3A_520 : f32 to vector<16xf32>
      %sub3A_522 = arith.subf %add3A_492, %sub3A_521 : vector<16xf32>
      %sub3A_523 = arith.constant 0x4B400000 : f32
      %sub3A_524 = vector.broadcast %sub3A_523 : f32 to vector<16xf32>
      %sub3A_525 = arith.subf %add3A_495, %sub3A_524 : vector<16xf32>
      %sub3A_526 = arith.constant 0x4B400000 : f32
      %sub3A_527 = vector.broadcast %sub3A_526 : f32 to vector<16xf32>
      %sub3A_528 = arith.subf %add3A_498, %sub3A_527 : vector<16xf32>
      %sub3A_529 = arith.constant 0x4B400000 : f32
      %sub3A_530 = vector.broadcast %sub3A_529 : f32 to vector<16xf32>
      %sub3A_531 = arith.subf %add3A_501, %sub3A_530 : vector<16xf32>
      %sub3A_532 = arith.constant 0x4B400000 : f32
      %sub3A_533 = vector.broadcast %sub3A_532 : f32 to vector<16xf32>
      %sub3A_534 = arith.subf %add3A_504, %sub3A_533 : vector<16xf32>
      %sub3A_535 = arith.constant 0x4B400000 : f32
      %sub3A_536 = vector.broadcast %sub3A_535 : f32 to vector<16xf32>
      %sub3A_537 = arith.subf %add3A_507, %sub3A_536 : vector<16xf32>
      %sub3A_538 = arith.subf %mul3A_450, %sub3A_510 : vector<16xf32>
      %sub3A_539 = arith.subf %mul3A_453, %sub3A_513 : vector<16xf32>
      %sub3A_540 = arith.subf %mul3A_456, %sub3A_516 : vector<16xf32>
      %sub3A_541 = arith.subf %mul3A_459, %sub3A_519 : vector<16xf32>
      %sub3A_542 = arith.subf %mul3A_462, %sub3A_522 : vector<16xf32>
      %sub3A_543 = arith.subf %mul3A_465, %sub3A_525 : vector<16xf32>
      %sub3A_544 = arith.subf %mul3A_468, %sub3A_528 : vector<16xf32>
      %sub3A_545 = arith.subf %mul3A_471, %sub3A_531 : vector<16xf32>
      %sub3A_546 = arith.subf %mul3A_474, %sub3A_534 : vector<16xf32>
      %sub3A_547 = arith.subf %mul3A_477, %sub3A_537 : vector<16xf32>
      %mul3A_548 = arith.constant 0.0095541114 : f32
      %mul3A_549 = vector.broadcast %mul3A_548 : f32 to vector<16xf32>
      %mul3A_550 = arith.mulf %mul3A_549, %sub3A_538 : vector<16xf32>
      %add3A_551 = arith.constant 0.0558703728 : f32
      %add3A_552 = vector.broadcast %add3A_551 : f32 to vector<16xf32>
      %add3A_553 = arith.addf %mul3A_550, %add3A_552 : vector<16xf32>
      %mul3A_554 = arith.constant 0.0095541114 : f32
      %mul3A_555 = vector.broadcast %mul3A_554 : f32 to vector<16xf32>
      %mul3A_556 = arith.mulf %mul3A_555, %sub3A_539 : vector<16xf32>
      %add3A_557 = arith.constant 0.0558703728 : f32
      %add3A_558 = vector.broadcast %add3A_557 : f32 to vector<16xf32>
      %add3A_559 = arith.addf %mul3A_556, %add3A_558 : vector<16xf32>
      %mul3A_560 = arith.constant 0.0095541114 : f32
      %mul3A_561 = vector.broadcast %mul3A_560 : f32 to vector<16xf32>
      %mul3A_562 = arith.mulf %mul3A_561, %sub3A_540 : vector<16xf32>
      %add3A_563 = arith.constant 0.0558703728 : f32
      %add3A_564 = vector.broadcast %add3A_563 : f32 to vector<16xf32>
      %add3A_565 = arith.addf %mul3A_562, %add3A_564 : vector<16xf32>
      %mul3A_566 = arith.constant 0.0095541114 : f32
      %mul3A_567 = vector.broadcast %mul3A_566 : f32 to vector<16xf32>
      %mul3A_568 = arith.mulf %mul3A_567, %sub3A_541 : vector<16xf32>
      %add3A_569 = arith.constant 0.0558703728 : f32
      %add3A_570 = vector.broadcast %add3A_569 : f32 to vector<16xf32>
      %add3A_571 = arith.addf %mul3A_568, %add3A_570 : vector<16xf32>
      %mul3A_572 = arith.constant 0.0095541114 : f32
      %mul3A_573 = vector.broadcast %mul3A_572 : f32 to vector<16xf32>
      %mul3A_574 = arith.mulf %mul3A_573, %sub3A_542 : vector<16xf32>
      %add3A_575 = arith.constant 0.0558703728 : f32
      %add3A_576 = vector.broadcast %add3A_575 : f32 to vector<16xf32>
      %add3A_577 = arith.addf %mul3A_574, %add3A_576 : vector<16xf32>
      %mul3A_578 = arith.constant 0.0095541114 : f32
      %mul3A_579 = vector.broadcast %mul3A_578 : f32 to vector<16xf32>
      %mul3A_580 = arith.mulf %mul3A_579, %sub3A_543 : vector<16xf32>
      %add3A_581 = arith.constant 0.0558703728 : f32
      %add3A_582 = vector.broadcast %add3A_581 : f32 to vector<16xf32>
      %add3A_583 = arith.addf %mul3A_580, %add3A_582 : vector<16xf32>
      %mul3A_584 = arith.constant 0.0095541114 : f32
      %mul3A_585 = vector.broadcast %mul3A_584 : f32 to vector<16xf32>
      %mul3A_586 = arith.mulf %mul3A_585, %sub3A_544 : vector<16xf32>
      %add3A_587 = arith.constant 0.0558703728 : f32
      %add3A_588 = vector.broadcast %add3A_587 : f32 to vector<16xf32>
      %add3A_589 = arith.addf %mul3A_586, %add3A_588 : vector<16xf32>
      %mul3A_590 = arith.constant 0.0095541114 : f32
      %mul3A_591 = vector.broadcast %mul3A_590 : f32 to vector<16xf32>
      %mul3A_592 = arith.mulf %mul3A_591, %sub3A_545 : vector<16xf32>
      %add3A_593 = arith.constant 0.0558703728 : f32
      %add3A_594 = vector.broadcast %add3A_593 : f32 to vector<16xf32>
      %add3A_595 = arith.addf %mul3A_592, %add3A_594 : vector<16xf32>
      %mul3A_596 = arith.constant 0.0095541114 : f32
      %mul3A_597 = vector.broadcast %mul3A_596 : f32 to vector<16xf32>
      %mul3A_598 = arith.mulf %mul3A_597, %sub3A_546 : vector<16xf32>
      %add3A_599 = arith.constant 0.0558703728 : f32
      %add3A_600 = vector.broadcast %add3A_599 : f32 to vector<16xf32>
      %add3A_601 = arith.addf %mul3A_598, %add3A_600 : vector<16xf32>
      %mul3A_602 = arith.constant 0.0095541114 : f32
      %mul3A_603 = vector.broadcast %mul3A_602 : f32 to vector<16xf32>
      %mul3A_604 = arith.mulf %mul3A_603, %sub3A_547 : vector<16xf32>
      %add3A_605 = arith.constant 0.0558703728 : f32
      %add3A_606 = vector.broadcast %add3A_605 : f32 to vector<16xf32>
      %add3A_607 = arith.addf %mul3A_604, %add3A_606 : vector<16xf32>
      %mul3A_608 = arith.mulf %add3A_553, %sub3A_538 : vector<16xf32>
      %add3A_609 = arith.constant 0.240246966 : f32
      %add3A_610 = vector.broadcast %add3A_609 : f32 to vector<16xf32>
      %add3A_611 = arith.addf %mul3A_608, %add3A_610 : vector<16xf32>
      %mul3A_612 = arith.mulf %add3A_559, %sub3A_539 : vector<16xf32>
      %add3A_613 = arith.constant 0.240246966 : f32
      %add3A_614 = vector.broadcast %add3A_613 : f32 to vector<16xf32>
      %add3A_615 = arith.addf %mul3A_612, %add3A_614 : vector<16xf32>
      %mul3A_616 = arith.mulf %add3A_565, %sub3A_540 : vector<16xf32>
      %add3A_617 = arith.constant 0.240246966 : f32
      %add3A_618 = vector.broadcast %add3A_617 : f32 to vector<16xf32>
      %add3A_619 = arith.addf %mul3A_616, %add3A_618 : vector<16xf32>
      %mul3A_620 = arith.mulf %add3A_571, %sub3A_541 : vector<16xf32>
      %add3A_621 = arith.constant 0.240246966 : f32
      %add3A_622 = vector.broadcast %add3A_621 : f32 to vector<16xf32>
      %add3A_623 = arith.addf %mul3A_620, %add3A_622 : vector<16xf32>
      %mul3A_624 = arith.mulf %add3A_577, %sub3A_542 : vector<16xf32>
      %add3A_625 = arith.constant 0.240246966 : f32
      %add3A_626 = vector.broadcast %add3A_625 : f32 to vector<16xf32>
      %add3A_627 = arith.addf %mul3A_624, %add3A_626 : vector<16xf32>
      %mul3A_628 = arith.mulf %add3A_583, %sub3A_543 : vector<16xf32>
      %add3A_629 = arith.constant 0.240246966 : f32
      %add3A_630 = vector.broadcast %add3A_629 : f32 to vector<16xf32>
      %add3A_631 = arith.addf %mul3A_628, %add3A_630 : vector<16xf32>
      %mul3A_632 = arith.mulf %add3A_589, %sub3A_544 : vector<16xf32>
      %add3A_633 = arith.constant 0.240246966 : f32
      %add3A_634 = vector.broadcast %add3A_633 : f32 to vector<16xf32>
      %add3A_635 = arith.addf %mul3A_632, %add3A_634 : vector<16xf32>
      %mul3A_636 = arith.mulf %add3A_595, %sub3A_545 : vector<16xf32>
      %add3A_637 = arith.constant 0.240246966 : f32
      %add3A_638 = vector.broadcast %add3A_637 : f32 to vector<16xf32>
      %add3A_639 = arith.addf %mul3A_636, %add3A_638 : vector<16xf32>
      %mul3A_640 = arith.mulf %add3A_601, %sub3A_546 : vector<16xf32>
      %add3A_641 = arith.constant 0.240246966 : f32
      %add3A_642 = vector.broadcast %add3A_641 : f32 to vector<16xf32>
      %add3A_643 = arith.addf %mul3A_640, %add3A_642 : vector<16xf32>
      %mul3A_644 = arith.mulf %add3A_607, %sub3A_547 : vector<16xf32>
      %add3A_645 = arith.constant 0.240246966 : f32
      %add3A_646 = vector.broadcast %add3A_645 : f32 to vector<16xf32>
      %add3A_647 = arith.addf %mul3A_644, %add3A_646 : vector<16xf32>
      %mul3A_648 = arith.mulf %add3A_611, %sub3A_538 : vector<16xf32>
      %add3A_649 = arith.constant 0.693128049 : f32
      %add3A_650 = vector.broadcast %add3A_649 : f32 to vector<16xf32>
      %add3A_651 = arith.addf %mul3A_648, %add3A_650 : vector<16xf32>
      %mul3A_652 = arith.mulf %add3A_615, %sub3A_539 : vector<16xf32>
      %add3A_653 = arith.constant 0.693128049 : f32
      %add3A_654 = vector.broadcast %add3A_653 : f32 to vector<16xf32>
      %add3A_655 = arith.addf %mul3A_652, %add3A_654 : vector<16xf32>
      %mul3A_656 = arith.mulf %add3A_619, %sub3A_540 : vector<16xf32>
      %add3A_657 = arith.constant 0.693128049 : f32
      %add3A_658 = vector.broadcast %add3A_657 : f32 to vector<16xf32>
      %add3A_659 = arith.addf %mul3A_656, %add3A_658 : vector<16xf32>
      %mul3A_660 = arith.mulf %add3A_623, %sub3A_541 : vector<16xf32>
      %add3A_661 = arith.constant 0.693128049 : f32
      %add3A_662 = vector.broadcast %add3A_661 : f32 to vector<16xf32>
      %add3A_663 = arith.addf %mul3A_660, %add3A_662 : vector<16xf32>
      %mul3A_664 = arith.mulf %add3A_627, %sub3A_542 : vector<16xf32>
      %add3A_665 = arith.constant 0.693128049 : f32
      %add3A_666 = vector.broadcast %add3A_665 : f32 to vector<16xf32>
      %add3A_667 = arith.addf %mul3A_664, %add3A_666 : vector<16xf32>
      %mul3A_668 = arith.mulf %add3A_631, %sub3A_543 : vector<16xf32>
      %add3A_669 = arith.constant 0.693128049 : f32
      %add3A_670 = vector.broadcast %add3A_669 : f32 to vector<16xf32>
      %add3A_671 = arith.addf %mul3A_668, %add3A_670 : vector<16xf32>
      %mul3A_672 = arith.mulf %add3A_635, %sub3A_544 : vector<16xf32>
      %add3A_673 = arith.constant 0.693128049 : f32
      %add3A_674 = vector.broadcast %add3A_673 : f32 to vector<16xf32>
      %add3A_675 = arith.addf %mul3A_672, %add3A_674 : vector<16xf32>
      %mul3A_676 = arith.mulf %add3A_639, %sub3A_545 : vector<16xf32>
      %add3A_677 = arith.constant 0.693128049 : f32
      %add3A_678 = vector.broadcast %add3A_677 : f32 to vector<16xf32>
      %add3A_679 = arith.addf %mul3A_676, %add3A_678 : vector<16xf32>
      %mul3A_680 = arith.mulf %add3A_643, %sub3A_546 : vector<16xf32>
      %add3A_681 = arith.constant 0.693128049 : f32
      %add3A_682 = vector.broadcast %add3A_681 : f32 to vector<16xf32>
      %add3A_683 = arith.addf %mul3A_680, %add3A_682 : vector<16xf32>
      %mul3A_684 = arith.mulf %add3A_647, %sub3A_547 : vector<16xf32>
      %add3A_685 = arith.constant 0.693128049 : f32
      %add3A_686 = vector.broadcast %add3A_685 : f32 to vector<16xf32>
      %add3A_687 = arith.addf %mul3A_684, %add3A_686 : vector<16xf32>
      %mul3A_688 = arith.mulf %add3A_651, %sub3A_538 : vector<16xf32>
      %add3A_689 = arith.constant 0.999999463 : f32
      %add3A_690 = vector.broadcast %add3A_689 : f32 to vector<16xf32>
      %add3A_691 = arith.addf %mul3A_688, %add3A_690 : vector<16xf32>
      %mul3A_692 = arith.mulf %add3A_655, %sub3A_539 : vector<16xf32>
      %add3A_693 = arith.constant 0.999999463 : f32
      %add3A_694 = vector.broadcast %add3A_693 : f32 to vector<16xf32>
      %add3A_695 = arith.addf %mul3A_692, %add3A_694 : vector<16xf32>
      %mul3A_696 = arith.mulf %add3A_659, %sub3A_540 : vector<16xf32>
      %add3A_697 = arith.constant 0.999999463 : f32
      %add3A_698 = vector.broadcast %add3A_697 : f32 to vector<16xf32>
      %add3A_699 = arith.addf %mul3A_696, %add3A_698 : vector<16xf32>
      %mul3A_700 = arith.mulf %add3A_663, %sub3A_541 : vector<16xf32>
      %add3A_701 = arith.constant 0.999999463 : f32
      %add3A_702 = vector.broadcast %add3A_701 : f32 to vector<16xf32>
      %add3A_703 = arith.addf %mul3A_700, %add3A_702 : vector<16xf32>
      %mul3A_704 = arith.mulf %add3A_667, %sub3A_542 : vector<16xf32>
      %add3A_705 = arith.constant 0.999999463 : f32
      %add3A_706 = vector.broadcast %add3A_705 : f32 to vector<16xf32>
      %add3A_707 = arith.addf %mul3A_704, %add3A_706 : vector<16xf32>
      %mul3A_708 = arith.mulf %add3A_671, %sub3A_543 : vector<16xf32>
      %add3A_709 = arith.constant 0.999999463 : f32
      %add3A_710 = vector.broadcast %add3A_709 : f32 to vector<16xf32>
      %add3A_711 = arith.addf %mul3A_708, %add3A_710 : vector<16xf32>
      %mul3A_712 = arith.mulf %add3A_675, %sub3A_544 : vector<16xf32>
      %add3A_713 = arith.constant 0.999999463 : f32
      %add3A_714 = vector.broadcast %add3A_713 : f32 to vector<16xf32>
      %add3A_715 = arith.addf %mul3A_712, %add3A_714 : vector<16xf32>
      %mul3A_716 = arith.mulf %add3A_679, %sub3A_545 : vector<16xf32>
      %add3A_717 = arith.constant 0.999999463 : f32
      %add3A_718 = vector.broadcast %add3A_717 : f32 to vector<16xf32>
      %add3A_719 = arith.addf %mul3A_716, %add3A_718 : vector<16xf32>
      %mul3A_720 = arith.mulf %add3A_683, %sub3A_546 : vector<16xf32>
      %add3A_721 = arith.constant 0.999999463 : f32
      %add3A_722 = vector.broadcast %add3A_721 : f32 to vector<16xf32>
      %add3A_723 = arith.addf %mul3A_720, %add3A_722 : vector<16xf32>
      %mul3A_724 = arith.mulf %add3A_687, %sub3A_547 : vector<16xf32>
      %add3A_725 = arith.constant 0.999999463 : f32
      %add3A_726 = vector.broadcast %add3A_725 : f32 to vector<16xf32>
      %add3A_727 = arith.addf %mul3A_724, %add3A_726 : vector<16xf32>
      %bitcast3A = vector.bitcast %add3A_480 : vector<16xf32> to vector<16xi32>
      %bitcast3A_728 = vector.bitcast %add3A_483 : vector<16xf32> to vector<16xi32>
      %bitcast3A_729 = vector.bitcast %add3A_486 : vector<16xf32> to vector<16xi32>
      %bitcast3A_730 = vector.bitcast %add3A_489 : vector<16xf32> to vector<16xi32>
      %bitcast3A_731 = vector.bitcast %add3A_492 : vector<16xf32> to vector<16xi32>
      %bitcast3A_732 = vector.bitcast %add3A_495 : vector<16xf32> to vector<16xi32>
      %bitcast3A_733 = vector.bitcast %add3A_498 : vector<16xf32> to vector<16xi32>
      %bitcast3A_734 = vector.bitcast %add3A_501 : vector<16xf32> to vector<16xi32>
      %bitcast3A_735 = vector.bitcast %add3A_504 : vector<16xf32> to vector<16xi32>
      %bitcast3A_736 = vector.bitcast %add3A_507 : vector<16xf32> to vector<16xi32>
      %shift_left3A = arith.constant 23 : i32
      %shift_left3A_737 = vector.broadcast %shift_left3A : i32 to vector<16xi32>
      %shift_left3A_738 = arith.shli %bitcast3A, %shift_left3A_737 : vector<16xi32>
      %add3A_739 = arith.constant 1065353216 : i32
      %add3A_740 = vector.broadcast %add3A_739 : i32 to vector<16xi32>
      %add3A_741 = arith.addi %shift_left3A_738, %add3A_740 : vector<16xi32>
      %shift_left3A_742 = arith.constant 23 : i32
      %shift_left3A_743 = vector.broadcast %shift_left3A_742 : i32 to vector<16xi32>
      %shift_left3A_744 = arith.shli %bitcast3A_728, %shift_left3A_743 : vector<16xi32>
      %add3A_745 = arith.constant 1065353216 : i32
      %add3A_746 = vector.broadcast %add3A_745 : i32 to vector<16xi32>
      %add3A_747 = arith.addi %shift_left3A_744, %add3A_746 : vector<16xi32>
      %shift_left3A_748 = arith.constant 23 : i32
      %shift_left3A_749 = vector.broadcast %shift_left3A_748 : i32 to vector<16xi32>
      %shift_left3A_750 = arith.shli %bitcast3A_729, %shift_left3A_749 : vector<16xi32>
      %add3A_751 = arith.constant 1065353216 : i32
      %add3A_752 = vector.broadcast %add3A_751 : i32 to vector<16xi32>
      %add3A_753 = arith.addi %shift_left3A_750, %add3A_752 : vector<16xi32>
      %shift_left3A_754 = arith.constant 23 : i32
      %shift_left3A_755 = vector.broadcast %shift_left3A_754 : i32 to vector<16xi32>
      %shift_left3A_756 = arith.shli %bitcast3A_730, %shift_left3A_755 : vector<16xi32>
      %add3A_757 = arith.constant 1065353216 : i32
      %add3A_758 = vector.broadcast %add3A_757 : i32 to vector<16xi32>
      %add3A_759 = arith.addi %shift_left3A_756, %add3A_758 : vector<16xi32>
      %shift_left3A_760 = arith.constant 23 : i32
      %shift_left3A_761 = vector.broadcast %shift_left3A_760 : i32 to vector<16xi32>
      %shift_left3A_762 = arith.shli %bitcast3A_731, %shift_left3A_761 : vector<16xi32>
      %add3A_763 = arith.constant 1065353216 : i32
      %add3A_764 = vector.broadcast %add3A_763 : i32 to vector<16xi32>
      %add3A_765 = arith.addi %shift_left3A_762, %add3A_764 : vector<16xi32>
      %shift_left3A_766 = arith.constant 23 : i32
      %shift_left3A_767 = vector.broadcast %shift_left3A_766 : i32 to vector<16xi32>
      %shift_left3A_768 = arith.shli %bitcast3A_732, %shift_left3A_767 : vector<16xi32>
      %add3A_769 = arith.constant 1065353216 : i32
      %add3A_770 = vector.broadcast %add3A_769 : i32 to vector<16xi32>
      %add3A_771 = arith.addi %shift_left3A_768, %add3A_770 : vector<16xi32>
      %shift_left3A_772 = arith.constant 23 : i32
      %shift_left3A_773 = vector.broadcast %shift_left3A_772 : i32 to vector<16xi32>
      %shift_left3A_774 = arith.shli %bitcast3A_733, %shift_left3A_773 : vector<16xi32>
      %add3A_775 = arith.constant 1065353216 : i32
      %add3A_776 = vector.broadcast %add3A_775 : i32 to vector<16xi32>
      %add3A_777 = arith.addi %shift_left3A_774, %add3A_776 : vector<16xi32>
      %shift_left3A_778 = arith.constant 23 : i32
      %shift_left3A_779 = vector.broadcast %shift_left3A_778 : i32 to vector<16xi32>
      %shift_left3A_780 = arith.shli %bitcast3A_734, %shift_left3A_779 : vector<16xi32>
      %add3A_781 = arith.constant 1065353216 : i32
      %add3A_782 = vector.broadcast %add3A_781 : i32 to vector<16xi32>
      %add3A_783 = arith.addi %shift_left3A_780, %add3A_782 : vector<16xi32>
      %shift_left3A_784 = arith.constant 23 : i32
      %shift_left3A_785 = vector.broadcast %shift_left3A_784 : i32 to vector<16xi32>
      %shift_left3A_786 = arith.shli %bitcast3A_735, %shift_left3A_785 : vector<16xi32>
      %add3A_787 = arith.constant 1065353216 : i32
      %add3A_788 = vector.broadcast %add3A_787 : i32 to vector<16xi32>
      %add3A_789 = arith.addi %shift_left3A_786, %add3A_788 : vector<16xi32>
      %shift_left3A_790 = arith.constant 23 : i32
      %shift_left3A_791 = vector.broadcast %shift_left3A_790 : i32 to vector<16xi32>
      %shift_left3A_792 = arith.shli %bitcast3A_736, %shift_left3A_791 : vector<16xi32>
      %add3A_793 = arith.constant 1065353216 : i32
      %add3A_794 = vector.broadcast %add3A_793 : i32 to vector<16xi32>
      %add3A_795 = arith.addi %shift_left3A_792, %add3A_794 : vector<16xi32>
      %bitcast3A_796 = vector.bitcast %add3A_741 : vector<16xi32> to vector<16xf32>
      %bitcast3A_797 = vector.bitcast %add3A_747 : vector<16xi32> to vector<16xf32>
      %bitcast3A_798 = vector.bitcast %add3A_753 : vector<16xi32> to vector<16xf32>
      %bitcast3A_799 = vector.bitcast %add3A_759 : vector<16xi32> to vector<16xf32>
      %bitcast3A_800 = vector.bitcast %add3A_765 : vector<16xi32> to vector<16xf32>
      %bitcast3A_801 = vector.bitcast %add3A_771 : vector<16xi32> to vector<16xf32>
      %bitcast3A_802 = vector.bitcast %add3A_777 : vector<16xi32> to vector<16xf32>
      %bitcast3A_803 = vector.bitcast %add3A_783 : vector<16xi32> to vector<16xf32>
      %bitcast3A_804 = vector.bitcast %add3A_789 : vector<16xi32> to vector<16xf32>
      %bitcast3A_805 = vector.bitcast %add3A_795 : vector<16xi32> to vector<16xf32>
      %mul3A_806 = arith.mulf %add3A_691, %bitcast3A_796 : vector<16xf32>
      %mul3A_807 = arith.mulf %add3A_695, %bitcast3A_797 : vector<16xf32>
      %mul3A_808 = arith.mulf %add3A_699, %bitcast3A_798 : vector<16xf32>
      %mul3A_809 = arith.mulf %add3A_703, %bitcast3A_799 : vector<16xf32>
      %mul3A_810 = arith.mulf %add3A_707, %bitcast3A_800 : vector<16xf32>
      %mul3A_811 = arith.mulf %add3A_711, %bitcast3A_801 : vector<16xf32>
      %mul3A_812 = arith.mulf %add3A_715, %bitcast3A_802 : vector<16xf32>
      %mul3A_813 = arith.mulf %add3A_719, %bitcast3A_803 : vector<16xf32>
      %mul3A_814 = arith.mulf %add3A_723, %bitcast3A_804 : vector<16xf32>
      %mul3A_815 = arith.mulf %add3A_727, %bitcast3A_805 : vector<16xf32>
      %mul3A_816 = arith.constant 10 : i32
      %mul3A_817 = arith.muli %scan3A_367, %mul3A_816 : i32
      %add3A_818 = arith.constant 0 : i32
      %add3A_819 = arith.addi %mul3A_817, %add3A_818 : i32
      %mul3A_820 = arith.constant 16 : i32
      %mul3A_821 = arith.muli %add3A_819, %mul3A_820 : i32
      %swap3A_822 = arith.index_cast %mul3A_821 : i32 to index
      %swap3A_823 = tpu.vector_load %arg4[%swap3A_822] {strides = array<i32>} : memref<100000xf32, #tpu.memory_space<vmem>>, vector<16xf32>,
      tpu.vector_store %arg4[%swap3A_822], %mul3A_806 {strides = array<i32>} : memref<100000xf32, #tpu.memory_space<vmem>>, vector<16xf32>,
      %mul3A_824 = arith.constant 10 : i32
      %mul3A_825 = arith.muli %scan3A_367, %mul3A_824 : i32
      %add3A_826 = arith.constant 1 : i32
      %add3A_827 = arith.addi %mul3A_825, %add3A_826 : i32
      %mul3A_828 = arith.constant 16 : i32
      %mul3A_829 = arith.muli %add3A_827, %mul3A_828 : i32
      %swap3A_830 = arith.index_cast %mul3A_829 : i32 to index
      %swap3A_831 = tpu.vector_load %arg4[%swap3A_830] {strides = array<i32>} : memref<100000xf32, #tpu.memory_space<vmem>>, vector<16xf32>,
      tpu.vector_store %arg4[%swap3A_830], %mul3A_807 {strides = array<i32>} : memref<100000xf32, #tpu.memory_space<vmem>>, vector<16xf32>,
      %mul3A_832 = arith.constant 10 : i32
      %mul3A_833 = arith.muli %scan3A_367, %mul3A_832 : i32
      %add3A_834 = arith.constant 2 : i32
      %add3A_835 = arith.addi %mul3A_833, %add3A_834 : i32
      %mul3A_836 = arith.constant 16 : i32
      %mul3A_837 = arith.muli %add3A_835, %mul3A_836 : i32
      %swap3A_838 = arith.index_cast %mul3A_837 : i32 to index
      %swap3A_839 = tpu.vector_load %arg4[%swap3A_838] {strides = array<i32>} : memref<100000xf32, #tpu.memory_space<vmem>>, vector<16xf32>,
      tpu.vector_store %arg4[%swap3A_838], %mul3A_808 {strides = array<i32>} : memref<100000xf32, #tpu.memory_space<vmem>>, vector<16xf32>,
      %mul3A_840 = arith.constant 10 : i32
      %mul3A_841 = arith.muli %scan3A_367, %mul3A_840 : i32
      %add3A_842 = arith.constant 3 : i32
      %add3A_843 = arith.addi %mul3A_841, %add3A_842 : i32
      %mul3A_844 = arith.constant 16 : i32
      %mul3A_845 = arith.muli %add3A_843, %mul3A_844 : i32
      %swap3A_846 = arith.index_cast %mul3A_845 : i32 to index
      %swap3A_847 = tpu.vector_load %arg4[%swap3A_846] {strides = array<i32>} : memref<100000xf32, #tpu.memory_space<vmem>>, vector<16xf32>,
      tpu.vector_store %arg4[%swap3A_846], %mul3A_809 {strides = array<i32>} : memref<100000xf32, #tpu.memory_space<vmem>>, vector<16xf32>,
      %mul3A_848 = arith.constant 10 : i32
      %mul3A_849 = arith.muli %scan3A_367, %mul3A_848 : i32
      %add3A_850 = arith.constant 4 : i32
      %add3A_851 = arith.addi %mul3A_849, %add3A_850 : i32
      %mul3A_852 = arith.constant 16 : i32
      %mul3A_853 = arith.muli %add3A_851, %mul3A_852 : i32
      %swap3A_854 = arith.index_cast %mul3A_853 : i32 to index
      %swap3A_855 = tpu.vector_load %arg4[%swap3A_854] {strides = array<i32>} : memref<100000xf32, #tpu.memory_space<vmem>>, vector<16xf32>,
      tpu.vector_store %arg4[%swap3A_854], %mul3A_810 {strides = array<i32>} : memref<100000xf32, #tpu.memory_space<vmem>>, vector<16xf32>,
      %mul3A_856 = arith.constant 10 : i32
      %mul3A_857 = arith.muli %scan3A_367, %mul3A_856 : i32
      %add3A_858 = arith.constant 5 : i32
      %add3A_859 = arith.addi %mul3A_857, %add3A_858 : i32
      %mul3A_860 = arith.constant 16 : i32
      %mul3A_861 = arith.muli %add3A_859, %mul3A_860 : i32
      %swap3A_862 = arith.index_cast %mul3A_861 : i32 to index
      %swap3A_863 = tpu.vector_load %arg4[%swap3A_862] {strides = array<i32>} : memref<100000xf32, #tpu.memory_space<vmem>>, vector<16xf32>,
      tpu.vector_store %arg4[%swap3A_862], %mul3A_811 {strides = array<i32>} : memref<100000xf32, #tpu.memory_space<vmem>>, vector<16xf32>,
      %mul3A_864 = arith.constant 10 : i32
      %mul3A_865 = arith.muli %scan3A_367, %mul3A_864 : i32
      %add3A_866 = arith.constant 6 : i32
      %add3A_867 = arith.addi %mul3A_865, %add3A_866 : i32
      %mul3A_868 = arith.constant 16 : i32
      %mul3A_869 = arith.muli %add3A_867, %mul3A_868 : i32
      %swap3A_870 = arith.index_cast %mul3A_869 : i32 to index
      %swap3A_871 = tpu.vector_load %arg4[%swap3A_870] {strides = array<i32>} : memref<100000xf32, #tpu.memory_space<vmem>>, vector<16xf32>,
      tpu.vector_store %arg4[%swap3A_870], %mul3A_812 {strides = array<i32>} : memref<100000xf32, #tpu.memory_space<vmem>>, vector<16xf32>,
      %mul3A_872 = arith.constant 10 : i32
      %mul3A_873 = arith.muli %scan3A_367, %mul3A_872 : i32
      %add3A_874 = arith.constant 7 : i32
      %add3A_875 = arith.addi %mul3A_873, %add3A_874 : i32
      %mul3A_876 = arith.constant 16 : i32
      %mul3A_877 = arith.muli %add3A_875, %mul3A_876 : i32
      %swap3A_878 = arith.index_cast %mul3A_877 : i32 to index
      %swap3A_879 = tpu.vector_load %arg4[%swap3A_878] {strides = array<i32>} : memref<100000xf32, #tpu.memory_space<vmem>>, vector<16xf32>,
      tpu.vector_store %arg4[%swap3A_878], %mul3A_813 {strides = array<i32>} : memref<100000xf32, #tpu.memory_space<vmem>>, vector<16xf32>,
      %mul3A_880 = arith.constant 10 : i32
      %mul3A_881 = arith.muli %scan3A_367, %mul3A_880 : i32
      %add3A_882 = arith.constant 8 : i32
      %add3A_883 = arith.addi %mul3A_881, %add3A_882 : i32
      %mul3A_884 = arith.constant 16 : i32
      %mul3A_885 = arith.muli %add3A_883, %mul3A_884 : i32
      %swap3A_886 = arith.index_cast %mul3A_885 : i32 to index
      %swap3A_887 = tpu.vector_load %arg4[%swap3A_886] {strides = array<i32>} : memref<100000xf32, #tpu.memory_space<vmem>>, vector<16xf32>,
      tpu.vector_store %arg4[%swap3A_886], %mul3A_814 {strides = array<i32>} : memref<100000xf32, #tpu.memory_space<vmem>>, vector<16xf32>,
      %mul3A_888 = arith.constant 10 : i32
      %mul3A_889 = arith.muli %scan3A_367, %mul3A_888 : i32
      %add3A_890 = arith.constant 9 : i32
      %add3A_891 = arith.addi %mul3A_889, %add3A_890 : i32
      %mul3A_892 = arith.constant 16 : i32
      %mul3A_893 = arith.muli %add3A_891, %mul3A_892 : i32
      %swap3A_894 = arith.index_cast %mul3A_893 : i32 to index
      %swap3A_895 = tpu.vector_load %arg4[%swap3A_894] {strides = array<i32>} : memref<100000xf32, #tpu.memory_space<vmem>>, vector<16xf32>,
      tpu.vector_store %arg4[%swap3A_894], %mul3A_815 {strides = array<i32>} : memref<100000xf32, #tpu.memory_space<vmem>>, vector<16xf32>,
      %bitcast3A_896 = vector.bitcast %mul3A_806 : vector<16xf32> to vector<16xi32>
      %bitcast3A_897 = vector.bitcast %mul3A_807 : vector<16xf32> to vector<16xi32>
      %bitcast3A_898 = vector.bitcast %mul3A_808 : vector<16xf32> to vector<16xi32>
      %bitcast3A_899 = vector.bitcast %mul3A_809 : vector<16xf32> to vector<16xi32>
      %bitcast3A_900 = vector.bitcast %mul3A_810 : vector<16xf32> to vector<16xi32>
      %bitcast3A_901 = vector.bitcast %mul3A_811 : vector<16xf32> to vector<16xi32>
      %bitcast3A_902 = vector.bitcast %mul3A_812 : vector<16xf32> to vector<16xi32>
      %bitcast3A_903 = vector.bitcast %mul3A_813 : vector<16xf32> to vector<16xi32>
      %bitcast3A_904 = vector.bitcast %mul3A_814 : vector<16xf32> to vector<16xi32>
      %bitcast3A_905 = vector.bitcast %mul3A_815 : vector<16xf32> to vector<16xi32>
      %shift_right_logical3A = arith.constant 22 : i32
      %shift_right_logical3A_906 = vector.broadcast %shift_right_logical3A : i32 to vector<16xi32>
      %shift_right_logical3A_907 = arith.shrui %bitcast3A_896, %shift_right_logical3A_906 : vector<16xi32>
      %shift_right_logical3A_908 = arith.constant 22 : i32
      %shift_right_logical3A_909 = vector.broadcast %shift_right_logical3A_908 : i32 to vector<16xi32>
      %shift_right_logical3A_910 = arith.shrui %bitcast3A_897, %shift_right_logical3A_909 : vector<16xi32>
      %shift_right_logical3A_911 = arith.constant 22 : i32
      %shift_right_logical3A_912 = vector.broadcast %shift_right_logical3A_911 : i32 to vector<16xi32>
      %shift_right_logical3A_913 = arith.shrui %bitcast3A_898, %shift_right_logical3A_912 : vector<16xi32>
      %shift_right_logical3A_914 = arith.constant 22 : i32
      %shift_right_logical3A_915 = vector.broadcast %shift_right_logical3A_914 : i32 to vector<16xi32>
      %shift_right_logical3A_916 = arith.shrui %bitcast3A_899, %shift_right_logical3A_915 : vector<16xi32>
      %shift_right_logical3A_917 = arith.constant 22 : i32
      %shift_right_logical3A_918 = vector.broadcast %shift_right_logical3A_917 : i32 to vector<16xi32>
      %shift_right_logical3A_919 = arith.shrui %bitcast3A_900, %shift_right_logical3A_918 : vector<16xi32>
      %shift_right_logical3A_920 = arith.constant 22 : i32
      %shift_right_logical3A_921 = vector.broadcast %shift_right_logical3A_920 : i32 to vector<16xi32>
      %shift_right_logical3A_922 = arith.shrui %bitcast3A_901, %shift_right_logical3A_921 : vector<16xi32>
      %shift_right_logical3A_923 = arith.constant 22 : i32
      %shift_right_logical3A_924 = vector.broadcast %shift_right_logical3A_923 : i32 to vector<16xi32>
      %shift_right_logical3A_925 = arith.shrui %bitcast3A_902, %shift_right_logical3A_924 : vector<16xi32>
      %shift_right_logical3A_926 = arith.constant 22 : i32
      %shift_right_logical3A_927 = vector.broadcast %shift_right_logical3A_926 : i32 to vector<16xi32>
      %shift_right_logical3A_928 = arith.shrui %bitcast3A_903, %shift_right_logical3A_927 : vector<16xi32>
      %shift_right_logical3A_929 = arith.constant 22 : i32
      %shift_right_logical3A_930 = vector.broadcast %shift_right_logical3A_929 : i32 to vector<16xi32>
      %shift_right_logical3A_931 = arith.shrui %bitcast3A_904, %shift_right_logical3A_930 : vector<16xi32>
      %shift_right_logical3A_932 = arith.constant 22 : i32
      %shift_right_logical3A_933 = vector.broadcast %shift_right_logical3A_932 : i32 to vector<16xi32>
      %shift_right_logical3A_934 = arith.shrui %bitcast3A_905, %shift_right_logical3A_933 : vector<16xi32>
      %add3A_935 = arith.addi %mul3A_3, %shift_right_logical3A_907 : vector<16xi32>
      %add3A_936 = arith.addi %mul3A_3, %shift_right_logical3A_910 : vector<16xi32>
      %add3A_937 = arith.addi %mul3A_3, %shift_right_logical3A_913 : vector<16xi32>
      %add3A_938 = arith.addi %mul3A_3, %shift_right_logical3A_916 : vector<16xi32>
      %add3A_939 = arith.addi %mul3A_3, %shift_right_logical3A_919 : vector<16xi32>
      %add3A_940 = arith.addi %mul3A_3, %shift_right_logical3A_922 : vector<16xi32>
      %add3A_941 = arith.addi %mul3A_3, %shift_right_logical3A_925 : vector<16xi32>
      %add3A_942 = arith.addi %mul3A_3, %shift_right_logical3A_928 : vector<16xi32>
      %add3A_943 = arith.addi %mul3A_3, %shift_right_logical3A_931 : vector<16xi32>
      %add3A_944 = arith.addi %mul3A_3, %shift_right_logical3A_934 : vector<16xi32>
      tpu.vector_store_idx %arg5[%add3A_935], %mul3A_806 {add = true} : memref<8192xf32, #tpu.memory_space<vmem>>[vector<16xi32>], vector<16xf32>,
      tpu.vector_store_idx %arg5[%add3A_936], %mul3A_807 {add = true} : memref<8192xf32, #tpu.memory_space<vmem>>[vector<16xi32>], vector<16xf32>,
      tpu.vector_store_idx %arg5[%add3A_937], %mul3A_808 {add = true} : memref<8192xf32, #tpu.memory_space<vmem>>[vector<16xi32>], vector<16xf32>,
      tpu.vector_store_idx %arg5[%add3A_938], %mul3A_809 {add = true} : memref<8192xf32, #tpu.memory_space<vmem>>[vector<16xi32>], vector<16xf32>,
      tpu.vector_store_idx %arg5[%add3A_939], %mul3A_810 {add = true} : memref<8192xf32, #tpu.memory_space<vmem>>[vector<16xi32>], vector<16xf32>,
      tpu.vector_store_idx %arg5[%add3A_940], %mul3A_811 {add = true} : memref<8192xf32, #tpu.memory_space<vmem>>[vector<16xi32>], vector<16xf32>,
      tpu.vector_store_idx %arg5[%add3A_941], %mul3A_812 {add = true} : memref<8192xf32, #tpu.memory_space<vmem>>[vector<16xi32>], vector<16xf32>,
      tpu.vector_store_idx %arg5[%add3A_942], %mul3A_813 {add = true} : memref<8192xf32, #tpu.memory_space<vmem>>[vector<16xi32>], vector<16xf32>,
      tpu.vector_store_idx %arg5[%add3A_943], %mul3A_814 {add = true} : memref<8192xf32, #tpu.memory_space<vmem>>[vector<16xi32>], vector<16xf32>,
      tpu.vector_store_idx %arg5[%add3A_944], %mul3A_815 {add = true} : memref<8192xf32, #tpu.memory_space<vmem>>[vector<16xi32>], vector<16xf32>,
      %scan3A_945 = arith.constant 0 : i32
      scf.yield %scan3A_945 : i32
    }
    %scan3A_37 = arith.constant 625 : i32
    %swap3A = arith.constant 512 : index
    %swap3A_38 = tpu.vector_load %arg6[%swap3A] {strides = array<i32>} : memref<528xf32, #tpu.memory_space<vmem>>, vector<16xf32>,
    tpu.vector_store %arg6[%swap3A], %broadcast_in_dim3A_4 {strides = array<i32>} : memref<528xf32, #tpu.memory_space<vmem>>, vector<16xf32>,
    %scan3A_39 = arith.constant 0 : i32
    %scan3A_40 = arith.constant 32 : i32
    %scan3A_41 = arith.addi %scan3A_39, %scan3A_40 : i32
    %scan3A_42 = arith.constant 1 : i32
    %scan3A_43 = scf.for %scan3A_367 = %scan3A_39 to %scan3A_41 step %scan3A_42 iter_args(%scan3A_368 = %broadcast_in_dim3A_4) -> (vector<16xf32>)  : i32 {
      %sub3A_369 = arith.constant 31 : i32
      %sub3A_370 = arith.subi %sub3A_369, %scan3A_367 : i32
      %mul3A_371 = arith.constant 16 : i32
      %mul3A_372 = arith.muli %sub3A_370, %mul3A_371 : i32
      %add3A_373 = arith.constant 0 : i32
      %add3A_374 = arith.addi %add3A_373, %mul3A_372 : i32
      %get3A = arith.index_cast %add3A_374 : i32 to index
      %get3A_375 = tpu.vector_load %arg5[%get3A] {strides = array<i32>} : memref<8192xf32, #tpu.memory_space<vmem>>, vector<16xf32>,
      %add3A_376 = arith.addf %broadcast_in_dim3A_4, %get3A_375 : vector<16xf32>
      %mul3A_377 = arith.constant 16 : i32
      %mul3A_378 = arith.muli %sub3A_370, %mul3A_377 : i32
      %add3A_379 = arith.constant 512 : i32
      %add3A_380 = arith.addi %add3A_379, %mul3A_378 : i32
      %get3A_381 = arith.index_cast %add3A_380 : i32 to index
      %get3A_382 = tpu.vector_load %arg5[%get3A_381] {strides = array<i32>} : memref<8192xf32, #tpu.memory_space<vmem>>, vector<16xf32>,
      %add3A_383 = arith.addf %add3A_376, %get3A_382 : vector<16xf32>
      %mul3A_384 = arith.constant 16 : i32
      %mul3A_385 = arith.muli %sub3A_370, %mul3A_384 : i32
      %add3A_386 = arith.constant 1024 : i32
      %add3A_387 = arith.addi %add3A_386, %mul3A_385 : i32
      %get3A_388 = arith.index_cast %add3A_387 : i32 to index
      %get3A_389 = tpu.vector_load %arg5[%get3A_388] {strides = array<i32>} : memref<8192xf32, #tpu.memory_space<vmem>>, vector<16xf32>,
      %add3A_390 = arith.addf %add3A_383, %get3A_389 : vector<16xf32>
      %mul3A_391 = arith.constant 16 : i32
      %mul3A_392 = arith.muli %sub3A_370, %mul3A_391 : i32
      %add3A_393 = arith.constant 1536 : i32
      %add3A_394 = arith.addi %add3A_393, %mul3A_392 : i32
      %get3A_395 = arith.index_cast %add3A_394 : i32 to index
      %get3A_396 = tpu.vector_load %arg5[%get3A_395] {strides = array<i32>} : memref<8192xf32, #tpu.memory_space<vmem>>, vector<16xf32>,
      %add3A_397 = arith.addf %add3A_390, %get3A_396 : vector<16xf32>
      %mul3A_398 = arith.constant 16 : i32
      %mul3A_399 = arith.muli %sub3A_370, %mul3A_398 : i32
      %add3A_400 = arith.constant 2048 : i32
      %add3A_401 = arith.addi %add3A_400, %mul3A_399 : i32
      %get3A_402 = arith.index_cast %add3A_401 : i32 to index
      %get3A_403 = tpu.vector_load %arg5[%get3A_402] {strides = array<i32>} : memref<8192xf32, #tpu.memory_space<vmem>>, vector<16xf32>,
      %add3A_404 = arith.addf %add3A_397, %get3A_403 : vector<16xf32>
      %mul3A_405 = arith.constant 16 : i32
      %mul3A_406 = arith.muli %sub3A_370, %mul3A_405 : i32
      %add3A_407 = arith.constant 2560 : i32
      %add3A_408 = arith.addi %add3A_407, %mul3A_406 : i32
      %get3A_409 = arith.index_cast %add3A_408 : i32 to index
      %get3A_410 = tpu.vector_load %arg5[%get3A_409] {strides = array<i32>} : memref<8192xf32, #tpu.memory_space<vmem>>, vector<16xf32>,
      %add3A_411 = arith.addf %add3A_404, %get3A_410 : vector<16xf32>
      %mul3A_412 = arith.constant 16 : i32
      %mul3A_413 = arith.muli %sub3A_370, %mul3A_412 : i32
      %add3A_414 = arith.constant 3072 : i32
      %add3A_415 = arith.addi %add3A_414, %mul3A_413 : i32
      %get3A_416 = arith.index_cast %add3A_415 : i32 to index
      %get3A_417 = tpu.vector_load %arg5[%get3A_416] {strides = array<i32>} : memref<8192xf32, #tpu.memory_space<vmem>>, vector<16xf32>,
      %add3A_418 = arith.addf %add3A_411, %get3A_417 : vector<16xf32>
      %mul3A_419 = arith.constant 16 : i32
      %mul3A_420 = arith.muli %sub3A_370, %mul3A_419 : i32
      %add3A_421 = arith.constant 3584 : i32
      %add3A_422 = arith.addi %add3A_421, %mul3A_420 : i32
      %get3A_423 = arith.index_cast %add3A_422 : i32 to index
      %get3A_424 = tpu.vector_load %arg5[%get3A_423] {strides = array<i32>} : memref<8192xf32, #tpu.memory_space<vmem>>, vector<16xf32>,
      %add3A_425 = arith.addf %add3A_418, %get3A_424 : vector<16xf32>
      %mul3A_426 = arith.constant 16 : i32
      %mul3A_427 = arith.muli %sub3A_370, %mul3A_426 : i32
      %add3A_428 = arith.constant 4096 : i32
      %add3A_429 = arith.addi %add3A_428, %mul3A_427 : i32
      %get3A_430 = arith.index_cast %add3A_429 : i32 to index
      %get3A_431 = tpu.vector_load %arg5[%get3A_430] {strides = array<i32>} : memref<8192xf32, #tpu.memory_space<vmem>>, vector<16xf32>,
      %add3A_432 = arith.addf %add3A_425, %get3A_431 : vector<16xf32>
      %mul3A_433 = arith.constant 16 : i32
      %mul3A_434 = arith.muli %sub3A_370, %mul3A_433 : i32
      %add3A_435 = arith.constant 4608 : i32
      %add3A_436 = arith.addi %add3A_435, %mul3A_434 : i32
      %get3A_437 = arith.index_cast %add3A_436 : i32 to index
      %get3A_438 = tpu.vector_load %arg5[%get3A_437] {strides = array<i32>} : memref<8192xf32, #tpu.memory_space<vmem>>, vector<16xf32>,
      %add3A_439 = arith.addf %add3A_432, %get3A_438 : vector<16xf32>
      %mul3A_440 = arith.constant 16 : i32
      %mul3A_441 = arith.muli %sub3A_370, %mul3A_440 : i32
      %add3A_442 = arith.constant 5120 : i32
      %add3A_443 = arith.addi %add3A_442, %mul3A_441 : i32
      %get3A_444 = arith.index_cast %add3A_443 : i32 to index
      %get3A_445 = tpu.vector_load %arg5[%get3A_444] {strides = array<i32>} : memref<8192xf32, #tpu.memory_space<vmem>>, vector<16xf32>,
      %add3A_446 = arith.addf %add3A_439, %get3A_445 : vector<16xf32>
      %mul3A_447 = arith.constant 16 : i32
      %mul3A_448 = arith.muli %sub3A_370, %mul3A_447 : i32
      %add3A_449 = arith.constant 5632 : i32
      %add3A_450 = arith.addi %add3A_449, %mul3A_448 : i32
      %get3A_451 = arith.index_cast %add3A_450 : i32 to index
      %get3A_452 = tpu.vector_load %arg5[%get3A_451] {strides = array<i32>} : memref<8192xf32, #tpu.memory_space<vmem>>, vector<16xf32>,
      %add3A_453 = arith.addf %add3A_446, %get3A_452 : vector<16xf32>
      %mul3A_454 = arith.constant 16 : i32
      %mul3A_455 = arith.muli %sub3A_370, %mul3A_454 : i32
      %add3A_456 = arith.constant 6144 : i32
      %add3A_457 = arith.addi %add3A_456, %mul3A_455 : i32
      %get3A_458 = arith.index_cast %add3A_457 : i32 to index
      %get3A_459 = tpu.vector_load %arg5[%get3A_458] {strides = array<i32>} : memref<8192xf32, #tpu.memory_space<vmem>>, vector<16xf32>,
      %add3A_460 = arith.addf %add3A_453, %get3A_459 : vector<16xf32>
      %mul3A_461 = arith.constant 16 : i32
      %mul3A_462 = arith.muli %sub3A_370, %mul3A_461 : i32
      %add3A_463 = arith.constant 6656 : i32
      %add3A_464 = arith.addi %add3A_463, %mul3A_462 : i32
      %get3A_465 = arith.index_cast %add3A_464 : i32 to index
      %get3A_466 = tpu.vector_load %arg5[%get3A_465] {strides = array<i32>} : memref<8192xf32, #tpu.memory_space<vmem>>, vector<16xf32>,
      %add3A_467 = arith.addf %add3A_460, %get3A_466 : vector<16xf32>
      %mul3A_468 = arith.constant 16 : i32
      %mul3A_469 = arith.muli %sub3A_370, %mul3A_468 : i32
      %add3A_470 = arith.constant 7168 : i32
      %add3A_471 = arith.addi %add3A_470, %mul3A_469 : i32
      %get3A_472 = arith.index_cast %add3A_471 : i32 to index
      %get3A_473 = tpu.vector_load %arg5[%get3A_472] {strides = array<i32>} : memref<8192xf32, #tpu.memory_space<vmem>>, vector<16xf32>,
      %add3A_474 = arith.addf %add3A_467, %get3A_473 : vector<16xf32>
      %mul3A_475 = arith.constant 16 : i32
      %mul3A_476 = arith.muli %sub3A_370, %mul3A_475 : i32
      %add3A_477 = arith.constant 7680 : i32
      %add3A_478 = arith.addi %add3A_477, %mul3A_476 : i32
      %get3A_479 = arith.index_cast %add3A_478 : i32 to index
      %get3A_480 = tpu.vector_load %arg5[%get3A_479] {strides = array<i32>} : memref<8192xf32, #tpu.memory_space<vmem>>, vector<16xf32>,
      %add3A_481 = arith.addf %add3A_474, %get3A_480 : vector<16xf32>
      %rev3A = arith.constant 15 : i32
      %rev3A_482 = vector.broadcast %rev3A : i32 to vector<16xi32>
      %rev3A_483 = tpu.iota {dimensions = array<i32: 0>} : vector<16xi32>
      %rev3A_484 = arith.subi %rev3A_482, %rev3A_483 : vector<16xi32>
      %rev3A_485 = tpu.dynamic_gather %add3A_481[%rev3A_484] in [0] : vector<16xf32>, vector<16xi32> -> vector<16xf32>
      %broadcast_in_dim3A_486 = arith.constant true
      %broadcast_in_dim3A_487 = vector.broadcast %broadcast_in_dim3A_486 : i1 to vector<16xi1>
      %masked_cumsum3A = tpu.scan <sum>, %rev3A_485 masked %broadcast_in_dim3A_487 : vector<16xf32>, vector<16xi1> -> vector<16xf32>
      %rev3A_488 = arith.constant 15 : i32
      %rev3A_489 = vector.broadcast %rev3A_488 : i32 to vector<16xi32>
      %rev3A_490 = tpu.iota {dimensions = array<i32: 0>} : vector<16xi32>
      %rev3A_491 = arith.subi %rev3A_489, %rev3A_490 : vector<16xi32>
      %rev3A_492 = tpu.dynamic_gather %masked_cumsum3A[%rev3A_491] in [0] : vector<16xf32>, vector<16xi32> -> vector<16xf32>
      %add3A_493 = arith.addf %rev3A_492, %scan3A_368 : vector<16xf32>
      %mul3A_494 = arith.constant 16 : i32
      %mul3A_495 = arith.muli %sub3A_370, %mul3A_494 : i32
      %swap3A_496 = arith.index_cast %mul3A_495 : i32 to index
      %swap3A_497 = tpu.vector_load %arg6[%swap3A_496] {strides = array<i32>} : memref<528xf32, #tpu.memory_space<vmem>>, vector<16xf32>,
      tpu.vector_store %arg6[%swap3A_496], %add3A_493 {strides = array<i32>} : memref<528xf32, #tpu.memory_space<vmem>>, vector<16xf32>,
      %reduce_max3A = arith.constant true
      %reduce_max3A_498 = vector.broadcast %reduce_max3A : i1 to vector<16xi1>
      %reduce_max3A_499 = tpu.scan <max>, %add3A_493 masked %reduce_max3A_498 : vector<16xf32>, vector<16xi1> -> vector<16xf32>
      %reduce_max3A_500 = vector.extract %reduce_max3A_499[15] : f32 from vector<16xf32>
      %broadcast_in_dim3A_501 = vector.broadcast %reduce_max3A_500 : f32 to vector<16xf32>
      scf.yield %broadcast_in_dim3A_501 : vector<16xf32>
    }
    %scan3A_44 = arith.constant 32 : i32
    %mul3A_45 = arith.constant 5.000000e-01 : f32
    %mul3A_46 = vector.broadcast %mul3A_45 : f32 to vector<16xf32>
    %mul3A_47 = arith.mulf %mul3A_46, %scan3A_43 : vector<16xf32>
    %broadcast_in_dim3A_48 = arith.constant 1.000000e+00 : f32
    %broadcast_in_dim3A_49 = vector.broadcast %broadcast_in_dim3A_48 : f32 to vector<16xf32>
    %div3A = arith.divf %broadcast_in_dim3A_49, %scan3A_43 : vector<16xf32>
    %broadcast_in_dim3A_50 = arith.constant 0 : i32
    %broadcast_in_dim3A_51 = vector.broadcast %broadcast_in_dim3A_50 : i32 to vector<16xi32>
    %scan3A_52 = arith.constant 0 : i32
    %scan3A_53 = arith.constant 32 : i32
    %scan3A_54 = arith.addi %scan3A_52, %scan3A_53 : i32
    %scan3A_55 = arith.constant 1 : i32
    %scan3A_56 = scf.for %scan3A_367 = %scan3A_52 to %scan3A_54 step %scan3A_55 iter_args(%scan3A_368 = %broadcast_in_dim3A_51) -> (vector<16xi32>)  : i32 {
      %mul3A_369 = arith.constant 16 : i32
      %mul3A_370 = arith.muli %scan3A_367, %mul3A_369 : i32
      %get3A = arith.index_cast %mul3A_370 : i32 to index
      %get3A_371 = tpu.vector_load %arg6[%get3A] {strides = array<i32>} : memref<528xf32, #tpu.memory_space<vmem>>, vector<16xf32>,
      %ge3A = arith.cmpf oge, %get3A_371, %mul3A_47 : vector<16xf32>
      %all_reduce_population_count3A = tpu.all_reduce %ge3A {dim = 0 : i64, kind = #tpu.reduction_kind<sum>} : vector<16xi1> -> vector<16xi32>
      %add3A_372 = arith.addi %scan3A_368, %all_reduce_population_count3A : vector<16xi32>
      scf.yield %add3A_372 : vector<16xi32>
    }
    %scan3A_57 = arith.constant 32 : i32
    %sub3A = arith.constant 1 : i32
    %sub3A_58 = vector.broadcast %sub3A : i32 to vector<16xi32>
    %sub3A_59 = arith.subi %scan3A_56, %sub3A_58 : vector<16xi32>
    %max3A = arith.constant 0 : i32
    %max3A_60 = vector.broadcast %max3A : i32 to vector<16xi32>
    %max3A_61 = arith.maxsi %sub3A_59, %max3A_60 : vector<16xi32>
    %add3A_62 = arith.constant 1 : i32
    %add3A_63 = vector.broadcast %add3A_62 : i32 to vector<16xi32>
    %add3A_64 = arith.addi %max3A_61, %add3A_63 : vector<16xi32>
    %gather3A = tpu.vector_load_idx %arg6[%add3A_64] : memref<528xf32, #tpu.memory_space<vmem>>[vector<16xi32>], vector<16xf32>,
    %scan3A_65 = arith.constant 0 : i32
    %scan3A_66 = arith.constant 0 : i32
    %scan3A_67 = arith.constant 64 : i32
    %scan3A_68 = arith.addi %scan3A_66, %scan3A_67 : i32
    %scan3A_69 = arith.constant 1 : i32
    %scan3A_70 = scf.for %scan3A_367 = %scan3A_66 to %scan3A_68 step %scan3A_69 iter_args(%scan3A_368 = %scan3A_65) -> (i32)  : i32 {
      %mul3A_369 = arith.constant 8 : i32
      %mul3A_370 = arith.muli %scan3A_367, %mul3A_369 : i32
      %add3A_371 = arith.constant 0 : i32
      %add3A_372 = arith.addi %mul3A_370, %add3A_371 : i32
      %mul3A_373 = arith.constant 16 : i32
      %mul3A_374 = arith.muli %add3A_372, %mul3A_373 : i32
      %swap3A_375 = arith.index_cast %mul3A_374 : i32 to index
      %swap3A_376 = tpu.vector_load %arg5[%swap3A_375] {strides = array<i32>} : memref<8192xf32, #tpu.memory_space<vmem>>, vector<16xf32>,
      tpu.vector_store %arg5[%swap3A_375], %broadcast_in_dim3A_4 {strides = array<i32>} : memref<8192xf32, #tpu.memory_space<vmem>>, vector<16xf32>,
      %mul3A_377 = arith.constant 8 : i32
      %mul3A_378 = arith.muli %scan3A_367, %mul3A_377 : i32
      %add3A_379 = arith.constant 1 : i32
      %add3A_380 = arith.addi %mul3A_378, %add3A_379 : i32
      %mul3A_381 = arith.constant 16 : i32
      %mul3A_382 = arith.muli %add3A_380, %mul3A_381 : i32
      %swap3A_383 = arith.index_cast %mul3A_382 : i32 to index
      %swap3A_384 = tpu.vector_load %arg5[%swap3A_383] {strides = array<i32>} : memref<8192xf32, #tpu.memory_space<vmem>>, vector<16xf32>,
      tpu.vector_store %arg5[%swap3A_383], %broadcast_in_dim3A_4 {strides = array<i32>} : memref<8192xf32, #tpu.memory_space<vmem>>, vector<16xf32>,
      %mul3A_385 = arith.constant 8 : i32
      %mul3A_386 = arith.muli %scan3A_367, %mul3A_385 : i32
      %add3A_387 = arith.constant 2 : i32
      %add3A_388 = arith.addi %mul3A_386, %add3A_387 : i32
      %mul3A_389 = arith.constant 16 : i32
      %mul3A_390 = arith.muli %add3A_388, %mul3A_389 : i32
      %swap3A_391 = arith.index_cast %mul3A_390 : i32 to index
      %swap3A_392 = tpu.vector_load %arg5[%swap3A_391] {strides = array<i32>} : memref<8192xf32, #tpu.memory_space<vmem>>, vector<16xf32>,
      tpu.vector_store %arg5[%swap3A_391], %broadcast_in_dim3A_4 {strides = array<i32>} : memref<8192xf32, #tpu.memory_space<vmem>>, vector<16xf32>,
      %mul3A_393 = arith.constant 8 : i32
      %mul3A_394 = arith.muli %scan3A_367, %mul3A_393 : i32
      %add3A_395 = arith.constant 3 : i32
      %add3A_396 = arith.addi %mul3A_394, %add3A_395 : i32
      %mul3A_397 = arith.constant 16 : i32
      %mul3A_398 = arith.muli %add3A_396, %mul3A_397 : i32
      %swap3A_399 = arith.index_cast %mul3A_398 : i32 to index
      %swap3A_400 = tpu.vector_load %arg5[%swap3A_399] {strides = array<i32>} : memref<8192xf32, #tpu.memory_space<vmem>>, vector<16xf32>,
      tpu.vector_store %arg5[%swap3A_399], %broadcast_in_dim3A_4 {strides = array<i32>} : memref<8192xf32, #tpu.memory_space<vmem>>, vector<16xf32>,
      %mul3A_401 = arith.constant 8 : i32
      %mul3A_402 = arith.muli %scan3A_367, %mul3A_401 : i32
      %add3A_403 = arith.constant 4 : i32
      %add3A_404 = arith.addi %mul3A_402, %add3A_403 : i32
      %mul3A_405 = arith.constant 16 : i32
      %mul3A_406 = arith.muli %add3A_404, %mul3A_405 : i32
      %swap3A_407 = arith.index_cast %mul3A_406 : i32 to index
      %swap3A_408 = tpu.vector_load %arg5[%swap3A_407] {strides = array<i32>} : memref<8192xf32, #tpu.memory_space<vmem>>, vector<16xf32>,
      tpu.vector_store %arg5[%swap3A_407], %broadcast_in_dim3A_4 {strides = array<i32>} : memref<8192xf32, #tpu.memory_space<vmem>>, vector<16xf32>,
      %mul3A_409 = arith.constant 8 : i32
      %mul3A_410 = arith.muli %scan3A_367, %mul3A_409 : i32
      %add3A_411 = arith.constant 5 : i32
      %add3A_412 = arith.addi %mul3A_410, %add3A_411 : i32
      %mul3A_413 = arith.constant 16 : i32
      %mul3A_414 = arith.muli %add3A_412, %mul3A_413 : i32
      %swap3A_415 = arith.index_cast %mul3A_414 : i32 to index
      %swap3A_416 = tpu.vector_load %arg5[%swap3A_415] {strides = array<i32>} : memref<8192xf32, #tpu.memory_space<vmem>>, vector<16xf32>,
      tpu.vector_store %arg5[%swap3A_415], %broadcast_in_dim3A_4 {strides = array<i32>} : memref<8192xf32, #tpu.memory_space<vmem>>, vector<16xf32>,
      %mul3A_417 = arith.constant 8 : i32
      %mul3A_418 = arith.muli %scan3A_367, %mul3A_417 : i32
      %add3A_419 = arith.constant 6 : i32
      %add3A_420 = arith.addi %mul3A_418, %add3A_419 : i32
      %mul3A_421 = arith.constant 16 : i32
      %mul3A_422 = arith.muli %add3A_420, %mul3A_421 : i32
      %swap3A_423 = arith.index_cast %mul3A_422 : i32 to index
      %swap3A_424 = tpu.vector_load %arg5[%swap3A_423] {strides = array<i32>} : memref<8192xf32, #tpu.memory_space<vmem>>, vector<16xf32>,
      tpu.vector_store %arg5[%swap3A_423], %broadcast_in_dim3A_4 {strides = array<i32>} : memref<8192xf32, #tpu.memory_space<vmem>>, vector<16xf32>,
      %mul3A_425 = arith.constant 8 : i32
      %mul3A_426 = arith.muli %scan3A_367, %mul3A_425 : i32
      %add3A_427 = arith.constant 7 : i32
      %add3A_428 = arith.addi %mul3A_426, %add3A_427 : i32
      %mul3A_429 = arith.constant 16 : i32
      %mul3A_430 = arith.muli %add3A_428, %mul3A_429 : i32
      %swap3A_431 = arith.index_cast %mul3A_430 : i32 to index
      %swap3A_432 = tpu.vector_load %arg5[%swap3A_431] {strides = array<i32>} : memref<8192xf32, #tpu.memory_space<vmem>>, vector<16xf32>,
      tpu.vector_store %arg5[%swap3A_431], %broadcast_in_dim3A_4 {strides = array<i32>} : memref<8192xf32, #tpu.memory_space<vmem>>, vector<16xf32>,
      %scan3A_433 = arith.constant 0 : i32
      scf.yield %scan3A_433 : i32
    }
    %scan3A_71 = arith.constant 64 : i32
    %scan3A_72 = arith.constant 0 : i32
    %scan3A_73 = arith.constant 0 : i32
    %scan3A_74 = arith.constant 625 : i32
    %scan3A_75 = arith.addi %scan3A_73, %scan3A_74 : i32
    %scan3A_76 = arith.constant 1 : i32
    %scan3A_77 = scf.for %scan3A_367 = %scan3A_73 to %scan3A_75 step %scan3A_76 iter_args(%scan3A_368 = %scan3A_72) -> (i32)  : i32 {
      %mul3A_369 = arith.constant 10 : i32
      %mul3A_370 = arith.muli %scan3A_367, %mul3A_369 : i32
      %add3A_371 = arith.constant 0 : i32
      %add3A_372 = arith.addi %mul3A_370, %add3A_371 : i32
      %mul3A_373 = arith.constant 16 : i32
      %mul3A_374 = arith.muli %add3A_372, %mul3A_373 : i32
      %get3A = arith.index_cast %mul3A_374 : i32 to index
      %get3A_375 = tpu.vector_load %arg4[%get3A] {strides = array<i32>} : memref<100000xf32, #tpu.memory_space<vmem>>, vector<16xf32>,
      %mul3A_376 = arith.constant 10 : i32
      %mul3A_377 = arith.muli %scan3A_367, %mul3A_376 : i32
      %add3A_378 = arith.constant 1 : i32
      %add3A_379 = arith.addi %mul3A_377, %add3A_378 : i32
      %mul3A_380 = arith.constant 16 : i32
      %mul3A_381 = arith.muli %add3A_379, %mul3A_380 : i32
      %get3A_382 = arith.index_cast %mul3A_381 : i32 to index
      %get3A_383 = tpu.vector_load %arg4[%get3A_382] {strides = array<i32>} : memref<100000xf32, #tpu.memory_space<vmem>>, vector<16xf32>,
      %mul3A_384 = arith.constant 10 : i32
      %mul3A_385 = arith.muli %scan3A_367, %mul3A_384 : i32
      %add3A_386 = arith.constant 2 : i32
      %add3A_387 = arith.addi %mul3A_385, %add3A_386 : i32
      %mul3A_388 = arith.constant 16 : i32
      %mul3A_389 = arith.muli %add3A_387, %mul3A_388 : i32
      %get3A_390 = arith.index_cast %mul3A_389 : i32 to index
      %get3A_391 = tpu.vector_load %arg4[%get3A_390] {strides = array<i32>} : memref<100000xf32, #tpu.memory_space<vmem>>, vector<16xf32>,
      %mul3A_392 = arith.constant 10 : i32
      %mul3A_393 = arith.muli %scan3A_367, %mul3A_392 : i32
      %add3A_394 = arith.constant 3 : i32
      %add3A_395 = arith.addi %mul3A_393, %add3A_394 : i32
      %mul3A_396 = arith.constant 16 : i32
      %mul3A_397 = arith.muli %add3A_395, %mul3A_396 : i32
      %get3A_398 = arith.index_cast %mul3A_397 : i32 to index
      %get3A_399 = tpu.vector_load %arg4[%get3A_398] {strides = array<i32>} : memref<100000xf32, #tpu.memory_space<vmem>>, vector<16xf32>,
      %mul3A_400 = arith.constant 10 : i32
      %mul3A_401 = arith.muli %scan3A_367, %mul3A_400 : i32
      %add3A_402 = arith.constant 4 : i32
      %add3A_403 = arith.addi %mul3A_401, %add3A_402 : i32
      %mul3A_404 = arith.constant 16 : i32
      %mul3A_405 = arith.muli %add3A_403, %mul3A_404 : i32
      %get3A_406 = arith.index_cast %mul3A_405 : i32 to index
      %get3A_407 = tpu.vector_load %arg4[%get3A_406] {strides = array<i32>} : memref<100000xf32, #tpu.memory_space<vmem>>, vector<16xf32>,
      %mul3A_408 = arith.constant 10 : i32
      %mul3A_409 = arith.muli %scan3A_367, %mul3A_408 : i32
      %add3A_410 = arith.constant 5 : i32
      %add3A_411 = arith.addi %mul3A_409, %add3A_410 : i32
      %mul3A_412 = arith.constant 16 : i32
      %mul3A_413 = arith.muli %add3A_411, %mul3A_412 : i32
      %get3A_414 = arith.index_cast %mul3A_413 : i32 to index
      %get3A_415 = tpu.vector_load %arg4[%get3A_414] {strides = array<i32>} : memref<100000xf32, #tpu.memory_space<vmem>>, vector<16xf32>,
      %mul3A_416 = arith.constant 10 : i32
      %mul3A_417 = arith.muli %scan3A_367, %mul3A_416 : i32
      %add3A_418 = arith.constant 6 : i32
      %add3A_419 = arith.addi %mul3A_417, %add3A_418 : i32
      %mul3A_420 = arith.constant 16 : i32
      %mul3A_421 = arith.muli %add3A_419, %mul3A_420 : i32
      %get3A_422 = arith.index_cast %mul3A_421 : i32 to index
      %get3A_423 = tpu.vector_load %arg4[%get3A_422] {strides = array<i32>} : memref<100000xf32, #tpu.memory_space<vmem>>, vector<16xf32>,
      %mul3A_424 = arith.constant 10 : i32
      %mul3A_425 = arith.muli %scan3A_367, %mul3A_424 : i32
      %add3A_426 = arith.constant 7 : i32
      %add3A_427 = arith.addi %mul3A_425, %add3A_426 : i32
      %mul3A_428 = arith.constant 16 : i32
      %mul3A_429 = arith.muli %add3A_427, %mul3A_428 : i32
      %get3A_430 = arith.index_cast %mul3A_429 : i32 to index
      %get3A_431 = tpu.vector_load %arg4[%get3A_430] {strides = array<i32>} : memref<100000xf32, #tpu.memory_space<vmem>>, vector<16xf32>,
      %mul3A_432 = arith.constant 10 : i32
      %mul3A_433 = arith.muli %scan3A_367, %mul3A_432 : i32
      %add3A_434 = arith.constant 8 : i32
      %add3A_435 = arith.addi %mul3A_433, %add3A_434 : i32
      %mul3A_436 = arith.constant 16 : i32
      %mul3A_437 = arith.muli %add3A_435, %mul3A_436 : i32
      %get3A_438 = arith.index_cast %mul3A_437 : i32 to index
      %get3A_439 = tpu.vector_load %arg4[%get3A_438] {strides = array<i32>} : memref<100000xf32, #tpu.memory_space<vmem>>, vector<16xf32>,
      %mul3A_440 = arith.constant 10 : i32
      %mul3A_441 = arith.muli %scan3A_367, %mul3A_440 : i32
      %add3A_442 = arith.constant 9 : i32
      %add3A_443 = arith.addi %mul3A_441, %add3A_442 : i32
      %mul3A_444 = arith.constant 16 : i32
      %mul3A_445 = arith.muli %add3A_443, %mul3A_444 : i32
      %get3A_446 = arith.index_cast %mul3A_445 : i32 to index
      %get3A_447 = tpu.vector_load %arg4[%get3A_446] {strides = array<i32>} : memref<100000xf32, #tpu.memory_space<vmem>>, vector<16xf32>,
      %bitcast3A = vector.bitcast %get3A_375 : vector<16xf32> to vector<16xi32>
      %bitcast3A_448 = vector.bitcast %get3A_383 : vector<16xf32> to vector<16xi32>
      %bitcast3A_449 = vector.bitcast %get3A_391 : vector<16xf32> to vector<16xi32>
      %bitcast3A_450 = vector.bitcast %get3A_399 : vector<16xf32> to vector<16xi32>
      %bitcast3A_451 = vector.bitcast %get3A_407 : vector<16xf32> to vector<16xi32>
      %bitcast3A_452 = vector.bitcast %get3A_415 : vector<16xf32> to vector<16xi32>
      %bitcast3A_453 = vector.bitcast %get3A_423 : vector<16xf32> to vector<16xi32>
      %bitcast3A_454 = vector.bitcast %get3A_431 : vector<16xf32> to vector<16xi32>
      %bitcast3A_455 = vector.bitcast %get3A_439 : vector<16xf32> to vector<16xi32>
      %bitcast3A_456 = vector.bitcast %get3A_447 : vector<16xf32> to vector<16xi32>
      %shift_right_logical3A = arith.constant 22 : i32
      %shift_right_logical3A_457 = vector.broadcast %shift_right_logical3A : i32 to vector<16xi32>
      %shift_right_logical3A_458 = arith.shrui %bitcast3A, %shift_right_logical3A_457 : vector<16xi32>
      %eq3A = arith.cmpi eq, %shift_right_logical3A_458, %max3A_61 : vector<16xi32>
      %shift_right_logical3A_459 = arith.constant 22 : i32
      %shift_right_logical3A_460 = vector.broadcast %shift_right_logical3A_459 : i32 to vector<16xi32>
      %shift_right_logical3A_461 = arith.shrui %bitcast3A_448, %shift_right_logical3A_460 : vector<16xi32>
      %eq3A_462 = arith.cmpi eq, %shift_right_logical3A_461, %max3A_61 : vector<16xi32>
      %shift_right_logical3A_463 = arith.constant 22 : i32
      %shift_right_logical3A_464 = vector.broadcast %shift_right_logical3A_463 : i32 to vector<16xi32>
      %shift_right_logical3A_465 = arith.shrui %bitcast3A_449, %shift_right_logical3A_464 : vector<16xi32>
      %eq3A_466 = arith.cmpi eq, %shift_right_logical3A_465, %max3A_61 : vector<16xi32>
      %shift_right_logical3A_467 = arith.constant 22 : i32
      %shift_right_logical3A_468 = vector.broadcast %shift_right_logical3A_467 : i32 to vector<16xi32>
      %shift_right_logical3A_469 = arith.shrui %bitcast3A_450, %shift_right_logical3A_468 : vector<16xi32>
      %eq3A_470 = arith.cmpi eq, %shift_right_logical3A_469, %max3A_61 : vector<16xi32>
      %shift_right_logical3A_471 = arith.constant 22 : i32
      %shift_right_logical3A_472 = vector.broadcast %shift_right_logical3A_471 : i32 to vector<16xi32>
      %shift_right_logical3A_473 = arith.shrui %bitcast3A_451, %shift_right_logical3A_472 : vector<16xi32>
      %eq3A_474 = arith.cmpi eq, %shift_right_logical3A_473, %max3A_61 : vector<16xi32>
      %shift_right_logical3A_475 = arith.constant 22 : i32
      %shift_right_logical3A_476 = vector.broadcast %shift_right_logical3A_475 : i32 to vector<16xi32>
      %shift_right_logical3A_477 = arith.shrui %bitcast3A_452, %shift_right_logical3A_476 : vector<16xi32>
      %eq3A_478 = arith.cmpi eq, %shift_right_logical3A_477, %max3A_61 : vector<16xi32>
      %shift_right_logical3A_479 = arith.constant 22 : i32
      %shift_right_logical3A_480 = vector.broadcast %shift_right_logical3A_479 : i32 to vector<16xi32>
      %shift_right_logical3A_481 = arith.shrui %bitcast3A_453, %shift_right_logical3A_480 : vector<16xi32>
      %eq3A_482 = arith.cmpi eq, %shift_right_logical3A_481, %max3A_61 : vector<16xi32>
      %shift_right_logical3A_483 = arith.constant 22 : i32
      %shift_right_logical3A_484 = vector.broadcast %shift_right_logical3A_483 : i32 to vector<16xi32>
      %shift_right_logical3A_485 = arith.shrui %bitcast3A_454, %shift_right_logical3A_484 : vector<16xi32>
      %eq3A_486 = arith.cmpi eq, %shift_right_logical3A_485, %max3A_61 : vector<16xi32>
      %shift_right_logical3A_487 = arith.constant 22 : i32
      %shift_right_logical3A_488 = vector.broadcast %shift_right_logical3A_487 : i32 to vector<16xi32>
      %shift_right_logical3A_489 = arith.shrui %bitcast3A_455, %shift_right_logical3A_488 : vector<16xi32>
      %eq3A_490 = arith.cmpi eq, %shift_right_logical3A_489, %max3A_61 : vector<16xi32>
      %shift_right_logical3A_491 = arith.constant 22 : i32
      %shift_right_logical3A_492 = vector.broadcast %shift_right_logical3A_491 : i32 to vector<16xi32>
      %shift_right_logical3A_493 = arith.shrui %bitcast3A_456, %shift_right_logical3A_492 : vector<16xi32>
      %eq3A_494 = arith.cmpi eq, %shift_right_logical3A_493, %max3A_61 : vector<16xi32>
      %shift_right_logical3A_495 = arith.constant 13 : i32
      %shift_right_logical3A_496 = vector.broadcast %shift_right_logical3A_495 : i32 to vector<16xi32>
      %shift_right_logical3A_497 = arith.shrui %bitcast3A, %shift_right_logical3A_496 : vector<16xi32>
      %and3A = arith.constant 511 : i32
      %and3A_498 = vector.broadcast %and3A : i32 to vector<16xi32>
      %and3A_499 = arith.andi %shift_right_logical3A_497, %and3A_498 : vector<16xi32>
      %shift_right_logical3A_500 = arith.constant 13 : i32
      %shift_right_logical3A_501 = vector.broadcast %shift_right_logical3A_500 : i32 to vector<16xi32>
      %shift_right_logical3A_502 = arith.shrui %bitcast3A_448, %shift_right_logical3A_501 : vector<16xi32>
      %and3A_503 = arith.constant 511 : i32
      %and3A_504 = vector.broadcast %and3A_503 : i32 to vector<16xi32>
      %and3A_505 = arith.andi %shift_right_logical3A_502, %and3A_504 : vector<16xi32>
      %shift_right_logical3A_506 = arith.constant 13 : i32
      %shift_right_logical3A_507 = vector.broadcast %shift_right_logical3A_506 : i32 to vector<16xi32>
      %shift_right_logical3A_508 = arith.shrui %bitcast3A_449, %shift_right_logical3A_507 : vector<16xi32>
      %and3A_509 = arith.constant 511 : i32
      %and3A_510 = vector.broadcast %and3A_509 : i32 to vector<16xi32>
      %and3A_511 = arith.andi %shift_right_logical3A_508, %and3A_510 : vector<16xi32>
      %shift_right_logical3A_512 = arith.constant 13 : i32
      %shift_right_logical3A_513 = vector.broadcast %shift_right_logical3A_512 : i32 to vector<16xi32>
      %shift_right_logical3A_514 = arith.shrui %bitcast3A_450, %shift_right_logical3A_513 : vector<16xi32>
      %and3A_515 = arith.constant 511 : i32
      %and3A_516 = vector.broadcast %and3A_515 : i32 to vector<16xi32>
      %and3A_517 = arith.andi %shift_right_logical3A_514, %and3A_516 : vector<16xi32>
      %shift_right_logical3A_518 = arith.constant 13 : i32
      %shift_right_logical3A_519 = vector.broadcast %shift_right_logical3A_518 : i32 to vector<16xi32>
      %shift_right_logical3A_520 = arith.shrui %bitcast3A_451, %shift_right_logical3A_519 : vector<16xi32>
      %and3A_521 = arith.constant 511 : i32
      %and3A_522 = vector.broadcast %and3A_521 : i32 to vector<16xi32>
      %and3A_523 = arith.andi %shift_right_logical3A_520, %and3A_522 : vector<16xi32>
      %shift_right_logical3A_524 = arith.constant 13 : i32
      %shift_right_logical3A_525 = vector.broadcast %shift_right_logical3A_524 : i32 to vector<16xi32>
      %shift_right_logical3A_526 = arith.shrui %bitcast3A_452, %shift_right_logical3A_525 : vector<16xi32>
      %and3A_527 = arith.constant 511 : i32
      %and3A_528 = vector.broadcast %and3A_527 : i32 to vector<16xi32>
      %and3A_529 = arith.andi %shift_right_logical3A_526, %and3A_528 : vector<16xi32>
      %shift_right_logical3A_530 = arith.constant 13 : i32
      %shift_right_logical3A_531 = vector.broadcast %shift_right_logical3A_530 : i32 to vector<16xi32>
      %shift_right_logical3A_532 = arith.shrui %bitcast3A_453, %shift_right_logical3A_531 : vector<16xi32>
      %and3A_533 = arith.constant 511 : i32
      %and3A_534 = vector.broadcast %and3A_533 : i32 to vector<16xi32>
      %and3A_535 = arith.andi %shift_right_logical3A_532, %and3A_534 : vector<16xi32>
      %shift_right_logical3A_536 = arith.constant 13 : i32
      %shift_right_logical3A_537 = vector.broadcast %shift_right_logical3A_536 : i32 to vector<16xi32>
      %shift_right_logical3A_538 = arith.shrui %bitcast3A_454, %shift_right_logical3A_537 : vector<16xi32>
      %and3A_539 = arith.constant 511 : i32
      %and3A_540 = vector.broadcast %and3A_539 : i32 to vector<16xi32>
      %and3A_541 = arith.andi %shift_right_logical3A_538, %and3A_540 : vector<16xi32>
      %shift_right_logical3A_542 = arith.constant 13 : i32
      %shift_right_logical3A_543 = vector.broadcast %shift_right_logical3A_542 : i32 to vector<16xi32>
      %shift_right_logical3A_544 = arith.shrui %bitcast3A_455, %shift_right_logical3A_543 : vector<16xi32>
      %and3A_545 = arith.constant 511 : i32
      %and3A_546 = vector.broadcast %and3A_545 : i32 to vector<16xi32>
      %and3A_547 = arith.andi %shift_right_logical3A_544, %and3A_546 : vector<16xi32>
      %shift_right_logical3A_548 = arith.constant 13 : i32
      %shift_right_logical3A_549 = vector.broadcast %shift_right_logical3A_548 : i32 to vector<16xi32>
      %shift_right_logical3A_550 = arith.shrui %bitcast3A_456, %shift_right_logical3A_549 : vector<16xi32>
      %and3A_551 = arith.constant 511 : i32
      %and3A_552 = vector.broadcast %and3A_551 : i32 to vector<16xi32>
      %and3A_553 = arith.andi %shift_right_logical3A_550, %and3A_552 : vector<16xi32>
      %add3A_554 = arith.addi %mul3A_3, %and3A_499 : vector<16xi32>
      %add3A_555 = arith.addi %mul3A_3, %and3A_505 : vector<16xi32>
      %add3A_556 = arith.addi %mul3A_3, %and3A_511 : vector<16xi32>
      %add3A_557 = arith.addi %mul3A_3, %and3A_517 : vector<16xi32>
      %add3A_558 = arith.addi %mul3A_3, %and3A_523 : vector<16xi32>
      %add3A_559 = arith.addi %mul3A_3, %and3A_529 : vector<16xi32>
      %add3A_560 = arith.addi %mul3A_3, %and3A_535 : vector<16xi32>
      %add3A_561 = arith.addi %mul3A_3, %and3A_541 : vector<16xi32>
      %add3A_562 = arith.addi %mul3A_3, %and3A_547 : vector<16xi32>
      %add3A_563 = arith.addi %mul3A_3, %and3A_553 : vector<16xi32>
      tpu.vector_store_idx %arg5[%add3A_554], %get3A_375 masked %eq3A {add = true} : memref<8192xf32, #tpu.memory_space<vmem>>[vector<16xi32>], vector<16xf32>, vector<16xi1>
      tpu.vector_store_idx %arg5[%add3A_555], %get3A_383 masked %eq3A_462 {add = true} : memref<8192xf32, #tpu.memory_space<vmem>>[vector<16xi32>], vector<16xf32>, vector<16xi1>
      tpu.vector_store_idx %arg5[%add3A_556], %get3A_391 masked %eq3A_466 {add = true} : memref<8192xf32, #tpu.memory_space<vmem>>[vector<16xi32>], vector<16xf32>, vector<16xi1>
      tpu.vector_store_idx %arg5[%add3A_557], %get3A_399 masked %eq3A_470 {add = true} : memref<8192xf32, #tpu.memory_space<vmem>>[vector<16xi32>], vector<16xf32>, vector<16xi1>
      tpu.vector_store_idx %arg5[%add3A_558], %get3A_407 masked %eq3A_474 {add = true} : memref<8192xf32, #tpu.memory_space<vmem>>[vector<16xi32>], vector<16xf32>, vector<16xi1>
      tpu.vector_store_idx %arg5[%add3A_559], %get3A_415 masked %eq3A_478 {add = true} : memref<8192xf32, #tpu.memory_space<vmem>>[vector<16xi32>], vector<16xf32>, vector<16xi1>
      tpu.vector_store_idx %arg5[%add3A_560], %get3A_423 masked %eq3A_482 {add = true} : memref<8192xf32, #tpu.memory_space<vmem>>[vector<16xi32>], vector<16xf32>, vector<16xi1>
      tpu.vector_store_idx %arg5[%add3A_561], %get3A_431 masked %eq3A_486 {add = true} : memref<8192xf32, #tpu.memory_space<vmem>>[vector<16xi32>], vector<16xf32>, vector<16xi1>
      tpu.vector_store_idx %arg5[%add3A_562], %get3A_439 masked %eq3A_490 {add = true} : memref<8192xf32, #tpu.memory_space<vmem>>[vector<16xi32>], vector<16xf32>, vector<16xi1>
      tpu.vector_store_idx %arg5[%add3A_563], %get3A_447 masked %eq3A_494 {add = true} : memref<8192xf32, #tpu.memory_space<vmem>>[vector<16xi32>], vector<16xf32>, vector<16xi1>
      %scan3A_564 = arith.constant 0 : i32
      scf.yield %scan3A_564 : i32
    }
    %scan3A_78 = arith.constant 625 : i32
    %swap3A_79 = arith.constant 512 : index
    %swap3A_80 = tpu.vector_load %arg6[%swap3A_79] {strides = array<i32>} : memref<528xf32, #tpu.memory_space<vmem>>, vector<16xf32>,
    tpu.vector_store %arg6[%swap3A_79], %gather3A {strides = array<i32>} : memref<528xf32, #tpu.memory_space<vmem>>, vector<16xf32>,
    %scan3A_81 = arith.constant 0 : i32
    %scan3A_82 = arith.constant 32 : i32
    %scan3A_83 = arith.addi %scan3A_81, %scan3A_82 : i32
    %scan3A_84 = arith.constant 1 : i32
    %scan3A_85 = scf.for %scan3A_367 = %scan3A_81 to %scan3A_83 step %scan3A_84 iter_args(%scan3A_368 = %gather3A) -> (vector<16xf32>)  : i32 {
      %sub3A_369 = arith.constant 31 : i32
      %sub3A_370 = arith.subi %sub3A_369, %scan3A_367 : i32
      %mul3A_371 = arith.constant 16 : i32
      %mul3A_372 = arith.muli %sub3A_370, %mul3A_371 : i32
      %add3A_373 = arith.constant 0 : i32
      %add3A_374 = arith.addi %add3A_373, %mul3A_372 : i32
      %get3A = arith.index_cast %add3A_374 : i32 to index
      %get3A_375 = tpu.vector_load %arg5[%get3A] {strides = array<i32>} : memref<8192xf32, #tpu.memory_space<vmem>>, vector<16xf32>,
      %add3A_376 = arith.addf %broadcast_in_dim3A_4, %get3A_375 : vector<16xf32>
      %mul3A_377 = arith.constant 16 : i32
      %mul3A_378 = arith.muli %sub3A_370, %mul3A_377 : i32
      %add3A_379 = arith.constant 512 : i32
      %add3A_380 = arith.addi %add3A_379, %mul3A_378 : i32
      %get3A_381 = arith.index_cast %add3A_380 : i32 to index
      %get3A_382 = tpu.vector_load %arg5[%get3A_381] {strides = array<i32>} : memref<8192xf32, #tpu.memory_space<vmem>>, vector<16xf32>,
      %add3A_383 = arith.addf %add3A_376, %get3A_382 : vector<16xf32>
      %mul3A_384 = arith.constant 16 : i32
      %mul3A_385 = arith.muli %sub3A_370, %mul3A_384 : i32
      %add3A_386 = arith.constant 1024 : i32
      %add3A_387 = arith.addi %add3A_386, %mul3A_385 : i32
      %get3A_388 = arith.index_cast %add3A_387 : i32 to index
      %get3A_389 = tpu.vector_load %arg5[%get3A_388] {strides = array<i32>} : memref<8192xf32, #tpu.memory_space<vmem>>, vector<16xf32>,
      %add3A_390 = arith.addf %add3A_383, %get3A_389 : vector<16xf32>
      %mul3A_391 = arith.constant 16 : i32
      %mul3A_392 = arith.muli %sub3A_370, %mul3A_391 : i32
      %add3A_393 = arith.constant 1536 : i32
      %add3A_394 = arith.addi %add3A_393, %mul3A_392 : i32
      %get3A_395 = arith.index_cast %add3A_394 : i32 to index
      %get3A_396 = tpu.vector_load %arg5[%get3A_395] {strides = array<i32>} : memref<8192xf32, #tpu.memory_space<vmem>>, vector<16xf32>,
      %add3A_397 = arith.addf %add3A_390, %get3A_396 : vector<16xf32>
      %mul3A_398 = arith.constant 16 : i32
      %mul3A_399 = arith.muli %sub3A_370, %mul3A_398 : i32
      %add3A_400 = arith.constant 2048 : i32
      %add3A_401 = arith.addi %add3A_400, %mul3A_399 : i32
      %get3A_402 = arith.index_cast %add3A_401 : i32 to index
      %get3A_403 = tpu.vector_load %arg5[%get3A_402] {strides = array<i32>} : memref<8192xf32, #tpu.memory_space<vmem>>, vector<16xf32>,
      %add3A_404 = arith.addf %add3A_397, %get3A_403 : vector<16xf32>
      %mul3A_405 = arith.constant 16 : i32
      %mul3A_406 = arith.muli %sub3A_370, %mul3A_405 : i32
      %add3A_407 = arith.constant 2560 : i32
      %add3A_408 = arith.addi %add3A_407, %mul3A_406 : i32
      %get3A_409 = arith.index_cast %add3A_408 : i32 to index
      %get3A_410 = tpu.vector_load %arg5[%get3A_409] {strides = array<i32>} : memref<8192xf32, #tpu.memory_space<vmem>>, vector<16xf32>,
      %add3A_411 = arith.addf %add3A_404, %get3A_410 : vector<16xf32>
      %mul3A_412 = arith.constant 16 : i32
      %mul3A_413 = arith.muli %sub3A_370, %mul3A_412 : i32
      %add3A_414 = arith.constant 3072 : i32
      %add3A_415 = arith.addi %add3A_414, %mul3A_413 : i32
      %get3A_416 = arith.index_cast %add3A_415 : i32 to index
      %get3A_417 = tpu.vector_load %arg5[%get3A_416] {strides = array<i32>} : memref<8192xf32, #tpu.memory_space<vmem>>, vector<16xf32>,
      %add3A_418 = arith.addf %add3A_411, %get3A_417 : vector<16xf32>
      %mul3A_419 = arith.constant 16 : i32
      %mul3A_420 = arith.muli %sub3A_370, %mul3A_419 : i32
      %add3A_421 = arith.constant 3584 : i32
      %add3A_422 = arith.addi %add3A_421, %mul3A_420 : i32
      %get3A_423 = arith.index_cast %add3A_422 : i32 to index
      %get3A_424 = tpu.vector_load %arg5[%get3A_423] {strides = array<i32>} : memref<8192xf32, #tpu.memory_space<vmem>>, vector<16xf32>,
      %add3A_425 = arith.addf %add3A_418, %get3A_424 : vector<16xf32>
      %mul3A_426 = arith.constant 16 : i32
      %mul3A_427 = arith.muli %sub3A_370, %mul3A_426 : i32
      %add3A_428 = arith.constant 4096 : i32
      %add3A_429 = arith.addi %add3A_428, %mul3A_427 : i32
      %get3A_430 = arith.index_cast %add3A_429 : i32 to index
      %get3A_431 = tpu.vector_load %arg5[%get3A_430] {strides = array<i32>} : memref<8192xf32, #tpu.memory_space<vmem>>, vector<16xf32>,
      %add3A_432 = arith.addf %add3A_425, %get3A_431 : vector<16xf32>
      %mul3A_433 = arith.constant 16 : i32
      %mul3A_434 = arith.muli %sub3A_370, %mul3A_433 : i32
      %add3A_435 = arith.constant 4608 : i32
      %add3A_436 = arith.addi %add3A_435, %mul3A_434 : i32
      %get3A_437 = arith.index_cast %add3A_436 : i32 to index
      %get3A_438 = tpu.vector_load %arg5[%get3A_437] {strides = array<i32>} : memref<8192xf32, #tpu.memory_space<vmem>>, vector<16xf32>,
      %add3A_439 = arith.addf %add3A_432, %get3A_438 : vector<16xf32>
      %mul3A_440 = arith.constant 16 : i32
      %mul3A_441 = arith.muli %sub3A_370, %mul3A_440 : i32
      %add3A_442 = arith.constant 5120 : i32
      %add3A_443 = arith.addi %add3A_442, %mul3A_441 : i32
      %get3A_444 = arith.index_cast %add3A_443 : i32 to index
      %get3A_445 = tpu.vector_load %arg5[%get3A_444] {strides = array<i32>} : memref<8192xf32, #tpu.memory_space<vmem>>, vector<16xf32>,
      %add3A_446 = arith.addf %add3A_439, %get3A_445 : vector<16xf32>
      %mul3A_447 = arith.constant 16 : i32
      %mul3A_448 = arith.muli %sub3A_370, %mul3A_447 : i32
      %add3A_449 = arith.constant 5632 : i32
      %add3A_450 = arith.addi %add3A_449, %mul3A_448 : i32
      %get3A_451 = arith.index_cast %add3A_450 : i32 to index
      %get3A_452 = tpu.vector_load %arg5[%get3A_451] {strides = array<i32>} : memref<8192xf32, #tpu.memory_space<vmem>>, vector<16xf32>,
      %add3A_453 = arith.addf %add3A_446, %get3A_452 : vector<16xf32>
      %mul3A_454 = arith.constant 16 : i32
      %mul3A_455 = arith.muli %sub3A_370, %mul3A_454 : i32
      %add3A_456 = arith.constant 6144 : i32
      %add3A_457 = arith.addi %add3A_456, %mul3A_455 : i32
      %get3A_458 = arith.index_cast %add3A_457 : i32 to index
      %get3A_459 = tpu.vector_load %arg5[%get3A_458] {strides = array<i32>} : memref<8192xf32, #tpu.memory_space<vmem>>, vector<16xf32>,
      %add3A_460 = arith.addf %add3A_453, %get3A_459 : vector<16xf32>
      %mul3A_461 = arith.constant 16 : i32
      %mul3A_462 = arith.muli %sub3A_370, %mul3A_461 : i32
      %add3A_463 = arith.constant 6656 : i32
      %add3A_464 = arith.addi %add3A_463, %mul3A_462 : i32
      %get3A_465 = arith.index_cast %add3A_464 : i32 to index
      %get3A_466 = tpu.vector_load %arg5[%get3A_465] {strides = array<i32>} : memref<8192xf32, #tpu.memory_space<vmem>>, vector<16xf32>,
      %add3A_467 = arith.addf %add3A_460, %get3A_466 : vector<16xf32>
      %mul3A_468 = arith.constant 16 : i32
      %mul3A_469 = arith.muli %sub3A_370, %mul3A_468 : i32
      %add3A_470 = arith.constant 7168 : i32
      %add3A_471 = arith.addi %add3A_470, %mul3A_469 : i32
      %get3A_472 = arith.index_cast %add3A_471 : i32 to index
      %get3A_473 = tpu.vector_load %arg5[%get3A_472] {strides = array<i32>} : memref<8192xf32, #tpu.memory_space<vmem>>, vector<16xf32>,
      %add3A_474 = arith.addf %add3A_467, %get3A_473 : vector<16xf32>
      %mul3A_475 = arith.constant 16 : i32
      %mul3A_476 = arith.muli %sub3A_370, %mul3A_475 : i32
      %add3A_477 = arith.constant 7680 : i32
      %add3A_478 = arith.addi %add3A_477, %mul3A_476 : i32
      %get3A_479 = arith.index_cast %add3A_478 : i32 to index
      %get3A_480 = tpu.vector_load %arg5[%get3A_479] {strides = array<i32>} : memref<8192xf32, #tpu.memory_space<vmem>>, vector<16xf32>,
      %add3A_481 = arith.addf %add3A_474, %get3A_480 : vector<16xf32>
      %rev3A = arith.constant 15 : i32
      %rev3A_482 = vector.broadcast %rev3A : i32 to vector<16xi32>
      %rev3A_483 = tpu.iota {dimensions = array<i32: 0>} : vector<16xi32>
      %rev3A_484 = arith.subi %rev3A_482, %rev3A_483 : vector<16xi32>
      %rev3A_485 = tpu.dynamic_gather %add3A_481[%rev3A_484] in [0] : vector<16xf32>, vector<16xi32> -> vector<16xf32>
      %broadcast_in_dim3A_486 = arith.constant true
      %broadcast_in_dim3A_487 = vector.broadcast %broadcast_in_dim3A_486 : i1 to vector<16xi1>
      %masked_cumsum3A = tpu.scan <sum>, %rev3A_485 masked %broadcast_in_dim3A_487 : vector<16xf32>, vector<16xi1> -> vector<16xf32>
      %rev3A_488 = arith.constant 15 : i32
      %rev3A_489 = vector.broadcast %rev3A_488 : i32 to vector<16xi32>
      %rev3A_490 = tpu.iota {dimensions = array<i32: 0>} : vector<16xi32>
      %rev3A_491 = arith.subi %rev3A_489, %rev3A_490 : vector<16xi32>
      %rev3A_492 = tpu.dynamic_gather %masked_cumsum3A[%rev3A_491] in [0] : vector<16xf32>, vector<16xi32> -> vector<16xf32>
      %add3A_493 = arith.addf %rev3A_492, %scan3A_368 : vector<16xf32>
      %mul3A_494 = arith.constant 16 : i32
      %mul3A_495 = arith.muli %sub3A_370, %mul3A_494 : i32
      %swap3A_496 = arith.index_cast %mul3A_495 : i32 to index
      %swap3A_497 = tpu.vector_load %arg6[%swap3A_496] {strides = array<i32>} : memref<528xf32, #tpu.memory_space<vmem>>, vector<16xf32>,
      tpu.vector_store %arg6[%swap3A_496], %add3A_493 {strides = array<i32>} : memref<528xf32, #tpu.memory_space<vmem>>, vector<16xf32>,
      %reduce_max3A = arith.constant true
      %reduce_max3A_498 = vector.broadcast %reduce_max3A : i1 to vector<16xi1>
      %reduce_max3A_499 = tpu.scan <max>, %add3A_493 masked %reduce_max3A_498 : vector<16xf32>, vector<16xi1> -> vector<16xf32>
      %reduce_max3A_500 = vector.extract %reduce_max3A_499[15] : f32 from vector<16xf32>
      %broadcast_in_dim3A_501 = vector.broadcast %reduce_max3A_500 : f32 to vector<16xf32>
      scf.yield %broadcast_in_dim3A_501 : vector<16xf32>
    }
    %scan3A_86 = arith.constant 32 : i32
    %broadcast_in_dim3A_87 = arith.constant 0 : i32
    %broadcast_in_dim3A_88 = vector.broadcast %broadcast_in_dim3A_87 : i32 to vector<16xi32>
    %scan3A_89 = arith.constant 0 : i32
    %scan3A_90 = arith.constant 32 : i32
    %scan3A_91 = arith.addi %scan3A_89, %scan3A_90 : i32
    %scan3A_92 = arith.constant 1 : i32
    %scan3A_93 = scf.for %scan3A_367 = %scan3A_89 to %scan3A_91 step %scan3A_92 iter_args(%scan3A_368 = %broadcast_in_dim3A_88) -> (vector<16xi32>)  : i32 {
      %mul3A_369 = arith.constant 16 : i32
      %mul3A_370 = arith.muli %scan3A_367, %mul3A_369 : i32
      %get3A = arith.index_cast %mul3A_370 : i32 to index
      %get3A_371 = tpu.vector_load %arg6[%get3A] {strides = array<i32>} : memref<528xf32, #tpu.memory_space<vmem>>, vector<16xf32>,
      %ge3A = arith.cmpf oge, %get3A_371, %mul3A_47 : vector<16xf32>
      %all_reduce_population_count3A = tpu.all_reduce %ge3A {dim = 0 : i64, kind = #tpu.reduction_kind<sum>} : vector<16xi1> -> vector<16xi32>
      %add3A_372 = arith.addi %scan3A_368, %all_reduce_population_count3A : vector<16xi32>
      scf.yield %add3A_372 : vector<16xi32>
    }
    %scan3A_94 = arith.constant 32 : i32
    %sub3A_95 = arith.constant 1 : i32
    %sub3A_96 = vector.broadcast %sub3A_95 : i32 to vector<16xi32>
    %sub3A_97 = arith.subi %scan3A_93, %sub3A_96 : vector<16xi32>
    %max3A_98 = arith.constant 0 : i32
    %max3A_99 = vector.broadcast %max3A_98 : i32 to vector<16xi32>
    %max3A_100 = arith.maxsi %sub3A_97, %max3A_99 : vector<16xi32>
    %add3A_101 = arith.constant 1 : i32
    %add3A_102 = vector.broadcast %add3A_101 : i32 to vector<16xi32>
    %add3A_103 = arith.addi %max3A_100, %add3A_102 : vector<16xi32>
    %gather3A_104 = tpu.vector_load_idx %arg6[%add3A_103] : memref<528xf32, #tpu.memory_space<vmem>>[vector<16xi32>], vector<16xf32>,
    %mul3A_105 = arith.constant 512 : i32
    %mul3A_106 = vector.broadcast %mul3A_105 : i32 to vector<16xi32>
    %mul3A_107 = arith.muli %max3A_61, %mul3A_106 : vector<16xi32>
    %add3A_108 = arith.addi %mul3A_107, %max3A_100 : vector<16xi32>
    %scan3A_109 = arith.constant 0 : i32
    %scan3A_110 = arith.constant 0 : i32
    %scan3A_111 = arith.constant 64 : i32
    %scan3A_112 = arith.addi %scan3A_110, %scan3A_111 : i32
    %scan3A_113 = arith.constant 1 : i32
    %scan3A_114 = scf.for %scan3A_367 = %scan3A_110 to %scan3A_112 step %scan3A_113 iter_args(%scan3A_368 = %scan3A_109) -> (i32)  : i32 {
      %mul3A_369 = arith.constant 8 : i32
      %mul3A_370 = arith.muli %scan3A_367, %mul3A_369 : i32
      %add3A_371 = arith.constant 0 : i32
      %add3A_372 = arith.addi %mul3A_370, %add3A_371 : i32
      %mul3A_373 = arith.constant 16 : i32
      %mul3A_374 = arith.muli %add3A_372, %mul3A_373 : i32
      %swap3A_375 = arith.index_cast %mul3A_374 : i32 to index
      %swap3A_376 = tpu.vector_load %arg5[%swap3A_375] {strides = array<i32>} : memref<8192xf32, #tpu.memory_space<vmem>>, vector<16xf32>,
      tpu.vector_store %arg5[%swap3A_375], %broadcast_in_dim3A_4 {strides = array<i32>} : memref<8192xf32, #tpu.memory_space<vmem>>, vector<16xf32>,
      %mul3A_377 = arith.constant 8 : i32
      %mul3A_378 = arith.muli %scan3A_367, %mul3A_377 : i32
      %add3A_379 = arith.constant 1 : i32
      %add3A_380 = arith.addi %mul3A_378, %add3A_379 : i32
      %mul3A_381 = arith.constant 16 : i32
      %mul3A_382 = arith.muli %add3A_380, %mul3A_381 : i32
      %swap3A_383 = arith.index_cast %mul3A_382 : i32 to index
      %swap3A_384 = tpu.vector_load %arg5[%swap3A_383] {strides = array<i32>} : memref<8192xf32, #tpu.memory_space<vmem>>, vector<16xf32>,
      tpu.vector_store %arg5[%swap3A_383], %broadcast_in_dim3A_4 {strides = array<i32>} : memref<8192xf32, #tpu.memory_space<vmem>>, vector<16xf32>,
      %mul3A_385 = arith.constant 8 : i32
      %mul3A_386 = arith.muli %scan3A_367, %mul3A_385 : i32
      %add3A_387 = arith.constant 2 : i32
      %add3A_388 = arith.addi %mul3A_386, %add3A_387 : i32
      %mul3A_389 = arith.constant 16 : i32
      %mul3A_390 = arith.muli %add3A_388, %mul3A_389 : i32
      %swap3A_391 = arith.index_cast %mul3A_390 : i32 to index
      %swap3A_392 = tpu.vector_load %arg5[%swap3A_391] {strides = array<i32>} : memref<8192xf32, #tpu.memory_space<vmem>>, vector<16xf32>,
      tpu.vector_store %arg5[%swap3A_391], %broadcast_in_dim3A_4 {strides = array<i32>} : memref<8192xf32, #tpu.memory_space<vmem>>, vector<16xf32>,
      %mul3A_393 = arith.constant 8 : i32
      %mul3A_394 = arith.muli %scan3A_367, %mul3A_393 : i32
      %add3A_395 = arith.constant 3 : i32
      %add3A_396 = arith.addi %mul3A_394, %add3A_395 : i32
      %mul3A_397 = arith.constant 16 : i32
      %mul3A_398 = arith.muli %add3A_396, %mul3A_397 : i32
      %swap3A_399 = arith.index_cast %mul3A_398 : i32 to index
      %swap3A_400 = tpu.vector_load %arg5[%swap3A_399] {strides = array<i32>} : memref<8192xf32, #tpu.memory_space<vmem>>, vector<16xf32>,
      tpu.vector_store %arg5[%swap3A_399], %broadcast_in_dim3A_4 {strides = array<i32>} : memref<8192xf32, #tpu.memory_space<vmem>>, vector<16xf32>,
      %mul3A_401 = arith.constant 8 : i32
      %mul3A_402 = arith.muli %scan3A_367, %mul3A_401 : i32
      %add3A_403 = arith.constant 4 : i32
      %add3A_404 = arith.addi %mul3A_402, %add3A_403 : i32
      %mul3A_405 = arith.constant 16 : i32
      %mul3A_406 = arith.muli %add3A_404, %mul3A_405 : i32
      %swap3A_407 = arith.index_cast %mul3A_406 : i32 to index
      %swap3A_408 = tpu.vector_load %arg5[%swap3A_407] {strides = array<i32>} : memref<8192xf32, #tpu.memory_space<vmem>>, vector<16xf32>,
      tpu.vector_store %arg5[%swap3A_407], %broadcast_in_dim3A_4 {strides = array<i32>} : memref<8192xf32, #tpu.memory_space<vmem>>, vector<16xf32>,
      %mul3A_409 = arith.constant 8 : i32
      %mul3A_410 = arith.muli %scan3A_367, %mul3A_409 : i32
      %add3A_411 = arith.constant 5 : i32
      %add3A_412 = arith.addi %mul3A_410, %add3A_411 : i32
      %mul3A_413 = arith.constant 16 : i32
      %mul3A_414 = arith.muli %add3A_412, %mul3A_413 : i32
      %swap3A_415 = arith.index_cast %mul3A_414 : i32 to index
      %swap3A_416 = tpu.vector_load %arg5[%swap3A_415] {strides = array<i32>} : memref<8192xf32, #tpu.memory_space<vmem>>, vector<16xf32>,
      tpu.vector_store %arg5[%swap3A_415], %broadcast_in_dim3A_4 {strides = array<i32>} : memref<8192xf32, #tpu.memory_space<vmem>>, vector<16xf32>,
      %mul3A_417 = arith.constant 8 : i32
      %mul3A_418 = arith.muli %scan3A_367, %mul3A_417 : i32
      %add3A_419 = arith.constant 6 : i32
      %add3A_420 = arith.addi %mul3A_418, %add3A_419 : i32
      %mul3A_421 = arith.constant 16 : i32
      %mul3A_422 = arith.muli %add3A_420, %mul3A_421 : i32
      %swap3A_423 = arith.index_cast %mul3A_422 : i32 to index
      %swap3A_424 = tpu.vector_load %arg5[%swap3A_423] {strides = array<i32>} : memref<8192xf32, #tpu.memory_space<vmem>>, vector<16xf32>,
      tpu.vector_store %arg5[%swap3A_423], %broadcast_in_dim3A_4 {strides = array<i32>} : memref<8192xf32, #tpu.memory_space<vmem>>, vector<16xf32>,
      %mul3A_425 = arith.constant 8 : i32
      %mul3A_426 = arith.muli %scan3A_367, %mul3A_425 : i32
      %add3A_427 = arith.constant 7 : i32
      %add3A_428 = arith.addi %mul3A_426, %add3A_427 : i32
      %mul3A_429 = arith.constant 16 : i32
      %mul3A_430 = arith.muli %add3A_428, %mul3A_429 : i32
      %swap3A_431 = arith.index_cast %mul3A_430 : i32 to index
      %swap3A_432 = tpu.vector_load %arg5[%swap3A_431] {strides = array<i32>} : memref<8192xf32, #tpu.memory_space<vmem>>, vector<16xf32>,
      tpu.vector_store %arg5[%swap3A_431], %broadcast_in_dim3A_4 {strides = array<i32>} : memref<8192xf32, #tpu.memory_space<vmem>>, vector<16xf32>,
      %scan3A_433 = arith.constant 0 : i32
      scf.yield %scan3A_433 : i32
    }
    %scan3A_115 = arith.constant 64 : i32
    %scan3A_116 = arith.constant 0 : i32
    %scan3A_117 = arith.constant 0 : i32
    %scan3A_118 = arith.constant 625 : i32
    %scan3A_119 = arith.addi %scan3A_117, %scan3A_118 : i32
    %scan3A_120 = arith.constant 1 : i32
    %scan3A_121 = scf.for %scan3A_367 = %scan3A_117 to %scan3A_119 step %scan3A_120 iter_args(%scan3A_368 = %scan3A_116) -> (i32)  : i32 {
      %mul3A_369 = arith.constant 10 : i32
      %mul3A_370 = arith.muli %scan3A_367, %mul3A_369 : i32
      %add3A_371 = arith.constant 0 : i32
      %add3A_372 = arith.addi %mul3A_370, %add3A_371 : i32
      %mul3A_373 = arith.constant 16 : i32
      %mul3A_374 = arith.muli %add3A_372, %mul3A_373 : i32
      %get3A = arith.index_cast %mul3A_374 : i32 to index
      %get3A_375 = tpu.vector_load %arg4[%get3A] {strides = array<i32>} : memref<100000xf32, #tpu.memory_space<vmem>>, vector<16xf32>,
      %mul3A_376 = arith.constant 10 : i32
      %mul3A_377 = arith.muli %scan3A_367, %mul3A_376 : i32
      %add3A_378 = arith.constant 1 : i32
      %add3A_379 = arith.addi %mul3A_377, %add3A_378 : i32
      %mul3A_380 = arith.constant 16 : i32
      %mul3A_381 = arith.muli %add3A_379, %mul3A_380 : i32
      %get3A_382 = arith.index_cast %mul3A_381 : i32 to index
      %get3A_383 = tpu.vector_load %arg4[%get3A_382] {strides = array<i32>} : memref<100000xf32, #tpu.memory_space<vmem>>, vector<16xf32>,
      %mul3A_384 = arith.constant 10 : i32
      %mul3A_385 = arith.muli %scan3A_367, %mul3A_384 : i32
      %add3A_386 = arith.constant 2 : i32
      %add3A_387 = arith.addi %mul3A_385, %add3A_386 : i32
      %mul3A_388 = arith.constant 16 : i32
      %mul3A_389 = arith.muli %add3A_387, %mul3A_388 : i32
      %get3A_390 = arith.index_cast %mul3A_389 : i32 to index
      %get3A_391 = tpu.vector_load %arg4[%get3A_390] {strides = array<i32>} : memref<100000xf32, #tpu.memory_space<vmem>>, vector<16xf32>,
      %mul3A_392 = arith.constant 10 : i32
      %mul3A_393 = arith.muli %scan3A_367, %mul3A_392 : i32
      %add3A_394 = arith.constant 3 : i32
      %add3A_395 = arith.addi %mul3A_393, %add3A_394 : i32
      %mul3A_396 = arith.constant 16 : i32
      %mul3A_397 = arith.muli %add3A_395, %mul3A_396 : i32
      %get3A_398 = arith.index_cast %mul3A_397 : i32 to index
      %get3A_399 = tpu.vector_load %arg4[%get3A_398] {strides = array<i32>} : memref<100000xf32, #tpu.memory_space<vmem>>, vector<16xf32>,
      %mul3A_400 = arith.constant 10 : i32
      %mul3A_401 = arith.muli %scan3A_367, %mul3A_400 : i32
      %add3A_402 = arith.constant 4 : i32
      %add3A_403 = arith.addi %mul3A_401, %add3A_402 : i32
      %mul3A_404 = arith.constant 16 : i32
      %mul3A_405 = arith.muli %add3A_403, %mul3A_404 : i32
      %get3A_406 = arith.index_cast %mul3A_405 : i32 to index
      %get3A_407 = tpu.vector_load %arg4[%get3A_406] {strides = array<i32>} : memref<100000xf32, #tpu.memory_space<vmem>>, vector<16xf32>,
      %mul3A_408 = arith.constant 10 : i32
      %mul3A_409 = arith.muli %scan3A_367, %mul3A_408 : i32
      %add3A_410 = arith.constant 5 : i32
      %add3A_411 = arith.addi %mul3A_409, %add3A_410 : i32
      %mul3A_412 = arith.constant 16 : i32
      %mul3A_413 = arith.muli %add3A_411, %mul3A_412 : i32
      %get3A_414 = arith.index_cast %mul3A_413 : i32 to index
      %get3A_415 = tpu.vector_load %arg4[%get3A_414] {strides = array<i32>} : memref<100000xf32, #tpu.memory_space<vmem>>, vector<16xf32>,
      %mul3A_416 = arith.constant 10 : i32
      %mul3A_417 = arith.muli %scan3A_367, %mul3A_416 : i32
      %add3A_418 = arith.constant 6 : i32
      %add3A_419 = arith.addi %mul3A_417, %add3A_418 : i32
      %mul3A_420 = arith.constant 16 : i32
      %mul3A_421 = arith.muli %add3A_419, %mul3A_420 : i32
      %get3A_422 = arith.index_cast %mul3A_421 : i32 to index
      %get3A_423 = tpu.vector_load %arg4[%get3A_422] {strides = array<i32>} : memref<100000xf32, #tpu.memory_space<vmem>>, vector<16xf32>,
      %mul3A_424 = arith.constant 10 : i32
      %mul3A_425 = arith.muli %scan3A_367, %mul3A_424 : i32
      %add3A_426 = arith.constant 7 : i32
      %add3A_427 = arith.addi %mul3A_425, %add3A_426 : i32
      %mul3A_428 = arith.constant 16 : i32
      %mul3A_429 = arith.muli %add3A_427, %mul3A_428 : i32
      %get3A_430 = arith.index_cast %mul3A_429 : i32 to index
      %get3A_431 = tpu.vector_load %arg4[%get3A_430] {strides = array<i32>} : memref<100000xf32, #tpu.memory_space<vmem>>, vector<16xf32>,
      %mul3A_432 = arith.constant 10 : i32
      %mul3A_433 = arith.muli %scan3A_367, %mul3A_432 : i32
      %add3A_434 = arith.constant 8 : i32
      %add3A_435 = arith.addi %mul3A_433, %add3A_434 : i32
      %mul3A_436 = arith.constant 16 : i32
      %mul3A_437 = arith.muli %add3A_435, %mul3A_436 : i32
      %get3A_438 = arith.index_cast %mul3A_437 : i32 to index
      %get3A_439 = tpu.vector_load %arg4[%get3A_438] {strides = array<i32>} : memref<100000xf32, #tpu.memory_space<vmem>>, vector<16xf32>,
      %mul3A_440 = arith.constant 10 : i32
      %mul3A_441 = arith.muli %scan3A_367, %mul3A_440 : i32
      %add3A_442 = arith.constant 9 : i32
      %add3A_443 = arith.addi %mul3A_441, %add3A_442 : i32
      %mul3A_444 = arith.constant 16 : i32
      %mul3A_445 = arith.muli %add3A_443, %mul3A_444 : i32
      %get3A_446 = arith.index_cast %mul3A_445 : i32 to index
      %get3A_447 = tpu.vector_load %arg4[%get3A_446] {strides = array<i32>} : memref<100000xf32, #tpu.memory_space<vmem>>, vector<16xf32>,
      %bitcast3A = vector.bitcast %get3A_375 : vector<16xf32> to vector<16xi32>
      %bitcast3A_448 = vector.bitcast %get3A_383 : vector<16xf32> to vector<16xi32>
      %bitcast3A_449 = vector.bitcast %get3A_391 : vector<16xf32> to vector<16xi32>
      %bitcast3A_450 = vector.bitcast %get3A_399 : vector<16xf32> to vector<16xi32>
      %bitcast3A_451 = vector.bitcast %get3A_407 : vector<16xf32> to vector<16xi32>
      %bitcast3A_452 = vector.bitcast %get3A_415 : vector<16xf32> to vector<16xi32>
      %bitcast3A_453 = vector.bitcast %get3A_423 : vector<16xf32> to vector<16xi32>
      %bitcast3A_454 = vector.bitcast %get3A_431 : vector<16xf32> to vector<16xi32>
      %bitcast3A_455 = vector.bitcast %get3A_439 : vector<16xf32> to vector<16xi32>
      %bitcast3A_456 = vector.bitcast %get3A_447 : vector<16xf32> to vector<16xi32>
      %shift_right_logical3A = arith.constant 13 : i32
      %shift_right_logical3A_457 = vector.broadcast %shift_right_logical3A : i32 to vector<16xi32>
      %shift_right_logical3A_458 = arith.shrui %bitcast3A, %shift_right_logical3A_457 : vector<16xi32>
      %eq3A = arith.cmpi eq, %shift_right_logical3A_458, %add3A_108 : vector<16xi32>
      %shift_right_logical3A_459 = arith.constant 13 : i32
      %shift_right_logical3A_460 = vector.broadcast %shift_right_logical3A_459 : i32 to vector<16xi32>
      %shift_right_logical3A_461 = arith.shrui %bitcast3A_448, %shift_right_logical3A_460 : vector<16xi32>
      %eq3A_462 = arith.cmpi eq, %shift_right_logical3A_461, %add3A_108 : vector<16xi32>
      %shift_right_logical3A_463 = arith.constant 13 : i32
      %shift_right_logical3A_464 = vector.broadcast %shift_right_logical3A_463 : i32 to vector<16xi32>
      %shift_right_logical3A_465 = arith.shrui %bitcast3A_449, %shift_right_logical3A_464 : vector<16xi32>
      %eq3A_466 = arith.cmpi eq, %shift_right_logical3A_465, %add3A_108 : vector<16xi32>
      %shift_right_logical3A_467 = arith.constant 13 : i32
      %shift_right_logical3A_468 = vector.broadcast %shift_right_logical3A_467 : i32 to vector<16xi32>
      %shift_right_logical3A_469 = arith.shrui %bitcast3A_450, %shift_right_logical3A_468 : vector<16xi32>
      %eq3A_470 = arith.cmpi eq, %shift_right_logical3A_469, %add3A_108 : vector<16xi32>
      %shift_right_logical3A_471 = arith.constant 13 : i32
      %shift_right_logical3A_472 = vector.broadcast %shift_right_logical3A_471 : i32 to vector<16xi32>
      %shift_right_logical3A_473 = arith.shrui %bitcast3A_451, %shift_right_logical3A_472 : vector<16xi32>
      %eq3A_474 = arith.cmpi eq, %shift_right_logical3A_473, %add3A_108 : vector<16xi32>
      %shift_right_logical3A_475 = arith.constant 13 : i32
      %shift_right_logical3A_476 = vector.broadcast %shift_right_logical3A_475 : i32 to vector<16xi32>
      %shift_right_logical3A_477 = arith.shrui %bitcast3A_452, %shift_right_logical3A_476 : vector<16xi32>
      %eq3A_478 = arith.cmpi eq, %shift_right_logical3A_477, %add3A_108 : vector<16xi32>
      %shift_right_logical3A_479 = arith.constant 13 : i32
      %shift_right_logical3A_480 = vector.broadcast %shift_right_logical3A_479 : i32 to vector<16xi32>
      %shift_right_logical3A_481 = arith.shrui %bitcast3A_453, %shift_right_logical3A_480 : vector<16xi32>
      %eq3A_482 = arith.cmpi eq, %shift_right_logical3A_481, %add3A_108 : vector<16xi32>
      %shift_right_logical3A_483 = arith.constant 13 : i32
      %shift_right_logical3A_484 = vector.broadcast %shift_right_logical3A_483 : i32 to vector<16xi32>
      %shift_right_logical3A_485 = arith.shrui %bitcast3A_454, %shift_right_logical3A_484 : vector<16xi32>
      %eq3A_486 = arith.cmpi eq, %shift_right_logical3A_485, %add3A_108 : vector<16xi32>
      %shift_right_logical3A_487 = arith.constant 13 : i32
      %shift_right_logical3A_488 = vector.broadcast %shift_right_logical3A_487 : i32 to vector<16xi32>
      %shift_right_logical3A_489 = arith.shrui %bitcast3A_455, %shift_right_logical3A_488 : vector<16xi32>
      %eq3A_490 = arith.cmpi eq, %shift_right_logical3A_489, %add3A_108 : vector<16xi32>
      %shift_right_logical3A_491 = arith.constant 13 : i32
      %shift_right_logical3A_492 = vector.broadcast %shift_right_logical3A_491 : i32 to vector<16xi32>
      %shift_right_logical3A_493 = arith.shrui %bitcast3A_456, %shift_right_logical3A_492 : vector<16xi32>
      %eq3A_494 = arith.cmpi eq, %shift_right_logical3A_493, %add3A_108 : vector<16xi32>
      %shift_right_logical3A_495 = arith.constant 4 : i32
      %shift_right_logical3A_496 = vector.broadcast %shift_right_logical3A_495 : i32 to vector<16xi32>
      %shift_right_logical3A_497 = arith.shrui %bitcast3A, %shift_right_logical3A_496 : vector<16xi32>
      %and3A = arith.constant 511 : i32
      %and3A_498 = vector.broadcast %and3A : i32 to vector<16xi32>
      %and3A_499 = arith.andi %shift_right_logical3A_497, %and3A_498 : vector<16xi32>
      %shift_right_logical3A_500 = arith.constant 4 : i32
      %shift_right_logical3A_501 = vector.broadcast %shift_right_logical3A_500 : i32 to vector<16xi32>
      %shift_right_logical3A_502 = arith.shrui %bitcast3A_448, %shift_right_logical3A_501 : vector<16xi32>
      %and3A_503 = arith.constant 511 : i32
      %and3A_504 = vector.broadcast %and3A_503 : i32 to vector<16xi32>
      %and3A_505 = arith.andi %shift_right_logical3A_502, %and3A_504 : vector<16xi32>
      %shift_right_logical3A_506 = arith.constant 4 : i32
      %shift_right_logical3A_507 = vector.broadcast %shift_right_logical3A_506 : i32 to vector<16xi32>
      %shift_right_logical3A_508 = arith.shrui %bitcast3A_449, %shift_right_logical3A_507 : vector<16xi32>
      %and3A_509 = arith.constant 511 : i32
      %and3A_510 = vector.broadcast %and3A_509 : i32 to vector<16xi32>
      %and3A_511 = arith.andi %shift_right_logical3A_508, %and3A_510 : vector<16xi32>
      %shift_right_logical3A_512 = arith.constant 4 : i32
      %shift_right_logical3A_513 = vector.broadcast %shift_right_logical3A_512 : i32 to vector<16xi32>
      %shift_right_logical3A_514 = arith.shrui %bitcast3A_450, %shift_right_logical3A_513 : vector<16xi32>
      %and3A_515 = arith.constant 511 : i32
      %and3A_516 = vector.broadcast %and3A_515 : i32 to vector<16xi32>
      %and3A_517 = arith.andi %shift_right_logical3A_514, %and3A_516 : vector<16xi32>
      %shift_right_logical3A_518 = arith.constant 4 : i32
      %shift_right_logical3A_519 = vector.broadcast %shift_right_logical3A_518 : i32 to vector<16xi32>
      %shift_right_logical3A_520 = arith.shrui %bitcast3A_451, %shift_right_logical3A_519 : vector<16xi32>
      %and3A_521 = arith.constant 511 : i32
      %and3A_522 = vector.broadcast %and3A_521 : i32 to vector<16xi32>
      %and3A_523 = arith.andi %shift_right_logical3A_520, %and3A_522 : vector<16xi32>
      %shift_right_logical3A_524 = arith.constant 4 : i32
      %shift_right_logical3A_525 = vector.broadcast %shift_right_logical3A_524 : i32 to vector<16xi32>
      %shift_right_logical3A_526 = arith.shrui %bitcast3A_452, %shift_right_logical3A_525 : vector<16xi32>
      %and3A_527 = arith.constant 511 : i32
      %and3A_528 = vector.broadcast %and3A_527 : i32 to vector<16xi32>
      %and3A_529 = arith.andi %shift_right_logical3A_526, %and3A_528 : vector<16xi32>
      %shift_right_logical3A_530 = arith.constant 4 : i32
      %shift_right_logical3A_531 = vector.broadcast %shift_right_logical3A_530 : i32 to vector<16xi32>
      %shift_right_logical3A_532 = arith.shrui %bitcast3A_453, %shift_right_logical3A_531 : vector<16xi32>
      %and3A_533 = arith.constant 511 : i32
      %and3A_534 = vector.broadcast %and3A_533 : i32 to vector<16xi32>
      %and3A_535 = arith.andi %shift_right_logical3A_532, %and3A_534 : vector<16xi32>
      %shift_right_logical3A_536 = arith.constant 4 : i32
      %shift_right_logical3A_537 = vector.broadcast %shift_right_logical3A_536 : i32 to vector<16xi32>
      %shift_right_logical3A_538 = arith.shrui %bitcast3A_454, %shift_right_logical3A_537 : vector<16xi32>
      %and3A_539 = arith.constant 511 : i32
      %and3A_540 = vector.broadcast %and3A_539 : i32 to vector<16xi32>
      %and3A_541 = arith.andi %shift_right_logical3A_538, %and3A_540 : vector<16xi32>
      %shift_right_logical3A_542 = arith.constant 4 : i32
      %shift_right_logical3A_543 = vector.broadcast %shift_right_logical3A_542 : i32 to vector<16xi32>
      %shift_right_logical3A_544 = arith.shrui %bitcast3A_455, %shift_right_logical3A_543 : vector<16xi32>
      %and3A_545 = arith.constant 511 : i32
      %and3A_546 = vector.broadcast %and3A_545 : i32 to vector<16xi32>
      %and3A_547 = arith.andi %shift_right_logical3A_544, %and3A_546 : vector<16xi32>
      %shift_right_logical3A_548 = arith.constant 4 : i32
      %shift_right_logical3A_549 = vector.broadcast %shift_right_logical3A_548 : i32 to vector<16xi32>
      %shift_right_logical3A_550 = arith.shrui %bitcast3A_456, %shift_right_logical3A_549 : vector<16xi32>
      %and3A_551 = arith.constant 511 : i32
      %and3A_552 = vector.broadcast %and3A_551 : i32 to vector<16xi32>
      %and3A_553 = arith.andi %shift_right_logical3A_550, %and3A_552 : vector<16xi32>
      %add3A_554 = arith.addi %mul3A_3, %and3A_499 : vector<16xi32>
      %add3A_555 = arith.addi %mul3A_3, %and3A_505 : vector<16xi32>
      %add3A_556 = arith.addi %mul3A_3, %and3A_511 : vector<16xi32>
      %add3A_557 = arith.addi %mul3A_3, %and3A_517 : vector<16xi32>
      %add3A_558 = arith.addi %mul3A_3, %and3A_523 : vector<16xi32>
      %add3A_559 = arith.addi %mul3A_3, %and3A_529 : vector<16xi32>
      %add3A_560 = arith.addi %mul3A_3, %and3A_535 : vector<16xi32>
      %add3A_561 = arith.addi %mul3A_3, %and3A_541 : vector<16xi32>
      %add3A_562 = arith.addi %mul3A_3, %and3A_547 : vector<16xi32>
      %add3A_563 = arith.addi %mul3A_3, %and3A_553 : vector<16xi32>
      tpu.vector_store_idx %arg5[%add3A_554], %get3A_375 masked %eq3A {add = true} : memref<8192xf32, #tpu.memory_space<vmem>>[vector<16xi32>], vector<16xf32>, vector<16xi1>
      tpu.vector_store_idx %arg5[%add3A_555], %get3A_383 masked %eq3A_462 {add = true} : memref<8192xf32, #tpu.memory_space<vmem>>[vector<16xi32>], vector<16xf32>, vector<16xi1>
      tpu.vector_store_idx %arg5[%add3A_556], %get3A_391 masked %eq3A_466 {add = true} : memref<8192xf32, #tpu.memory_space<vmem>>[vector<16xi32>], vector<16xf32>, vector<16xi1>
      tpu.vector_store_idx %arg5[%add3A_557], %get3A_399 masked %eq3A_470 {add = true} : memref<8192xf32, #tpu.memory_space<vmem>>[vector<16xi32>], vector<16xf32>, vector<16xi1>
      tpu.vector_store_idx %arg5[%add3A_558], %get3A_407 masked %eq3A_474 {add = true} : memref<8192xf32, #tpu.memory_space<vmem>>[vector<16xi32>], vector<16xf32>, vector<16xi1>
      tpu.vector_store_idx %arg5[%add3A_559], %get3A_415 masked %eq3A_478 {add = true} : memref<8192xf32, #tpu.memory_space<vmem>>[vector<16xi32>], vector<16xf32>, vector<16xi1>
      tpu.vector_store_idx %arg5[%add3A_560], %get3A_423 masked %eq3A_482 {add = true} : memref<8192xf32, #tpu.memory_space<vmem>>[vector<16xi32>], vector<16xf32>, vector<16xi1>
      tpu.vector_store_idx %arg5[%add3A_561], %get3A_431 masked %eq3A_486 {add = true} : memref<8192xf32, #tpu.memory_space<vmem>>[vector<16xi32>], vector<16xf32>, vector<16xi1>
      tpu.vector_store_idx %arg5[%add3A_562], %get3A_439 masked %eq3A_490 {add = true} : memref<8192xf32, #tpu.memory_space<vmem>>[vector<16xi32>], vector<16xf32>, vector<16xi1>
      tpu.vector_store_idx %arg5[%add3A_563], %get3A_447 masked %eq3A_494 {add = true} : memref<8192xf32, #tpu.memory_space<vmem>>[vector<16xi32>], vector<16xf32>, vector<16xi1>
      %scan3A_564 = arith.constant 0 : i32
      scf.yield %scan3A_564 : i32
    }
    %scan3A_122 = arith.constant 625 : i32
    %swap3A_123 = arith.constant 512 : index
    %swap3A_124 = tpu.vector_load %arg6[%swap3A_123] {strides = array<i32>} : memref<528xf32, #tpu.memory_space<vmem>>, vector<16xf32>,
    tpu.vector_store %arg6[%swap3A_123], %gather3A_104 {strides = array<i32>} : memref<528xf32, #tpu.memory_space<vmem>>, vector<16xf32>,
    %scan3A_125 = arith.constant 0 : i32
    %scan3A_126 = arith.constant 32 : i32
    %scan3A_127 = arith.addi %scan3A_125, %scan3A_126 : i32
    %scan3A_128 = arith.constant 1 : i32
    %scan3A_129 = scf.for %scan3A_367 = %scan3A_125 to %scan3A_127 step %scan3A_128 iter_args(%scan3A_368 = %gather3A_104) -> (vector<16xf32>)  : i32 {
      %sub3A_369 = arith.constant 31 : i32
      %sub3A_370 = arith.subi %sub3A_369, %scan3A_367 : i32
      %mul3A_371 = arith.constant 16 : i32
      %mul3A_372 = arith.muli %sub3A_370, %mul3A_371 : i32
      %add3A_373 = arith.constant 0 : i32
      %add3A_374 = arith.addi %add3A_373, %mul3A_372 : i32
      %get3A = arith.index_cast %add3A_374 : i32 to index
      %get3A_375 = tpu.vector_load %arg5[%get3A] {strides = array<i32>} : memref<8192xf32, #tpu.memory_space<vmem>>, vector<16xf32>,
      %add3A_376 = arith.addf %broadcast_in_dim3A_4, %get3A_375 : vector<16xf32>
      %mul3A_377 = arith.constant 16 : i32
      %mul3A_378 = arith.muli %sub3A_370, %mul3A_377 : i32
      %add3A_379 = arith.constant 512 : i32
      %add3A_380 = arith.addi %add3A_379, %mul3A_378 : i32
      %get3A_381 = arith.index_cast %add3A_380 : i32 to index
      %get3A_382 = tpu.vector_load %arg5[%get3A_381] {strides = array<i32>} : memref<8192xf32, #tpu.memory_space<vmem>>, vector<16xf32>,
      %add3A_383 = arith.addf %add3A_376, %get3A_382 : vector<16xf32>
      %mul3A_384 = arith.constant 16 : i32
      %mul3A_385 = arith.muli %sub3A_370, %mul3A_384 : i32
      %add3A_386 = arith.constant 1024 : i32
      %add3A_387 = arith.addi %add3A_386, %mul3A_385 : i32
      %get3A_388 = arith.index_cast %add3A_387 : i32 to index
      %get3A_389 = tpu.vector_load %arg5[%get3A_388] {strides = array<i32>} : memref<8192xf32, #tpu.memory_space<vmem>>, vector<16xf32>,
      %add3A_390 = arith.addf %add3A_383, %get3A_389 : vector<16xf32>
      %mul3A_391 = arith.constant 16 : i32
      %mul3A_392 = arith.muli %sub3A_370, %mul3A_391 : i32
      %add3A_393 = arith.constant 1536 : i32
      %add3A_394 = arith.addi %add3A_393, %mul3A_392 : i32
      %get3A_395 = arith.index_cast %add3A_394 : i32 to index
      %get3A_396 = tpu.vector_load %arg5[%get3A_395] {strides = array<i32>} : memref<8192xf32, #tpu.memory_space<vmem>>, vector<16xf32>,
      %add3A_397 = arith.addf %add3A_390, %get3A_396 : vector<16xf32>
      %mul3A_398 = arith.constant 16 : i32
      %mul3A_399 = arith.muli %sub3A_370, %mul3A_398 : i32
      %add3A_400 = arith.constant 2048 : i32
      %add3A_401 = arith.addi %add3A_400, %mul3A_399 : i32
      %get3A_402 = arith.index_cast %add3A_401 : i32 to index
      %get3A_403 = tpu.vector_load %arg5[%get3A_402] {strides = array<i32>} : memref<8192xf32, #tpu.memory_space<vmem>>, vector<16xf32>,
      %add3A_404 = arith.addf %add3A_397, %get3A_403 : vector<16xf32>
      %mul3A_405 = arith.constant 16 : i32
      %mul3A_406 = arith.muli %sub3A_370, %mul3A_405 : i32
      %add3A_407 = arith.constant 2560 : i32
      %add3A_408 = arith.addi %add3A_407, %mul3A_406 : i32
      %get3A_409 = arith.index_cast %add3A_408 : i32 to index
      %get3A_410 = tpu.vector_load %arg5[%get3A_409] {strides = array<i32>} : memref<8192xf32, #tpu.memory_space<vmem>>, vector<16xf32>,
      %add3A_411 = arith.addf %add3A_404, %get3A_410 : vector<16xf32>
      %mul3A_412 = arith.constant 16 : i32
      %mul3A_413 = arith.muli %sub3A_370, %mul3A_412 : i32
      %add3A_414 = arith.constant 3072 : i32
      %add3A_415 = arith.addi %add3A_414, %mul3A_413 : i32
      %get3A_416 = arith.index_cast %add3A_415 : i32 to index
      %get3A_417 = tpu.vector_load %arg5[%get3A_416] {strides = array<i32>} : memref<8192xf32, #tpu.memory_space<vmem>>, vector<16xf32>,
      %add3A_418 = arith.addf %add3A_411, %get3A_417 : vector<16xf32>
      %mul3A_419 = arith.constant 16 : i32
      %mul3A_420 = arith.muli %sub3A_370, %mul3A_419 : i32
      %add3A_421 = arith.constant 3584 : i32
      %add3A_422 = arith.addi %add3A_421, %mul3A_420 : i32
      %get3A_423 = arith.index_cast %add3A_422 : i32 to index
      %get3A_424 = tpu.vector_load %arg5[%get3A_423] {strides = array<i32>} : memref<8192xf32, #tpu.memory_space<vmem>>, vector<16xf32>,
      %add3A_425 = arith.addf %add3A_418, %get3A_424 : vector<16xf32>
      %mul3A_426 = arith.constant 16 : i32
      %mul3A_427 = arith.muli %sub3A_370, %mul3A_426 : i32
      %add3A_428 = arith.constant 4096 : i32
      %add3A_429 = arith.addi %add3A_428, %mul3A_427 : i32
      %get3A_430 = arith.index_cast %add3A_429 : i32 to index
      %get3A_431 = tpu.vector_load %arg5[%get3A_430] {strides = array<i32>} : memref<8192xf32, #tpu.memory_space<vmem>>, vector<16xf32>,
      %add3A_432 = arith.addf %add3A_425, %get3A_431 : vector<16xf32>
      %mul3A_433 = arith.constant 16 : i32
      %mul3A_434 = arith.muli %sub3A_370, %mul3A_433 : i32
      %add3A_435 = arith.constant 4608 : i32
      %add3A_436 = arith.addi %add3A_435, %mul3A_434 : i32
      %get3A_437 = arith.index_cast %add3A_436 : i32 to index
      %get3A_438 = tpu.vector_load %arg5[%get3A_437] {strides = array<i32>} : memref<8192xf32, #tpu.memory_space<vmem>>, vector<16xf32>,
      %add3A_439 = arith.addf %add3A_432, %get3A_438 : vector<16xf32>
      %mul3A_440 = arith.constant 16 : i32
      %mul3A_441 = arith.muli %sub3A_370, %mul3A_440 : i32
      %add3A_442 = arith.constant 5120 : i32
      %add3A_443 = arith.addi %add3A_442, %mul3A_441 : i32
      %get3A_444 = arith.index_cast %add3A_443 : i32 to index
      %get3A_445 = tpu.vector_load %arg5[%get3A_444] {strides = array<i32>} : memref<8192xf32, #tpu.memory_space<vmem>>, vector<16xf32>,
      %add3A_446 = arith.addf %add3A_439, %get3A_445 : vector<16xf32>
      %mul3A_447 = arith.constant 16 : i32
      %mul3A_448 = arith.muli %sub3A_370, %mul3A_447 : i32
      %add3A_449 = arith.constant 5632 : i32
      %add3A_450 = arith.addi %add3A_449, %mul3A_448 : i32
      %get3A_451 = arith.index_cast %add3A_450 : i32 to index
      %get3A_452 = tpu.vector_load %arg5[%get3A_451] {strides = array<i32>} : memref<8192xf32, #tpu.memory_space<vmem>>, vector<16xf32>,
      %add3A_453 = arith.addf %add3A_446, %get3A_452 : vector<16xf32>
      %mul3A_454 = arith.constant 16 : i32
      %mul3A_455 = arith.muli %sub3A_370, %mul3A_454 : i32
      %add3A_456 = arith.constant 6144 : i32
      %add3A_457 = arith.addi %add3A_456, %mul3A_455 : i32
      %get3A_458 = arith.index_cast %add3A_457 : i32 to index
      %get3A_459 = tpu.vector_load %arg5[%get3A_458] {strides = array<i32>} : memref<8192xf32, #tpu.memory_space<vmem>>, vector<16xf32>,
      %add3A_460 = arith.addf %add3A_453, %get3A_459 : vector<16xf32>
      %mul3A_461 = arith.constant 16 : i32
      %mul3A_462 = arith.muli %sub3A_370, %mul3A_461 : i32
      %add3A_463 = arith.constant 6656 : i32
      %add3A_464 = arith.addi %add3A_463, %mul3A_462 : i32
      %get3A_465 = arith.index_cast %add3A_464 : i32 to index
      %get3A_466 = tpu.vector_load %arg5[%get3A_465] {strides = array<i32>} : memref<8192xf32, #tpu.memory_space<vmem>>, vector<16xf32>,
      %add3A_467 = arith.addf %add3A_460, %get3A_466 : vector<16xf32>
      %mul3A_468 = arith.constant 16 : i32
      %mul3A_469 = arith.muli %sub3A_370, %mul3A_468 : i32
      %add3A_470 = arith.constant 7168 : i32
      %add3A_471 = arith.addi %add3A_470, %mul3A_469 : i32
      %get3A_472 = arith.index_cast %add3A_471 : i32 to index
      %get3A_473 = tpu.vector_load %arg5[%get3A_472] {strides = array<i32>} : memref<8192xf32, #tpu.memory_space<vmem>>, vector<16xf32>,
      %add3A_474 = arith.addf %add3A_467, %get3A_473 : vector<16xf32>
      %mul3A_475 = arith.constant 16 : i32
      %mul3A_476 = arith.muli %sub3A_370, %mul3A_475 : i32
      %add3A_477 = arith.constant 7680 : i32
      %add3A_478 = arith.addi %add3A_477, %mul3A_476 : i32
      %get3A_479 = arith.index_cast %add3A_478 : i32 to index
      %get3A_480 = tpu.vector_load %arg5[%get3A_479] {strides = array<i32>} : memref<8192xf32, #tpu.memory_space<vmem>>, vector<16xf32>,
      %add3A_481 = arith.addf %add3A_474, %get3A_480 : vector<16xf32>
      %rev3A = arith.constant 15 : i32
      %rev3A_482 = vector.broadcast %rev3A : i32 to vector<16xi32>
      %rev3A_483 = tpu.iota {dimensions = array<i32: 0>} : vector<16xi32>
      %rev3A_484 = arith.subi %rev3A_482, %rev3A_483 : vector<16xi32>
      %rev3A_485 = tpu.dynamic_gather %add3A_481[%rev3A_484] in [0] : vector<16xf32>, vector<16xi32> -> vector<16xf32>
      %broadcast_in_dim3A_486 = arith.constant true
      %broadcast_in_dim3A_487 = vector.broadcast %broadcast_in_dim3A_486 : i1 to vector<16xi1>
      %masked_cumsum3A = tpu.scan <sum>, %rev3A_485 masked %broadcast_in_dim3A_487 : vector<16xf32>, vector<16xi1> -> vector<16xf32>
      %rev3A_488 = arith.constant 15 : i32
      %rev3A_489 = vector.broadcast %rev3A_488 : i32 to vector<16xi32>
      %rev3A_490 = tpu.iota {dimensions = array<i32: 0>} : vector<16xi32>
      %rev3A_491 = arith.subi %rev3A_489, %rev3A_490 : vector<16xi32>
      %rev3A_492 = tpu.dynamic_gather %masked_cumsum3A[%rev3A_491] in [0] : vector<16xf32>, vector<16xi32> -> vector<16xf32>
      %add3A_493 = arith.addf %rev3A_492, %scan3A_368 : vector<16xf32>
      %mul3A_494 = arith.constant 16 : i32
      %mul3A_495 = arith.muli %sub3A_370, %mul3A_494 : i32
      %swap3A_496 = arith.index_cast %mul3A_495 : i32 to index
      %swap3A_497 = tpu.vector_load %arg6[%swap3A_496] {strides = array<i32>} : memref<528xf32, #tpu.memory_space<vmem>>, vector<16xf32>,
      tpu.vector_store %arg6[%swap3A_496], %add3A_493 {strides = array<i32>} : memref<528xf32, #tpu.memory_space<vmem>>, vector<16xf32>,
      %reduce_max3A = arith.constant true
      %reduce_max3A_498 = vector.broadcast %reduce_max3A : i1 to vector<16xi1>
      %reduce_max3A_499 = tpu.scan <max>, %add3A_493 masked %reduce_max3A_498 : vector<16xf32>, vector<16xi1> -> vector<16xf32>
      %reduce_max3A_500 = vector.extract %reduce_max3A_499[15] : f32 from vector<16xf32>
      %broadcast_in_dim3A_501 = vector.broadcast %reduce_max3A_500 : f32 to vector<16xf32>
      scf.yield %broadcast_in_dim3A_501 : vector<16xf32>
    }
    %scan3A_130 = arith.constant 32 : i32
    %broadcast_in_dim3A_131 = arith.constant 0 : i32
    %broadcast_in_dim3A_132 = vector.broadcast %broadcast_in_dim3A_131 : i32 to vector<16xi32>
    %scan3A_133 = arith.constant 0 : i32
    %scan3A_134 = arith.constant 32 : i32
    %scan3A_135 = arith.addi %scan3A_133, %scan3A_134 : i32
    %scan3A_136 = arith.constant 1 : i32
    %scan3A_137 = scf.for %scan3A_367 = %scan3A_133 to %scan3A_135 step %scan3A_136 iter_args(%scan3A_368 = %broadcast_in_dim3A_132) -> (vector<16xi32>)  : i32 {
      %mul3A_369 = arith.constant 16 : i32
      %mul3A_370 = arith.muli %scan3A_367, %mul3A_369 : i32
      %get3A = arith.index_cast %mul3A_370 : i32 to index
      %get3A_371 = tpu.vector_load %arg6[%get3A] {strides = array<i32>} : memref<528xf32, #tpu.memory_space<vmem>>, vector<16xf32>,
      %ge3A = arith.cmpf oge, %get3A_371, %mul3A_47 : vector<16xf32>
      %all_reduce_population_count3A = tpu.all_reduce %ge3A {dim = 0 : i64, kind = #tpu.reduction_kind<sum>} : vector<16xi1> -> vector<16xi32>
      %add3A_372 = arith.addi %scan3A_368, %all_reduce_population_count3A : vector<16xi32>
      scf.yield %add3A_372 : vector<16xi32>
    }
    %scan3A_138 = arith.constant 32 : i32
    %sub3A_139 = arith.constant 1 : i32
    %sub3A_140 = vector.broadcast %sub3A_139 : i32 to vector<16xi32>
    %sub3A_141 = arith.subi %scan3A_137, %sub3A_140 : vector<16xi32>
    %max3A_142 = arith.constant 0 : i32
    %max3A_143 = vector.broadcast %max3A_142 : i32 to vector<16xi32>
    %max3A_144 = arith.maxsi %sub3A_141, %max3A_143 : vector<16xi32>
    %add3A_145 = arith.constant 1 : i32
    %add3A_146 = vector.broadcast %add3A_145 : i32 to vector<16xi32>
    %add3A_147 = arith.addi %max3A_144, %add3A_146 : vector<16xi32>
    %gather3A_148 = tpu.vector_load_idx %arg6[%add3A_147] : memref<528xf32, #tpu.memory_space<vmem>>[vector<16xi32>], vector<16xf32>,
    %mul3A_149 = arith.constant 512 : i32
    %mul3A_150 = vector.broadcast %mul3A_149 : i32 to vector<16xi32>
    %mul3A_151 = arith.muli %max3A_61, %mul3A_150 : vector<16xi32>
    %add3A_152 = arith.addi %mul3A_151, %max3A_100 : vector<16xi32>
    %mul3A_153 = arith.constant 512 : i32
    %mul3A_154 = vector.broadcast %mul3A_153 : i32 to vector<16xi32>
    %mul3A_155 = arith.muli %add3A_152, %mul3A_154 : vector<16xi32>
    %add3A_156 = arith.addi %mul3A_155, %max3A_144 : vector<16xi32>
    %scan3A_157 = arith.constant 0 : i32
    %scan3A_158 = arith.constant 0 : i32
    %scan3A_159 = arith.constant 625 : i32
    %scan3A_160 = arith.addi %scan3A_158, %scan3A_159 : i32
    %scan3A_161 = arith.constant 1 : i32
    %scan3A_162 = scf.for %scan3A_367 = %scan3A_158 to %scan3A_160 step %scan3A_161 iter_args(%scan3A_368 = %scan3A_157) -> (i32)  : i32 {
      %mul3A_369 = arith.constant 10 : i32
      %mul3A_370 = arith.muli %scan3A_367, %mul3A_369 : i32
      %add3A_371 = arith.constant 0 : i32
      %add3A_372 = arith.addi %mul3A_370, %add3A_371 : i32
      %mul3A_373 = arith.constant 16 : i32
      %mul3A_374 = arith.muli %add3A_372, %mul3A_373 : i32
      %get3A = arith.index_cast %mul3A_374 : i32 to index
      %get3A_375 = tpu.vector_load %arg4[%get3A] {strides = array<i32>} : memref<100000xf32, #tpu.memory_space<vmem>>, vector<16xf32>,
      %mul3A_376 = arith.constant 10 : i32
      %mul3A_377 = arith.muli %scan3A_367, %mul3A_376 : i32
      %add3A_378 = arith.constant 1 : i32
      %add3A_379 = arith.addi %mul3A_377, %add3A_378 : i32
      %mul3A_380 = arith.constant 16 : i32
      %mul3A_381 = arith.muli %add3A_379, %mul3A_380 : i32
      %get3A_382 = arith.index_cast %mul3A_381 : i32 to index
      %get3A_383 = tpu.vector_load %arg4[%get3A_382] {strides = array<i32>} : memref<100000xf32, #tpu.memory_space<vmem>>, vector<16xf32>,
      %mul3A_384 = arith.constant 10 : i32
      %mul3A_385 = arith.muli %scan3A_367, %mul3A_384 : i32
      %add3A_386 = arith.constant 2 : i32
      %add3A_387 = arith.addi %mul3A_385, %add3A_386 : i32
      %mul3A_388 = arith.constant 16 : i32
      %mul3A_389 = arith.muli %add3A_387, %mul3A_388 : i32
      %get3A_390 = arith.index_cast %mul3A_389 : i32 to index
      %get3A_391 = tpu.vector_load %arg4[%get3A_390] {strides = array<i32>} : memref<100000xf32, #tpu.memory_space<vmem>>, vector<16xf32>,
      %mul3A_392 = arith.constant 10 : i32
      %mul3A_393 = arith.muli %scan3A_367, %mul3A_392 : i32
      %add3A_394 = arith.constant 3 : i32
      %add3A_395 = arith.addi %mul3A_393, %add3A_394 : i32
      %mul3A_396 = arith.constant 16 : i32
      %mul3A_397 = arith.muli %add3A_395, %mul3A_396 : i32
      %get3A_398 = arith.index_cast %mul3A_397 : i32 to index
      %get3A_399 = tpu.vector_load %arg4[%get3A_398] {strides = array<i32>} : memref<100000xf32, #tpu.memory_space<vmem>>, vector<16xf32>,
      %mul3A_400 = arith.constant 10 : i32
      %mul3A_401 = arith.muli %scan3A_367, %mul3A_400 : i32
      %add3A_402 = arith.constant 4 : i32
      %add3A_403 = arith.addi %mul3A_401, %add3A_402 : i32
      %mul3A_404 = arith.constant 16 : i32
      %mul3A_405 = arith.muli %add3A_403, %mul3A_404 : i32
      %get3A_406 = arith.index_cast %mul3A_405 : i32 to index
      %get3A_407 = tpu.vector_load %arg4[%get3A_406] {strides = array<i32>} : memref<100000xf32, #tpu.memory_space<vmem>>, vector<16xf32>,
      %mul3A_408 = arith.constant 10 : i32
      %mul3A_409 = arith.muli %scan3A_367, %mul3A_408 : i32
      %add3A_410 = arith.constant 5 : i32
      %add3A_411 = arith.addi %mul3A_409, %add3A_410 : i32
      %mul3A_412 = arith.constant 16 : i32
      %mul3A_413 = arith.muli %add3A_411, %mul3A_412 : i32
      %get3A_414 = arith.index_cast %mul3A_413 : i32 to index
      %get3A_415 = tpu.vector_load %arg4[%get3A_414] {strides = array<i32>} : memref<100000xf32, #tpu.memory_space<vmem>>, vector<16xf32>,
      %mul3A_416 = arith.constant 10 : i32
      %mul3A_417 = arith.muli %scan3A_367, %mul3A_416 : i32
      %add3A_418 = arith.constant 6 : i32
      %add3A_419 = arith.addi %mul3A_417, %add3A_418 : i32
      %mul3A_420 = arith.constant 16 : i32
      %mul3A_421 = arith.muli %add3A_419, %mul3A_420 : i32
      %get3A_422 = arith.index_cast %mul3A_421 : i32 to index
      %get3A_423 = tpu.vector_load %arg4[%get3A_422] {strides = array<i32>} : memref<100000xf32, #tpu.memory_space<vmem>>, vector<16xf32>,
      %mul3A_424 = arith.constant 10 : i32
      %mul3A_425 = arith.muli %scan3A_367, %mul3A_424 : i32
      %add3A_426 = arith.constant 7 : i32
      %add3A_427 = arith.addi %mul3A_425, %add3A_426 : i32
      %mul3A_428 = arith.constant 16 : i32
      %mul3A_429 = arith.muli %add3A_427, %mul3A_428 : i32
      %get3A_430 = arith.index_cast %mul3A_429 : i32 to index
      %get3A_431 = tpu.vector_load %arg4[%get3A_430] {strides = array<i32>} : memref<100000xf32, #tpu.memory_space<vmem>>, vector<16xf32>,
      %mul3A_432 = arith.constant 10 : i32
      %mul3A_433 = arith.muli %scan3A_367, %mul3A_432 : i32
      %add3A_434 = arith.constant 8 : i32
      %add3A_435 = arith.addi %mul3A_433, %add3A_434 : i32
      %mul3A_436 = arith.constant 16 : i32
      %mul3A_437 = arith.muli %add3A_435, %mul3A_436 : i32
      %get3A_438 = arith.index_cast %mul3A_437 : i32 to index
      %get3A_439 = tpu.vector_load %arg4[%get3A_438] {strides = array<i32>} : memref<100000xf32, #tpu.memory_space<vmem>>, vector<16xf32>,
      %mul3A_440 = arith.constant 10 : i32
      %mul3A_441 = arith.muli %scan3A_367, %mul3A_440 : i32
      %add3A_442 = arith.constant 9 : i32
      %add3A_443 = arith.addi %mul3A_441, %add3A_442 : i32
      %mul3A_444 = arith.constant 16 : i32
      %mul3A_445 = arith.muli %add3A_443, %mul3A_444 : i32
      %get3A_446 = arith.index_cast %mul3A_445 : i32 to index
      %get3A_447 = tpu.vector_load %arg4[%get3A_446] {strides = array<i32>} : memref<100000xf32, #tpu.memory_space<vmem>>, vector<16xf32>,
      %bitcast3A = vector.bitcast %get3A_375 : vector<16xf32> to vector<16xi32>
      %bitcast3A_448 = vector.bitcast %get3A_383 : vector<16xf32> to vector<16xi32>
      %bitcast3A_449 = vector.bitcast %get3A_391 : vector<16xf32> to vector<16xi32>
      %bitcast3A_450 = vector.bitcast %get3A_399 : vector<16xf32> to vector<16xi32>
      %bitcast3A_451 = vector.bitcast %get3A_407 : vector<16xf32> to vector<16xi32>
      %bitcast3A_452 = vector.bitcast %get3A_415 : vector<16xf32> to vector<16xi32>
      %bitcast3A_453 = vector.bitcast %get3A_423 : vector<16xf32> to vector<16xi32>
      %bitcast3A_454 = vector.bitcast %get3A_431 : vector<16xf32> to vector<16xi32>
      %bitcast3A_455 = vector.bitcast %get3A_439 : vector<16xf32> to vector<16xi32>
      %bitcast3A_456 = vector.bitcast %get3A_447 : vector<16xf32> to vector<16xi32>
      %shift_right_logical3A = arith.constant 4 : i32
      %shift_right_logical3A_457 = vector.broadcast %shift_right_logical3A : i32 to vector<16xi32>
      %shift_right_logical3A_458 = arith.shrui %bitcast3A, %shift_right_logical3A_457 : vector<16xi32>
      %ge3A = arith.cmpi sge, %shift_right_logical3A_458, %add3A_156 : vector<16xi32>
      %shift_right_logical3A_459 = arith.constant 4 : i32
      %shift_right_logical3A_460 = vector.broadcast %shift_right_logical3A_459 : i32 to vector<16xi32>
      %shift_right_logical3A_461 = arith.shrui %bitcast3A_448, %shift_right_logical3A_460 : vector<16xi32>
      %ge3A_462 = arith.cmpi sge, %shift_right_logical3A_461, %add3A_156 : vector<16xi32>
      %shift_right_logical3A_463 = arith.constant 4 : i32
      %shift_right_logical3A_464 = vector.broadcast %shift_right_logical3A_463 : i32 to vector<16xi32>
      %shift_right_logical3A_465 = arith.shrui %bitcast3A_449, %shift_right_logical3A_464 : vector<16xi32>
      %ge3A_466 = arith.cmpi sge, %shift_right_logical3A_465, %add3A_156 : vector<16xi32>
      %shift_right_logical3A_467 = arith.constant 4 : i32
      %shift_right_logical3A_468 = vector.broadcast %shift_right_logical3A_467 : i32 to vector<16xi32>
      %shift_right_logical3A_469 = arith.shrui %bitcast3A_450, %shift_right_logical3A_468 : vector<16xi32>
      %ge3A_470 = arith.cmpi sge, %shift_right_logical3A_469, %add3A_156 : vector<16xi32>
      %shift_right_logical3A_471 = arith.constant 4 : i32
      %shift_right_logical3A_472 = vector.broadcast %shift_right_logical3A_471 : i32 to vector<16xi32>
      %shift_right_logical3A_473 = arith.shrui %bitcast3A_451, %shift_right_logical3A_472 : vector<16xi32>
      %ge3A_474 = arith.cmpi sge, %shift_right_logical3A_473, %add3A_156 : vector<16xi32>
      %shift_right_logical3A_475 = arith.constant 4 : i32
      %shift_right_logical3A_476 = vector.broadcast %shift_right_logical3A_475 : i32 to vector<16xi32>
      %shift_right_logical3A_477 = arith.shrui %bitcast3A_452, %shift_right_logical3A_476 : vector<16xi32>
      %ge3A_478 = arith.cmpi sge, %shift_right_logical3A_477, %add3A_156 : vector<16xi32>
      %shift_right_logical3A_479 = arith.constant 4 : i32
      %shift_right_logical3A_480 = vector.broadcast %shift_right_logical3A_479 : i32 to vector<16xi32>
      %shift_right_logical3A_481 = arith.shrui %bitcast3A_453, %shift_right_logical3A_480 : vector<16xi32>
      %ge3A_482 = arith.cmpi sge, %shift_right_logical3A_481, %add3A_156 : vector<16xi32>
      %shift_right_logical3A_483 = arith.constant 4 : i32
      %shift_right_logical3A_484 = vector.broadcast %shift_right_logical3A_483 : i32 to vector<16xi32>
      %shift_right_logical3A_485 = arith.shrui %bitcast3A_454, %shift_right_logical3A_484 : vector<16xi32>
      %ge3A_486 = arith.cmpi sge, %shift_right_logical3A_485, %add3A_156 : vector<16xi32>
      %shift_right_logical3A_487 = arith.constant 4 : i32
      %shift_right_logical3A_488 = vector.broadcast %shift_right_logical3A_487 : i32 to vector<16xi32>
      %shift_right_logical3A_489 = arith.shrui %bitcast3A_455, %shift_right_logical3A_488 : vector<16xi32>
      %ge3A_490 = arith.cmpi sge, %shift_right_logical3A_489, %add3A_156 : vector<16xi32>
      %shift_right_logical3A_491 = arith.constant 4 : i32
      %shift_right_logical3A_492 = vector.broadcast %shift_right_logical3A_491 : i32 to vector<16xi32>
      %shift_right_logical3A_493 = arith.shrui %bitcast3A_456, %shift_right_logical3A_492 : vector<16xi32>
      %ge3A_494 = arith.cmpi sge, %shift_right_logical3A_493, %add3A_156 : vector<16xi32>
      %mul3A_495 = arith.mulf %get3A_375, %div3A : vector<16xf32>
      %jit3A = arith.constant 0.000000e+00 : f32
      %broadcast_in_dim3A_496 = vector.broadcast %jit3A : f32 to vector<16xf32>
      %select_n3A = arith.select %ge3A, %mul3A_495, %broadcast_in_dim3A_496 : vector<16xi1>, vector<16xf32>
      %mul3A_497 = arith.mulf %get3A_383, %div3A : vector<16xf32>
      %jit3A_498 = arith.constant 0.000000e+00 : f32
      %broadcast_in_dim3A_499 = vector.broadcast %jit3A_498 : f32 to vector<16xf32>
      %select_n3A_500 = arith.select %ge3A_462, %mul3A_497, %broadcast_in_dim3A_499 : vector<16xi1>, vector<16xf32>
      %mul3A_501 = arith.mulf %get3A_391, %div3A : vector<16xf32>
      %jit3A_502 = arith.constant 0.000000e+00 : f32
      %broadcast_in_dim3A_503 = vector.broadcast %jit3A_502 : f32 to vector<16xf32>
      %select_n3A_504 = arith.select %ge3A_466, %mul3A_501, %broadcast_in_dim3A_503 : vector<16xi1>, vector<16xf32>
      %mul3A_505 = arith.mulf %get3A_399, %div3A : vector<16xf32>
      %jit3A_506 = arith.constant 0.000000e+00 : f32
      %broadcast_in_dim3A_507 = vector.broadcast %jit3A_506 : f32 to vector<16xf32>
      %select_n3A_508 = arith.select %ge3A_470, %mul3A_505, %broadcast_in_dim3A_507 : vector<16xi1>, vector<16xf32>
      %mul3A_509 = arith.mulf %get3A_407, %div3A : vector<16xf32>
      %jit3A_510 = arith.constant 0.000000e+00 : f32
      %broadcast_in_dim3A_511 = vector.broadcast %jit3A_510 : f32 to vector<16xf32>
      %select_n3A_512 = arith.select %ge3A_474, %mul3A_509, %broadcast_in_dim3A_511 : vector<16xi1>, vector<16xf32>
      %mul3A_513 = arith.mulf %get3A_415, %div3A : vector<16xf32>
      %jit3A_514 = arith.constant 0.000000e+00 : f32
      %broadcast_in_dim3A_515 = vector.broadcast %jit3A_514 : f32 to vector<16xf32>
      %select_n3A_516 = arith.select %ge3A_478, %mul3A_513, %broadcast_in_dim3A_515 : vector<16xi1>, vector<16xf32>
      %mul3A_517 = arith.mulf %get3A_423, %div3A : vector<16xf32>
      %jit3A_518 = arith.constant 0.000000e+00 : f32
      %broadcast_in_dim3A_519 = vector.broadcast %jit3A_518 : f32 to vector<16xf32>
      %select_n3A_520 = arith.select %ge3A_482, %mul3A_517, %broadcast_in_dim3A_519 : vector<16xi1>, vector<16xf32>
      %mul3A_521 = arith.mulf %get3A_431, %div3A : vector<16xf32>
      %jit3A_522 = arith.constant 0.000000e+00 : f32
      %broadcast_in_dim3A_523 = vector.broadcast %jit3A_522 : f32 to vector<16xf32>
      %select_n3A_524 = arith.select %ge3A_486, %mul3A_521, %broadcast_in_dim3A_523 : vector<16xi1>, vector<16xf32>
      %mul3A_525 = arith.mulf %get3A_439, %div3A : vector<16xf32>
      %jit3A_526 = arith.constant 0.000000e+00 : f32
      %broadcast_in_dim3A_527 = vector.broadcast %jit3A_526 : f32 to vector<16xf32>
      %select_n3A_528 = arith.select %ge3A_490, %mul3A_525, %broadcast_in_dim3A_527 : vector<16xi1>, vector<16xf32>
      %mul3A_529 = arith.mulf %get3A_447, %div3A : vector<16xf32>
      %jit3A_530 = arith.constant 0.000000e+00 : f32
      %broadcast_in_dim3A_531 = vector.broadcast %jit3A_530 : f32 to vector<16xf32>
      %select_n3A_532 = arith.select %ge3A_494, %mul3A_529, %broadcast_in_dim3A_531 : vector<16xi1>, vector<16xf32>
      %mul3A_533 = arith.constant 10 : i32
      %mul3A_534 = arith.muli %scan3A_367, %mul3A_533 : i32
      %add3A_535 = arith.constant 0 : i32
      %add3A_536 = arith.addi %mul3A_534, %add3A_535 : i32
      %mul3A_537 = arith.constant 16 : i32
      %mul3A_538 = arith.muli %add3A_536, %mul3A_537 : i32
      %swap3A_539 = arith.index_cast %mul3A_538 : i32 to index
      %swap3A_540 = tpu.vector_load %arg4[%swap3A_539] {strides = array<i32>} : memref<100000xf32, #tpu.memory_space<vmem>>, vector<16xf32>,
      tpu.vector_store %arg4[%swap3A_539], %select_n3A {strides = array<i32>} : memref<100000xf32, #tpu.memory_space<vmem>>, vector<16xf32>,
      %mul3A_541 = arith.constant 10 : i32
      %mul3A_542 = arith.muli %scan3A_367, %mul3A_541 : i32
      %add3A_543 = arith.constant 1 : i32
      %add3A_544 = arith.addi %mul3A_542, %add3A_543 : i32
      %mul3A_545 = arith.constant 16 : i32
      %mul3A_546 = arith.muli %add3A_544, %mul3A_545 : i32
      %swap3A_547 = arith.index_cast %mul3A_546 : i32 to index
      %swap3A_548 = tpu.vector_load %arg4[%swap3A_547] {strides = array<i32>} : memref<100000xf32, #tpu.memory_space<vmem>>, vector<16xf32>,
      tpu.vector_store %arg4[%swap3A_547], %select_n3A_500 {strides = array<i32>} : memref<100000xf32, #tpu.memory_space<vmem>>, vector<16xf32>,
      %mul3A_549 = arith.constant 10 : i32
      %mul3A_550 = arith.muli %scan3A_367, %mul3A_549 : i32
      %add3A_551 = arith.constant 2 : i32
      %add3A_552 = arith.addi %mul3A_550, %add3A_551 : i32
      %mul3A_553 = arith.constant 16 : i32
      %mul3A_554 = arith.muli %add3A_552, %mul3A_553 : i32
      %swap3A_555 = arith.index_cast %mul3A_554 : i32 to index
      %swap3A_556 = tpu.vector_load %arg4[%swap3A_555] {strides = array<i32>} : memref<100000xf32, #tpu.memory_space<vmem>>, vector<16xf32>,
      tpu.vector_store %arg4[%swap3A_555], %select_n3A_504 {strides = array<i32>} : memref<100000xf32, #tpu.memory_space<vmem>>, vector<16xf32>,
      %mul3A_557 = arith.constant 10 : i32
      %mul3A_558 = arith.muli %scan3A_367, %mul3A_557 : i32
      %add3A_559 = arith.constant 3 : i32
      %add3A_560 = arith.addi %mul3A_558, %add3A_559 : i32
      %mul3A_561 = arith.constant 16 : i32
      %mul3A_562 = arith.muli %add3A_560, %mul3A_561 : i32
      %swap3A_563 = arith.index_cast %mul3A_562 : i32 to index
      %swap3A_564 = tpu.vector_load %arg4[%swap3A_563] {strides = array<i32>} : memref<100000xf32, #tpu.memory_space<vmem>>, vector<16xf32>,
      tpu.vector_store %arg4[%swap3A_563], %select_n3A_508 {strides = array<i32>} : memref<100000xf32, #tpu.memory_space<vmem>>, vector<16xf32>,
      %mul3A_565 = arith.constant 10 : i32
      %mul3A_566 = arith.muli %scan3A_367, %mul3A_565 : i32
      %add3A_567 = arith.constant 4 : i32
      %add3A_568 = arith.addi %mul3A_566, %add3A_567 : i32
      %mul3A_569 = arith.constant 16 : i32
      %mul3A_570 = arith.muli %add3A_568, %mul3A_569 : i32
      %swap3A_571 = arith.index_cast %mul3A_570 : i32 to index
      %swap3A_572 = tpu.vector_load %arg4[%swap3A_571] {strides = array<i32>} : memref<100000xf32, #tpu.memory_space<vmem>>, vector<16xf32>,
      tpu.vector_store %arg4[%swap3A_571], %select_n3A_512 {strides = array<i32>} : memref<100000xf32, #tpu.memory_space<vmem>>, vector<16xf32>,
      %mul3A_573 = arith.constant 10 : i32
      %mul3A_574 = arith.muli %scan3A_367, %mul3A_573 : i32
      %add3A_575 = arith.constant 5 : i32
      %add3A_576 = arith.addi %mul3A_574, %add3A_575 : i32
      %mul3A_577 = arith.constant 16 : i32
      %mul3A_578 = arith.muli %add3A_576, %mul3A_577 : i32
      %swap3A_579 = arith.index_cast %mul3A_578 : i32 to index
      %swap3A_580 = tpu.vector_load %arg4[%swap3A_579] {strides = array<i32>} : memref<100000xf32, #tpu.memory_space<vmem>>, vector<16xf32>,
      tpu.vector_store %arg4[%swap3A_579], %select_n3A_516 {strides = array<i32>} : memref<100000xf32, #tpu.memory_space<vmem>>, vector<16xf32>,
      %mul3A_581 = arith.constant 10 : i32
      %mul3A_582 = arith.muli %scan3A_367, %mul3A_581 : i32
      %add3A_583 = arith.constant 6 : i32
      %add3A_584 = arith.addi %mul3A_582, %add3A_583 : i32
      %mul3A_585 = arith.constant 16 : i32
      %mul3A_586 = arith.muli %add3A_584, %mul3A_585 : i32
      %swap3A_587 = arith.index_cast %mul3A_586 : i32 to index
      %swap3A_588 = tpu.vector_load %arg4[%swap3A_587] {strides = array<i32>} : memref<100000xf32, #tpu.memory_space<vmem>>, vector<16xf32>,
      tpu.vector_store %arg4[%swap3A_587], %select_n3A_520 {strides = array<i32>} : memref<100000xf32, #tpu.memory_space<vmem>>, vector<16xf32>,
      %mul3A_589 = arith.constant 10 : i32
      %mul3A_590 = arith.muli %scan3A_367, %mul3A_589 : i32
      %add3A_591 = arith.constant 7 : i32
      %add3A_592 = arith.addi %mul3A_590, %add3A_591 : i32
      %mul3A_593 = arith.constant 16 : i32
      %mul3A_594 = arith.muli %add3A_592, %mul3A_593 : i32
      %swap3A_595 = arith.index_cast %mul3A_594 : i32 to index
      %swap3A_596 = tpu.vector_load %arg4[%swap3A_595] {strides = array<i32>} : memref<100000xf32, #tpu.memory_space<vmem>>, vector<16xf32>,
      tpu.vector_store %arg4[%swap3A_595], %select_n3A_524 {strides = array<i32>} : memref<100000xf32, #tpu.memory_space<vmem>>, vector<16xf32>,
      %mul3A_597 = arith.constant 10 : i32
      %mul3A_598 = arith.muli %scan3A_367, %mul3A_597 : i32
      %add3A_599 = arith.constant 8 : i32
      %add3A_600 = arith.addi %mul3A_598, %add3A_599 : i32
      %mul3A_601 = arith.constant 16 : i32
      %mul3A_602 = arith.muli %add3A_600, %mul3A_601 : i32
      %swap3A_603 = arith.index_cast %mul3A_602 : i32 to index
      %swap3A_604 = tpu.vector_load %arg4[%swap3A_603] {strides = array<i32>} : memref<100000xf32, #tpu.memory_space<vmem>>, vector<16xf32>,
      tpu.vector_store %arg4[%swap3A_603], %select_n3A_528 {strides = array<i32>} : memref<100000xf32, #tpu.memory_space<vmem>>, vector<16xf32>,
      %mul3A_605 = arith.constant 10 : i32
      %mul3A_606 = arith.muli %scan3A_367, %mul3A_605 : i32
      %add3A_607 = arith.constant 9 : i32
      %add3A_608 = arith.addi %mul3A_606, %add3A_607 : i32
      %mul3A_609 = arith.constant 16 : i32
      %mul3A_610 = arith.muli %add3A_608, %mul3A_609 : i32
      %swap3A_611 = arith.index_cast %mul3A_610 : i32 to index
      %swap3A_612 = tpu.vector_load %arg4[%swap3A_611] {strides = array<i32>} : memref<100000xf32, #tpu.memory_space<vmem>>, vector<16xf32>,
      tpu.vector_store %arg4[%swap3A_611], %select_n3A_532 {strides = array<i32>} : memref<100000xf32, #tpu.memory_space<vmem>>, vector<16xf32>,
      %scan3A_613 = arith.constant 0 : i32
      scf.yield %scan3A_613 : i32
    }
    %scan3A_163 = arith.constant 625 : i32
    %dma_start3A_164 = arith.constant 0 : i32
    %dma_start3A_165 = arith.constant 0 : i32
    %dma_start3A_166 = tpu.memref_slice %arg3[%add3A_8, %dma_start3A_165] : memref<64x100000xf32, #tpu.memory_space<hbm>> -> memref<1x100000xf32, #tpu.memory_space<hbm>>
    %dma_start3A_167 = tpu.memref_squeeze %dma_start3A_166 : memref<1x100000xf32, #tpu.memory_space<hbm>> -> memref<100000xf32, #tpu.memory_space<hbm>>
    %dma_start3A_168 = tpu.memref_slice %arg8[%dma_start3A_164] : memref<5x!tpu.dma_semaphore, #tpu.memory_space<semaphore_mem>> -> memref<1x!tpu.dma_semaphore, #tpu.memory_space<semaphore_mem>>
    %dma_start3A_169 = tpu.memref_squeeze %dma_start3A_168 : memref<1x!tpu.dma_semaphore, #tpu.memory_space<semaphore_mem>> -> memref<!tpu.dma_semaphore, #tpu.memory_space<semaphore_mem>>
    %dma_start3A_170 = arith.constant 0 : i32
    %dma_start3A_171 = tpu.memref_slice %arg3[%add3A_8, %dma_start3A_170] : memref<64x100000xf32, #tpu.memory_space<hbm>> -> memref<1x100000xf32, #tpu.memory_space<hbm>>
    %dma_start3A_172 = tpu.memref_squeeze %dma_start3A_171 : memref<1x100000xf32, #tpu.memory_space<hbm>> -> memref<100000xf32, #tpu.memory_space<hbm>>
    tpu.enqueue_dma source(%arg4 : memref<100000xf32, #tpu.memory_space<vmem>>) target(%dma_start3A_172 : memref<100000xf32, #tpu.memory_space<hbm>>) target_semaphore(%dma_start3A_169 : memref<!tpu.dma_semaphore, #tpu.memory_space<semaphore_mem>>)
    %dma_wait3A_173 = arith.constant 0 : i32
    %dma_wait3A_174 = arith.constant 0 : i32
    %dma_wait3A_175 = tpu.memref_slice %arg3[%add3A_8, %dma_wait3A_174] : memref<64x100000xf32, #tpu.memory_space<hbm>> -> memref<1x100000xf32, #tpu.memory_space<hbm>>
    %dma_wait3A_176 = tpu.memref_squeeze %dma_wait3A_175 : memref<1x100000xf32, #tpu.memory_space<hbm>> -> memref<100000xf32, #tpu.memory_space<hbm>>
    %dma_wait3A_177 = tpu.memref_slice %arg8[%dma_wait3A_173] : memref<5x!tpu.dma_semaphore, #tpu.memory_space<semaphore_mem>> -> memref<1x!tpu.dma_semaphore, #tpu.memory_space<semaphore_mem>>
    %dma_wait3A_178 = tpu.memref_squeeze %dma_wait3A_177 : memref<1x!tpu.dma_semaphore, #tpu.memory_space<semaphore_mem>> -> memref<!tpu.dma_semaphore, #tpu.memory_space<semaphore_mem>>
    %dma_wait3A_179 = arith.constant 0 : i32
    %dma_wait3A_180 = tpu.memref_slice %arg3[%add3A_8, %dma_wait3A_179] : memref<64x100000xf32, #tpu.memory_space<hbm>> -> memref<1x100000xf32, #tpu.memory_space<hbm>>
    %dma_wait3A_181 = tpu.memref_squeeze %dma_wait3A_180 : memref<1x100000xf32, #tpu.memory_space<hbm>> -> memref<100000xf32, #tpu.memory_space<hbm>>
    tpu.wait_dma2 semaphore(%dma_wait3A_178 : memref<!tpu.dma_semaphore, #tpu.memory_space<semaphore_mem>>) src(%arg4 : memref<100000xf32, #tpu.memory_space<vmem>>) dst(%dma_wait3A_181 : memref<100000xf32, #tpu.memory_space<hbm>>)
    %mul3A_182 = arith.constant 2 : i32
    %mul3A_183 = arith.muli %add3A, %mul3A_182 : i32
    %add3A_184 = arith.constant 1 : i32
    %add3A_185 = arith.addi %mul3A_183, %add3A_184 : i32
    %dma_start3A_186 = arith.constant 0 : i32
    %dma_start3A_187 = arith.constant 0 : i32
    %dma_start3A_188 = tpu.memref_slice %arg2[%add3A_185, %dma_start3A_187] : memref<64x100000xf32, #tpu.memory_space<hbm>> -> memref<1x100000xf32, #tpu.memory_space<hbm>>
    %dma_start3A_189 = tpu.memref_squeeze %dma_start3A_188 : memref<1x100000xf32, #tpu.memory_space<hbm>> -> memref<100000xf32, #tpu.memory_space<hbm>>
    %dma_start3A_190 = tpu.memref_slice %arg7[%dma_start3A_186] : memref<5x!tpu.dma_semaphore, #tpu.memory_space<semaphore_mem>> -> memref<1x!tpu.dma_semaphore, #tpu.memory_space<semaphore_mem>>
    %dma_start3A_191 = tpu.memref_squeeze %dma_start3A_190 : memref<1x!tpu.dma_semaphore, #tpu.memory_space<semaphore_mem>> -> memref<!tpu.dma_semaphore, #tpu.memory_space<semaphore_mem>>
    %dma_start3A_192 = arith.constant 0 : i32
    %dma_start3A_193 = tpu.memref_slice %arg2[%add3A_185, %dma_start3A_192] : memref<64x100000xf32, #tpu.memory_space<hbm>> -> memref<1x100000xf32, #tpu.memory_space<hbm>>
    %dma_start3A_194 = tpu.memref_squeeze %dma_start3A_193 : memref<1x100000xf32, #tpu.memory_space<hbm>> -> memref<100000xf32, #tpu.memory_space<hbm>>
    tpu.enqueue_dma source(%dma_start3A_194 : memref<100000xf32, #tpu.memory_space<hbm>>) target(%arg4 : memref<100000xf32, #tpu.memory_space<vmem>>) target_semaphore(%dma_start3A_191 : memref<!tpu.dma_semaphore, #tpu.memory_space<semaphore_mem>>)
    %dma_wait3A_195 = arith.constant 0 : i32
    %dma_wait3A_196 = arith.constant 0 : i32
    %dma_wait3A_197 = tpu.memref_slice %arg2[%add3A_185, %dma_wait3A_196] : memref<64x100000xf32, #tpu.memory_space<hbm>> -> memref<1x100000xf32, #tpu.memory_space<hbm>>
    %dma_wait3A_198 = tpu.memref_squeeze %dma_wait3A_197 : memref<1x100000xf32, #tpu.memory_space<hbm>> -> memref<100000xf32, #tpu.memory_space<hbm>>
    %dma_wait3A_199 = tpu.memref_slice %arg7[%dma_wait3A_195] : memref<5x!tpu.dma_semaphore, #tpu.memory_space<semaphore_mem>> -> memref<1x!tpu.dma_semaphore, #tpu.memory_space<semaphore_mem>>
    %dma_wait3A_200 = tpu.memref_squeeze %dma_wait3A_199 : memref<1x!tpu.dma_semaphore, #tpu.memory_space<semaphore_mem>> -> memref<!tpu.dma_semaphore, #tpu.memory_space<semaphore_mem>>
    %dma_wait3A_201 = arith.constant 0 : i32
    %dma_wait3A_202 = tpu.memref_slice %arg2[%add3A_185, %dma_wait3A_201] : memref<64x100000xf32, #tpu.memory_space<hbm>> -> memref<1x100000xf32, #tpu.memory_space<hbm>>
    %dma_wait3A_203 = tpu.memref_squeeze %dma_wait3A_202 : memref<1x100000xf32, #tpu.memory_space<hbm>> -> memref<100000xf32, #tpu.memory_space<hbm>>
    tpu.wait_dma2 semaphore(%dma_wait3A_200 : memref<!tpu.dma_semaphore, #tpu.memory_space<semaphore_mem>>) src(%dma_wait3A_203 : memref<100000xf32, #tpu.memory_space<hbm>>) dst(%arg4 : memref<100000xf32, #tpu.memory_space<vmem>>)
    %scan3A_204 = arith.constant 0 : i32
    %scan3A_205 = arith.constant 0 : i32
    %scan3A_206 = arith.constant 64 : i32
    %scan3A_207 = arith.addi %scan3A_205, %scan3A_206 : i32
    %scan3A_208 = arith.constant 1 : i32
    %scan3A_209 = scf.for %scan3A_367 = %scan3A_205 to %scan3A_207 step %scan3A_208 iter_args(%scan3A_368 = %scan3A_204) -> (i32)  : i32 {
      %mul3A_369 = arith.constant 8 : i32
      %mul3A_370 = arith.muli %scan3A_367, %mul3A_369 : i32
      %add3A_371 = arith.constant 0 : i32
      %add3A_372 = arith.addi %mul3A_370, %add3A_371 : i32
      %mul3A_373 = arith.constant 16 : i32
      %mul3A_374 = arith.muli %add3A_372, %mul3A_373 : i32
      %swap3A_375 = arith.index_cast %mul3A_374 : i32 to index
      %swap3A_376 = tpu.vector_load %arg5[%swap3A_375] {strides = array<i32>} : memref<8192xf32, #tpu.memory_space<vmem>>, vector<16xf32>,
      tpu.vector_store %arg5[%swap3A_375], %broadcast_in_dim3A_4 {strides = array<i32>} : memref<8192xf32, #tpu.memory_space<vmem>>, vector<16xf32>,
      %mul3A_377 = arith.constant 8 : i32
      %mul3A_378 = arith.muli %scan3A_367, %mul3A_377 : i32
      %add3A_379 = arith.constant 1 : i32
      %add3A_380 = arith.addi %mul3A_378, %add3A_379 : i32
      %mul3A_381 = arith.constant 16 : i32
      %mul3A_382 = arith.muli %add3A_380, %mul3A_381 : i32
      %swap3A_383 = arith.index_cast %mul3A_382 : i32 to index
      %swap3A_384 = tpu.vector_load %arg5[%swap3A_383] {strides = array<i32>} : memref<8192xf32, #tpu.memory_space<vmem>>, vector<16xf32>,
      tpu.vector_store %arg5[%swap3A_383], %broadcast_in_dim3A_4 {strides = array<i32>} : memref<8192xf32, #tpu.memory_space<vmem>>, vector<16xf32>,
      %mul3A_385 = arith.constant 8 : i32
      %mul3A_386 = arith.muli %scan3A_367, %mul3A_385 : i32
      %add3A_387 = arith.constant 2 : i32
      %add3A_388 = arith.addi %mul3A_386, %add3A_387 : i32
      %mul3A_389 = arith.constant 16 : i32
      %mul3A_390 = arith.muli %add3A_388, %mul3A_389 : i32
      %swap3A_391 = arith.index_cast %mul3A_390 : i32 to index
      %swap3A_392 = tpu.vector_load %arg5[%swap3A_391] {strides = array<i32>} : memref<8192xf32, #tpu.memory_space<vmem>>, vector<16xf32>,
      tpu.vector_store %arg5[%swap3A_391], %broadcast_in_dim3A_4 {strides = array<i32>} : memref<8192xf32, #tpu.memory_space<vmem>>, vector<16xf32>,
      %mul3A_393 = arith.constant 8 : i32
      %mul3A_394 = arith.muli %scan3A_367, %mul3A_393 : i32
      %add3A_395 = arith.constant 3 : i32
      %add3A_396 = arith.addi %mul3A_394, %add3A_395 : i32
      %mul3A_397 = arith.constant 16 : i32
      %mul3A_398 = arith.muli %add3A_396, %mul3A_397 : i32
      %swap3A_399 = arith.index_cast %mul3A_398 : i32 to index
      %swap3A_400 = tpu.vector_load %arg5[%swap3A_399] {strides = array<i32>} : memref<8192xf32, #tpu.memory_space<vmem>>, vector<16xf32>,
      tpu.vector_store %arg5[%swap3A_399], %broadcast_in_dim3A_4 {strides = array<i32>} : memref<8192xf32, #tpu.memory_space<vmem>>, vector<16xf32>,
      %mul3A_401 = arith.constant 8 : i32
      %mul3A_402 = arith.muli %scan3A_367, %mul3A_401 : i32
      %add3A_403 = arith.constant 4 : i32
      %add3A_404 = arith.addi %mul3A_402, %add3A_403 : i32
      %mul3A_405 = arith.constant 16 : i32
      %mul3A_406 = arith.muli %add3A_404, %mul3A_405 : i32
      %swap3A_407 = arith.index_cast %mul3A_406 : i32 to index
      %swap3A_408 = tpu.vector_load %arg5[%swap3A_407] {strides = array<i32>} : memref<8192xf32, #tpu.memory_space<vmem>>, vector<16xf32>,
      tpu.vector_store %arg5[%swap3A_407], %broadcast_in_dim3A_4 {strides = array<i32>} : memref<8192xf32, #tpu.memory_space<vmem>>, vector<16xf32>,
      %mul3A_409 = arith.constant 8 : i32
      %mul3A_410 = arith.muli %scan3A_367, %mul3A_409 : i32
      %add3A_411 = arith.constant 5 : i32
      %add3A_412 = arith.addi %mul3A_410, %add3A_411 : i32
      %mul3A_413 = arith.constant 16 : i32
      %mul3A_414 = arith.muli %add3A_412, %mul3A_413 : i32
      %swap3A_415 = arith.index_cast %mul3A_414 : i32 to index
      %swap3A_416 = tpu.vector_load %arg5[%swap3A_415] {strides = array<i32>} : memref<8192xf32, #tpu.memory_space<vmem>>, vector<16xf32>,
      tpu.vector_store %arg5[%swap3A_415], %broadcast_in_dim3A_4 {strides = array<i32>} : memref<8192xf32, #tpu.memory_space<vmem>>, vector<16xf32>,
      %mul3A_417 = arith.constant 8 : i32
      %mul3A_418 = arith.muli %scan3A_367, %mul3A_417 : i32
      %add3A_419 = arith.constant 6 : i32
      %add3A_420 = arith.addi %mul3A_418, %add3A_419 : i32
      %mul3A_421 = arith.constant 16 : i32
      %mul3A_422 = arith.muli %add3A_420, %mul3A_421 : i32
      %swap3A_423 = arith.index_cast %mul3A_422 : i32 to index
      %swap3A_424 = tpu.vector_load %arg5[%swap3A_423] {strides = array<i32>} : memref<8192xf32, #tpu.memory_space<vmem>>, vector<16xf32>,
      tpu.vector_store %arg5[%swap3A_423], %broadcast_in_dim3A_4 {strides = array<i32>} : memref<8192xf32, #tpu.memory_space<vmem>>, vector<16xf32>,
      %mul3A_425 = arith.constant 8 : i32
      %mul3A_426 = arith.muli %scan3A_367, %mul3A_425 : i32
      %add3A_427 = arith.constant 7 : i32
      %add3A_428 = arith.addi %mul3A_426, %add3A_427 : i32
      %mul3A_429 = arith.constant 16 : i32
      %mul3A_430 = arith.muli %add3A_428, %mul3A_429 : i32
      %swap3A_431 = arith.index_cast %mul3A_430 : i32 to index
      %swap3A_432 = tpu.vector_load %arg5[%swap3A_431] {strides = array<i32>} : memref<8192xf32, #tpu.memory_space<vmem>>, vector<16xf32>,
      tpu.vector_store %arg5[%swap3A_431], %broadcast_in_dim3A_4 {strides = array<i32>} : memref<8192xf32, #tpu.memory_space<vmem>>, vector<16xf32>,
      %scan3A_433 = arith.constant 0 : i32
      scf.yield %scan3A_433 : i32
    }
    %scan3A_210 = arith.constant 64 : i32
    %scan3A_211 = arith.constant 0 : i32
    %scan3A_212 = arith.constant 0 : i32
    %scan3A_213 = arith.constant 625 : i32
    %scan3A_214 = arith.addi %scan3A_212, %scan3A_213 : i32
    %scan3A_215 = arith.constant 1 : i32
    %scan3A_216 = scf.for %scan3A_367 = %scan3A_212 to %scan3A_214 step %scan3A_215 iter_args(%scan3A_368 = %scan3A_211) -> (i32)  : i32 {
      %mul3A_369 = arith.constant 10 : i32
      %mul3A_370 = arith.muli %scan3A_367, %mul3A_369 : i32
      %add3A_371 = arith.constant 0 : i32
      %add3A_372 = arith.addi %mul3A_370, %add3A_371 : i32
      %mul3A_373 = arith.constant 16 : i32
      %mul3A_374 = arith.muli %add3A_372, %mul3A_373 : i32
      %get3A = arith.index_cast %mul3A_374 : i32 to index
      %get3A_375 = tpu.vector_load %arg4[%get3A] {strides = array<i32>} : memref<100000xf32, #tpu.memory_space<vmem>>, vector<16xf32>,
      %mul3A_376 = arith.constant 10 : i32
      %mul3A_377 = arith.muli %scan3A_367, %mul3A_376 : i32
      %add3A_378 = arith.constant 1 : i32
      %add3A_379 = arith.addi %mul3A_377, %add3A_378 : i32
      %mul3A_380 = arith.constant 16 : i32
      %mul3A_381 = arith.muli %add3A_379, %mul3A_380 : i32
      %get3A_382 = arith.index_cast %mul3A_381 : i32 to index
      %get3A_383 = tpu.vector_load %arg4[%get3A_382] {strides = array<i32>} : memref<100000xf32, #tpu.memory_space<vmem>>, vector<16xf32>,
      %mul3A_384 = arith.constant 10 : i32
      %mul3A_385 = arith.muli %scan3A_367, %mul3A_384 : i32
      %add3A_386 = arith.constant 2 : i32
      %add3A_387 = arith.addi %mul3A_385, %add3A_386 : i32
      %mul3A_388 = arith.constant 16 : i32
      %mul3A_389 = arith.muli %add3A_387, %mul3A_388 : i32
      %get3A_390 = arith.index_cast %mul3A_389 : i32 to index
      %get3A_391 = tpu.vector_load %arg4[%get3A_390] {strides = array<i32>} : memref<100000xf32, #tpu.memory_space<vmem>>, vector<16xf32>,
      %mul3A_392 = arith.constant 10 : i32
      %mul3A_393 = arith.muli %scan3A_367, %mul3A_392 : i32
      %add3A_394 = arith.constant 3 : i32
      %add3A_395 = arith.addi %mul3A_393, %add3A_394 : i32
      %mul3A_396 = arith.constant 16 : i32
      %mul3A_397 = arith.muli %add3A_395, %mul3A_396 : i32
      %get3A_398 = arith.index_cast %mul3A_397 : i32 to index
      %get3A_399 = tpu.vector_load %arg4[%get3A_398] {strides = array<i32>} : memref<100000xf32, #tpu.memory_space<vmem>>, vector<16xf32>,
      %mul3A_400 = arith.constant 10 : i32
      %mul3A_401 = arith.muli %scan3A_367, %mul3A_400 : i32
      %add3A_402 = arith.constant 4 : i32
      %add3A_403 = arith.addi %mul3A_401, %add3A_402 : i32
      %mul3A_404 = arith.constant 16 : i32
      %mul3A_405 = arith.muli %add3A_403, %mul3A_404 : i32
      %get3A_406 = arith.index_cast %mul3A_405 : i32 to index
      %get3A_407 = tpu.vector_load %arg4[%get3A_406] {strides = array<i32>} : memref<100000xf32, #tpu.memory_space<vmem>>, vector<16xf32>,
      %mul3A_408 = arith.constant 10 : i32
      %mul3A_409 = arith.muli %scan3A_367, %mul3A_408 : i32
      %add3A_410 = arith.constant 5 : i32
      %add3A_411 = arith.addi %mul3A_409, %add3A_410 : i32
      %mul3A_412 = arith.constant 16 : i32
      %mul3A_413 = arith.muli %add3A_411, %mul3A_412 : i32
      %get3A_414 = arith.index_cast %mul3A_413 : i32 to index
      %get3A_415 = tpu.vector_load %arg4[%get3A_414] {strides = array<i32>} : memref<100000xf32, #tpu.memory_space<vmem>>, vector<16xf32>,
      %mul3A_416 = arith.constant 10 : i32
      %mul3A_417 = arith.muli %scan3A_367, %mul3A_416 : i32
      %add3A_418 = arith.constant 6 : i32
      %add3A_419 = arith.addi %mul3A_417, %add3A_418 : i32
      %mul3A_420 = arith.constant 16 : i32
      %mul3A_421 = arith.muli %add3A_419, %mul3A_420 : i32
      %get3A_422 = arith.index_cast %mul3A_421 : i32 to index
      %get3A_423 = tpu.vector_load %arg4[%get3A_422] {strides = array<i32>} : memref<100000xf32, #tpu.memory_space<vmem>>, vector<16xf32>,
      %mul3A_424 = arith.constant 10 : i32
      %mul3A_425 = arith.muli %scan3A_367, %mul3A_424 : i32
      %add3A_426 = arith.constant 7 : i32
      %add3A_427 = arith.addi %mul3A_425, %add3A_426 : i32
      %mul3A_428 = arith.constant 16 : i32
      %mul3A_429 = arith.muli %add3A_427, %mul3A_428 : i32
      %get3A_430 = arith.index_cast %mul3A_429 : i32 to index
      %get3A_431 = tpu.vector_load %arg4[%get3A_430] {strides = array<i32>} : memref<100000xf32, #tpu.memory_space<vmem>>, vector<16xf32>,
      %mul3A_432 = arith.constant 10 : i32
      %mul3A_433 = arith.muli %scan3A_367, %mul3A_432 : i32
      %add3A_434 = arith.constant 8 : i32
      %add3A_435 = arith.addi %mul3A_433, %add3A_434 : i32
      %mul3A_436 = arith.constant 16 : i32
      %mul3A_437 = arith.muli %add3A_435, %mul3A_436 : i32
      %get3A_438 = arith.index_cast %mul3A_437 : i32 to index
      %get3A_439 = tpu.vector_load %arg4[%get3A_438] {strides = array<i32>} : memref<100000xf32, #tpu.memory_space<vmem>>, vector<16xf32>,
      %mul3A_440 = arith.constant 10 : i32
      %mul3A_441 = arith.muli %scan3A_367, %mul3A_440 : i32
      %add3A_442 = arith.constant 9 : i32
      %add3A_443 = arith.addi %mul3A_441, %add3A_442 : i32
      %mul3A_444 = arith.constant 16 : i32
      %mul3A_445 = arith.muli %add3A_443, %mul3A_444 : i32
      %get3A_446 = arith.index_cast %mul3A_445 : i32 to index
      %get3A_447 = tpu.vector_load %arg4[%get3A_446] {strides = array<i32>} : memref<100000xf32, #tpu.memory_space<vmem>>, vector<16xf32>,
      %mul3A_448 = arith.constant 1.44269502 : f32
      %mul3A_449 = vector.broadcast %mul3A_448 : f32 to vector<16xf32>
      %mul3A_450 = arith.mulf %get3A_375, %mul3A_449 : vector<16xf32>
      %mul3A_451 = arith.constant 1.44269502 : f32
      %mul3A_452 = vector.broadcast %mul3A_451 : f32 to vector<16xf32>
      %mul3A_453 = arith.mulf %get3A_383, %mul3A_452 : vector<16xf32>
      %mul3A_454 = arith.constant 1.44269502 : f32
      %mul3A_455 = vector.broadcast %mul3A_454 : f32 to vector<16xf32>
      %mul3A_456 = arith.mulf %get3A_391, %mul3A_455 : vector<16xf32>
      %mul3A_457 = arith.constant 1.44269502 : f32
      %mul3A_458 = vector.broadcast %mul3A_457 : f32 to vector<16xf32>
      %mul3A_459 = arith.mulf %get3A_399, %mul3A_458 : vector<16xf32>
      %mul3A_460 = arith.constant 1.44269502 : f32
      %mul3A_461 = vector.broadcast %mul3A_460 : f32 to vector<16xf32>
      %mul3A_462 = arith.mulf %get3A_407, %mul3A_461 : vector<16xf32>
      %mul3A_463 = arith.constant 1.44269502 : f32
      %mul3A_464 = vector.broadcast %mul3A_463 : f32 to vector<16xf32>
      %mul3A_465 = arith.mulf %get3A_415, %mul3A_464 : vector<16xf32>
      %mul3A_466 = arith.constant 1.44269502 : f32
      %mul3A_467 = vector.broadcast %mul3A_466 : f32 to vector<16xf32>
      %mul3A_468 = arith.mulf %get3A_423, %mul3A_467 : vector<16xf32>
      %mul3A_469 = arith.constant 1.44269502 : f32
      %mul3A_470 = vector.broadcast %mul3A_469 : f32 to vector<16xf32>
      %mul3A_471 = arith.mulf %get3A_431, %mul3A_470 : vector<16xf32>
      %mul3A_472 = arith.constant 1.44269502 : f32
      %mul3A_473 = vector.broadcast %mul3A_472 : f32 to vector<16xf32>
      %mul3A_474 = arith.mulf %get3A_439, %mul3A_473 : vector<16xf32>
      %mul3A_475 = arith.constant 1.44269502 : f32
      %mul3A_476 = vector.broadcast %mul3A_475 : f32 to vector<16xf32>
      %mul3A_477 = arith.mulf %get3A_447, %mul3A_476 : vector<16xf32>
      %add3A_478 = arith.constant 0x4B400000 : f32
      %add3A_479 = vector.broadcast %add3A_478 : f32 to vector<16xf32>
      %add3A_480 = arith.addf %mul3A_450, %add3A_479 : vector<16xf32>
      %add3A_481 = arith.constant 0x4B400000 : f32
      %add3A_482 = vector.broadcast %add3A_481 : f32 to vector<16xf32>
      %add3A_483 = arith.addf %mul3A_453, %add3A_482 : vector<16xf32>
      %add3A_484 = arith.constant 0x4B400000 : f32
      %add3A_485 = vector.broadcast %add3A_484 : f32 to vector<16xf32>
      %add3A_486 = arith.addf %mul3A_456, %add3A_485 : vector<16xf32>
      %add3A_487 = arith.constant 0x4B400000 : f32
      %add3A_488 = vector.broadcast %add3A_487 : f32 to vector<16xf32>
      %add3A_489 = arith.addf %mul3A_459, %add3A_488 : vector<16xf32>
      %add3A_490 = arith.constant 0x4B400000 : f32
      %add3A_491 = vector.broadcast %add3A_490 : f32 to vector<16xf32>
      %add3A_492 = arith.addf %mul3A_462, %add3A_491 : vector<16xf32>
      %add3A_493 = arith.constant 0x4B400000 : f32
      %add3A_494 = vector.broadcast %add3A_493 : f32 to vector<16xf32>
      %add3A_495 = arith.addf %mul3A_465, %add3A_494 : vector<16xf32>
      %add3A_496 = arith.constant 0x4B400000 : f32
      %add3A_497 = vector.broadcast %add3A_496 : f32 to vector<16xf32>
      %add3A_498 = arith.addf %mul3A_468, %add3A_497 : vector<16xf32>
      %add3A_499 = arith.constant 0x4B400000 : f32
      %add3A_500 = vector.broadcast %add3A_499 : f32 to vector<16xf32>
      %add3A_501 = arith.addf %mul3A_471, %add3A_500 : vector<16xf32>
      %add3A_502 = arith.constant 0x4B400000 : f32
      %add3A_503 = vector.broadcast %add3A_502 : f32 to vector<16xf32>
      %add3A_504 = arith.addf %mul3A_474, %add3A_503 : vector<16xf32>
      %add3A_505 = arith.constant 0x4B400000 : f32
      %add3A_506 = vector.broadcast %add3A_505 : f32 to vector<16xf32>
      %add3A_507 = arith.addf %mul3A_477, %add3A_506 : vector<16xf32>
      %sub3A_508 = arith.constant 0x4B400000 : f32
      %sub3A_509 = vector.broadcast %sub3A_508 : f32 to vector<16xf32>
      %sub3A_510 = arith.subf %add3A_480, %sub3A_509 : vector<16xf32>
      %sub3A_511 = arith.constant 0x4B400000 : f32
      %sub3A_512 = vector.broadcast %sub3A_511 : f32 to vector<16xf32>
      %sub3A_513 = arith.subf %add3A_483, %sub3A_512 : vector<16xf32>
      %sub3A_514 = arith.constant 0x4B400000 : f32
      %sub3A_515 = vector.broadcast %sub3A_514 : f32 to vector<16xf32>
      %sub3A_516 = arith.subf %add3A_486, %sub3A_515 : vector<16xf32>
      %sub3A_517 = arith.constant 0x4B400000 : f32
      %sub3A_518 = vector.broadcast %sub3A_517 : f32 to vector<16xf32>
      %sub3A_519 = arith.subf %add3A_489, %sub3A_518 : vector<16xf32>
      %sub3A_520 = arith.constant 0x4B400000 : f32
      %sub3A_521 = vector.broadcast %sub3A_520 : f32 to vector<16xf32>
      %sub3A_522 = arith.subf %add3A_492, %sub3A_521 : vector<16xf32>
      %sub3A_523 = arith.constant 0x4B400000 : f32
      %sub3A_524 = vector.broadcast %sub3A_523 : f32 to vector<16xf32>
      %sub3A_525 = arith.subf %add3A_495, %sub3A_524 : vector<16xf32>
      %sub3A_526 = arith.constant 0x4B400000 : f32
      %sub3A_527 = vector.broadcast %sub3A_526 : f32 to vector<16xf32>
      %sub3A_528 = arith.subf %add3A_498, %sub3A_527 : vector<16xf32>
      %sub3A_529 = arith.constant 0x4B400000 : f32
      %sub3A_530 = vector.broadcast %sub3A_529 : f32 to vector<16xf32>
      %sub3A_531 = arith.subf %add3A_501, %sub3A_530 : vector<16xf32>
      %sub3A_532 = arith.constant 0x4B400000 : f32
      %sub3A_533 = vector.broadcast %sub3A_532 : f32 to vector<16xf32>
      %sub3A_534 = arith.subf %add3A_504, %sub3A_533 : vector<16xf32>
      %sub3A_535 = arith.constant 0x4B400000 : f32
      %sub3A_536 = vector.broadcast %sub3A_535 : f32 to vector<16xf32>
      %sub3A_537 = arith.subf %add3A_507, %sub3A_536 : vector<16xf32>
      %sub3A_538 = arith.subf %mul3A_450, %sub3A_510 : vector<16xf32>
      %sub3A_539 = arith.subf %mul3A_453, %sub3A_513 : vector<16xf32>
      %sub3A_540 = arith.subf %mul3A_456, %sub3A_516 : vector<16xf32>
      %sub3A_541 = arith.subf %mul3A_459, %sub3A_519 : vector<16xf32>
      %sub3A_542 = arith.subf %mul3A_462, %sub3A_522 : vector<16xf32>
      %sub3A_543 = arith.subf %mul3A_465, %sub3A_525 : vector<16xf32>
      %sub3A_544 = arith.subf %mul3A_468, %sub3A_528 : vector<16xf32>
      %sub3A_545 = arith.subf %mul3A_471, %sub3A_531 : vector<16xf32>
      %sub3A_546 = arith.subf %mul3A_474, %sub3A_534 : vector<16xf32>
      %sub3A_547 = arith.subf %mul3A_477, %sub3A_537 : vector<16xf32>
      %mul3A_548 = arith.constant 0.0095541114 : f32
      %mul3A_549 = vector.broadcast %mul3A_548 : f32 to vector<16xf32>
      %mul3A_550 = arith.mulf %mul3A_549, %sub3A_538 : vector<16xf32>
      %add3A_551 = arith.constant 0.0558703728 : f32
      %add3A_552 = vector.broadcast %add3A_551 : f32 to vector<16xf32>
      %add3A_553 = arith.addf %mul3A_550, %add3A_552 : vector<16xf32>
      %mul3A_554 = arith.constant 0.0095541114 : f32
      %mul3A_555 = vector.broadcast %mul3A_554 : f32 to vector<16xf32>
      %mul3A_556 = arith.mulf %mul3A_555, %sub3A_539 : vector<16xf32>
      %add3A_557 = arith.constant 0.0558703728 : f32
      %add3A_558 = vector.broadcast %add3A_557 : f32 to vector<16xf32>
      %add3A_559 = arith.addf %mul3A_556, %add3A_558 : vector<16xf32>
      %mul3A_560 = arith.constant 0.0095541114 : f32
      %mul3A_561 = vector.broadcast %mul3A_560 : f32 to vector<16xf32>
      %mul3A_562 = arith.mulf %mul3A_561, %sub3A_540 : vector<16xf32>
      %add3A_563 = arith.constant 0.0558703728 : f32
      %add3A_564 = vector.broadcast %add3A_563 : f32 to vector<16xf32>
      %add3A_565 = arith.addf %mul3A_562, %add3A_564 : vector<16xf32>
      %mul3A_566 = arith.constant 0.0095541114 : f32
      %mul3A_567 = vector.broadcast %mul3A_566 : f32 to vector<16xf32>
      %mul3A_568 = arith.mulf %mul3A_567, %sub3A_541 : vector<16xf32>
      %add3A_569 = arith.constant 0.0558703728 : f32
      %add3A_570 = vector.broadcast %add3A_569 : f32 to vector<16xf32>
      %add3A_571 = arith.addf %mul3A_568, %add3A_570 : vector<16xf32>
      %mul3A_572 = arith.constant 0.0095541114 : f32
      %mul3A_573 = vector.broadcast %mul3A_572 : f32 to vector<16xf32>
      %mul3A_574 = arith.mulf %mul3A_573, %sub3A_542 : vector<16xf32>
      %add3A_575 = arith.constant 0.0558703728 : f32
      %add3A_576 = vector.broadcast %add3A_575 : f32 to vector<16xf32>
      %add3A_577 = arith.addf %mul3A_574, %add3A_576 : vector<16xf32>
      %mul3A_578 = arith.constant 0.0095541114 : f32
      %mul3A_579 = vector.broadcast %mul3A_578 : f32 to vector<16xf32>
      %mul3A_580 = arith.mulf %mul3A_579, %sub3A_543 : vector<16xf32>
      %add3A_581 = arith.constant 0.0558703728 : f32
      %add3A_582 = vector.broadcast %add3A_581 : f32 to vector<16xf32>
      %add3A_583 = arith.addf %mul3A_580, %add3A_582 : vector<16xf32>
      %mul3A_584 = arith.constant 0.0095541114 : f32
      %mul3A_585 = vector.broadcast %mul3A_584 : f32 to vector<16xf32>
      %mul3A_586 = arith.mulf %mul3A_585, %sub3A_544 : vector<16xf32>
      %add3A_587 = arith.constant 0.0558703728 : f32
      %add3A_588 = vector.broadcast %add3A_587 : f32 to vector<16xf32>
      %add3A_589 = arith.addf %mul3A_586, %add3A_588 : vector<16xf32>
      %mul3A_590 = arith.constant 0.0095541114 : f32
      %mul3A_591 = vector.broadcast %mul3A_590 : f32 to vector<16xf32>
      %mul3A_592 = arith.mulf %mul3A_591, %sub3A_545 : vector<16xf32>
      %add3A_593 = arith.constant 0.0558703728 : f32
      %add3A_594 = vector.broadcast %add3A_593 : f32 to vector<16xf32>
      %add3A_595 = arith.addf %mul3A_592, %add3A_594 : vector<16xf32>
      %mul3A_596 = arith.constant 0.0095541114 : f32
      %mul3A_597 = vector.broadcast %mul3A_596 : f32 to vector<16xf32>
      %mul3A_598 = arith.mulf %mul3A_597, %sub3A_546 : vector<16xf32>
      %add3A_599 = arith.constant 0.0558703728 : f32
      %add3A_600 = vector.broadcast %add3A_599 : f32 to vector<16xf32>
      %add3A_601 = arith.addf %mul3A_598, %add3A_600 : vector<16xf32>
      %mul3A_602 = arith.constant 0.0095541114 : f32
      %mul3A_603 = vector.broadcast %mul3A_602 : f32 to vector<16xf32>
      %mul3A_604 = arith.mulf %mul3A_603, %sub3A_547 : vector<16xf32>
      %add3A_605 = arith.constant 0.0558703728 : f32
      %add3A_606 = vector.broadcast %add3A_605 : f32 to vector<16xf32>
      %add3A_607 = arith.addf %mul3A_604, %add3A_606 : vector<16xf32>
      %mul3A_608 = arith.mulf %add3A_553, %sub3A_538 : vector<16xf32>
      %add3A_609 = arith.constant 0.240246966 : f32
      %add3A_610 = vector.broadcast %add3A_609 : f32 to vector<16xf32>
      %add3A_611 = arith.addf %mul3A_608, %add3A_610 : vector<16xf32>
      %mul3A_612 = arith.mulf %add3A_559, %sub3A_539 : vector<16xf32>
      %add3A_613 = arith.constant 0.240246966 : f32
      %add3A_614 = vector.broadcast %add3A_613 : f32 to vector<16xf32>
      %add3A_615 = arith.addf %mul3A_612, %add3A_614 : vector<16xf32>
      %mul3A_616 = arith.mulf %add3A_565, %sub3A_540 : vector<16xf32>
      %add3A_617 = arith.constant 0.240246966 : f32
      %add3A_618 = vector.broadcast %add3A_617 : f32 to vector<16xf32>
      %add3A_619 = arith.addf %mul3A_616, %add3A_618 : vector<16xf32>
      %mul3A_620 = arith.mulf %add3A_571, %sub3A_541 : vector<16xf32>
      %add3A_621 = arith.constant 0.240246966 : f32
      %add3A_622 = vector.broadcast %add3A_621 : f32 to vector<16xf32>
      %add3A_623 = arith.addf %mul3A_620, %add3A_622 : vector<16xf32>
      %mul3A_624 = arith.mulf %add3A_577, %sub3A_542 : vector<16xf32>
      %add3A_625 = arith.constant 0.240246966 : f32
      %add3A_626 = vector.broadcast %add3A_625 : f32 to vector<16xf32>
      %add3A_627 = arith.addf %mul3A_624, %add3A_626 : vector<16xf32>
      %mul3A_628 = arith.mulf %add3A_583, %sub3A_543 : vector<16xf32>
      %add3A_629 = arith.constant 0.240246966 : f32
      %add3A_630 = vector.broadcast %add3A_629 : f32 to vector<16xf32>
      %add3A_631 = arith.addf %mul3A_628, %add3A_630 : vector<16xf32>
      %mul3A_632 = arith.mulf %add3A_589, %sub3A_544 : vector<16xf32>
      %add3A_633 = arith.constant 0.240246966 : f32
      %add3A_634 = vector.broadcast %add3A_633 : f32 to vector<16xf32>
      %add3A_635 = arith.addf %mul3A_632, %add3A_634 : vector<16xf32>
      %mul3A_636 = arith.mulf %add3A_595, %sub3A_545 : vector<16xf32>
      %add3A_637 = arith.constant 0.240246966 : f32
      %add3A_638 = vector.broadcast %add3A_637 : f32 to vector<16xf32>
      %add3A_639 = arith.addf %mul3A_636, %add3A_638 : vector<16xf32>
      %mul3A_640 = arith.mulf %add3A_601, %sub3A_546 : vector<16xf32>
      %add3A_641 = arith.constant 0.240246966 : f32
      %add3A_642 = vector.broadcast %add3A_641 : f32 to vector<16xf32>
      %add3A_643 = arith.addf %mul3A_640, %add3A_642 : vector<16xf32>
      %mul3A_644 = arith.mulf %add3A_607, %sub3A_547 : vector<16xf32>
      %add3A_645 = arith.constant 0.240246966 : f32
      %add3A_646 = vector.broadcast %add3A_645 : f32 to vector<16xf32>
      %add3A_647 = arith.addf %mul3A_644, %add3A_646 : vector<16xf32>
      %mul3A_648 = arith.mulf %add3A_611, %sub3A_538 : vector<16xf32>
      %add3A_649 = arith.constant 0.693128049 : f32
      %add3A_650 = vector.broadcast %add3A_649 : f32 to vector<16xf32>
      %add3A_651 = arith.addf %mul3A_648, %add3A_650 : vector<16xf32>
      %mul3A_652 = arith.mulf %add3A_615, %sub3A_539 : vector<16xf32>
      %add3A_653 = arith.constant 0.693128049 : f32
      %add3A_654 = vector.broadcast %add3A_653 : f32 to vector<16xf32>
      %add3A_655 = arith.addf %mul3A_652, %add3A_654 : vector<16xf32>
      %mul3A_656 = arith.mulf %add3A_619, %sub3A_540 : vector<16xf32>
      %add3A_657 = arith.constant 0.693128049 : f32
      %add3A_658 = vector.broadcast %add3A_657 : f32 to vector<16xf32>
      %add3A_659 = arith.addf %mul3A_656, %add3A_658 : vector<16xf32>
      %mul3A_660 = arith.mulf %add3A_623, %sub3A_541 : vector<16xf32>
      %add3A_661 = arith.constant 0.693128049 : f32
      %add3A_662 = vector.broadcast %add3A_661 : f32 to vector<16xf32>
      %add3A_663 = arith.addf %mul3A_660, %add3A_662 : vector<16xf32>
      %mul3A_664 = arith.mulf %add3A_627, %sub3A_542 : vector<16xf32>
      %add3A_665 = arith.constant 0.693128049 : f32
      %add3A_666 = vector.broadcast %add3A_665 : f32 to vector<16xf32>
      %add3A_667 = arith.addf %mul3A_664, %add3A_666 : vector<16xf32>
      %mul3A_668 = arith.mulf %add3A_631, %sub3A_543 : vector<16xf32>
      %add3A_669 = arith.constant 0.693128049 : f32
      %add3A_670 = vector.broadcast %add3A_669 : f32 to vector<16xf32>
      %add3A_671 = arith.addf %mul3A_668, %add3A_670 : vector<16xf32>
      %mul3A_672 = arith.mulf %add3A_635, %sub3A_544 : vector<16xf32>
      %add3A_673 = arith.constant 0.693128049 : f32
      %add3A_674 = vector.broadcast %add3A_673 : f32 to vector<16xf32>
      %add3A_675 = arith.addf %mul3A_672, %add3A_674 : vector<16xf32>
      %mul3A_676 = arith.mulf %add3A_639, %sub3A_545 : vector<16xf32>
      %add3A_677 = arith.constant 0.693128049 : f32
      %add3A_678 = vector.broadcast %add3A_677 : f32 to vector<16xf32>
      %add3A_679 = arith.addf %mul3A_676, %add3A_678 : vector<16xf32>
      %mul3A_680 = arith.mulf %add3A_643, %sub3A_546 : vector<16xf32>
      %add3A_681 = arith.constant 0.693128049 : f32
      %add3A_682 = vector.broadcast %add3A_681 : f32 to vector<16xf32>
      %add3A_683 = arith.addf %mul3A_680, %add3A_682 : vector<16xf32>
      %mul3A_684 = arith.mulf %add3A_647, %sub3A_547 : vector<16xf32>
      %add3A_685 = arith.constant 0.693128049 : f32
      %add3A_686 = vector.broadcast %add3A_685 : f32 to vector<16xf32>
      %add3A_687 = arith.addf %mul3A_684, %add3A_686 : vector<16xf32>
      %mul3A_688 = arith.mulf %add3A_651, %sub3A_538 : vector<16xf32>
      %add3A_689 = arith.constant 0.999999463 : f32
      %add3A_690 = vector.broadcast %add3A_689 : f32 to vector<16xf32>
      %add3A_691 = arith.addf %mul3A_688, %add3A_690 : vector<16xf32>
      %mul3A_692 = arith.mulf %add3A_655, %sub3A_539 : vector<16xf32>
      %add3A_693 = arith.constant 0.999999463 : f32
      %add3A_694 = vector.broadcast %add3A_693 : f32 to vector<16xf32>
      %add3A_695 = arith.addf %mul3A_692, %add3A_694 : vector<16xf32>
      %mul3A_696 = arith.mulf %add3A_659, %sub3A_540 : vector<16xf32>
      %add3A_697 = arith.constant 0.999999463 : f32
      %add3A_698 = vector.broadcast %add3A_697 : f32 to vector<16xf32>
      %add3A_699 = arith.addf %mul3A_696, %add3A_698 : vector<16xf32>
      %mul3A_700 = arith.mulf %add3A_663, %sub3A_541 : vector<16xf32>
      %add3A_701 = arith.constant 0.999999463 : f32
      %add3A_702 = vector.broadcast %add3A_701 : f32 to vector<16xf32>
      %add3A_703 = arith.addf %mul3A_700, %add3A_702 : vector<16xf32>
      %mul3A_704 = arith.mulf %add3A_667, %sub3A_542 : vector<16xf32>
      %add3A_705 = arith.constant 0.999999463 : f32
      %add3A_706 = vector.broadcast %add3A_705 : f32 to vector<16xf32>
      %add3A_707 = arith.addf %mul3A_704, %add3A_706 : vector<16xf32>
      %mul3A_708 = arith.mulf %add3A_671, %sub3A_543 : vector<16xf32>
      %add3A_709 = arith.constant 0.999999463 : f32
      %add3A_710 = vector.broadcast %add3A_709 : f32 to vector<16xf32>
      %add3A_711 = arith.addf %mul3A_708, %add3A_710 : vector<16xf32>
      %mul3A_712 = arith.mulf %add3A_675, %sub3A_544 : vector<16xf32>
      %add3A_713 = arith.constant 0.999999463 : f32
      %add3A_714 = vector.broadcast %add3A_713 : f32 to vector<16xf32>
      %add3A_715 = arith.addf %mul3A_712, %add3A_714 : vector<16xf32>
      %mul3A_716 = arith.mulf %add3A_679, %sub3A_545 : vector<16xf32>
      %add3A_717 = arith.constant 0.999999463 : f32
      %add3A_718 = vector.broadcast %add3A_717 : f32 to vector<16xf32>
      %add3A_719 = arith.addf %mul3A_716, %add3A_718 : vector<16xf32>
      %mul3A_720 = arith.mulf %add3A_683, %sub3A_546 : vector<16xf32>
      %add3A_721 = arith.constant 0.999999463 : f32
      %add3A_722 = vector.broadcast %add3A_721 : f32 to vector<16xf32>
      %add3A_723 = arith.addf %mul3A_720, %add3A_722 : vector<16xf32>
      %mul3A_724 = arith.mulf %add3A_687, %sub3A_547 : vector<16xf32>
      %add3A_725 = arith.constant 0.999999463 : f32
      %add3A_726 = vector.broadcast %add3A_725 : f32 to vector<16xf32>
      %add3A_727 = arith.addf %mul3A_724, %add3A_726 : vector<16xf32>
      %bitcast3A = vector.bitcast %add3A_480 : vector<16xf32> to vector<16xi32>
      %bitcast3A_728 = vector.bitcast %add3A_483 : vector<16xf32> to vector<16xi32>
      %bitcast3A_729 = vector.bitcast %add3A_486 : vector<16xf32> to vector<16xi32>
      %bitcast3A_730 = vector.bitcast %add3A_489 : vector<16xf32> to vector<16xi32>
      %bitcast3A_731 = vector.bitcast %add3A_492 : vector<16xf32> to vector<16xi32>
      %bitcast3A_732 = vector.bitcast %add3A_495 : vector<16xf32> to vector<16xi32>
      %bitcast3A_733 = vector.bitcast %add3A_498 : vector<16xf32> to vector<16xi32>
      %bitcast3A_734 = vector.bitcast %add3A_501 : vector<16xf32> to vector<16xi32>
      %bitcast3A_735 = vector.bitcast %add3A_504 : vector<16xf32> to vector<16xi32>
      %bitcast3A_736 = vector.bitcast %add3A_507 : vector<16xf32> to vector<16xi32>
      %shift_left3A = arith.constant 23 : i32
      %shift_left3A_737 = vector.broadcast %shift_left3A : i32 to vector<16xi32>
      %shift_left3A_738 = arith.shli %bitcast3A, %shift_left3A_737 : vector<16xi32>
      %add3A_739 = arith.constant 1065353216 : i32
      %add3A_740 = vector.broadcast %add3A_739 : i32 to vector<16xi32>
      %add3A_741 = arith.addi %shift_left3A_738, %add3A_740 : vector<16xi32>
      %shift_left3A_742 = arith.constant 23 : i32
      %shift_left3A_743 = vector.broadcast %shift_left3A_742 : i32 to vector<16xi32>
      %shift_left3A_744 = arith.shli %bitcast3A_728, %shift_left3A_743 : vector<16xi32>
      %add3A_745 = arith.constant 1065353216 : i32
      %add3A_746 = vector.broadcast %add3A_745 : i32 to vector<16xi32>
      %add3A_747 = arith.addi %shift_left3A_744, %add3A_746 : vector<16xi32>
      %shift_left3A_748 = arith.constant 23 : i32
      %shift_left3A_749 = vector.broadcast %shift_left3A_748 : i32 to vector<16xi32>
      %shift_left3A_750 = arith.shli %bitcast3A_729, %shift_left3A_749 : vector<16xi32>
      %add3A_751 = arith.constant 1065353216 : i32
      %add3A_752 = vector.broadcast %add3A_751 : i32 to vector<16xi32>
      %add3A_753 = arith.addi %shift_left3A_750, %add3A_752 : vector<16xi32>
      %shift_left3A_754 = arith.constant 23 : i32
      %shift_left3A_755 = vector.broadcast %shift_left3A_754 : i32 to vector<16xi32>
      %shift_left3A_756 = arith.shli %bitcast3A_730, %shift_left3A_755 : vector<16xi32>
      %add3A_757 = arith.constant 1065353216 : i32
      %add3A_758 = vector.broadcast %add3A_757 : i32 to vector<16xi32>
      %add3A_759 = arith.addi %shift_left3A_756, %add3A_758 : vector<16xi32>
      %shift_left3A_760 = arith.constant 23 : i32
      %shift_left3A_761 = vector.broadcast %shift_left3A_760 : i32 to vector<16xi32>
      %shift_left3A_762 = arith.shli %bitcast3A_731, %shift_left3A_761 : vector<16xi32>
      %add3A_763 = arith.constant 1065353216 : i32
      %add3A_764 = vector.broadcast %add3A_763 : i32 to vector<16xi32>
      %add3A_765 = arith.addi %shift_left3A_762, %add3A_764 : vector<16xi32>
      %shift_left3A_766 = arith.constant 23 : i32
      %shift_left3A_767 = vector.broadcast %shift_left3A_766 : i32 to vector<16xi32>
      %shift_left3A_768 = arith.shli %bitcast3A_732, %shift_left3A_767 : vector<16xi32>
      %add3A_769 = arith.constant 1065353216 : i32
      %add3A_770 = vector.broadcast %add3A_769 : i32 to vector<16xi32>
      %add3A_771 = arith.addi %shift_left3A_768, %add3A_770 : vector<16xi32>
      %shift_left3A_772 = arith.constant 23 : i32
      %shift_left3A_773 = vector.broadcast %shift_left3A_772 : i32 to vector<16xi32>
      %shift_left3A_774 = arith.shli %bitcast3A_733, %shift_left3A_773 : vector<16xi32>
      %add3A_775 = arith.constant 1065353216 : i32
      %add3A_776 = vector.broadcast %add3A_775 : i32 to vector<16xi32>
      %add3A_777 = arith.addi %shift_left3A_774, %add3A_776 : vector<16xi32>
      %shift_left3A_778 = arith.constant 23 : i32
      %shift_left3A_779 = vector.broadcast %shift_left3A_778 : i32 to vector<16xi32>
      %shift_left3A_780 = arith.shli %bitcast3A_734, %shift_left3A_779 : vector<16xi32>
      %add3A_781 = arith.constant 1065353216 : i32
      %add3A_782 = vector.broadcast %add3A_781 : i32 to vector<16xi32>
      %add3A_783 = arith.addi %shift_left3A_780, %add3A_782 : vector<16xi32>
      %shift_left3A_784 = arith.constant 23 : i32
      %shift_left3A_785 = vector.broadcast %shift_left3A_784 : i32 to vector<16xi32>
      %shift_left3A_786 = arith.shli %bitcast3A_735, %shift_left3A_785 : vector<16xi32>
      %add3A_787 = arith.constant 1065353216 : i32
      %add3A_788 = vector.broadcast %add3A_787 : i32 to vector<16xi32>
      %add3A_789 = arith.addi %shift_left3A_786, %add3A_788 : vector<16xi32>
      %shift_left3A_790 = arith.constant 23 : i32
      %shift_left3A_791 = vector.broadcast %shift_left3A_790 : i32 to vector<16xi32>
      %shift_left3A_792 = arith.shli %bitcast3A_736, %shift_left3A_791 : vector<16xi32>
      %add3A_793 = arith.constant 1065353216 : i32
      %add3A_794 = vector.broadcast %add3A_793 : i32 to vector<16xi32>
      %add3A_795 = arith.addi %shift_left3A_792, %add3A_794 : vector<16xi32>
      %bitcast3A_796 = vector.bitcast %add3A_741 : vector<16xi32> to vector<16xf32>
      %bitcast3A_797 = vector.bitcast %add3A_747 : vector<16xi32> to vector<16xf32>
      %bitcast3A_798 = vector.bitcast %add3A_753 : vector<16xi32> to vector<16xf32>
      %bitcast3A_799 = vector.bitcast %add3A_759 : vector<16xi32> to vector<16xf32>
      %bitcast3A_800 = vector.bitcast %add3A_765 : vector<16xi32> to vector<16xf32>
      %bitcast3A_801 = vector.bitcast %add3A_771 : vector<16xi32> to vector<16xf32>
      %bitcast3A_802 = vector.bitcast %add3A_777 : vector<16xi32> to vector<16xf32>
      %bitcast3A_803 = vector.bitcast %add3A_783 : vector<16xi32> to vector<16xf32>
      %bitcast3A_804 = vector.bitcast %add3A_789 : vector<16xi32> to vector<16xf32>
      %bitcast3A_805 = vector.bitcast %add3A_795 : vector<16xi32> to vector<16xf32>
      %mul3A_806 = arith.mulf %add3A_691, %bitcast3A_796 : vector<16xf32>
      %mul3A_807 = arith.mulf %add3A_695, %bitcast3A_797 : vector<16xf32>
      %mul3A_808 = arith.mulf %add3A_699, %bitcast3A_798 : vector<16xf32>
      %mul3A_809 = arith.mulf %add3A_703, %bitcast3A_799 : vector<16xf32>
      %mul3A_810 = arith.mulf %add3A_707, %bitcast3A_800 : vector<16xf32>
      %mul3A_811 = arith.mulf %add3A_711, %bitcast3A_801 : vector<16xf32>
      %mul3A_812 = arith.mulf %add3A_715, %bitcast3A_802 : vector<16xf32>
      %mul3A_813 = arith.mulf %add3A_719, %bitcast3A_803 : vector<16xf32>
      %mul3A_814 = arith.mulf %add3A_723, %bitcast3A_804 : vector<16xf32>
      %mul3A_815 = arith.mulf %add3A_727, %bitcast3A_805 : vector<16xf32>
      %mul3A_816 = arith.constant 10 : i32
      %mul3A_817 = arith.muli %scan3A_367, %mul3A_816 : i32
      %add3A_818 = arith.constant 0 : i32
      %add3A_819 = arith.addi %mul3A_817, %add3A_818 : i32
      %mul3A_820 = arith.constant 16 : i32
      %mul3A_821 = arith.muli %add3A_819, %mul3A_820 : i32
      %swap3A_822 = arith.index_cast %mul3A_821 : i32 to index
      %swap3A_823 = tpu.vector_load %arg4[%swap3A_822] {strides = array<i32>} : memref<100000xf32, #tpu.memory_space<vmem>>, vector<16xf32>,
      tpu.vector_store %arg4[%swap3A_822], %mul3A_806 {strides = array<i32>} : memref<100000xf32, #tpu.memory_space<vmem>>, vector<16xf32>,
      %mul3A_824 = arith.constant 10 : i32
      %mul3A_825 = arith.muli %scan3A_367, %mul3A_824 : i32
      %add3A_826 = arith.constant 1 : i32
      %add3A_827 = arith.addi %mul3A_825, %add3A_826 : i32
      %mul3A_828 = arith.constant 16 : i32
      %mul3A_829 = arith.muli %add3A_827, %mul3A_828 : i32
      %swap3A_830 = arith.index_cast %mul3A_829 : i32 to index
      %swap3A_831 = tpu.vector_load %arg4[%swap3A_830] {strides = array<i32>} : memref<100000xf32, #tpu.memory_space<vmem>>, vector<16xf32>,
      tpu.vector_store %arg4[%swap3A_830], %mul3A_807 {strides = array<i32>} : memref<100000xf32, #tpu.memory_space<vmem>>, vector<16xf32>,
      %mul3A_832 = arith.constant 10 : i32
      %mul3A_833 = arith.muli %scan3A_367, %mul3A_832 : i32
      %add3A_834 = arith.constant 2 : i32
      %add3A_835 = arith.addi %mul3A_833, %add3A_834 : i32
      %mul3A_836 = arith.constant 16 : i32
      %mul3A_837 = arith.muli %add3A_835, %mul3A_836 : i32
      %swap3A_838 = arith.index_cast %mul3A_837 : i32 to index
      %swap3A_839 = tpu.vector_load %arg4[%swap3A_838] {strides = array<i32>} : memref<100000xf32, #tpu.memory_space<vmem>>, vector<16xf32>,
      tpu.vector_store %arg4[%swap3A_838], %mul3A_808 {strides = array<i32>} : memref<100000xf32, #tpu.memory_space<vmem>>, vector<16xf32>,
      %mul3A_840 = arith.constant 10 : i32
      %mul3A_841 = arith.muli %scan3A_367, %mul3A_840 : i32
      %add3A_842 = arith.constant 3 : i32
      %add3A_843 = arith.addi %mul3A_841, %add3A_842 : i32
      %mul3A_844 = arith.constant 16 : i32
      %mul3A_845 = arith.muli %add3A_843, %mul3A_844 : i32
      %swap3A_846 = arith.index_cast %mul3A_845 : i32 to index
      %swap3A_847 = tpu.vector_load %arg4[%swap3A_846] {strides = array<i32>} : memref<100000xf32, #tpu.memory_space<vmem>>, vector<16xf32>,
      tpu.vector_store %arg4[%swap3A_846], %mul3A_809 {strides = array<i32>} : memref<100000xf32, #tpu.memory_space<vmem>>, vector<16xf32>,
      %mul3A_848 = arith.constant 10 : i32
      %mul3A_849 = arith.muli %scan3A_367, %mul3A_848 : i32
      %add3A_850 = arith.constant 4 : i32
      %add3A_851 = arith.addi %mul3A_849, %add3A_850 : i32
      %mul3A_852 = arith.constant 16 : i32
      %mul3A_853 = arith.muli %add3A_851, %mul3A_852 : i32
      %swap3A_854 = arith.index_cast %mul3A_853 : i32 to index
      %swap3A_855 = tpu.vector_load %arg4[%swap3A_854] {strides = array<i32>} : memref<100000xf32, #tpu.memory_space<vmem>>, vector<16xf32>,
      tpu.vector_store %arg4[%swap3A_854], %mul3A_810 {strides = array<i32>} : memref<100000xf32, #tpu.memory_space<vmem>>, vector<16xf32>,
      %mul3A_856 = arith.constant 10 : i32
      %mul3A_857 = arith.muli %scan3A_367, %mul3A_856 : i32
      %add3A_858 = arith.constant 5 : i32
      %add3A_859 = arith.addi %mul3A_857, %add3A_858 : i32
      %mul3A_860 = arith.constant 16 : i32
      %mul3A_861 = arith.muli %add3A_859, %mul3A_860 : i32
      %swap3A_862 = arith.index_cast %mul3A_861 : i32 to index
      %swap3A_863 = tpu.vector_load %arg4[%swap3A_862] {strides = array<i32>} : memref<100000xf32, #tpu.memory_space<vmem>>, vector<16xf32>,
      tpu.vector_store %arg4[%swap3A_862], %mul3A_811 {strides = array<i32>} : memref<100000xf32, #tpu.memory_space<vmem>>, vector<16xf32>,
      %mul3A_864 = arith.constant 10 : i32
      %mul3A_865 = arith.muli %scan3A_367, %mul3A_864 : i32
      %add3A_866 = arith.constant 6 : i32
      %add3A_867 = arith.addi %mul3A_865, %add3A_866 : i32
      %mul3A_868 = arith.constant 16 : i32
      %mul3A_869 = arith.muli %add3A_867, %mul3A_868 : i32
      %swap3A_870 = arith.index_cast %mul3A_869 : i32 to index
      %swap3A_871 = tpu.vector_load %arg4[%swap3A_870] {strides = array<i32>} : memref<100000xf32, #tpu.memory_space<vmem>>, vector<16xf32>,
      tpu.vector_store %arg4[%swap3A_870], %mul3A_812 {strides = array<i32>} : memref<100000xf32, #tpu.memory_space<vmem>>, vector<16xf32>,
      %mul3A_872 = arith.constant 10 : i32
      %mul3A_873 = arith.muli %scan3A_367, %mul3A_872 : i32
      %add3A_874 = arith.constant 7 : i32
      %add3A_875 = arith.addi %mul3A_873, %add3A_874 : i32
      %mul3A_876 = arith.constant 16 : i32
      %mul3A_877 = arith.muli %add3A_875, %mul3A_876 : i32
      %swap3A_878 = arith.index_cast %mul3A_877 : i32 to index
      %swap3A_879 = tpu.vector_load %arg4[%swap3A_878] {strides = array<i32>} : memref<100000xf32, #tpu.memory_space<vmem>>, vector<16xf32>,
      tpu.vector_store %arg4[%swap3A_878], %mul3A_813 {strides = array<i32>} : memref<100000xf32, #tpu.memory_space<vmem>>, vector<16xf32>,
      %mul3A_880 = arith.constant 10 : i32
      %mul3A_881 = arith.muli %scan3A_367, %mul3A_880 : i32
      %add3A_882 = arith.constant 8 : i32
      %add3A_883 = arith.addi %mul3A_881, %add3A_882 : i32
      %mul3A_884 = arith.constant 16 : i32
      %mul3A_885 = arith.muli %add3A_883, %mul3A_884 : i32
      %swap3A_886 = arith.index_cast %mul3A_885 : i32 to index
      %swap3A_887 = tpu.vector_load %arg4[%swap3A_886] {strides = array<i32>} : memref<100000xf32, #tpu.memory_space<vmem>>, vector<16xf32>,
      tpu.vector_store %arg4[%swap3A_886], %mul3A_814 {strides = array<i32>} : memref<100000xf32, #tpu.memory_space<vmem>>, vector<16xf32>,
      %mul3A_888 = arith.constant 10 : i32
      %mul3A_889 = arith.muli %scan3A_367, %mul3A_888 : i32
      %add3A_890 = arith.constant 9 : i32
      %add3A_891 = arith.addi %mul3A_889, %add3A_890 : i32
      %mul3A_892 = arith.constant 16 : i32
      %mul3A_893 = arith.muli %add3A_891, %mul3A_892 : i32
      %swap3A_894 = arith.index_cast %mul3A_893 : i32 to index
      %swap3A_895 = tpu.vector_load %arg4[%swap3A_894] {strides = array<i32>} : memref<100000xf32, #tpu.memory_space<vmem>>, vector<16xf32>,
      tpu.vector_store %arg4[%swap3A_894], %mul3A_815 {strides = array<i32>} : memref<100000xf32, #tpu.memory_space<vmem>>, vector<16xf32>,
      %bitcast3A_896 = vector.bitcast %mul3A_806 : vector<16xf32> to vector<16xi32>
      %bitcast3A_897 = vector.bitcast %mul3A_807 : vector<16xf32> to vector<16xi32>
      %bitcast3A_898 = vector.bitcast %mul3A_808 : vector<16xf32> to vector<16xi32>
      %bitcast3A_899 = vector.bitcast %mul3A_809 : vector<16xf32> to vector<16xi32>
      %bitcast3A_900 = vector.bitcast %mul3A_810 : vector<16xf32> to vector<16xi32>
      %bitcast3A_901 = vector.bitcast %mul3A_811 : vector<16xf32> to vector<16xi32>
      %bitcast3A_902 = vector.bitcast %mul3A_812 : vector<16xf32> to vector<16xi32>
      %bitcast3A_903 = vector.bitcast %mul3A_813 : vector<16xf32> to vector<16xi32>
      %bitcast3A_904 = vector.bitcast %mul3A_814 : vector<16xf32> to vector<16xi32>
      %bitcast3A_905 = vector.bitcast %mul3A_815 : vector<16xf32> to vector<16xi32>
      %shift_right_logical3A = arith.constant 22 : i32
      %shift_right_logical3A_906 = vector.broadcast %shift_right_logical3A : i32 to vector<16xi32>
      %shift_right_logical3A_907 = arith.shrui %bitcast3A_896, %shift_right_logical3A_906 : vector<16xi32>
      %shift_right_logical3A_908 = arith.constant 22 : i32
      %shift_right_logical3A_909 = vector.broadcast %shift_right_logical3A_908 : i32 to vector<16xi32>
      %shift_right_logical3A_910 = arith.shrui %bitcast3A_897, %shift_right_logical3A_909 : vector<16xi32>
      %shift_right_logical3A_911 = arith.constant 22 : i32
      %shift_right_logical3A_912 = vector.broadcast %shift_right_logical3A_911 : i32 to vector<16xi32>
      %shift_right_logical3A_913 = arith.shrui %bitcast3A_898, %shift_right_logical3A_912 : vector<16xi32>
      %shift_right_logical3A_914 = arith.constant 22 : i32
      %shift_right_logical3A_915 = vector.broadcast %shift_right_logical3A_914 : i32 to vector<16xi32>
      %shift_right_logical3A_916 = arith.shrui %bitcast3A_899, %shift_right_logical3A_915 : vector<16xi32>
      %shift_right_logical3A_917 = arith.constant 22 : i32
      %shift_right_logical3A_918 = vector.broadcast %shift_right_logical3A_917 : i32 to vector<16xi32>
      %shift_right_logical3A_919 = arith.shrui %bitcast3A_900, %shift_right_logical3A_918 : vector<16xi32>
      %shift_right_logical3A_920 = arith.constant 22 : i32
      %shift_right_logical3A_921 = vector.broadcast %shift_right_logical3A_920 : i32 to vector<16xi32>
      %shift_right_logical3A_922 = arith.shrui %bitcast3A_901, %shift_right_logical3A_921 : vector<16xi32>
      %shift_right_logical3A_923 = arith.constant 22 : i32
      %shift_right_logical3A_924 = vector.broadcast %shift_right_logical3A_923 : i32 to vector<16xi32>
      %shift_right_logical3A_925 = arith.shrui %bitcast3A_902, %shift_right_logical3A_924 : vector<16xi32>
      %shift_right_logical3A_926 = arith.constant 22 : i32
      %shift_right_logical3A_927 = vector.broadcast %shift_right_logical3A_926 : i32 to vector<16xi32>
      %shift_right_logical3A_928 = arith.shrui %bitcast3A_903, %shift_right_logical3A_927 : vector<16xi32>
      %shift_right_logical3A_929 = arith.constant 22 : i32
      %shift_right_logical3A_930 = vector.broadcast %shift_right_logical3A_929 : i32 to vector<16xi32>
      %shift_right_logical3A_931 = arith.shrui %bitcast3A_904, %shift_right_logical3A_930 : vector<16xi32>
      %shift_right_logical3A_932 = arith.constant 22 : i32
      %shift_right_logical3A_933 = vector.broadcast %shift_right_logical3A_932 : i32 to vector<16xi32>
      %shift_right_logical3A_934 = arith.shrui %bitcast3A_905, %shift_right_logical3A_933 : vector<16xi32>
      %add3A_935 = arith.addi %mul3A_3, %shift_right_logical3A_907 : vector<16xi32>
      %add3A_936 = arith.addi %mul3A_3, %shift_right_logical3A_910 : vector<16xi32>
      %add3A_937 = arith.addi %mul3A_3, %shift_right_logical3A_913 : vector<16xi32>
      %add3A_938 = arith.addi %mul3A_3, %shift_right_logical3A_916 : vector<16xi32>
      %add3A_939 = arith.addi %mul3A_3, %shift_right_logical3A_919 : vector<16xi32>
      %add3A_940 = arith.addi %mul3A_3, %shift_right_logical3A_922 : vector<16xi32>
      %add3A_941 = arith.addi %mul3A_3, %shift_right_logical3A_925 : vector<16xi32>
      %add3A_942 = arith.addi %mul3A_3, %shift_right_logical3A_928 : vector<16xi32>
      %add3A_943 = arith.addi %mul3A_3, %shift_right_logical3A_931 : vector<16xi32>
      %add3A_944 = arith.addi %mul3A_3, %shift_right_logical3A_934 : vector<16xi32>
      tpu.vector_store_idx %arg5[%add3A_935], %mul3A_806 {add = true} : memref<8192xf32, #tpu.memory_space<vmem>>[vector<16xi32>], vector<16xf32>,
      tpu.vector_store_idx %arg5[%add3A_936], %mul3A_807 {add = true} : memref<8192xf32, #tpu.memory_space<vmem>>[vector<16xi32>], vector<16xf32>,
      tpu.vector_store_idx %arg5[%add3A_937], %mul3A_808 {add = true} : memref<8192xf32, #tpu.memory_space<vmem>>[vector<16xi32>], vector<16xf32>,
      tpu.vector_store_idx %arg5[%add3A_938], %mul3A_809 {add = true} : memref<8192xf32, #tpu.memory_space<vmem>>[vector<16xi32>], vector<16xf32>,
      tpu.vector_store_idx %arg5[%add3A_939], %mul3A_810 {add = true} : memref<8192xf32, #tpu.memory_space<vmem>>[vector<16xi32>], vector<16xf32>,
      tpu.vector_store_idx %arg5[%add3A_940], %mul3A_811 {add = true} : memref<8192xf32, #tpu.memory_space<vmem>>[vector<16xi32>], vector<16xf32>,
      tpu.vector_store_idx %arg5[%add3A_941], %mul3A_812 {add = true} : memref<8192xf32, #tpu.memory_space<vmem>>[vector<16xi32>], vector<16xf32>,
      tpu.vector_store_idx %arg5[%add3A_942], %mul3A_813 {add = true} : memref<8192xf32, #tpu.memory_space<vmem>>[vector<16xi32>], vector<16xf32>,
      tpu.vector_store_idx %arg5[%add3A_943], %mul3A_814 {add = true} : memref<8192xf32, #tpu.memory_space<vmem>>[vector<16xi32>], vector<16xf32>,
      tpu.vector_store_idx %arg5[%add3A_944], %mul3A_815 {add = true} : memref<8192xf32, #tpu.memory_space<vmem>>[vector<16xi32>], vector<16xf32>,
      %scan3A_945 = arith.constant 0 : i32
      scf.yield %scan3A_945 : i32
    }
    %scan3A_217 = arith.constant 625 : i32
    %swap3A_218 = arith.constant 512 : index
    %swap3A_219 = tpu.vector_load %arg6[%swap3A_218] {strides = array<i32>} : memref<528xf32, #tpu.memory_space<vmem>>, vector<16xf32>,
    tpu.vector_store %arg6[%swap3A_218], %broadcast_in_dim3A_4 {strides = array<i32>} : memref<528xf32, #tpu.memory_space<vmem>>, vector<16xf32>,
    %scan3A_220 = arith.constant 0 : i32
    %scan3A_221 = arith.constant 32 : i32
    %scan3A_222 = arith.addi %scan3A_220, %scan3A_221 : i32
    %scan3A_223 = arith.constant 1 : i32
    %scan3A_224 = scf.for %scan3A_367 = %scan3A_220 to %scan3A_222 step %scan3A_223 iter_args(%scan3A_368 = %broadcast_in_dim3A_4) -> (vector<16xf32>)  : i32 {
      %sub3A_369 = arith.constant 31 : i32
      %sub3A_370 = arith.subi %sub3A_369, %scan3A_367 : i32
      %mul3A_371 = arith.constant 16 : i32
      %mul3A_372 = arith.muli %sub3A_370, %mul3A_371 : i32
      %add3A_373 = arith.constant 0 : i32
      %add3A_374 = arith.addi %add3A_373, %mul3A_372 : i32
      %get3A = arith.index_cast %add3A_374 : i32 to index
      %get3A_375 = tpu.vector_load %arg5[%get3A] {strides = array<i32>} : memref<8192xf32, #tpu.memory_space<vmem>>, vector<16xf32>,
      %add3A_376 = arith.addf %broadcast_in_dim3A_4, %get3A_375 : vector<16xf32>
      %mul3A_377 = arith.constant 16 : i32
      %mul3A_378 = arith.muli %sub3A_370, %mul3A_377 : i32
      %add3A_379 = arith.constant 512 : i32
      %add3A_380 = arith.addi %add3A_379, %mul3A_378 : i32
      %get3A_381 = arith.index_cast %add3A_380 : i32 to index
      %get3A_382 = tpu.vector_load %arg5[%get3A_381] {strides = array<i32>} : memref<8192xf32, #tpu.memory_space<vmem>>, vector<16xf32>,
      %add3A_383 = arith.addf %add3A_376, %get3A_382 : vector<16xf32>
      %mul3A_384 = arith.constant 16 : i32
      %mul3A_385 = arith.muli %sub3A_370, %mul3A_384 : i32
      %add3A_386 = arith.constant 1024 : i32
      %add3A_387 = arith.addi %add3A_386, %mul3A_385 : i32
      %get3A_388 = arith.index_cast %add3A_387 : i32 to index
      %get3A_389 = tpu.vector_load %arg5[%get3A_388] {strides = array<i32>} : memref<8192xf32, #tpu.memory_space<vmem>>, vector<16xf32>,
      %add3A_390 = arith.addf %add3A_383, %get3A_389 : vector<16xf32>
      %mul3A_391 = arith.constant 16 : i32
      %mul3A_392 = arith.muli %sub3A_370, %mul3A_391 : i32
      %add3A_393 = arith.constant 1536 : i32
      %add3A_394 = arith.addi %add3A_393, %mul3A_392 : i32
      %get3A_395 = arith.index_cast %add3A_394 : i32 to index
      %get3A_396 = tpu.vector_load %arg5[%get3A_395] {strides = array<i32>} : memref<8192xf32, #tpu.memory_space<vmem>>, vector<16xf32>,
      %add3A_397 = arith.addf %add3A_390, %get3A_396 : vector<16xf32>
      %mul3A_398 = arith.constant 16 : i32
      %mul3A_399 = arith.muli %sub3A_370, %mul3A_398 : i32
      %add3A_400 = arith.constant 2048 : i32
      %add3A_401 = arith.addi %add3A_400, %mul3A_399 : i32
      %get3A_402 = arith.index_cast %add3A_401 : i32 to index
      %get3A_403 = tpu.vector_load %arg5[%get3A_402] {strides = array<i32>} : memref<8192xf32, #tpu.memory_space<vmem>>, vector<16xf32>,
      %add3A_404 = arith.addf %add3A_397, %get3A_403 : vector<16xf32>
      %mul3A_405 = arith.constant 16 : i32
      %mul3A_406 = arith.muli %sub3A_370, %mul3A_405 : i32
      %add3A_407 = arith.constant 2560 : i32
      %add3A_408 = arith.addi %add3A_407, %mul3A_406 : i32
      %get3A_409 = arith.index_cast %add3A_408 : i32 to index
      %get3A_410 = tpu.vector_load %arg5[%get3A_409] {strides = array<i32>} : memref<8192xf32, #tpu.memory_space<vmem>>, vector<16xf32>,
      %add3A_411 = arith.addf %add3A_404, %get3A_410 : vector<16xf32>
      %mul3A_412 = arith.constant 16 : i32
      %mul3A_413 = arith.muli %sub3A_370, %mul3A_412 : i32
      %add3A_414 = arith.constant 3072 : i32
      %add3A_415 = arith.addi %add3A_414, %mul3A_413 : i32
      %get3A_416 = arith.index_cast %add3A_415 : i32 to index
      %get3A_417 = tpu.vector_load %arg5[%get3A_416] {strides = array<i32>} : memref<8192xf32, #tpu.memory_space<vmem>>, vector<16xf32>,
      %add3A_418 = arith.addf %add3A_411, %get3A_417 : vector<16xf32>
      %mul3A_419 = arith.constant 16 : i32
      %mul3A_420 = arith.muli %sub3A_370, %mul3A_419 : i32
      %add3A_421 = arith.constant 3584 : i32
      %add3A_422 = arith.addi %add3A_421, %mul3A_420 : i32
      %get3A_423 = arith.index_cast %add3A_422 : i32 to index
      %get3A_424 = tpu.vector_load %arg5[%get3A_423] {strides = array<i32>} : memref<8192xf32, #tpu.memory_space<vmem>>, vector<16xf32>,
      %add3A_425 = arith.addf %add3A_418, %get3A_424 : vector<16xf32>
      %mul3A_426 = arith.constant 16 : i32
      %mul3A_427 = arith.muli %sub3A_370, %mul3A_426 : i32
      %add3A_428 = arith.constant 4096 : i32
      %add3A_429 = arith.addi %add3A_428, %mul3A_427 : i32
      %get3A_430 = arith.index_cast %add3A_429 : i32 to index
      %get3A_431 = tpu.vector_load %arg5[%get3A_430] {strides = array<i32>} : memref<8192xf32, #tpu.memory_space<vmem>>, vector<16xf32>,
      %add3A_432 = arith.addf %add3A_425, %get3A_431 : vector<16xf32>
      %mul3A_433 = arith.constant 16 : i32
      %mul3A_434 = arith.muli %sub3A_370, %mul3A_433 : i32
      %add3A_435 = arith.constant 4608 : i32
      %add3A_436 = arith.addi %add3A_435, %mul3A_434 : i32
      %get3A_437 = arith.index_cast %add3A_436 : i32 to index
      %get3A_438 = tpu.vector_load %arg5[%get3A_437] {strides = array<i32>} : memref<8192xf32, #tpu.memory_space<vmem>>, vector<16xf32>,
      %add3A_439 = arith.addf %add3A_432, %get3A_438 : vector<16xf32>
      %mul3A_440 = arith.constant 16 : i32
      %mul3A_441 = arith.muli %sub3A_370, %mul3A_440 : i32
      %add3A_442 = arith.constant 5120 : i32
      %add3A_443 = arith.addi %add3A_442, %mul3A_441 : i32
      %get3A_444 = arith.index_cast %add3A_443 : i32 to index
      %get3A_445 = tpu.vector_load %arg5[%get3A_444] {strides = array<i32>} : memref<8192xf32, #tpu.memory_space<vmem>>, vector<16xf32>,
      %add3A_446 = arith.addf %add3A_439, %get3A_445 : vector<16xf32>
      %mul3A_447 = arith.constant 16 : i32
      %mul3A_448 = arith.muli %sub3A_370, %mul3A_447 : i32
      %add3A_449 = arith.constant 5632 : i32
      %add3A_450 = arith.addi %add3A_449, %mul3A_448 : i32
      %get3A_451 = arith.index_cast %add3A_450 : i32 to index
      %get3A_452 = tpu.vector_load %arg5[%get3A_451] {strides = array<i32>} : memref<8192xf32, #tpu.memory_space<vmem>>, vector<16xf32>,
      %add3A_453 = arith.addf %add3A_446, %get3A_452 : vector<16xf32>
      %mul3A_454 = arith.constant 16 : i32
      %mul3A_455 = arith.muli %sub3A_370, %mul3A_454 : i32
      %add3A_456 = arith.constant 6144 : i32
      %add3A_457 = arith.addi %add3A_456, %mul3A_455 : i32
      %get3A_458 = arith.index_cast %add3A_457 : i32 to index
      %get3A_459 = tpu.vector_load %arg5[%get3A_458] {strides = array<i32>} : memref<8192xf32, #tpu.memory_space<vmem>>, vector<16xf32>,
      %add3A_460 = arith.addf %add3A_453, %get3A_459 : vector<16xf32>
      %mul3A_461 = arith.constant 16 : i32
      %mul3A_462 = arith.muli %sub3A_370, %mul3A_461 : i32
      %add3A_463 = arith.constant 6656 : i32
      %add3A_464 = arith.addi %add3A_463, %mul3A_462 : i32
      %get3A_465 = arith.index_cast %add3A_464 : i32 to index
      %get3A_466 = tpu.vector_load %arg5[%get3A_465] {strides = array<i32>} : memref<8192xf32, #tpu.memory_space<vmem>>, vector<16xf32>,
      %add3A_467 = arith.addf %add3A_460, %get3A_466 : vector<16xf32>
      %mul3A_468 = arith.constant 16 : i32
      %mul3A_469 = arith.muli %sub3A_370, %mul3A_468 : i32
      %add3A_470 = arith.constant 7168 : i32
      %add3A_471 = arith.addi %add3A_470, %mul3A_469 : i32
      %get3A_472 = arith.index_cast %add3A_471 : i32 to index
      %get3A_473 = tpu.vector_load %arg5[%get3A_472] {strides = array<i32>} : memref<8192xf32, #tpu.memory_space<vmem>>, vector<16xf32>,
      %add3A_474 = arith.addf %add3A_467, %get3A_473 : vector<16xf32>
      %mul3A_475 = arith.constant 16 : i32
      %mul3A_476 = arith.muli %sub3A_370, %mul3A_475 : i32
      %add3A_477 = arith.constant 7680 : i32
      %add3A_478 = arith.addi %add3A_477, %mul3A_476 : i32
      %get3A_479 = arith.index_cast %add3A_478 : i32 to index
      %get3A_480 = tpu.vector_load %arg5[%get3A_479] {strides = array<i32>} : memref<8192xf32, #tpu.memory_space<vmem>>, vector<16xf32>,
      %add3A_481 = arith.addf %add3A_474, %get3A_480 : vector<16xf32>
      %rev3A = arith.constant 15 : i32
      %rev3A_482 = vector.broadcast %rev3A : i32 to vector<16xi32>
      %rev3A_483 = tpu.iota {dimensions = array<i32: 0>} : vector<16xi32>
      %rev3A_484 = arith.subi %rev3A_482, %rev3A_483 : vector<16xi32>
      %rev3A_485 = tpu.dynamic_gather %add3A_481[%rev3A_484] in [0] : vector<16xf32>, vector<16xi32> -> vector<16xf32>
      %broadcast_in_dim3A_486 = arith.constant true
      %broadcast_in_dim3A_487 = vector.broadcast %broadcast_in_dim3A_486 : i1 to vector<16xi1>
      %masked_cumsum3A = tpu.scan <sum>, %rev3A_485 masked %broadcast_in_dim3A_487 : vector<16xf32>, vector<16xi1> -> vector<16xf32>
      %rev3A_488 = arith.constant 15 : i32
      %rev3A_489 = vector.broadcast %rev3A_488 : i32 to vector<16xi32>
      %rev3A_490 = tpu.iota {dimensions = array<i32: 0>} : vector<16xi32>
      %rev3A_491 = arith.subi %rev3A_489, %rev3A_490 : vector<16xi32>
      %rev3A_492 = tpu.dynamic_gather %masked_cumsum3A[%rev3A_491] in [0] : vector<16xf32>, vector<16xi32> -> vector<16xf32>
      %add3A_493 = arith.addf %rev3A_492, %scan3A_368 : vector<16xf32>
      %mul3A_494 = arith.constant 16 : i32
      %mul3A_495 = arith.muli %sub3A_370, %mul3A_494 : i32
      %swap3A_496 = arith.index_cast %mul3A_495 : i32 to index
      %swap3A_497 = tpu.vector_load %arg6[%swap3A_496] {strides = array<i32>} : memref<528xf32, #tpu.memory_space<vmem>>, vector<16xf32>,
      tpu.vector_store %arg6[%swap3A_496], %add3A_493 {strides = array<i32>} : memref<528xf32, #tpu.memory_space<vmem>>, vector<16xf32>,
      %reduce_max3A = arith.constant true
      %reduce_max3A_498 = vector.broadcast %reduce_max3A : i1 to vector<16xi1>
      %reduce_max3A_499 = tpu.scan <max>, %add3A_493 masked %reduce_max3A_498 : vector<16xf32>, vector<16xi1> -> vector<16xf32>
      %reduce_max3A_500 = vector.extract %reduce_max3A_499[15] : f32 from vector<16xf32>
      %broadcast_in_dim3A_501 = vector.broadcast %reduce_max3A_500 : f32 to vector<16xf32>
      scf.yield %broadcast_in_dim3A_501 : vector<16xf32>
    }
    %scan3A_225 = arith.constant 32 : i32
    %mul3A_226 = arith.constant 5.000000e-01 : f32
    %mul3A_227 = vector.broadcast %mul3A_226 : f32 to vector<16xf32>
    %mul3A_228 = arith.mulf %mul3A_227, %scan3A_224 : vector<16xf32>
    %broadcast_in_dim3A_229 = arith.constant 1.000000e+00 : f32
    %broadcast_in_dim3A_230 = vector.broadcast %broadcast_in_dim3A_229 : f32 to vector<16xf32>
    %div3A_231 = arith.divf %broadcast_in_dim3A_230, %scan3A_224 : vector<16xf32>
    %broadcast_in_dim3A_232 = arith.constant 0 : i32
    %broadcast_in_dim3A_233 = vector.broadcast %broadcast_in_dim3A_232 : i32 to vector<16xi32>
    %scan3A_234 = arith.constant 0 : i32
    %scan3A_235 = arith.constant 32 : i32
    %scan3A_236 = arith.addi %scan3A_234, %scan3A_235 : i32
    %scan3A_237 = arith.constant 1 : i32
    %scan3A_238 = scf.for %scan3A_367 = %scan3A_234 to %scan3A_236 step %scan3A_237 iter_args(%scan3A_368 = %broadcast_in_dim3A_233) -> (vector<16xi32>)  : i32 {
      %mul3A_369 = arith.constant 16 : i32
      %mul3A_370 = arith.muli %scan3A_367, %mul3A_369 : i32
      %get3A = arith.index_cast %mul3A_370 : i32 to index
      %get3A_371 = tpu.vector_load %arg6[%get3A] {strides = array<i32>} : memref<528xf32, #tpu.memory_space<vmem>>, vector<16xf32>,
      %ge3A = arith.cmpf oge, %get3A_371, %mul3A_228 : vector<16xf32>
      %all_reduce_population_count3A = tpu.all_reduce %ge3A {dim = 0 : i64, kind = #tpu.reduction_kind<sum>} : vector<16xi1> -> vector<16xi32>
      %add3A_372 = arith.addi %scan3A_368, %all_reduce_population_count3A : vector<16xi32>
      scf.yield %add3A_372 : vector<16xi32>
    }
    %scan3A_239 = arith.constant 32 : i32
    %sub3A_240 = arith.constant 1 : i32
    %sub3A_241 = vector.broadcast %sub3A_240 : i32 to vector<16xi32>
    %sub3A_242 = arith.subi %scan3A_238, %sub3A_241 : vector<16xi32>
    %max3A_243 = arith.constant 0 : i32
    %max3A_244 = vector.broadcast %max3A_243 : i32 to vector<16xi32>
    %max3A_245 = arith.maxsi %sub3A_242, %max3A_244 : vector<16xi32>
    %add3A_246 = arith.constant 1 : i32
    %add3A_247 = vector.broadcast %add3A_246 : i32 to vector<16xi32>
    %add3A_248 = arith.addi %max3A_245, %add3A_247 : vector<16xi32>
    %gather3A_249 = tpu.vector_load_idx %arg6[%add3A_248] : memref<528xf32, #tpu.memory_space<vmem>>[vector<16xi32>], vector<16xf32>,
    %scan3A_250 = arith.constant 0 : i32
    %scan3A_251 = arith.constant 0 : i32
    %scan3A_252 = arith.constant 64 : i32
    %scan3A_253 = arith.addi %scan3A_251, %scan3A_252 : i32
    %scan3A_254 = arith.constant 1 : i32
    %scan3A_255 = scf.for %scan3A_367 = %scan3A_251 to %scan3A_253 step %scan3A_254 iter_args(%scan3A_368 = %scan3A_250) -> (i32)  : i32 {
      %mul3A_369 = arith.constant 8 : i32
      %mul3A_370 = arith.muli %scan3A_367, %mul3A_369 : i32
      %add3A_371 = arith.constant 0 : i32
      %add3A_372 = arith.addi %mul3A_370, %add3A_371 : i32
      %mul3A_373 = arith.constant 16 : i32
      %mul3A_374 = arith.muli %add3A_372, %mul3A_373 : i32
      %swap3A_375 = arith.index_cast %mul3A_374 : i32 to index
      %swap3A_376 = tpu.vector_load %arg5[%swap3A_375] {strides = array<i32>} : memref<8192xf32, #tpu.memory_space<vmem>>, vector<16xf32>,
      tpu.vector_store %arg5[%swap3A_375], %broadcast_in_dim3A_4 {strides = array<i32>} : memref<8192xf32, #tpu.memory_space<vmem>>, vector<16xf32>,
      %mul3A_377 = arith.constant 8 : i32
      %mul3A_378 = arith.muli %scan3A_367, %mul3A_377 : i32
      %add3A_379 = arith.constant 1 : i32
      %add3A_380 = arith.addi %mul3A_378, %add3A_379 : i32
      %mul3A_381 = arith.constant 16 : i32
      %mul3A_382 = arith.muli %add3A_380, %mul3A_381 : i32
      %swap3A_383 = arith.index_cast %mul3A_382 : i32 to index
      %swap3A_384 = tpu.vector_load %arg5[%swap3A_383] {strides = array<i32>} : memref<8192xf32, #tpu.memory_space<vmem>>, vector<16xf32>,
      tpu.vector_store %arg5[%swap3A_383], %broadcast_in_dim3A_4 {strides = array<i32>} : memref<8192xf32, #tpu.memory_space<vmem>>, vector<16xf32>,
      %mul3A_385 = arith.constant 8 : i32
      %mul3A_386 = arith.muli %scan3A_367, %mul3A_385 : i32
      %add3A_387 = arith.constant 2 : i32
      %add3A_388 = arith.addi %mul3A_386, %add3A_387 : i32
      %mul3A_389 = arith.constant 16 : i32
      %mul3A_390 = arith.muli %add3A_388, %mul3A_389 : i32
      %swap3A_391 = arith.index_cast %mul3A_390 : i32 to index
      %swap3A_392 = tpu.vector_load %arg5[%swap3A_391] {strides = array<i32>} : memref<8192xf32, #tpu.memory_space<vmem>>, vector<16xf32>,
      tpu.vector_store %arg5[%swap3A_391], %broadcast_in_dim3A_4 {strides = array<i32>} : memref<8192xf32, #tpu.memory_space<vmem>>, vector<16xf32>,
      %mul3A_393 = arith.constant 8 : i32
      %mul3A_394 = arith.muli %scan3A_367, %mul3A_393 : i32
      %add3A_395 = arith.constant 3 : i32
      %add3A_396 = arith.addi %mul3A_394, %add3A_395 : i32
      %mul3A_397 = arith.constant 16 : i32
      %mul3A_398 = arith.muli %add3A_396, %mul3A_397 : i32
      %swap3A_399 = arith.index_cast %mul3A_398 : i32 to index
      %swap3A_400 = tpu.vector_load %arg5[%swap3A_399] {strides = array<i32>} : memref<8192xf32, #tpu.memory_space<vmem>>, vector<16xf32>,
      tpu.vector_store %arg5[%swap3A_399], %broadcast_in_dim3A_4 {strides = array<i32>} : memref<8192xf32, #tpu.memory_space<vmem>>, vector<16xf32>,
      %mul3A_401 = arith.constant 8 : i32
      %mul3A_402 = arith.muli %scan3A_367, %mul3A_401 : i32
      %add3A_403 = arith.constant 4 : i32
      %add3A_404 = arith.addi %mul3A_402, %add3A_403 : i32
      %mul3A_405 = arith.constant 16 : i32
      %mul3A_406 = arith.muli %add3A_404, %mul3A_405 : i32
      %swap3A_407 = arith.index_cast %mul3A_406 : i32 to index
      %swap3A_408 = tpu.vector_load %arg5[%swap3A_407] {strides = array<i32>} : memref<8192xf32, #tpu.memory_space<vmem>>, vector<16xf32>,
      tpu.vector_store %arg5[%swap3A_407], %broadcast_in_dim3A_4 {strides = array<i32>} : memref<8192xf32, #tpu.memory_space<vmem>>, vector<16xf32>,
      %mul3A_409 = arith.constant 8 : i32
      %mul3A_410 = arith.muli %scan3A_367, %mul3A_409 : i32
      %add3A_411 = arith.constant 5 : i32
      %add3A_412 = arith.addi %mul3A_410, %add3A_411 : i32
      %mul3A_413 = arith.constant 16 : i32
      %mul3A_414 = arith.muli %add3A_412, %mul3A_413 : i32
      %swap3A_415 = arith.index_cast %mul3A_414 : i32 to index
      %swap3A_416 = tpu.vector_load %arg5[%swap3A_415] {strides = array<i32>} : memref<8192xf32, #tpu.memory_space<vmem>>, vector<16xf32>,
      tpu.vector_store %arg5[%swap3A_415], %broadcast_in_dim3A_4 {strides = array<i32>} : memref<8192xf32, #tpu.memory_space<vmem>>, vector<16xf32>,
      %mul3A_417 = arith.constant 8 : i32
      %mul3A_418 = arith.muli %scan3A_367, %mul3A_417 : i32
      %add3A_419 = arith.constant 6 : i32
      %add3A_420 = arith.addi %mul3A_418, %add3A_419 : i32
      %mul3A_421 = arith.constant 16 : i32
      %mul3A_422 = arith.muli %add3A_420, %mul3A_421 : i32
      %swap3A_423 = arith.index_cast %mul3A_422 : i32 to index
      %swap3A_424 = tpu.vector_load %arg5[%swap3A_423] {strides = array<i32>} : memref<8192xf32, #tpu.memory_space<vmem>>, vector<16xf32>,
      tpu.vector_store %arg5[%swap3A_423], %broadcast_in_dim3A_4 {strides = array<i32>} : memref<8192xf32, #tpu.memory_space<vmem>>, vector<16xf32>,
      %mul3A_425 = arith.constant 8 : i32
      %mul3A_426 = arith.muli %scan3A_367, %mul3A_425 : i32
      %add3A_427 = arith.constant 7 : i32
      %add3A_428 = arith.addi %mul3A_426, %add3A_427 : i32
      %mul3A_429 = arith.constant 16 : i32
      %mul3A_430 = arith.muli %add3A_428, %mul3A_429 : i32
      %swap3A_431 = arith.index_cast %mul3A_430 : i32 to index
      %swap3A_432 = tpu.vector_load %arg5[%swap3A_431] {strides = array<i32>} : memref<8192xf32, #tpu.memory_space<vmem>>, vector<16xf32>,
      tpu.vector_store %arg5[%swap3A_431], %broadcast_in_dim3A_4 {strides = array<i32>} : memref<8192xf32, #tpu.memory_space<vmem>>, vector<16xf32>,
      %scan3A_433 = arith.constant 0 : i32
      scf.yield %scan3A_433 : i32
    }
    %scan3A_256 = arith.constant 64 : i32
    %scan3A_257 = arith.constant 0 : i32
    %scan3A_258 = arith.constant 0 : i32
    %scan3A_259 = arith.constant 625 : i32
    %scan3A_260 = arith.addi %scan3A_258, %scan3A_259 : i32
    %scan3A_261 = arith.constant 1 : i32
    %scan3A_262 = scf.for %scan3A_367 = %scan3A_258 to %scan3A_260 step %scan3A_261 iter_args(%scan3A_368 = %scan3A_257) -> (i32)  : i32 {
      %mul3A_369 = arith.constant 10 : i32
      %mul3A_370 = arith.muli %scan3A_367, %mul3A_369 : i32
      %add3A_371 = arith.constant 0 : i32
      %add3A_372 = arith.addi %mul3A_370, %add3A_371 : i32
      %mul3A_373 = arith.constant 16 : i32
      %mul3A_374 = arith.muli %add3A_372, %mul3A_373 : i32
      %get3A = arith.index_cast %mul3A_374 : i32 to index
      %get3A_375 = tpu.vector_load %arg4[%get3A] {strides = array<i32>} : memref<100000xf32, #tpu.memory_space<vmem>>, vector<16xf32>,
      %mul3A_376 = arith.constant 10 : i32
      %mul3A_377 = arith.muli %scan3A_367, %mul3A_376 : i32
      %add3A_378 = arith.constant 1 : i32
      %add3A_379 = arith.addi %mul3A_377, %add3A_378 : i32
      %mul3A_380 = arith.constant 16 : i32
      %mul3A_381 = arith.muli %add3A_379, %mul3A_380 : i32
      %get3A_382 = arith.index_cast %mul3A_381 : i32 to index
      %get3A_383 = tpu.vector_load %arg4[%get3A_382] {strides = array<i32>} : memref<100000xf32, #tpu.memory_space<vmem>>, vector<16xf32>,
      %mul3A_384 = arith.constant 10 : i32
      %mul3A_385 = arith.muli %scan3A_367, %mul3A_384 : i32
      %add3A_386 = arith.constant 2 : i32
      %add3A_387 = arith.addi %mul3A_385, %add3A_386 : i32
      %mul3A_388 = arith.constant 16 : i32
      %mul3A_389 = arith.muli %add3A_387, %mul3A_388 : i32
      %get3A_390 = arith.index_cast %mul3A_389 : i32 to index
      %get3A_391 = tpu.vector_load %arg4[%get3A_390] {strides = array<i32>} : memref<100000xf32, #tpu.memory_space<vmem>>, vector<16xf32>,
      %mul3A_392 = arith.constant 10 : i32
      %mul3A_393 = arith.muli %scan3A_367, %mul3A_392 : i32
      %add3A_394 = arith.constant 3 : i32
      %add3A_395 = arith.addi %mul3A_393, %add3A_394 : i32
      %mul3A_396 = arith.constant 16 : i32
      %mul3A_397 = arith.muli %add3A_395, %mul3A_396 : i32
      %get3A_398 = arith.index_cast %mul3A_397 : i32 to index
      %get3A_399 = tpu.vector_load %arg4[%get3A_398] {strides = array<i32>} : memref<100000xf32, #tpu.memory_space<vmem>>, vector<16xf32>,
      %mul3A_400 = arith.constant 10 : i32
      %mul3A_401 = arith.muli %scan3A_367, %mul3A_400 : i32
      %add3A_402 = arith.constant 4 : i32
      %add3A_403 = arith.addi %mul3A_401, %add3A_402 : i32
      %mul3A_404 = arith.constant 16 : i32
      %mul3A_405 = arith.muli %add3A_403, %mul3A_404 : i32
      %get3A_406 = arith.index_cast %mul3A_405 : i32 to index
      %get3A_407 = tpu.vector_load %arg4[%get3A_406] {strides = array<i32>} : memref<100000xf32, #tpu.memory_space<vmem>>, vector<16xf32>,
      %mul3A_408 = arith.constant 10 : i32
      %mul3A_409 = arith.muli %scan3A_367, %mul3A_408 : i32
      %add3A_410 = arith.constant 5 : i32
      %add3A_411 = arith.addi %mul3A_409, %add3A_410 : i32
      %mul3A_412 = arith.constant 16 : i32
      %mul3A_413 = arith.muli %add3A_411, %mul3A_412 : i32
      %get3A_414 = arith.index_cast %mul3A_413 : i32 to index
      %get3A_415 = tpu.vector_load %arg4[%get3A_414] {strides = array<i32>} : memref<100000xf32, #tpu.memory_space<vmem>>, vector<16xf32>,
      %mul3A_416 = arith.constant 10 : i32
      %mul3A_417 = arith.muli %scan3A_367, %mul3A_416 : i32
      %add3A_418 = arith.constant 6 : i32
      %add3A_419 = arith.addi %mul3A_417, %add3A_418 : i32
      %mul3A_420 = arith.constant 16 : i32
      %mul3A_421 = arith.muli %add3A_419, %mul3A_420 : i32
      %get3A_422 = arith.index_cast %mul3A_421 : i32 to index
      %get3A_423 = tpu.vector_load %arg4[%get3A_422] {strides = array<i32>} : memref<100000xf32, #tpu.memory_space<vmem>>, vector<16xf32>,
      %mul3A_424 = arith.constant 10 : i32
      %mul3A_425 = arith.muli %scan3A_367, %mul3A_424 : i32
      %add3A_426 = arith.constant 7 : i32
      %add3A_427 = arith.addi %mul3A_425, %add3A_426 : i32
      %mul3A_428 = arith.constant 16 : i32
      %mul3A_429 = arith.muli %add3A_427, %mul3A_428 : i32
      %get3A_430 = arith.index_cast %mul3A_429 : i32 to index
      %get3A_431 = tpu.vector_load %arg4[%get3A_430] {strides = array<i32>} : memref<100000xf32, #tpu.memory_space<vmem>>, vector<16xf32>,
      %mul3A_432 = arith.constant 10 : i32
      %mul3A_433 = arith.muli %scan3A_367, %mul3A_432 : i32
      %add3A_434 = arith.constant 8 : i32
      %add3A_435 = arith.addi %mul3A_433, %add3A_434 : i32
      %mul3A_436 = arith.constant 16 : i32
      %mul3A_437 = arith.muli %add3A_435, %mul3A_436 : i32
      %get3A_438 = arith.index_cast %mul3A_437 : i32 to index
      %get3A_439 = tpu.vector_load %arg4[%get3A_438] {strides = array<i32>} : memref<100000xf32, #tpu.memory_space<vmem>>, vector<16xf32>,
      %mul3A_440 = arith.constant 10 : i32
      %mul3A_441 = arith.muli %scan3A_367, %mul3A_440 : i32
      %add3A_442 = arith.constant 9 : i32
      %add3A_443 = arith.addi %mul3A_441, %add3A_442 : i32
      %mul3A_444 = arith.constant 16 : i32
      %mul3A_445 = arith.muli %add3A_443, %mul3A_444 : i32
      %get3A_446 = arith.index_cast %mul3A_445 : i32 to index
      %get3A_447 = tpu.vector_load %arg4[%get3A_446] {strides = array<i32>} : memref<100000xf32, #tpu.memory_space<vmem>>, vector<16xf32>,
      %bitcast3A = vector.bitcast %get3A_375 : vector<16xf32> to vector<16xi32>
      %bitcast3A_448 = vector.bitcast %get3A_383 : vector<16xf32> to vector<16xi32>
      %bitcast3A_449 = vector.bitcast %get3A_391 : vector<16xf32> to vector<16xi32>
      %bitcast3A_450 = vector.bitcast %get3A_399 : vector<16xf32> to vector<16xi32>
      %bitcast3A_451 = vector.bitcast %get3A_407 : vector<16xf32> to vector<16xi32>
      %bitcast3A_452 = vector.bitcast %get3A_415 : vector<16xf32> to vector<16xi32>
      %bitcast3A_453 = vector.bitcast %get3A_423 : vector<16xf32> to vector<16xi32>
      %bitcast3A_454 = vector.bitcast %get3A_431 : vector<16xf32> to vector<16xi32>
      %bitcast3A_455 = vector.bitcast %get3A_439 : vector<16xf32> to vector<16xi32>
      %bitcast3A_456 = vector.bitcast %get3A_447 : vector<16xf32> to vector<16xi32>
      %shift_right_logical3A = arith.constant 22 : i32
      %shift_right_logical3A_457 = vector.broadcast %shift_right_logical3A : i32 to vector<16xi32>
      %shift_right_logical3A_458 = arith.shrui %bitcast3A, %shift_right_logical3A_457 : vector<16xi32>
      %eq3A = arith.cmpi eq, %shift_right_logical3A_458, %max3A_245 : vector<16xi32>
      %shift_right_logical3A_459 = arith.constant 22 : i32
      %shift_right_logical3A_460 = vector.broadcast %shift_right_logical3A_459 : i32 to vector<16xi32>
      %shift_right_logical3A_461 = arith.shrui %bitcast3A_448, %shift_right_logical3A_460 : vector<16xi32>
      %eq3A_462 = arith.cmpi eq, %shift_right_logical3A_461, %max3A_245 : vector<16xi32>
      %shift_right_logical3A_463 = arith.constant 22 : i32
      %shift_right_logical3A_464 = vector.broadcast %shift_right_logical3A_463 : i32 to vector<16xi32>
      %shift_right_logical3A_465 = arith.shrui %bitcast3A_449, %shift_right_logical3A_464 : vector<16xi32>
      %eq3A_466 = arith.cmpi eq, %shift_right_logical3A_465, %max3A_245 : vector<16xi32>
      %shift_right_logical3A_467 = arith.constant 22 : i32
      %shift_right_logical3A_468 = vector.broadcast %shift_right_logical3A_467 : i32 to vector<16xi32>
      %shift_right_logical3A_469 = arith.shrui %bitcast3A_450, %shift_right_logical3A_468 : vector<16xi32>
      %eq3A_470 = arith.cmpi eq, %shift_right_logical3A_469, %max3A_245 : vector<16xi32>
      %shift_right_logical3A_471 = arith.constant 22 : i32
      %shift_right_logical3A_472 = vector.broadcast %shift_right_logical3A_471 : i32 to vector<16xi32>
      %shift_right_logical3A_473 = arith.shrui %bitcast3A_451, %shift_right_logical3A_472 : vector<16xi32>
      %eq3A_474 = arith.cmpi eq, %shift_right_logical3A_473, %max3A_245 : vector<16xi32>
      %shift_right_logical3A_475 = arith.constant 22 : i32
      %shift_right_logical3A_476 = vector.broadcast %shift_right_logical3A_475 : i32 to vector<16xi32>
      %shift_right_logical3A_477 = arith.shrui %bitcast3A_452, %shift_right_logical3A_476 : vector<16xi32>
      %eq3A_478 = arith.cmpi eq, %shift_right_logical3A_477, %max3A_245 : vector<16xi32>
      %shift_right_logical3A_479 = arith.constant 22 : i32
      %shift_right_logical3A_480 = vector.broadcast %shift_right_logical3A_479 : i32 to vector<16xi32>
      %shift_right_logical3A_481 = arith.shrui %bitcast3A_453, %shift_right_logical3A_480 : vector<16xi32>
      %eq3A_482 = arith.cmpi eq, %shift_right_logical3A_481, %max3A_245 : vector<16xi32>
      %shift_right_logical3A_483 = arith.constant 22 : i32
      %shift_right_logical3A_484 = vector.broadcast %shift_right_logical3A_483 : i32 to vector<16xi32>
      %shift_right_logical3A_485 = arith.shrui %bitcast3A_454, %shift_right_logical3A_484 : vector<16xi32>
      %eq3A_486 = arith.cmpi eq, %shift_right_logical3A_485, %max3A_245 : vector<16xi32>
      %shift_right_logical3A_487 = arith.constant 22 : i32
      %shift_right_logical3A_488 = vector.broadcast %shift_right_logical3A_487 : i32 to vector<16xi32>
      %shift_right_logical3A_489 = arith.shrui %bitcast3A_455, %shift_right_logical3A_488 : vector<16xi32>
      %eq3A_490 = arith.cmpi eq, %shift_right_logical3A_489, %max3A_245 : vector<16xi32>
      %shift_right_logical3A_491 = arith.constant 22 : i32
      %shift_right_logical3A_492 = vector.broadcast %shift_right_logical3A_491 : i32 to vector<16xi32>
      %shift_right_logical3A_493 = arith.shrui %bitcast3A_456, %shift_right_logical3A_492 : vector<16xi32>
      %eq3A_494 = arith.cmpi eq, %shift_right_logical3A_493, %max3A_245 : vector<16xi32>
      %shift_right_logical3A_495 = arith.constant 13 : i32
      %shift_right_logical3A_496 = vector.broadcast %shift_right_logical3A_495 : i32 to vector<16xi32>
      %shift_right_logical3A_497 = arith.shrui %bitcast3A, %shift_right_logical3A_496 : vector<16xi32>
      %and3A = arith.constant 511 : i32
      %and3A_498 = vector.broadcast %and3A : i32 to vector<16xi32>
      %and3A_499 = arith.andi %shift_right_logical3A_497, %and3A_498 : vector<16xi32>
      %shift_right_logical3A_500 = arith.constant 13 : i32
      %shift_right_logical3A_501 = vector.broadcast %shift_right_logical3A_500 : i32 to vector<16xi32>
      %shift_right_logical3A_502 = arith.shrui %bitcast3A_448, %shift_right_logical3A_501 : vector<16xi32>
      %and3A_503 = arith.constant 511 : i32
      %and3A_504 = vector.broadcast %and3A_503 : i32 to vector<16xi32>
      %and3A_505 = arith.andi %shift_right_logical3A_502, %and3A_504 : vector<16xi32>
      %shift_right_logical3A_506 = arith.constant 13 : i32
      %shift_right_logical3A_507 = vector.broadcast %shift_right_logical3A_506 : i32 to vector<16xi32>
      %shift_right_logical3A_508 = arith.shrui %bitcast3A_449, %shift_right_logical3A_507 : vector<16xi32>
      %and3A_509 = arith.constant 511 : i32
      %and3A_510 = vector.broadcast %and3A_509 : i32 to vector<16xi32>
      %and3A_511 = arith.andi %shift_right_logical3A_508, %and3A_510 : vector<16xi32>
      %shift_right_logical3A_512 = arith.constant 13 : i32
      %shift_right_logical3A_513 = vector.broadcast %shift_right_logical3A_512 : i32 to vector<16xi32>
      %shift_right_logical3A_514 = arith.shrui %bitcast3A_450, %shift_right_logical3A_513 : vector<16xi32>
      %and3A_515 = arith.constant 511 : i32
      %and3A_516 = vector.broadcast %and3A_515 : i32 to vector<16xi32>
      %and3A_517 = arith.andi %shift_right_logical3A_514, %and3A_516 : vector<16xi32>
      %shift_right_logical3A_518 = arith.constant 13 : i32
      %shift_right_logical3A_519 = vector.broadcast %shift_right_logical3A_518 : i32 to vector<16xi32>
      %shift_right_logical3A_520 = arith.shrui %bitcast3A_451, %shift_right_logical3A_519 : vector<16xi32>
      %and3A_521 = arith.constant 511 : i32
      %and3A_522 = vector.broadcast %and3A_521 : i32 to vector<16xi32>
      %and3A_523 = arith.andi %shift_right_logical3A_520, %and3A_522 : vector<16xi32>
      %shift_right_logical3A_524 = arith.constant 13 : i32
      %shift_right_logical3A_525 = vector.broadcast %shift_right_logical3A_524 : i32 to vector<16xi32>
      %shift_right_logical3A_526 = arith.shrui %bitcast3A_452, %shift_right_logical3A_525 : vector<16xi32>
      %and3A_527 = arith.constant 511 : i32
      %and3A_528 = vector.broadcast %and3A_527 : i32 to vector<16xi32>
      %and3A_529 = arith.andi %shift_right_logical3A_526, %and3A_528 : vector<16xi32>
      %shift_right_logical3A_530 = arith.constant 13 : i32
      %shift_right_logical3A_531 = vector.broadcast %shift_right_logical3A_530 : i32 to vector<16xi32>
      %shift_right_logical3A_532 = arith.shrui %bitcast3A_453, %shift_right_logical3A_531 : vector<16xi32>
      %and3A_533 = arith.constant 511 : i32
      %and3A_534 = vector.broadcast %and3A_533 : i32 to vector<16xi32>
      %and3A_535 = arith.andi %shift_right_logical3A_532, %and3A_534 : vector<16xi32>
      %shift_right_logical3A_536 = arith.constant 13 : i32
      %shift_right_logical3A_537 = vector.broadcast %shift_right_logical3A_536 : i32 to vector<16xi32>
      %shift_right_logical3A_538 = arith.shrui %bitcast3A_454, %shift_right_logical3A_537 : vector<16xi32>
      %and3A_539 = arith.constant 511 : i32
      %and3A_540 = vector.broadcast %and3A_539 : i32 to vector<16xi32>
      %and3A_541 = arith.andi %shift_right_logical3A_538, %and3A_540 : vector<16xi32>
      %shift_right_logical3A_542 = arith.constant 13 : i32
      %shift_right_logical3A_543 = vector.broadcast %shift_right_logical3A_542 : i32 to vector<16xi32>
      %shift_right_logical3A_544 = arith.shrui %bitcast3A_455, %shift_right_logical3A_543 : vector<16xi32>
      %and3A_545 = arith.constant 511 : i32
      %and3A_546 = vector.broadcast %and3A_545 : i32 to vector<16xi32>
      %and3A_547 = arith.andi %shift_right_logical3A_544, %and3A_546 : vector<16xi32>
      %shift_right_logical3A_548 = arith.constant 13 : i32
      %shift_right_logical3A_549 = vector.broadcast %shift_right_logical3A_548 : i32 to vector<16xi32>
      %shift_right_logical3A_550 = arith.shrui %bitcast3A_456, %shift_right_logical3A_549 : vector<16xi32>
      %and3A_551 = arith.constant 511 : i32
      %and3A_552 = vector.broadcast %and3A_551 : i32 to vector<16xi32>
      %and3A_553 = arith.andi %shift_right_logical3A_550, %and3A_552 : vector<16xi32>
      %add3A_554 = arith.addi %mul3A_3, %and3A_499 : vector<16xi32>
      %add3A_555 = arith.addi %mul3A_3, %and3A_505 : vector<16xi32>
      %add3A_556 = arith.addi %mul3A_3, %and3A_511 : vector<16xi32>
      %add3A_557 = arith.addi %mul3A_3, %and3A_517 : vector<16xi32>
      %add3A_558 = arith.addi %mul3A_3, %and3A_523 : vector<16xi32>
      %add3A_559 = arith.addi %mul3A_3, %and3A_529 : vector<16xi32>
      %add3A_560 = arith.addi %mul3A_3, %and3A_535 : vector<16xi32>
      %add3A_561 = arith.addi %mul3A_3, %and3A_541 : vector<16xi32>
      %add3A_562 = arith.addi %mul3A_3, %and3A_547 : vector<16xi32>
      %add3A_563 = arith.addi %mul3A_3, %and3A_553 : vector<16xi32>
      tpu.vector_store_idx %arg5[%add3A_554], %get3A_375 masked %eq3A {add = true} : memref<8192xf32, #tpu.memory_space<vmem>>[vector<16xi32>], vector<16xf32>, vector<16xi1>
      tpu.vector_store_idx %arg5[%add3A_555], %get3A_383 masked %eq3A_462 {add = true} : memref<8192xf32, #tpu.memory_space<vmem>>[vector<16xi32>], vector<16xf32>, vector<16xi1>
      tpu.vector_store_idx %arg5[%add3A_556], %get3A_391 masked %eq3A_466 {add = true} : memref<8192xf32, #tpu.memory_space<vmem>>[vector<16xi32>], vector<16xf32>, vector<16xi1>
      tpu.vector_store_idx %arg5[%add3A_557], %get3A_399 masked %eq3A_470 {add = true} : memref<8192xf32, #tpu.memory_space<vmem>>[vector<16xi32>], vector<16xf32>, vector<16xi1>
      tpu.vector_store_idx %arg5[%add3A_558], %get3A_407 masked %eq3A_474 {add = true} : memref<8192xf32, #tpu.memory_space<vmem>>[vector<16xi32>], vector<16xf32>, vector<16xi1>
      tpu.vector_store_idx %arg5[%add3A_559], %get3A_415 masked %eq3A_478 {add = true} : memref<8192xf32, #tpu.memory_space<vmem>>[vector<16xi32>], vector<16xf32>, vector<16xi1>
      tpu.vector_store_idx %arg5[%add3A_560], %get3A_423 masked %eq3A_482 {add = true} : memref<8192xf32, #tpu.memory_space<vmem>>[vector<16xi32>], vector<16xf32>, vector<16xi1>
      tpu.vector_store_idx %arg5[%add3A_561], %get3A_431 masked %eq3A_486 {add = true} : memref<8192xf32, #tpu.memory_space<vmem>>[vector<16xi32>], vector<16xf32>, vector<16xi1>
      tpu.vector_store_idx %arg5[%add3A_562], %get3A_439 masked %eq3A_490 {add = true} : memref<8192xf32, #tpu.memory_space<vmem>>[vector<16xi32>], vector<16xf32>, vector<16xi1>
      tpu.vector_store_idx %arg5[%add3A_563], %get3A_447 masked %eq3A_494 {add = true} : memref<8192xf32, #tpu.memory_space<vmem>>[vector<16xi32>], vector<16xf32>, vector<16xi1>
      %scan3A_564 = arith.constant 0 : i32
      scf.yield %scan3A_564 : i32
    }
    %scan3A_263 = arith.constant 625 : i32
    %swap3A_264 = arith.constant 512 : index
    %swap3A_265 = tpu.vector_load %arg6[%swap3A_264] {strides = array<i32>} : memref<528xf32, #tpu.memory_space<vmem>>, vector<16xf32>,
    tpu.vector_store %arg6[%swap3A_264], %gather3A_249 {strides = array<i32>} : memref<528xf32, #tpu.memory_space<vmem>>, vector<16xf32>,
    %scan3A_266 = arith.constant 0 : i32
    %scan3A_267 = arith.constant 32 : i32
    %scan3A_268 = arith.addi %scan3A_266, %scan3A_267 : i32
    %scan3A_269 = arith.constant 1 : i32
    %scan3A_270 = scf.for %scan3A_367 = %scan3A_266 to %scan3A_268 step %scan3A_269 iter_args(%scan3A_368 = %gather3A_249) -> (vector<16xf32>)  : i32 {
      %sub3A_369 = arith.constant 31 : i32
      %sub3A_370 = arith.subi %sub3A_369, %scan3A_367 : i32
      %mul3A_371 = arith.constant 16 : i32
      %mul3A_372 = arith.muli %sub3A_370, %mul3A_371 : i32
      %add3A_373 = arith.constant 0 : i32
      %add3A_374 = arith.addi %add3A_373, %mul3A_372 : i32
      %get3A = arith.index_cast %add3A_374 : i32 to index
      %get3A_375 = tpu.vector_load %arg5[%get3A] {strides = array<i32>} : memref<8192xf32, #tpu.memory_space<vmem>>, vector<16xf32>,
      %add3A_376 = arith.addf %broadcast_in_dim3A_4, %get3A_375 : vector<16xf32>
      %mul3A_377 = arith.constant 16 : i32
      %mul3A_378 = arith.muli %sub3A_370, %mul3A_377 : i32
      %add3A_379 = arith.constant 512 : i32
      %add3A_380 = arith.addi %add3A_379, %mul3A_378 : i32
      %get3A_381 = arith.index_cast %add3A_380 : i32 to index
      %get3A_382 = tpu.vector_load %arg5[%get3A_381] {strides = array<i32>} : memref<8192xf32, #tpu.memory_space<vmem>>, vector<16xf32>,
      %add3A_383 = arith.addf %add3A_376, %get3A_382 : vector<16xf32>
      %mul3A_384 = arith.constant 16 : i32
      %mul3A_385 = arith.muli %sub3A_370, %mul3A_384 : i32
      %add3A_386 = arith.constant 1024 : i32
      %add3A_387 = arith.addi %add3A_386, %mul3A_385 : i32
      %get3A_388 = arith.index_cast %add3A_387 : i32 to index
      %get3A_389 = tpu.vector_load %arg5[%get3A_388] {strides = array<i32>} : memref<8192xf32, #tpu.memory_space<vmem>>, vector<16xf32>,
      %add3A_390 = arith.addf %add3A_383, %get3A_389 : vector<16xf32>
      %mul3A_391 = arith.constant 16 : i32
      %mul3A_392 = arith.muli %sub3A_370, %mul3A_391 : i32
      %add3A_393 = arith.constant 1536 : i32
      %add3A_394 = arith.addi %add3A_393, %mul3A_392 : i32
      %get3A_395 = arith.index_cast %add3A_394 : i32 to index
      %get3A_396 = tpu.vector_load %arg5[%get3A_395] {strides = array<i32>} : memref<8192xf32, #tpu.memory_space<vmem>>, vector<16xf32>,
      %add3A_397 = arith.addf %add3A_390, %get3A_396 : vector<16xf32>
      %mul3A_398 = arith.constant 16 : i32
      %mul3A_399 = arith.muli %sub3A_370, %mul3A_398 : i32
      %add3A_400 = arith.constant 2048 : i32
      %add3A_401 = arith.addi %add3A_400, %mul3A_399 : i32
      %get3A_402 = arith.index_cast %add3A_401 : i32 to index
      %get3A_403 = tpu.vector_load %arg5[%get3A_402] {strides = array<i32>} : memref<8192xf32, #tpu.memory_space<vmem>>, vector<16xf32>,
      %add3A_404 = arith.addf %add3A_397, %get3A_403 : vector<16xf32>
      %mul3A_405 = arith.constant 16 : i32
      %mul3A_406 = arith.muli %sub3A_370, %mul3A_405 : i32
      %add3A_407 = arith.constant 2560 : i32
      %add3A_408 = arith.addi %add3A_407, %mul3A_406 : i32
      %get3A_409 = arith.index_cast %add3A_408 : i32 to index
      %get3A_410 = tpu.vector_load %arg5[%get3A_409] {strides = array<i32>} : memref<8192xf32, #tpu.memory_space<vmem>>, vector<16xf32>,
      %add3A_411 = arith.addf %add3A_404, %get3A_410 : vector<16xf32>
      %mul3A_412 = arith.constant 16 : i32
      %mul3A_413 = arith.muli %sub3A_370, %mul3A_412 : i32
      %add3A_414 = arith.constant 3072 : i32
      %add3A_415 = arith.addi %add3A_414, %mul3A_413 : i32
      %get3A_416 = arith.index_cast %add3A_415 : i32 to index
      %get3A_417 = tpu.vector_load %arg5[%get3A_416] {strides = array<i32>} : memref<8192xf32, #tpu.memory_space<vmem>>, vector<16xf32>,
      %add3A_418 = arith.addf %add3A_411, %get3A_417 : vector<16xf32>
      %mul3A_419 = arith.constant 16 : i32
      %mul3A_420 = arith.muli %sub3A_370, %mul3A_419 : i32
      %add3A_421 = arith.constant 3584 : i32
      %add3A_422 = arith.addi %add3A_421, %mul3A_420 : i32
      %get3A_423 = arith.index_cast %add3A_422 : i32 to index
      %get3A_424 = tpu.vector_load %arg5[%get3A_423] {strides = array<i32>} : memref<8192xf32, #tpu.memory_space<vmem>>, vector<16xf32>,
      %add3A_425 = arith.addf %add3A_418, %get3A_424 : vector<16xf32>
      %mul3A_426 = arith.constant 16 : i32
      %mul3A_427 = arith.muli %sub3A_370, %mul3A_426 : i32
      %add3A_428 = arith.constant 4096 : i32
      %add3A_429 = arith.addi %add3A_428, %mul3A_427 : i32
      %get3A_430 = arith.index_cast %add3A_429 : i32 to index
      %get3A_431 = tpu.vector_load %arg5[%get3A_430] {strides = array<i32>} : memref<8192xf32, #tpu.memory_space<vmem>>, vector<16xf32>,
      %add3A_432 = arith.addf %add3A_425, %get3A_431 : vector<16xf32>
      %mul3A_433 = arith.constant 16 : i32
      %mul3A_434 = arith.muli %sub3A_370, %mul3A_433 : i32
      %add3A_435 = arith.constant 4608 : i32
      %add3A_436 = arith.addi %add3A_435, %mul3A_434 : i32
      %get3A_437 = arith.index_cast %add3A_436 : i32 to index
      %get3A_438 = tpu.vector_load %arg5[%get3A_437] {strides = array<i32>} : memref<8192xf32, #tpu.memory_space<vmem>>, vector<16xf32>,
      %add3A_439 = arith.addf %add3A_432, %get3A_438 : vector<16xf32>
      %mul3A_440 = arith.constant 16 : i32
      %mul3A_441 = arith.muli %sub3A_370, %mul3A_440 : i32
      %add3A_442 = arith.constant 5120 : i32
      %add3A_443 = arith.addi %add3A_442, %mul3A_441 : i32
      %get3A_444 = arith.index_cast %add3A_443 : i32 to index
      %get3A_445 = tpu.vector_load %arg5[%get3A_444] {strides = array<i32>} : memref<8192xf32, #tpu.memory_space<vmem>>, vector<16xf32>,
      %add3A_446 = arith.addf %add3A_439, %get3A_445 : vector<16xf32>
      %mul3A_447 = arith.constant 16 : i32
      %mul3A_448 = arith.muli %sub3A_370, %mul3A_447 : i32
      %add3A_449 = arith.constant 5632 : i32
      %add3A_450 = arith.addi %add3A_449, %mul3A_448 : i32
      %get3A_451 = arith.index_cast %add3A_450 : i32 to index
      %get3A_452 = tpu.vector_load %arg5[%get3A_451] {strides = array<i32>} : memref<8192xf32, #tpu.memory_space<vmem>>, vector<16xf32>,
      %add3A_453 = arith.addf %add3A_446, %get3A_452 : vector<16xf32>
      %mul3A_454 = arith.constant 16 : i32
      %mul3A_455 = arith.muli %sub3A_370, %mul3A_454 : i32
      %add3A_456 = arith.constant 6144 : i32
      %add3A_457 = arith.addi %add3A_456, %mul3A_455 : i32
      %get3A_458 = arith.index_cast %add3A_457 : i32 to index
      %get3A_459 = tpu.vector_load %arg5[%get3A_458] {strides = array<i32>} : memref<8192xf32, #tpu.memory_space<vmem>>, vector<16xf32>,
      %add3A_460 = arith.addf %add3A_453, %get3A_459 : vector<16xf32>
      %mul3A_461 = arith.constant 16 : i32
      %mul3A_462 = arith.muli %sub3A_370, %mul3A_461 : i32
      %add3A_463 = arith.constant 6656 : i32
      %add3A_464 = arith.addi %add3A_463, %mul3A_462 : i32
      %get3A_465 = arith.index_cast %add3A_464 : i32 to index
      %get3A_466 = tpu.vector_load %arg5[%get3A_465] {strides = array<i32>} : memref<8192xf32, #tpu.memory_space<vmem>>, vector<16xf32>,
      %add3A_467 = arith.addf %add3A_460, %get3A_466 : vector<16xf32>
      %mul3A_468 = arith.constant 16 : i32
      %mul3A_469 = arith.muli %sub3A_370, %mul3A_468 : i32
      %add3A_470 = arith.constant 7168 : i32
      %add3A_471 = arith.addi %add3A_470, %mul3A_469 : i32
      %get3A_472 = arith.index_cast %add3A_471 : i32 to index
      %get3A_473 = tpu.vector_load %arg5[%get3A_472] {strides = array<i32>} : memref<8192xf32, #tpu.memory_space<vmem>>, vector<16xf32>,
      %add3A_474 = arith.addf %add3A_467, %get3A_473 : vector<16xf32>
      %mul3A_475 = arith.constant 16 : i32
      %mul3A_476 = arith.muli %sub3A_370, %mul3A_475 : i32
      %add3A_477 = arith.constant 7680 : i32
      %add3A_478 = arith.addi %add3A_477, %mul3A_476 : i32
      %get3A_479 = arith.index_cast %add3A_478 : i32 to index
      %get3A_480 = tpu.vector_load %arg5[%get3A_479] {strides = array<i32>} : memref<8192xf32, #tpu.memory_space<vmem>>, vector<16xf32>,
      %add3A_481 = arith.addf %add3A_474, %get3A_480 : vector<16xf32>
      %rev3A = arith.constant 15 : i32
      %rev3A_482 = vector.broadcast %rev3A : i32 to vector<16xi32>
      %rev3A_483 = tpu.iota {dimensions = array<i32: 0>} : vector<16xi32>
      %rev3A_484 = arith.subi %rev3A_482, %rev3A_483 : vector<16xi32>
      %rev3A_485 = tpu.dynamic_gather %add3A_481[%rev3A_484] in [0] : vector<16xf32>, vector<16xi32> -> vector<16xf32>
      %broadcast_in_dim3A_486 = arith.constant true
      %broadcast_in_dim3A_487 = vector.broadcast %broadcast_in_dim3A_486 : i1 to vector<16xi1>
      %masked_cumsum3A = tpu.scan <sum>, %rev3A_485 masked %broadcast_in_dim3A_487 : vector<16xf32>, vector<16xi1> -> vector<16xf32>
      %rev3A_488 = arith.constant 15 : i32
      %rev3A_489 = vector.broadcast %rev3A_488 : i32 to vector<16xi32>
      %rev3A_490 = tpu.iota {dimensions = array<i32: 0>} : vector<16xi32>
      %rev3A_491 = arith.subi %rev3A_489, %rev3A_490 : vector<16xi32>
      %rev3A_492 = tpu.dynamic_gather %masked_cumsum3A[%rev3A_491] in [0] : vector<16xf32>, vector<16xi32> -> vector<16xf32>
      %add3A_493 = arith.addf %rev3A_492, %scan3A_368 : vector<16xf32>
      %mul3A_494 = arith.constant 16 : i32
      %mul3A_495 = arith.muli %sub3A_370, %mul3A_494 : i32
      %swap3A_496 = arith.index_cast %mul3A_495 : i32 to index
      %swap3A_497 = tpu.vector_load %arg6[%swap3A_496] {strides = array<i32>} : memref<528xf32, #tpu.memory_space<vmem>>, vector<16xf32>,
      tpu.vector_store %arg6[%swap3A_496], %add3A_493 {strides = array<i32>} : memref<528xf32, #tpu.memory_space<vmem>>, vector<16xf32>,
      %reduce_max3A = arith.constant true
      %reduce_max3A_498 = vector.broadcast %reduce_max3A : i1 to vector<16xi1>
      %reduce_max3A_499 = tpu.scan <max>, %add3A_493 masked %reduce_max3A_498 : vector<16xf32>, vector<16xi1> -> vector<16xf32>
      %reduce_max3A_500 = vector.extract %reduce_max3A_499[15] : f32 from vector<16xf32>
      %broadcast_in_dim3A_501 = vector.broadcast %reduce_max3A_500 : f32 to vector<16xf32>
      scf.yield %broadcast_in_dim3A_501 : vector<16xf32>
    }
    %scan3A_271 = arith.constant 32 : i32
    %broadcast_in_dim3A_272 = arith.constant 0 : i32
    %broadcast_in_dim3A_273 = vector.broadcast %broadcast_in_dim3A_272 : i32 to vector<16xi32>
    %scan3A_274 = arith.constant 0 : i32
    %scan3A_275 = arith.constant 32 : i32
    %scan3A_276 = arith.addi %scan3A_274, %scan3A_275 : i32
    %scan3A_277 = arith.constant 1 : i32
    %scan3A_278 = scf.for %scan3A_367 = %scan3A_274 to %scan3A_276 step %scan3A_277 iter_args(%scan3A_368 = %broadcast_in_dim3A_273) -> (vector<16xi32>)  : i32 {
      %mul3A_369 = arith.constant 16 : i32
      %mul3A_370 = arith.muli %scan3A_367, %mul3A_369 : i32
      %get3A = arith.index_cast %mul3A_370 : i32 to index
      %get3A_371 = tpu.vector_load %arg6[%get3A] {strides = array<i32>} : memref<528xf32, #tpu.memory_space<vmem>>, vector<16xf32>,
      %ge3A = arith.cmpf oge, %get3A_371, %mul3A_228 : vector<16xf32>
      %all_reduce_population_count3A = tpu.all_reduce %ge3A {dim = 0 : i64, kind = #tpu.reduction_kind<sum>} : vector<16xi1> -> vector<16xi32>
      %add3A_372 = arith.addi %scan3A_368, %all_reduce_population_count3A : vector<16xi32>
      scf.yield %add3A_372 : vector<16xi32>
    }
    %scan3A_279 = arith.constant 32 : i32
    %sub3A_280 = arith.constant 1 : i32
    %sub3A_281 = vector.broadcast %sub3A_280 : i32 to vector<16xi32>
    %sub3A_282 = arith.subi %scan3A_278, %sub3A_281 : vector<16xi32>
    %max3A_283 = arith.constant 0 : i32
    %max3A_284 = vector.broadcast %max3A_283 : i32 to vector<16xi32>
    %max3A_285 = arith.maxsi %sub3A_282, %max3A_284 : vector<16xi32>
    %add3A_286 = arith.constant 1 : i32
    %add3A_287 = vector.broadcast %add3A_286 : i32 to vector<16xi32>
    %add3A_288 = arith.addi %max3A_285, %add3A_287 : vector<16xi32>
    %gather3A_289 = tpu.vector_load_idx %arg6[%add3A_288] : memref<528xf32, #tpu.memory_space<vmem>>[vector<16xi32>], vector<16xf32>,
    %mul3A_290 = arith.constant 512 : i32
    %mul3A_291 = vector.broadcast %mul3A_290 : i32 to vector<16xi32>
    %mul3A_292 = arith.muli %max3A_245, %mul3A_291 : vector<16xi32>
    %add3A_293 = arith.addi %mul3A_292, %max3A_285 : vector<16xi32>
    %scan3A_294 = arith.constant 0 : i32
    %scan3A_295 = arith.constant 0 : i32
    %scan3A_296 = arith.constant 64 : i32
    %scan3A_297 = arith.addi %scan3A_295, %scan3A_296 : i32
    %scan3A_298 = arith.constant 1 : i32
    %scan3A_299 = scf.for %scan3A_367 = %scan3A_295 to %scan3A_297 step %scan3A_298 iter_args(%scan3A_368 = %scan3A_294) -> (i32)  : i32 {
      %mul3A_369 = arith.constant 8 : i32
      %mul3A_370 = arith.muli %scan3A_367, %mul3A_369 : i32
      %add3A_371 = arith.constant 0 : i32
      %add3A_372 = arith.addi %mul3A_370, %add3A_371 : i32
      %mul3A_373 = arith.constant 16 : i32
      %mul3A_374 = arith.muli %add3A_372, %mul3A_373 : i32
      %swap3A_375 = arith.index_cast %mul3A_374 : i32 to index
      %swap3A_376 = tpu.vector_load %arg5[%swap3A_375] {strides = array<i32>} : memref<8192xf32, #tpu.memory_space<vmem>>, vector<16xf32>,
      tpu.vector_store %arg5[%swap3A_375], %broadcast_in_dim3A_4 {strides = array<i32>} : memref<8192xf32, #tpu.memory_space<vmem>>, vector<16xf32>,
      %mul3A_377 = arith.constant 8 : i32
      %mul3A_378 = arith.muli %scan3A_367, %mul3A_377 : i32
      %add3A_379 = arith.constant 1 : i32
      %add3A_380 = arith.addi %mul3A_378, %add3A_379 : i32
      %mul3A_381 = arith.constant 16 : i32
      %mul3A_382 = arith.muli %add3A_380, %mul3A_381 : i32
      %swap3A_383 = arith.index_cast %mul3A_382 : i32 to index
      %swap3A_384 = tpu.vector_load %arg5[%swap3A_383] {strides = array<i32>} : memref<8192xf32, #tpu.memory_space<vmem>>, vector<16xf32>,
      tpu.vector_store %arg5[%swap3A_383], %broadcast_in_dim3A_4 {strides = array<i32>} : memref<8192xf32, #tpu.memory_space<vmem>>, vector<16xf32>,
      %mul3A_385 = arith.constant 8 : i32
      %mul3A_386 = arith.muli %scan3A_367, %mul3A_385 : i32
      %add3A_387 = arith.constant 2 : i32
      %add3A_388 = arith.addi %mul3A_386, %add3A_387 : i32
      %mul3A_389 = arith.constant 16 : i32
      %mul3A_390 = arith.muli %add3A_388, %mul3A_389 : i32
      %swap3A_391 = arith.index_cast %mul3A_390 : i32 to index
      %swap3A_392 = tpu.vector_load %arg5[%swap3A_391] {strides = array<i32>} : memref<8192xf32, #tpu.memory_space<vmem>>, vector<16xf32>,
      tpu.vector_store %arg5[%swap3A_391], %broadcast_in_dim3A_4 {strides = array<i32>} : memref<8192xf32, #tpu.memory_space<vmem>>, vector<16xf32>,
      %mul3A_393 = arith.constant 8 : i32
      %mul3A_394 = arith.muli %scan3A_367, %mul3A_393 : i32
      %add3A_395 = arith.constant 3 : i32
      %add3A_396 = arith.addi %mul3A_394, %add3A_395 : i32
      %mul3A_397 = arith.constant 16 : i32
      %mul3A_398 = arith.muli %add3A_396, %mul3A_397 : i32
      %swap3A_399 = arith.index_cast %mul3A_398 : i32 to index
      %swap3A_400 = tpu.vector_load %arg5[%swap3A_399] {strides = array<i32>} : memref<8192xf32, #tpu.memory_space<vmem>>, vector<16xf32>,
      tpu.vector_store %arg5[%swap3A_399], %broadcast_in_dim3A_4 {strides = array<i32>} : memref<8192xf32, #tpu.memory_space<vmem>>, vector<16xf32>,
      %mul3A_401 = arith.constant 8 : i32
      %mul3A_402 = arith.muli %scan3A_367, %mul3A_401 : i32
      %add3A_403 = arith.constant 4 : i32
      %add3A_404 = arith.addi %mul3A_402, %add3A_403 : i32
      %mul3A_405 = arith.constant 16 : i32
      %mul3A_406 = arith.muli %add3A_404, %mul3A_405 : i32
      %swap3A_407 = arith.index_cast %mul3A_406 : i32 to index
      %swap3A_408 = tpu.vector_load %arg5[%swap3A_407] {strides = array<i32>} : memref<8192xf32, #tpu.memory_space<vmem>>, vector<16xf32>,
      tpu.vector_store %arg5[%swap3A_407], %broadcast_in_dim3A_4 {strides = array<i32>} : memref<8192xf32, #tpu.memory_space<vmem>>, vector<16xf32>,
      %mul3A_409 = arith.constant 8 : i32
      %mul3A_410 = arith.muli %scan3A_367, %mul3A_409 : i32
      %add3A_411 = arith.constant 5 : i32
      %add3A_412 = arith.addi %mul3A_410, %add3A_411 : i32
      %mul3A_413 = arith.constant 16 : i32
      %mul3A_414 = arith.muli %add3A_412, %mul3A_413 : i32
      %swap3A_415 = arith.index_cast %mul3A_414 : i32 to index
      %swap3A_416 = tpu.vector_load %arg5[%swap3A_415] {strides = array<i32>} : memref<8192xf32, #tpu.memory_space<vmem>>, vector<16xf32>,
      tpu.vector_store %arg5[%swap3A_415], %broadcast_in_dim3A_4 {strides = array<i32>} : memref<8192xf32, #tpu.memory_space<vmem>>, vector<16xf32>,
      %mul3A_417 = arith.constant 8 : i32
      %mul3A_418 = arith.muli %scan3A_367, %mul3A_417 : i32
      %add3A_419 = arith.constant 6 : i32
      %add3A_420 = arith.addi %mul3A_418, %add3A_419 : i32
      %mul3A_421 = arith.constant 16 : i32
      %mul3A_422 = arith.muli %add3A_420, %mul3A_421 : i32
      %swap3A_423 = arith.index_cast %mul3A_422 : i32 to index
      %swap3A_424 = tpu.vector_load %arg5[%swap3A_423] {strides = array<i32>} : memref<8192xf32, #tpu.memory_space<vmem>>, vector<16xf32>,
      tpu.vector_store %arg5[%swap3A_423], %broadcast_in_dim3A_4 {strides = array<i32>} : memref<8192xf32, #tpu.memory_space<vmem>>, vector<16xf32>,
      %mul3A_425 = arith.constant 8 : i32
      %mul3A_426 = arith.muli %scan3A_367, %mul3A_425 : i32
      %add3A_427 = arith.constant 7 : i32
      %add3A_428 = arith.addi %mul3A_426, %add3A_427 : i32
      %mul3A_429 = arith.constant 16 : i32
      %mul3A_430 = arith.muli %add3A_428, %mul3A_429 : i32
      %swap3A_431 = arith.index_cast %mul3A_430 : i32 to index
      %swap3A_432 = tpu.vector_load %arg5[%swap3A_431] {strides = array<i32>} : memref<8192xf32, #tpu.memory_space<vmem>>, vector<16xf32>,
      tpu.vector_store %arg5[%swap3A_431], %broadcast_in_dim3A_4 {strides = array<i32>} : memref<8192xf32, #tpu.memory_space<vmem>>, vector<16xf32>,
      %scan3A_433 = arith.constant 0 : i32
      scf.yield %scan3A_433 : i32
    }
    %scan3A_300 = arith.constant 64 : i32
    %scan3A_301 = arith.constant 0 : i32
    %scan3A_302 = arith.constant 0 : i32
    %scan3A_303 = arith.constant 625 : i32
    %scan3A_304 = arith.addi %scan3A_302, %scan3A_303 : i32
    %scan3A_305 = arith.constant 1 : i32
    %scan3A_306 = scf.for %scan3A_367 = %scan3A_302 to %scan3A_304 step %scan3A_305 iter_args(%scan3A_368 = %scan3A_301) -> (i32)  : i32 {
      %mul3A_369 = arith.constant 10 : i32
      %mul3A_370 = arith.muli %scan3A_367, %mul3A_369 : i32
      %add3A_371 = arith.constant 0 : i32
      %add3A_372 = arith.addi %mul3A_370, %add3A_371 : i32
      %mul3A_373 = arith.constant 16 : i32
      %mul3A_374 = arith.muli %add3A_372, %mul3A_373 : i32
      %get3A = arith.index_cast %mul3A_374 : i32 to index
      %get3A_375 = tpu.vector_load %arg4[%get3A] {strides = array<i32>} : memref<100000xf32, #tpu.memory_space<vmem>>, vector<16xf32>,
      %mul3A_376 = arith.constant 10 : i32
      %mul3A_377 = arith.muli %scan3A_367, %mul3A_376 : i32
      %add3A_378 = arith.constant 1 : i32
      %add3A_379 = arith.addi %mul3A_377, %add3A_378 : i32
      %mul3A_380 = arith.constant 16 : i32
      %mul3A_381 = arith.muli %add3A_379, %mul3A_380 : i32
      %get3A_382 = arith.index_cast %mul3A_381 : i32 to index
      %get3A_383 = tpu.vector_load %arg4[%get3A_382] {strides = array<i32>} : memref<100000xf32, #tpu.memory_space<vmem>>, vector<16xf32>,
      %mul3A_384 = arith.constant 10 : i32
      %mul3A_385 = arith.muli %scan3A_367, %mul3A_384 : i32
      %add3A_386 = arith.constant 2 : i32
      %add3A_387 = arith.addi %mul3A_385, %add3A_386 : i32
      %mul3A_388 = arith.constant 16 : i32
      %mul3A_389 = arith.muli %add3A_387, %mul3A_388 : i32
      %get3A_390 = arith.index_cast %mul3A_389 : i32 to index
      %get3A_391 = tpu.vector_load %arg4[%get3A_390] {strides = array<i32>} : memref<100000xf32, #tpu.memory_space<vmem>>, vector<16xf32>,
      %mul3A_392 = arith.constant 10 : i32
      %mul3A_393 = arith.muli %scan3A_367, %mul3A_392 : i32
      %add3A_394 = arith.constant 3 : i32
      %add3A_395 = arith.addi %mul3A_393, %add3A_394 : i32
      %mul3A_396 = arith.constant 16 : i32
      %mul3A_397 = arith.muli %add3A_395, %mul3A_396 : i32
      %get3A_398 = arith.index_cast %mul3A_397 : i32 to index
      %get3A_399 = tpu.vector_load %arg4[%get3A_398] {strides = array<i32>} : memref<100000xf32, #tpu.memory_space<vmem>>, vector<16xf32>,
      %mul3A_400 = arith.constant 10 : i32
      %mul3A_401 = arith.muli %scan3A_367, %mul3A_400 : i32
      %add3A_402 = arith.constant 4 : i32
      %add3A_403 = arith.addi %mul3A_401, %add3A_402 : i32
      %mul3A_404 = arith.constant 16 : i32
      %mul3A_405 = arith.muli %add3A_403, %mul3A_404 : i32
      %get3A_406 = arith.index_cast %mul3A_405 : i32 to index
      %get3A_407 = tpu.vector_load %arg4[%get3A_406] {strides = array<i32>} : memref<100000xf32, #tpu.memory_space<vmem>>, vector<16xf32>,
      %mul3A_408 = arith.constant 10 : i32
      %mul3A_409 = arith.muli %scan3A_367, %mul3A_408 : i32
      %add3A_410 = arith.constant 5 : i32
      %add3A_411 = arith.addi %mul3A_409, %add3A_410 : i32
      %mul3A_412 = arith.constant 16 : i32
      %mul3A_413 = arith.muli %add3A_411, %mul3A_412 : i32
      %get3A_414 = arith.index_cast %mul3A_413 : i32 to index
      %get3A_415 = tpu.vector_load %arg4[%get3A_414] {strides = array<i32>} : memref<100000xf32, #tpu.memory_space<vmem>>, vector<16xf32>,
      %mul3A_416 = arith.constant 10 : i32
      %mul3A_417 = arith.muli %scan3A_367, %mul3A_416 : i32
      %add3A_418 = arith.constant 6 : i32
      %add3A_419 = arith.addi %mul3A_417, %add3A_418 : i32
      %mul3A_420 = arith.constant 16 : i32
      %mul3A_421 = arith.muli %add3A_419, %mul3A_420 : i32
      %get3A_422 = arith.index_cast %mul3A_421 : i32 to index
      %get3A_423 = tpu.vector_load %arg4[%get3A_422] {strides = array<i32>} : memref<100000xf32, #tpu.memory_space<vmem>>, vector<16xf32>,
      %mul3A_424 = arith.constant 10 : i32
      %mul3A_425 = arith.muli %scan3A_367, %mul3A_424 : i32
      %add3A_426 = arith.constant 7 : i32
      %add3A_427 = arith.addi %mul3A_425, %add3A_426 : i32
      %mul3A_428 = arith.constant 16 : i32
      %mul3A_429 = arith.muli %add3A_427, %mul3A_428 : i32
      %get3A_430 = arith.index_cast %mul3A_429 : i32 to index
      %get3A_431 = tpu.vector_load %arg4[%get3A_430] {strides = array<i32>} : memref<100000xf32, #tpu.memory_space<vmem>>, vector<16xf32>,
      %mul3A_432 = arith.constant 10 : i32
      %mul3A_433 = arith.muli %scan3A_367, %mul3A_432 : i32
      %add3A_434 = arith.constant 8 : i32
      %add3A_435 = arith.addi %mul3A_433, %add3A_434 : i32
      %mul3A_436 = arith.constant 16 : i32
      %mul3A_437 = arith.muli %add3A_435, %mul3A_436 : i32
      %get3A_438 = arith.index_cast %mul3A_437 : i32 to index
      %get3A_439 = tpu.vector_load %arg4[%get3A_438] {strides = array<i32>} : memref<100000xf32, #tpu.memory_space<vmem>>, vector<16xf32>,
      %mul3A_440 = arith.constant 10 : i32
      %mul3A_441 = arith.muli %scan3A_367, %mul3A_440 : i32
      %add3A_442 = arith.constant 9 : i32
      %add3A_443 = arith.addi %mul3A_441, %add3A_442 : i32
      %mul3A_444 = arith.constant 16 : i32
      %mul3A_445 = arith.muli %add3A_443, %mul3A_444 : i32
      %get3A_446 = arith.index_cast %mul3A_445 : i32 to index
      %get3A_447 = tpu.vector_load %arg4[%get3A_446] {strides = array<i32>} : memref<100000xf32, #tpu.memory_space<vmem>>, vector<16xf32>,
      %bitcast3A = vector.bitcast %get3A_375 : vector<16xf32> to vector<16xi32>
      %bitcast3A_448 = vector.bitcast %get3A_383 : vector<16xf32> to vector<16xi32>
      %bitcast3A_449 = vector.bitcast %get3A_391 : vector<16xf32> to vector<16xi32>
      %bitcast3A_450 = vector.bitcast %get3A_399 : vector<16xf32> to vector<16xi32>
      %bitcast3A_451 = vector.bitcast %get3A_407 : vector<16xf32> to vector<16xi32>
      %bitcast3A_452 = vector.bitcast %get3A_415 : vector<16xf32> to vector<16xi32>
      %bitcast3A_453 = vector.bitcast %get3A_423 : vector<16xf32> to vector<16xi32>
      %bitcast3A_454 = vector.bitcast %get3A_431 : vector<16xf32> to vector<16xi32>
      %bitcast3A_455 = vector.bitcast %get3A_439 : vector<16xf32> to vector<16xi32>
      %bitcast3A_456 = vector.bitcast %get3A_447 : vector<16xf32> to vector<16xi32>
      %shift_right_logical3A = arith.constant 13 : i32
      %shift_right_logical3A_457 = vector.broadcast %shift_right_logical3A : i32 to vector<16xi32>
      %shift_right_logical3A_458 = arith.shrui %bitcast3A, %shift_right_logical3A_457 : vector<16xi32>
      %eq3A = arith.cmpi eq, %shift_right_logical3A_458, %add3A_293 : vector<16xi32>
      %shift_right_logical3A_459 = arith.constant 13 : i32
      %shift_right_logical3A_460 = vector.broadcast %shift_right_logical3A_459 : i32 to vector<16xi32>
      %shift_right_logical3A_461 = arith.shrui %bitcast3A_448, %shift_right_logical3A_460 : vector<16xi32>
      %eq3A_462 = arith.cmpi eq, %shift_right_logical3A_461, %add3A_293 : vector<16xi32>
      %shift_right_logical3A_463 = arith.constant 13 : i32
      %shift_right_logical3A_464 = vector.broadcast %shift_right_logical3A_463 : i32 to vector<16xi32>
      %shift_right_logical3A_465 = arith.shrui %bitcast3A_449, %shift_right_logical3A_464 : vector<16xi32>
      %eq3A_466 = arith.cmpi eq, %shift_right_logical3A_465, %add3A_293 : vector<16xi32>
      %shift_right_logical3A_467 = arith.constant 13 : i32
      %shift_right_logical3A_468 = vector.broadcast %shift_right_logical3A_467 : i32 to vector<16xi32>
      %shift_right_logical3A_469 = arith.shrui %bitcast3A_450, %shift_right_logical3A_468 : vector<16xi32>
      %eq3A_470 = arith.cmpi eq, %shift_right_logical3A_469, %add3A_293 : vector<16xi32>
      %shift_right_logical3A_471 = arith.constant 13 : i32
      %shift_right_logical3A_472 = vector.broadcast %shift_right_logical3A_471 : i32 to vector<16xi32>
      %shift_right_logical3A_473 = arith.shrui %bitcast3A_451, %shift_right_logical3A_472 : vector<16xi32>
      %eq3A_474 = arith.cmpi eq, %shift_right_logical3A_473, %add3A_293 : vector<16xi32>
      %shift_right_logical3A_475 = arith.constant 13 : i32
      %shift_right_logical3A_476 = vector.broadcast %shift_right_logical3A_475 : i32 to vector<16xi32>
      %shift_right_logical3A_477 = arith.shrui %bitcast3A_452, %shift_right_logical3A_476 : vector<16xi32>
      %eq3A_478 = arith.cmpi eq, %shift_right_logical3A_477, %add3A_293 : vector<16xi32>
      %shift_right_logical3A_479 = arith.constant 13 : i32
      %shift_right_logical3A_480 = vector.broadcast %shift_right_logical3A_479 : i32 to vector<16xi32>
      %shift_right_logical3A_481 = arith.shrui %bitcast3A_453, %shift_right_logical3A_480 : vector<16xi32>
      %eq3A_482 = arith.cmpi eq, %shift_right_logical3A_481, %add3A_293 : vector<16xi32>
      %shift_right_logical3A_483 = arith.constant 13 : i32
      %shift_right_logical3A_484 = vector.broadcast %shift_right_logical3A_483 : i32 to vector<16xi32>
      %shift_right_logical3A_485 = arith.shrui %bitcast3A_454, %shift_right_logical3A_484 : vector<16xi32>
      %eq3A_486 = arith.cmpi eq, %shift_right_logical3A_485, %add3A_293 : vector<16xi32>
      %shift_right_logical3A_487 = arith.constant 13 : i32
      %shift_right_logical3A_488 = vector.broadcast %shift_right_logical3A_487 : i32 to vector<16xi32>
      %shift_right_logical3A_489 = arith.shrui %bitcast3A_455, %shift_right_logical3A_488 : vector<16xi32>
      %eq3A_490 = arith.cmpi eq, %shift_right_logical3A_489, %add3A_293 : vector<16xi32>
      %shift_right_logical3A_491 = arith.constant 13 : i32
      %shift_right_logical3A_492 = vector.broadcast %shift_right_logical3A_491 : i32 to vector<16xi32>
      %shift_right_logical3A_493 = arith.shrui %bitcast3A_456, %shift_right_logical3A_492 : vector<16xi32>
      %eq3A_494 = arith.cmpi eq, %shift_right_logical3A_493, %add3A_293 : vector<16xi32>
      %shift_right_logical3A_495 = arith.constant 4 : i32
      %shift_right_logical3A_496 = vector.broadcast %shift_right_logical3A_495 : i32 to vector<16xi32>
      %shift_right_logical3A_497 = arith.shrui %bitcast3A, %shift_right_logical3A_496 : vector<16xi32>
      %and3A = arith.constant 511 : i32
      %and3A_498 = vector.broadcast %and3A : i32 to vector<16xi32>
      %and3A_499 = arith.andi %shift_right_logical3A_497, %and3A_498 : vector<16xi32>
      %shift_right_logical3A_500 = arith.constant 4 : i32
      %shift_right_logical3A_501 = vector.broadcast %shift_right_logical3A_500 : i32 to vector<16xi32>
      %shift_right_logical3A_502 = arith.shrui %bitcast3A_448, %shift_right_logical3A_501 : vector<16xi32>
      %and3A_503 = arith.constant 511 : i32
      %and3A_504 = vector.broadcast %and3A_503 : i32 to vector<16xi32>
      %and3A_505 = arith.andi %shift_right_logical3A_502, %and3A_504 : vector<16xi32>
      %shift_right_logical3A_506 = arith.constant 4 : i32
      %shift_right_logical3A_507 = vector.broadcast %shift_right_logical3A_506 : i32 to vector<16xi32>
      %shift_right_logical3A_508 = arith.shrui %bitcast3A_449, %shift_right_logical3A_507 : vector<16xi32>
      %and3A_509 = arith.constant 511 : i32
      %and3A_510 = vector.broadcast %and3A_509 : i32 to vector<16xi32>
      %and3A_511 = arith.andi %shift_right_logical3A_508, %and3A_510 : vector<16xi32>
      %shift_right_logical3A_512 = arith.constant 4 : i32
      %shift_right_logical3A_513 = vector.broadcast %shift_right_logical3A_512 : i32 to vector<16xi32>
      %shift_right_logical3A_514 = arith.shrui %bitcast3A_450, %shift_right_logical3A_513 : vector<16xi32>
      %and3A_515 = arith.constant 511 : i32
      %and3A_516 = vector.broadcast %and3A_515 : i32 to vector<16xi32>
      %and3A_517 = arith.andi %shift_right_logical3A_514, %and3A_516 : vector<16xi32>
      %shift_right_logical3A_518 = arith.constant 4 : i32
      %shift_right_logical3A_519 = vector.broadcast %shift_right_logical3A_518 : i32 to vector<16xi32>
      %shift_right_logical3A_520 = arith.shrui %bitcast3A_451, %shift_right_logical3A_519 : vector<16xi32>
      %and3A_521 = arith.constant 511 : i32
      %and3A_522 = vector.broadcast %and3A_521 : i32 to vector<16xi32>
      %and3A_523 = arith.andi %shift_right_logical3A_520, %and3A_522 : vector<16xi32>
      %shift_right_logical3A_524 = arith.constant 4 : i32
      %shift_right_logical3A_525 = vector.broadcast %shift_right_logical3A_524 : i32 to vector<16xi32>
      %shift_right_logical3A_526 = arith.shrui %bitcast3A_452, %shift_right_logical3A_525 : vector<16xi32>
      %and3A_527 = arith.constant 511 : i32
      %and3A_528 = vector.broadcast %and3A_527 : i32 to vector<16xi32>
      %and3A_529 = arith.andi %shift_right_logical3A_526, %and3A_528 : vector<16xi32>
      %shift_right_logical3A_530 = arith.constant 4 : i32
      %shift_right_logical3A_531 = vector.broadcast %shift_right_logical3A_530 : i32 to vector<16xi32>
      %shift_right_logical3A_532 = arith.shrui %bitcast3A_453, %shift_right_logical3A_531 : vector<16xi32>
      %and3A_533 = arith.constant 511 : i32
      %and3A_534 = vector.broadcast %and3A_533 : i32 to vector<16xi32>
      %and3A_535 = arith.andi %shift_right_logical3A_532, %and3A_534 : vector<16xi32>
      %shift_right_logical3A_536 = arith.constant 4 : i32
      %shift_right_logical3A_537 = vector.broadcast %shift_right_logical3A_536 : i32 to vector<16xi32>
      %shift_right_logical3A_538 = arith.shrui %bitcast3A_454, %shift_right_logical3A_537 : vector<16xi32>
      %and3A_539 = arith.constant 511 : i32
      %and3A_540 = vector.broadcast %and3A_539 : i32 to vector<16xi32>
      %and3A_541 = arith.andi %shift_right_logical3A_538, %and3A_540 : vector<16xi32>
      %shift_right_logical3A_542 = arith.constant 4 : i32
      %shift_right_logical3A_543 = vector.broadcast %shift_right_logical3A_542 : i32 to vector<16xi32>
      %shift_right_logical3A_544 = arith.shrui %bitcast3A_455, %shift_right_logical3A_543 : vector<16xi32>
      %and3A_545 = arith.constant 511 : i32
      %and3A_546 = vector.broadcast %and3A_545 : i32 to vector<16xi32>
      %and3A_547 = arith.andi %shift_right_logical3A_544, %and3A_546 : vector<16xi32>
      %shift_right_logical3A_548 = arith.constant 4 : i32
      %shift_right_logical3A_549 = vector.broadcast %shift_right_logical3A_548 : i32 to vector<16xi32>
      %shift_right_logical3A_550 = arith.shrui %bitcast3A_456, %shift_right_logical3A_549 : vector<16xi32>
      %and3A_551 = arith.constant 511 : i32
      %and3A_552 = vector.broadcast %and3A_551 : i32 to vector<16xi32>
      %and3A_553 = arith.andi %shift_right_logical3A_550, %and3A_552 : vector<16xi32>
      %add3A_554 = arith.addi %mul3A_3, %and3A_499 : vector<16xi32>
      %add3A_555 = arith.addi %mul3A_3, %and3A_505 : vector<16xi32>
      %add3A_556 = arith.addi %mul3A_3, %and3A_511 : vector<16xi32>
      %add3A_557 = arith.addi %mul3A_3, %and3A_517 : vector<16xi32>
      %add3A_558 = arith.addi %mul3A_3, %and3A_523 : vector<16xi32>
      %add3A_559 = arith.addi %mul3A_3, %and3A_529 : vector<16xi32>
      %add3A_560 = arith.addi %mul3A_3, %and3A_535 : vector<16xi32>
      %add3A_561 = arith.addi %mul3A_3, %and3A_541 : vector<16xi32>
      %add3A_562 = arith.addi %mul3A_3, %and3A_547 : vector<16xi32>
      %add3A_563 = arith.addi %mul3A_3, %and3A_553 : vector<16xi32>
      tpu.vector_store_idx %arg5[%add3A_554], %get3A_375 masked %eq3A {add = true} : memref<8192xf32, #tpu.memory_space<vmem>>[vector<16xi32>], vector<16xf32>, vector<16xi1>
      tpu.vector_store_idx %arg5[%add3A_555], %get3A_383 masked %eq3A_462 {add = true} : memref<8192xf32, #tpu.memory_space<vmem>>[vector<16xi32>], vector<16xf32>, vector<16xi1>
      tpu.vector_store_idx %arg5[%add3A_556], %get3A_391 masked %eq3A_466 {add = true} : memref<8192xf32, #tpu.memory_space<vmem>>[vector<16xi32>], vector<16xf32>, vector<16xi1>
      tpu.vector_store_idx %arg5[%add3A_557], %get3A_399 masked %eq3A_470 {add = true} : memref<8192xf32, #tpu.memory_space<vmem>>[vector<16xi32>], vector<16xf32>, vector<16xi1>
      tpu.vector_store_idx %arg5[%add3A_558], %get3A_407 masked %eq3A_474 {add = true} : memref<8192xf32, #tpu.memory_space<vmem>>[vector<16xi32>], vector<16xf32>, vector<16xi1>
      tpu.vector_store_idx %arg5[%add3A_559], %get3A_415 masked %eq3A_478 {add = true} : memref<8192xf32, #tpu.memory_space<vmem>>[vector<16xi32>], vector<16xf32>, vector<16xi1>
      tpu.vector_store_idx %arg5[%add3A_560], %get3A_423 masked %eq3A_482 {add = true} : memref<8192xf32, #tpu.memory_space<vmem>>[vector<16xi32>], vector<16xf32>, vector<16xi1>
      tpu.vector_store_idx %arg5[%add3A_561], %get3A_431 masked %eq3A_486 {add = true} : memref<8192xf32, #tpu.memory_space<vmem>>[vector<16xi32>], vector<16xf32>, vector<16xi1>
      tpu.vector_store_idx %arg5[%add3A_562], %get3A_439 masked %eq3A_490 {add = true} : memref<8192xf32, #tpu.memory_space<vmem>>[vector<16xi32>], vector<16xf32>, vector<16xi1>
      tpu.vector_store_idx %arg5[%add3A_563], %get3A_447 masked %eq3A_494 {add = true} : memref<8192xf32, #tpu.memory_space<vmem>>[vector<16xi32>], vector<16xf32>, vector<16xi1>
      %scan3A_564 = arith.constant 0 : i32
      scf.yield %scan3A_564 : i32
    }
    %scan3A_307 = arith.constant 625 : i32
    %swap3A_308 = arith.constant 512 : index
    %swap3A_309 = tpu.vector_load %arg6[%swap3A_308] {strides = array<i32>} : memref<528xf32, #tpu.memory_space<vmem>>, vector<16xf32>,
    tpu.vector_store %arg6[%swap3A_308], %gather3A_289 {strides = array<i32>} : memref<528xf32, #tpu.memory_space<vmem>>, vector<16xf32>,
    %scan3A_310 = arith.constant 0 : i32
    %scan3A_311 = arith.constant 32 : i32
    %scan3A_312 = arith.addi %scan3A_310, %scan3A_311 : i32
    %scan3A_313 = arith.constant 1 : i32
    %scan3A_314 = scf.for %scan3A_367 = %scan3A_310 to %scan3A_312 step %scan3A_313 iter_args(%scan3A_368 = %gather3A_289) -> (vector<16xf32>)  : i32 {
      %sub3A_369 = arith.constant 31 : i32
      %sub3A_370 = arith.subi %sub3A_369, %scan3A_367 : i32
      %mul3A_371 = arith.constant 16 : i32
      %mul3A_372 = arith.muli %sub3A_370, %mul3A_371 : i32
      %add3A_373 = arith.constant 0 : i32
      %add3A_374 = arith.addi %add3A_373, %mul3A_372 : i32
      %get3A = arith.index_cast %add3A_374 : i32 to index
      %get3A_375 = tpu.vector_load %arg5[%get3A] {strides = array<i32>} : memref<8192xf32, #tpu.memory_space<vmem>>, vector<16xf32>,
      %add3A_376 = arith.addf %broadcast_in_dim3A_4, %get3A_375 : vector<16xf32>
      %mul3A_377 = arith.constant 16 : i32
      %mul3A_378 = arith.muli %sub3A_370, %mul3A_377 : i32
      %add3A_379 = arith.constant 512 : i32
      %add3A_380 = arith.addi %add3A_379, %mul3A_378 : i32
      %get3A_381 = arith.index_cast %add3A_380 : i32 to index
      %get3A_382 = tpu.vector_load %arg5[%get3A_381] {strides = array<i32>} : memref<8192xf32, #tpu.memory_space<vmem>>, vector<16xf32>,
      %add3A_383 = arith.addf %add3A_376, %get3A_382 : vector<16xf32>
      %mul3A_384 = arith.constant 16 : i32
      %mul3A_385 = arith.muli %sub3A_370, %mul3A_384 : i32
      %add3A_386 = arith.constant 1024 : i32
      %add3A_387 = arith.addi %add3A_386, %mul3A_385 : i32
      %get3A_388 = arith.index_cast %add3A_387 : i32 to index
      %get3A_389 = tpu.vector_load %arg5[%get3A_388] {strides = array<i32>} : memref<8192xf32, #tpu.memory_space<vmem>>, vector<16xf32>,
      %add3A_390 = arith.addf %add3A_383, %get3A_389 : vector<16xf32>
      %mul3A_391 = arith.constant 16 : i32
      %mul3A_392 = arith.muli %sub3A_370, %mul3A_391 : i32
      %add3A_393 = arith.constant 1536 : i32
      %add3A_394 = arith.addi %add3A_393, %mul3A_392 : i32
      %get3A_395 = arith.index_cast %add3A_394 : i32 to index
      %get3A_396 = tpu.vector_load %arg5[%get3A_395] {strides = array<i32>} : memref<8192xf32, #tpu.memory_space<vmem>>, vector<16xf32>,
      %add3A_397 = arith.addf %add3A_390, %get3A_396 : vector<16xf32>
      %mul3A_398 = arith.constant 16 : i32
      %mul3A_399 = arith.muli %sub3A_370, %mul3A_398 : i32
      %add3A_400 = arith.constant 2048 : i32
      %add3A_401 = arith.addi %add3A_400, %mul3A_399 : i32
      %get3A_402 = arith.index_cast %add3A_401 : i32 to index
      %get3A_403 = tpu.vector_load %arg5[%get3A_402] {strides = array<i32>} : memref<8192xf32, #tpu.memory_space<vmem>>, vector<16xf32>,
      %add3A_404 = arith.addf %add3A_397, %get3A_403 : vector<16xf32>
      %mul3A_405 = arith.constant 16 : i32
      %mul3A_406 = arith.muli %sub3A_370, %mul3A_405 : i32
      %add3A_407 = arith.constant 2560 : i32
      %add3A_408 = arith.addi %add3A_407, %mul3A_406 : i32
      %get3A_409 = arith.index_cast %add3A_408 : i32 to index
      %get3A_410 = tpu.vector_load %arg5[%get3A_409] {strides = array<i32>} : memref<8192xf32, #tpu.memory_space<vmem>>, vector<16xf32>,
      %add3A_411 = arith.addf %add3A_404, %get3A_410 : vector<16xf32>
      %mul3A_412 = arith.constant 16 : i32
      %mul3A_413 = arith.muli %sub3A_370, %mul3A_412 : i32
      %add3A_414 = arith.constant 3072 : i32
      %add3A_415 = arith.addi %add3A_414, %mul3A_413 : i32
      %get3A_416 = arith.index_cast %add3A_415 : i32 to index
      %get3A_417 = tpu.vector_load %arg5[%get3A_416] {strides = array<i32>} : memref<8192xf32, #tpu.memory_space<vmem>>, vector<16xf32>,
      %add3A_418 = arith.addf %add3A_411, %get3A_417 : vector<16xf32>
      %mul3A_419 = arith.constant 16 : i32
      %mul3A_420 = arith.muli %sub3A_370, %mul3A_419 : i32
      %add3A_421 = arith.constant 3584 : i32
      %add3A_422 = arith.addi %add3A_421, %mul3A_420 : i32
      %get3A_423 = arith.index_cast %add3A_422 : i32 to index
      %get3A_424 = tpu.vector_load %arg5[%get3A_423] {strides = array<i32>} : memref<8192xf32, #tpu.memory_space<vmem>>, vector<16xf32>,
      %add3A_425 = arith.addf %add3A_418, %get3A_424 : vector<16xf32>
      %mul3A_426 = arith.constant 16 : i32
      %mul3A_427 = arith.muli %sub3A_370, %mul3A_426 : i32
      %add3A_428 = arith.constant 4096 : i32
      %add3A_429 = arith.addi %add3A_428, %mul3A_427 : i32
      %get3A_430 = arith.index_cast %add3A_429 : i32 to index
      %get3A_431 = tpu.vector_load %arg5[%get3A_430] {strides = array<i32>} : memref<8192xf32, #tpu.memory_space<vmem>>, vector<16xf32>,
      %add3A_432 = arith.addf %add3A_425, %get3A_431 : vector<16xf32>
      %mul3A_433 = arith.constant 16 : i32
      %mul3A_434 = arith.muli %sub3A_370, %mul3A_433 : i32
      %add3A_435 = arith.constant 4608 : i32
      %add3A_436 = arith.addi %add3A_435, %mul3A_434 : i32
      %get3A_437 = arith.index_cast %add3A_436 : i32 to index
      %get3A_438 = tpu.vector_load %arg5[%get3A_437] {strides = array<i32>} : memref<8192xf32, #tpu.memory_space<vmem>>, vector<16xf32>,
      %add3A_439 = arith.addf %add3A_432, %get3A_438 : vector<16xf32>
      %mul3A_440 = arith.constant 16 : i32
      %mul3A_441 = arith.muli %sub3A_370, %mul3A_440 : i32
      %add3A_442 = arith.constant 5120 : i32
      %add3A_443 = arith.addi %add3A_442, %mul3A_441 : i32
      %get3A_444 = arith.index_cast %add3A_443 : i32 to index
      %get3A_445 = tpu.vector_load %arg5[%get3A_444] {strides = array<i32>} : memref<8192xf32, #tpu.memory_space<vmem>>, vector<16xf32>,
      %add3A_446 = arith.addf %add3A_439, %get3A_445 : vector<16xf32>
      %mul3A_447 = arith.constant 16 : i32
      %mul3A_448 = arith.muli %sub3A_370, %mul3A_447 : i32
      %add3A_449 = arith.constant 5632 : i32
      %add3A_450 = arith.addi %add3A_449, %mul3A_448 : i32
      %get3A_451 = arith.index_cast %add3A_450 : i32 to index
      %get3A_452 = tpu.vector_load %arg5[%get3A_451] {strides = array<i32>} : memref<8192xf32, #tpu.memory_space<vmem>>, vector<16xf32>,
      %add3A_453 = arith.addf %add3A_446, %get3A_452 : vector<16xf32>
      %mul3A_454 = arith.constant 16 : i32
      %mul3A_455 = arith.muli %sub3A_370, %mul3A_454 : i32
      %add3A_456 = arith.constant 6144 : i32
      %add3A_457 = arith.addi %add3A_456, %mul3A_455 : i32
      %get3A_458 = arith.index_cast %add3A_457 : i32 to index
      %get3A_459 = tpu.vector_load %arg5[%get3A_458] {strides = array<i32>} : memref<8192xf32, #tpu.memory_space<vmem>>, vector<16xf32>,
      %add3A_460 = arith.addf %add3A_453, %get3A_459 : vector<16xf32>
      %mul3A_461 = arith.constant 16 : i32
      %mul3A_462 = arith.muli %sub3A_370, %mul3A_461 : i32
      %add3A_463 = arith.constant 6656 : i32
      %add3A_464 = arith.addi %add3A_463, %mul3A_462 : i32
      %get3A_465 = arith.index_cast %add3A_464 : i32 to index
      %get3A_466 = tpu.vector_load %arg5[%get3A_465] {strides = array<i32>} : memref<8192xf32, #tpu.memory_space<vmem>>, vector<16xf32>,
      %add3A_467 = arith.addf %add3A_460, %get3A_466 : vector<16xf32>
      %mul3A_468 = arith.constant 16 : i32
      %mul3A_469 = arith.muli %sub3A_370, %mul3A_468 : i32
      %add3A_470 = arith.constant 7168 : i32
      %add3A_471 = arith.addi %add3A_470, %mul3A_469 : i32
      %get3A_472 = arith.index_cast %add3A_471 : i32 to index
      %get3A_473 = tpu.vector_load %arg5[%get3A_472] {strides = array<i32>} : memref<8192xf32, #tpu.memory_space<vmem>>, vector<16xf32>,
      %add3A_474 = arith.addf %add3A_467, %get3A_473 : vector<16xf32>
      %mul3A_475 = arith.constant 16 : i32
      %mul3A_476 = arith.muli %sub3A_370, %mul3A_475 : i32
      %add3A_477 = arith.constant 7680 : i32
      %add3A_478 = arith.addi %add3A_477, %mul3A_476 : i32
      %get3A_479 = arith.index_cast %add3A_478 : i32 to index
      %get3A_480 = tpu.vector_load %arg5[%get3A_479] {strides = array<i32>} : memref<8192xf32, #tpu.memory_space<vmem>>, vector<16xf32>,
      %add3A_481 = arith.addf %add3A_474, %get3A_480 : vector<16xf32>
      %rev3A = arith.constant 15 : i32
      %rev3A_482 = vector.broadcast %rev3A : i32 to vector<16xi32>
      %rev3A_483 = tpu.iota {dimensions = array<i32: 0>} : vector<16xi32>
      %rev3A_484 = arith.subi %rev3A_482, %rev3A_483 : vector<16xi32>
      %rev3A_485 = tpu.dynamic_gather %add3A_481[%rev3A_484] in [0] : vector<16xf32>, vector<16xi32> -> vector<16xf32>
      %broadcast_in_dim3A_486 = arith.constant true
      %broadcast_in_dim3A_487 = vector.broadcast %broadcast_in_dim3A_486 : i1 to vector<16xi1>
      %masked_cumsum3A = tpu.scan <sum>, %rev3A_485 masked %broadcast_in_dim3A_487 : vector<16xf32>, vector<16xi1> -> vector<16xf32>
      %rev3A_488 = arith.constant 15 : i32
      %rev3A_489 = vector.broadcast %rev3A_488 : i32 to vector<16xi32>
      %rev3A_490 = tpu.iota {dimensions = array<i32: 0>} : vector<16xi32>
      %rev3A_491 = arith.subi %rev3A_489, %rev3A_490 : vector<16xi32>
      %rev3A_492 = tpu.dynamic_gather %masked_cumsum3A[%rev3A_491] in [0] : vector<16xf32>, vector<16xi32> -> vector<16xf32>
      %add3A_493 = arith.addf %rev3A_492, %scan3A_368 : vector<16xf32>
      %mul3A_494 = arith.constant 16 : i32
      %mul3A_495 = arith.muli %sub3A_370, %mul3A_494 : i32
      %swap3A_496 = arith.index_cast %mul3A_495 : i32 to index
      %swap3A_497 = tpu.vector_load %arg6[%swap3A_496] {strides = array<i32>} : memref<528xf32, #tpu.memory_space<vmem>>, vector<16xf32>,
      tpu.vector_store %arg6[%swap3A_496], %add3A_493 {strides = array<i32>} : memref<528xf32, #tpu.memory_space<vmem>>, vector<16xf32>,
      %reduce_max3A = arith.constant true
      %reduce_max3A_498 = vector.broadcast %reduce_max3A : i1 to vector<16xi1>
      %reduce_max3A_499 = tpu.scan <max>, %add3A_493 masked %reduce_max3A_498 : vector<16xf32>, vector<16xi1> -> vector<16xf32>
      %reduce_max3A_500 = vector.extract %reduce_max3A_499[15] : f32 from vector<16xf32>
      %broadcast_in_dim3A_501 = vector.broadcast %reduce_max3A_500 : f32 to vector<16xf32>
      scf.yield %broadcast_in_dim3A_501 : vector<16xf32>
    }
    %scan3A_315 = arith.constant 32 : i32
    %broadcast_in_dim3A_316 = arith.constant 0 : i32
    %broadcast_in_dim3A_317 = vector.broadcast %broadcast_in_dim3A_316 : i32 to vector<16xi32>
    %scan3A_318 = arith.constant 0 : i32
    %scan3A_319 = arith.constant 32 : i32
    %scan3A_320 = arith.addi %scan3A_318, %scan3A_319 : i32
    %scan3A_321 = arith.constant 1 : i32
    %scan3A_322 = scf.for %scan3A_367 = %scan3A_318 to %scan3A_320 step %scan3A_321 iter_args(%scan3A_368 = %broadcast_in_dim3A_317) -> (vector<16xi32>)  : i32 {
      %mul3A_369 = arith.constant 16 : i32
      %mul3A_370 = arith.muli %scan3A_367, %mul3A_369 : i32
      %get3A = arith.index_cast %mul3A_370 : i32 to index
      %get3A_371 = tpu.vector_load %arg6[%get3A] {strides = array<i32>} : memref<528xf32, #tpu.memory_space<vmem>>, vector<16xf32>,
      %ge3A = arith.cmpf oge, %get3A_371, %mul3A_228 : vector<16xf32>
      %all_reduce_population_count3A = tpu.all_reduce %ge3A {dim = 0 : i64, kind = #tpu.reduction_kind<sum>} : vector<16xi1> -> vector<16xi32>
      %add3A_372 = arith.addi %scan3A_368, %all_reduce_population_count3A : vector<16xi32>
      scf.yield %add3A_372 : vector<16xi32>
    }
    %scan3A_323 = arith.constant 32 : i32
    %sub3A_324 = arith.constant 1 : i32
    %sub3A_325 = vector.broadcast %sub3A_324 : i32 to vector<16xi32>
    %sub3A_326 = arith.subi %scan3A_322, %sub3A_325 : vector<16xi32>
    %max3A_327 = arith.constant 0 : i32
    %max3A_328 = vector.broadcast %max3A_327 : i32 to vector<16xi32>
    %max3A_329 = arith.maxsi %sub3A_326, %max3A_328 : vector<16xi32>
    %add3A_330 = arith.constant 1 : i32
    %add3A_331 = vector.broadcast %add3A_330 : i32 to vector<16xi32>
    %add3A_332 = arith.addi %max3A_329, %add3A_331 : vector<16xi32>
    %gather3A_333 = tpu.vector_load_idx %arg6[%add3A_332] : memref<528xf32, #tpu.memory_space<vmem>>[vector<16xi32>], vector<16xf32>,
    %mul3A_334 = arith.constant 512 : i32
    %mul3A_335 = vector.broadcast %mul3A_334 : i32 to vector<16xi32>
    %mul3A_336 = arith.muli %max3A_245, %mul3A_335 : vector<16xi32>
    %add3A_337 = arith.addi %mul3A_336, %max3A_285 : vector<16xi32>
    %mul3A_338 = arith.constant 512 : i32
    %mul3A_339 = vector.broadcast %mul3A_338 : i32 to vector<16xi32>
    %mul3A_340 = arith.muli %add3A_337, %mul3A_339 : vector<16xi32>
    %add3A_341 = arith.addi %mul3A_340, %max3A_329 : vector<16xi32>
    %scan3A_342 = arith.constant 0 : i32
    %scan3A_343 = arith.constant 0 : i32
    %scan3A_344 = arith.constant 625 : i32
    %scan3A_345 = arith.addi %scan3A_343, %scan3A_344 : i32
    %scan3A_346 = arith.constant 1 : i32
    %scan3A_347 = scf.for %scan3A_367 = %scan3A_343 to %scan3A_345 step %scan3A_346 iter_args(%scan3A_368 = %scan3A_342) -> (i32)  : i32 {
      %mul3A_369 = arith.constant 10 : i32
      %mul3A_370 = arith.muli %scan3A_367, %mul3A_369 : i32
      %add3A_371 = arith.constant 0 : i32
      %add3A_372 = arith.addi %mul3A_370, %add3A_371 : i32
      %mul3A_373 = arith.constant 16 : i32
      %mul3A_374 = arith.muli %add3A_372, %mul3A_373 : i32
      %get3A = arith.index_cast %mul3A_374 : i32 to index
      %get3A_375 = tpu.vector_load %arg4[%get3A] {strides = array<i32>} : memref<100000xf32, #tpu.memory_space<vmem>>, vector<16xf32>,
      %mul3A_376 = arith.constant 10 : i32
      %mul3A_377 = arith.muli %scan3A_367, %mul3A_376 : i32
      %add3A_378 = arith.constant 1 : i32
      %add3A_379 = arith.addi %mul3A_377, %add3A_378 : i32
      %mul3A_380 = arith.constant 16 : i32
      %mul3A_381 = arith.muli %add3A_379, %mul3A_380 : i32
      %get3A_382 = arith.index_cast %mul3A_381 : i32 to index
      %get3A_383 = tpu.vector_load %arg4[%get3A_382] {strides = array<i32>} : memref<100000xf32, #tpu.memory_space<vmem>>, vector<16xf32>,
      %mul3A_384 = arith.constant 10 : i32
      %mul3A_385 = arith.muli %scan3A_367, %mul3A_384 : i32
      %add3A_386 = arith.constant 2 : i32
      %add3A_387 = arith.addi %mul3A_385, %add3A_386 : i32
      %mul3A_388 = arith.constant 16 : i32
      %mul3A_389 = arith.muli %add3A_387, %mul3A_388 : i32
      %get3A_390 = arith.index_cast %mul3A_389 : i32 to index
      %get3A_391 = tpu.vector_load %arg4[%get3A_390] {strides = array<i32>} : memref<100000xf32, #tpu.memory_space<vmem>>, vector<16xf32>,
      %mul3A_392 = arith.constant 10 : i32
      %mul3A_393 = arith.muli %scan3A_367, %mul3A_392 : i32
      %add3A_394 = arith.constant 3 : i32
      %add3A_395 = arith.addi %mul3A_393, %add3A_394 : i32
      %mul3A_396 = arith.constant 16 : i32
      %mul3A_397 = arith.muli %add3A_395, %mul3A_396 : i32
      %get3A_398 = arith.index_cast %mul3A_397 : i32 to index
      %get3A_399 = tpu.vector_load %arg4[%get3A_398] {strides = array<i32>} : memref<100000xf32, #tpu.memory_space<vmem>>, vector<16xf32>,
      %mul3A_400 = arith.constant 10 : i32
      %mul3A_401 = arith.muli %scan3A_367, %mul3A_400 : i32
      %add3A_402 = arith.constant 4 : i32
      %add3A_403 = arith.addi %mul3A_401, %add3A_402 : i32
      %mul3A_404 = arith.constant 16 : i32
      %mul3A_405 = arith.muli %add3A_403, %mul3A_404 : i32
      %get3A_406 = arith.index_cast %mul3A_405 : i32 to index
      %get3A_407 = tpu.vector_load %arg4[%get3A_406] {strides = array<i32>} : memref<100000xf32, #tpu.memory_space<vmem>>, vector<16xf32>,
      %mul3A_408 = arith.constant 10 : i32
      %mul3A_409 = arith.muli %scan3A_367, %mul3A_408 : i32
      %add3A_410 = arith.constant 5 : i32
      %add3A_411 = arith.addi %mul3A_409, %add3A_410 : i32
      %mul3A_412 = arith.constant 16 : i32
      %mul3A_413 = arith.muli %add3A_411, %mul3A_412 : i32
      %get3A_414 = arith.index_cast %mul3A_413 : i32 to index
      %get3A_415 = tpu.vector_load %arg4[%get3A_414] {strides = array<i32>} : memref<100000xf32, #tpu.memory_space<vmem>>, vector<16xf32>,
      %mul3A_416 = arith.constant 10 : i32
      %mul3A_417 = arith.muli %scan3A_367, %mul3A_416 : i32
      %add3A_418 = arith.constant 6 : i32
      %add3A_419 = arith.addi %mul3A_417, %add3A_418 : i32
      %mul3A_420 = arith.constant 16 : i32
      %mul3A_421 = arith.muli %add3A_419, %mul3A_420 : i32
      %get3A_422 = arith.index_cast %mul3A_421 : i32 to index
      %get3A_423 = tpu.vector_load %arg4[%get3A_422] {strides = array<i32>} : memref<100000xf32, #tpu.memory_space<vmem>>, vector<16xf32>,
      %mul3A_424 = arith.constant 10 : i32
      %mul3A_425 = arith.muli %scan3A_367, %mul3A_424 : i32
      %add3A_426 = arith.constant 7 : i32
      %add3A_427 = arith.addi %mul3A_425, %add3A_426 : i32
      %mul3A_428 = arith.constant 16 : i32
      %mul3A_429 = arith.muli %add3A_427, %mul3A_428 : i32
      %get3A_430 = arith.index_cast %mul3A_429 : i32 to index
      %get3A_431 = tpu.vector_load %arg4[%get3A_430] {strides = array<i32>} : memref<100000xf32, #tpu.memory_space<vmem>>, vector<16xf32>,
      %mul3A_432 = arith.constant 10 : i32
      %mul3A_433 = arith.muli %scan3A_367, %mul3A_432 : i32
      %add3A_434 = arith.constant 8 : i32
      %add3A_435 = arith.addi %mul3A_433, %add3A_434 : i32
      %mul3A_436 = arith.constant 16 : i32
      %mul3A_437 = arith.muli %add3A_435, %mul3A_436 : i32
      %get3A_438 = arith.index_cast %mul3A_437 : i32 to index
      %get3A_439 = tpu.vector_load %arg4[%get3A_438] {strides = array<i32>} : memref<100000xf32, #tpu.memory_space<vmem>>, vector<16xf32>,
      %mul3A_440 = arith.constant 10 : i32
      %mul3A_441 = arith.muli %scan3A_367, %mul3A_440 : i32
      %add3A_442 = arith.constant 9 : i32
      %add3A_443 = arith.addi %mul3A_441, %add3A_442 : i32
      %mul3A_444 = arith.constant 16 : i32
      %mul3A_445 = arith.muli %add3A_443, %mul3A_444 : i32
      %get3A_446 = arith.index_cast %mul3A_445 : i32 to index
      %get3A_447 = tpu.vector_load %arg4[%get3A_446] {strides = array<i32>} : memref<100000xf32, #tpu.memory_space<vmem>>, vector<16xf32>,
      %bitcast3A = vector.bitcast %get3A_375 : vector<16xf32> to vector<16xi32>
      %bitcast3A_448 = vector.bitcast %get3A_383 : vector<16xf32> to vector<16xi32>
      %bitcast3A_449 = vector.bitcast %get3A_391 : vector<16xf32> to vector<16xi32>
      %bitcast3A_450 = vector.bitcast %get3A_399 : vector<16xf32> to vector<16xi32>
      %bitcast3A_451 = vector.bitcast %get3A_407 : vector<16xf32> to vector<16xi32>
      %bitcast3A_452 = vector.bitcast %get3A_415 : vector<16xf32> to vector<16xi32>
      %bitcast3A_453 = vector.bitcast %get3A_423 : vector<16xf32> to vector<16xi32>
      %bitcast3A_454 = vector.bitcast %get3A_431 : vector<16xf32> to vector<16xi32>
      %bitcast3A_455 = vector.bitcast %get3A_439 : vector<16xf32> to vector<16xi32>
      %bitcast3A_456 = vector.bitcast %get3A_447 : vector<16xf32> to vector<16xi32>
      %shift_right_logical3A = arith.constant 4 : i32
      %shift_right_logical3A_457 = vector.broadcast %shift_right_logical3A : i32 to vector<16xi32>
      %shift_right_logical3A_458 = arith.shrui %bitcast3A, %shift_right_logical3A_457 : vector<16xi32>
      %ge3A = arith.cmpi sge, %shift_right_logical3A_458, %add3A_341 : vector<16xi32>
      %shift_right_logical3A_459 = arith.constant 4 : i32
      %shift_right_logical3A_460 = vector.broadcast %shift_right_logical3A_459 : i32 to vector<16xi32>
      %shift_right_logical3A_461 = arith.shrui %bitcast3A_448, %shift_right_logical3A_460 : vector<16xi32>
      %ge3A_462 = arith.cmpi sge, %shift_right_logical3A_461, %add3A_341 : vector<16xi32>
      %shift_right_logical3A_463 = arith.constant 4 : i32
      %shift_right_logical3A_464 = vector.broadcast %shift_right_logical3A_463 : i32 to vector<16xi32>
      %shift_right_logical3A_465 = arith.shrui %bitcast3A_449, %shift_right_logical3A_464 : vector<16xi32>
      %ge3A_466 = arith.cmpi sge, %shift_right_logical3A_465, %add3A_341 : vector<16xi32>
      %shift_right_logical3A_467 = arith.constant 4 : i32
      %shift_right_logical3A_468 = vector.broadcast %shift_right_logical3A_467 : i32 to vector<16xi32>
      %shift_right_logical3A_469 = arith.shrui %bitcast3A_450, %shift_right_logical3A_468 : vector<16xi32>
      %ge3A_470 = arith.cmpi sge, %shift_right_logical3A_469, %add3A_341 : vector<16xi32>
      %shift_right_logical3A_471 = arith.constant 4 : i32
      %shift_right_logical3A_472 = vector.broadcast %shift_right_logical3A_471 : i32 to vector<16xi32>
      %shift_right_logical3A_473 = arith.shrui %bitcast3A_451, %shift_right_logical3A_472 : vector<16xi32>
      %ge3A_474 = arith.cmpi sge, %shift_right_logical3A_473, %add3A_341 : vector<16xi32>
      %shift_right_logical3A_475 = arith.constant 4 : i32
      %shift_right_logical3A_476 = vector.broadcast %shift_right_logical3A_475 : i32 to vector<16xi32>
      %shift_right_logical3A_477 = arith.shrui %bitcast3A_452, %shift_right_logical3A_476 : vector<16xi32>
      %ge3A_478 = arith.cmpi sge, %shift_right_logical3A_477, %add3A_341 : vector<16xi32>
      %shift_right_logical3A_479 = arith.constant 4 : i32
      %shift_right_logical3A_480 = vector.broadcast %shift_right_logical3A_479 : i32 to vector<16xi32>
      %shift_right_logical3A_481 = arith.shrui %bitcast3A_453, %shift_right_logical3A_480 : vector<16xi32>
      %ge3A_482 = arith.cmpi sge, %shift_right_logical3A_481, %add3A_341 : vector<16xi32>
      %shift_right_logical3A_483 = arith.constant 4 : i32
      %shift_right_logical3A_484 = vector.broadcast %shift_right_logical3A_483 : i32 to vector<16xi32>
      %shift_right_logical3A_485 = arith.shrui %bitcast3A_454, %shift_right_logical3A_484 : vector<16xi32>
      %ge3A_486 = arith.cmpi sge, %shift_right_logical3A_485, %add3A_341 : vector<16xi32>
      %shift_right_logical3A_487 = arith.constant 4 : i32
      %shift_right_logical3A_488 = vector.broadcast %shift_right_logical3A_487 : i32 to vector<16xi32>
      %shift_right_logical3A_489 = arith.shrui %bitcast3A_455, %shift_right_logical3A_488 : vector<16xi32>
      %ge3A_490 = arith.cmpi sge, %shift_right_logical3A_489, %add3A_341 : vector<16xi32>
      %shift_right_logical3A_491 = arith.constant 4 : i32
      %shift_right_logical3A_492 = vector.broadcast %shift_right_logical3A_491 : i32 to vector<16xi32>
      %shift_right_logical3A_493 = arith.shrui %bitcast3A_456, %shift_right_logical3A_492 : vector<16xi32>
      %ge3A_494 = arith.cmpi sge, %shift_right_logical3A_493, %add3A_341 : vector<16xi32>
      %mul3A_495 = arith.mulf %get3A_375, %div3A_231 : vector<16xf32>
      %jit3A = arith.constant 0.000000e+00 : f32
      %broadcast_in_dim3A_496 = vector.broadcast %jit3A : f32 to vector<16xf32>
      %select_n3A = arith.select %ge3A, %mul3A_495, %broadcast_in_dim3A_496 : vector<16xi1>, vector<16xf32>
      %mul3A_497 = arith.mulf %get3A_383, %div3A_231 : vector<16xf32>
      %jit3A_498 = arith.constant 0.000000e+00 : f32
      %broadcast_in_dim3A_499 = vector.broadcast %jit3A_498 : f32 to vector<16xf32>
      %select_n3A_500 = arith.select %ge3A_462, %mul3A_497, %broadcast_in_dim3A_499 : vector<16xi1>, vector<16xf32>
      %mul3A_501 = arith.mulf %get3A_391, %div3A_231 : vector<16xf32>
      %jit3A_502 = arith.constant 0.000000e+00 : f32
      %broadcast_in_dim3A_503 = vector.broadcast %jit3A_502 : f32 to vector<16xf32>
      %select_n3A_504 = arith.select %ge3A_466, %mul3A_501, %broadcast_in_dim3A_503 : vector<16xi1>, vector<16xf32>
      %mul3A_505 = arith.mulf %get3A_399, %div3A_231 : vector<16xf32>
      %jit3A_506 = arith.constant 0.000000e+00 : f32
      %broadcast_in_dim3A_507 = vector.broadcast %jit3A_506 : f32 to vector<16xf32>
      %select_n3A_508 = arith.select %ge3A_470, %mul3A_505, %broadcast_in_dim3A_507 : vector<16xi1>, vector<16xf32>
      %mul3A_509 = arith.mulf %get3A_407, %div3A_231 : vector<16xf32>
      %jit3A_510 = arith.constant 0.000000e+00 : f32
      %broadcast_in_dim3A_511 = vector.broadcast %jit3A_510 : f32 to vector<16xf32>
      %select_n3A_512 = arith.select %ge3A_474, %mul3A_509, %broadcast_in_dim3A_511 : vector<16xi1>, vector<16xf32>
      %mul3A_513 = arith.mulf %get3A_415, %div3A_231 : vector<16xf32>
      %jit3A_514 = arith.constant 0.000000e+00 : f32
      %broadcast_in_dim3A_515 = vector.broadcast %jit3A_514 : f32 to vector<16xf32>
      %select_n3A_516 = arith.select %ge3A_478, %mul3A_513, %broadcast_in_dim3A_515 : vector<16xi1>, vector<16xf32>
      %mul3A_517 = arith.mulf %get3A_423, %div3A_231 : vector<16xf32>
      %jit3A_518 = arith.constant 0.000000e+00 : f32
      %broadcast_in_dim3A_519 = vector.broadcast %jit3A_518 : f32 to vector<16xf32>
      %select_n3A_520 = arith.select %ge3A_482, %mul3A_517, %broadcast_in_dim3A_519 : vector<16xi1>, vector<16xf32>
      %mul3A_521 = arith.mulf %get3A_431, %div3A_231 : vector<16xf32>
      %jit3A_522 = arith.constant 0.000000e+00 : f32
      %broadcast_in_dim3A_523 = vector.broadcast %jit3A_522 : f32 to vector<16xf32>
      %select_n3A_524 = arith.select %ge3A_486, %mul3A_521, %broadcast_in_dim3A_523 : vector<16xi1>, vector<16xf32>
      %mul3A_525 = arith.mulf %get3A_439, %div3A_231 : vector<16xf32>
      %jit3A_526 = arith.constant 0.000000e+00 : f32
      %broadcast_in_dim3A_527 = vector.broadcast %jit3A_526 : f32 to vector<16xf32>
      %select_n3A_528 = arith.select %ge3A_490, %mul3A_525, %broadcast_in_dim3A_527 : vector<16xi1>, vector<16xf32>
      %mul3A_529 = arith.mulf %get3A_447, %div3A_231 : vector<16xf32>
      %jit3A_530 = arith.constant 0.000000e+00 : f32
      %broadcast_in_dim3A_531 = vector.broadcast %jit3A_530 : f32 to vector<16xf32>
      %select_n3A_532 = arith.select %ge3A_494, %mul3A_529, %broadcast_in_dim3A_531 : vector<16xi1>, vector<16xf32>
      %mul3A_533 = arith.constant 10 : i32
      %mul3A_534 = arith.muli %scan3A_367, %mul3A_533 : i32
      %add3A_535 = arith.constant 0 : i32
      %add3A_536 = arith.addi %mul3A_534, %add3A_535 : i32
      %mul3A_537 = arith.constant 16 : i32
      %mul3A_538 = arith.muli %add3A_536, %mul3A_537 : i32
      %swap3A_539 = arith.index_cast %mul3A_538 : i32 to index
      %swap3A_540 = tpu.vector_load %arg4[%swap3A_539] {strides = array<i32>} : memref<100000xf32, #tpu.memory_space<vmem>>, vector<16xf32>,
      tpu.vector_store %arg4[%swap3A_539], %select_n3A {strides = array<i32>} : memref<100000xf32, #tpu.memory_space<vmem>>, vector<16xf32>,
      %mul3A_541 = arith.constant 10 : i32
      %mul3A_542 = arith.muli %scan3A_367, %mul3A_541 : i32
      %add3A_543 = arith.constant 1 : i32
      %add3A_544 = arith.addi %mul3A_542, %add3A_543 : i32
      %mul3A_545 = arith.constant 16 : i32
      %mul3A_546 = arith.muli %add3A_544, %mul3A_545 : i32
      %swap3A_547 = arith.index_cast %mul3A_546 : i32 to index
      %swap3A_548 = tpu.vector_load %arg4[%swap3A_547] {strides = array<i32>} : memref<100000xf32, #tpu.memory_space<vmem>>, vector<16xf32>,
      tpu.vector_store %arg4[%swap3A_547], %select_n3A_500 {strides = array<i32>} : memref<100000xf32, #tpu.memory_space<vmem>>, vector<16xf32>,
      %mul3A_549 = arith.constant 10 : i32
      %mul3A_550 = arith.muli %scan3A_367, %mul3A_549 : i32
      %add3A_551 = arith.constant 2 : i32
      %add3A_552 = arith.addi %mul3A_550, %add3A_551 : i32
      %mul3A_553 = arith.constant 16 : i32
      %mul3A_554 = arith.muli %add3A_552, %mul3A_553 : i32
      %swap3A_555 = arith.index_cast %mul3A_554 : i32 to index
      %swap3A_556 = tpu.vector_load %arg4[%swap3A_555] {strides = array<i32>} : memref<100000xf32, #tpu.memory_space<vmem>>, vector<16xf32>,
      tpu.vector_store %arg4[%swap3A_555], %select_n3A_504 {strides = array<i32>} : memref<100000xf32, #tpu.memory_space<vmem>>, vector<16xf32>,
      %mul3A_557 = arith.constant 10 : i32
      %mul3A_558 = arith.muli %scan3A_367, %mul3A_557 : i32
      %add3A_559 = arith.constant 3 : i32
      %add3A_560 = arith.addi %mul3A_558, %add3A_559 : i32
      %mul3A_561 = arith.constant 16 : i32
      %mul3A_562 = arith.muli %add3A_560, %mul3A_561 : i32
      %swap3A_563 = arith.index_cast %mul3A_562 : i32 to index
      %swap3A_564 = tpu.vector_load %arg4[%swap3A_563] {strides = array<i32>} : memref<100000xf32, #tpu.memory_space<vmem>>, vector<16xf32>,
      tpu.vector_store %arg4[%swap3A_563], %select_n3A_508 {strides = array<i32>} : memref<100000xf32, #tpu.memory_space<vmem>>, vector<16xf32>,
      %mul3A_565 = arith.constant 10 : i32
      %mul3A_566 = arith.muli %scan3A_367, %mul3A_565 : i32
      %add3A_567 = arith.constant 4 : i32
      %add3A_568 = arith.addi %mul3A_566, %add3A_567 : i32
      %mul3A_569 = arith.constant 16 : i32
      %mul3A_570 = arith.muli %add3A_568, %mul3A_569 : i32
      %swap3A_571 = arith.index_cast %mul3A_570 : i32 to index
      %swap3A_572 = tpu.vector_load %arg4[%swap3A_571] {strides = array<i32>} : memref<100000xf32, #tpu.memory_space<vmem>>, vector<16xf32>,
      tpu.vector_store %arg4[%swap3A_571], %select_n3A_512 {strides = array<i32>} : memref<100000xf32, #tpu.memory_space<vmem>>, vector<16xf32>,
      %mul3A_573 = arith.constant 10 : i32
      %mul3A_574 = arith.muli %scan3A_367, %mul3A_573 : i32
      %add3A_575 = arith.constant 5 : i32
      %add3A_576 = arith.addi %mul3A_574, %add3A_575 : i32
      %mul3A_577 = arith.constant 16 : i32
      %mul3A_578 = arith.muli %add3A_576, %mul3A_577 : i32
      %swap3A_579 = arith.index_cast %mul3A_578 : i32 to index
      %swap3A_580 = tpu.vector_load %arg4[%swap3A_579] {strides = array<i32>} : memref<100000xf32, #tpu.memory_space<vmem>>, vector<16xf32>,
      tpu.vector_store %arg4[%swap3A_579], %select_n3A_516 {strides = array<i32>} : memref<100000xf32, #tpu.memory_space<vmem>>, vector<16xf32>,
      %mul3A_581 = arith.constant 10 : i32
      %mul3A_582 = arith.muli %scan3A_367, %mul3A_581 : i32
      %add3A_583 = arith.constant 6 : i32
      %add3A_584 = arith.addi %mul3A_582, %add3A_583 : i32
      %mul3A_585 = arith.constant 16 : i32
      %mul3A_586 = arith.muli %add3A_584, %mul3A_585 : i32
      %swap3A_587 = arith.index_cast %mul3A_586 : i32 to index
      %swap3A_588 = tpu.vector_load %arg4[%swap3A_587] {strides = array<i32>} : memref<100000xf32, #tpu.memory_space<vmem>>, vector<16xf32>,
      tpu.vector_store %arg4[%swap3A_587], %select_n3A_520 {strides = array<i32>} : memref<100000xf32, #tpu.memory_space<vmem>>, vector<16xf32>,
      %mul3A_589 = arith.constant 10 : i32
      %mul3A_590 = arith.muli %scan3A_367, %mul3A_589 : i32
      %add3A_591 = arith.constant 7 : i32
      %add3A_592 = arith.addi %mul3A_590, %add3A_591 : i32
      %mul3A_593 = arith.constant 16 : i32
      %mul3A_594 = arith.muli %add3A_592, %mul3A_593 : i32
      %swap3A_595 = arith.index_cast %mul3A_594 : i32 to index
      %swap3A_596 = tpu.vector_load %arg4[%swap3A_595] {strides = array<i32>} : memref<100000xf32, #tpu.memory_space<vmem>>, vector<16xf32>,
      tpu.vector_store %arg4[%swap3A_595], %select_n3A_524 {strides = array<i32>} : memref<100000xf32, #tpu.memory_space<vmem>>, vector<16xf32>,
      %mul3A_597 = arith.constant 10 : i32
      %mul3A_598 = arith.muli %scan3A_367, %mul3A_597 : i32
      %add3A_599 = arith.constant 8 : i32
      %add3A_600 = arith.addi %mul3A_598, %add3A_599 : i32
      %mul3A_601 = arith.constant 16 : i32
      %mul3A_602 = arith.muli %add3A_600, %mul3A_601 : i32
      %swap3A_603 = arith.index_cast %mul3A_602 : i32 to index
      %swap3A_604 = tpu.vector_load %arg4[%swap3A_603] {strides = array<i32>} : memref<100000xf32, #tpu.memory_space<vmem>>, vector<16xf32>,
      tpu.vector_store %arg4[%swap3A_603], %select_n3A_528 {strides = array<i32>} : memref<100000xf32, #tpu.memory_space<vmem>>, vector<16xf32>,
      %mul3A_605 = arith.constant 10 : i32
      %mul3A_606 = arith.muli %scan3A_367, %mul3A_605 : i32
      %add3A_607 = arith.constant 9 : i32
      %add3A_608 = arith.addi %mul3A_606, %add3A_607 : i32
      %mul3A_609 = arith.constant 16 : i32
      %mul3A_610 = arith.muli %add3A_608, %mul3A_609 : i32
      %swap3A_611 = arith.index_cast %mul3A_610 : i32 to index
      %swap3A_612 = tpu.vector_load %arg4[%swap3A_611] {strides = array<i32>} : memref<100000xf32, #tpu.memory_space<vmem>>, vector<16xf32>,
      tpu.vector_store %arg4[%swap3A_611], %select_n3A_532 {strides = array<i32>} : memref<100000xf32, #tpu.memory_space<vmem>>, vector<16xf32>,
      %scan3A_613 = arith.constant 0 : i32
      scf.yield %scan3A_613 : i32
    }
    %scan3A_348 = arith.constant 625 : i32
    %dma_start3A_349 = arith.constant 0 : i32
    %dma_start3A_350 = arith.constant 0 : i32
    %dma_start3A_351 = tpu.memref_slice %arg3[%add3A_185, %dma_start3A_350] : memref<64x100000xf32, #tpu.memory_space<hbm>> -> memref<1x100000xf32, #tpu.memory_space<hbm>>
    %dma_start3A_352 = tpu.memref_squeeze %dma_start3A_351 : memref<1x100000xf32, #tpu.memory_space<hbm>> -> memref<100000xf32, #tpu.memory_space<hbm>>
    %dma_start3A_353 = tpu.memref_slice %arg8[%dma_start3A_349] : memref<5x!tpu.dma_semaphore, #tpu.memory_space<semaphore_mem>> -> memref<1x!tpu.dma_semaphore, #tpu.memory_space<semaphore_mem>>
    %dma_start3A_354 = tpu.memref_squeeze %dma_start3A_353 : memref<1x!tpu.dma_semaphore, #tpu.memory_space<semaphore_mem>> -> memref<!tpu.dma_semaphore, #tpu.memory_space<semaphore_mem>>
    %dma_start3A_355 = arith.constant 0 : i32
    %dma_start3A_356 = tpu.memref_slice %arg3[%add3A_185, %dma_start3A_355] : memref<64x100000xf32, #tpu.memory_space<hbm>> -> memref<1x100000xf32, #tpu.memory_space<hbm>>
    %dma_start3A_357 = tpu.memref_squeeze %dma_start3A_356 : memref<1x100000xf32, #tpu.memory_space<hbm>> -> memref<100000xf32, #tpu.memory_space<hbm>>
    tpu.enqueue_dma source(%arg4 : memref<100000xf32, #tpu.memory_space<vmem>>) target(%dma_start3A_357 : memref<100000xf32, #tpu.memory_space<hbm>>) target_semaphore(%dma_start3A_354 : memref<!tpu.dma_semaphore, #tpu.memory_space<semaphore_mem>>)
    %dma_wait3A_358 = arith.constant 0 : i32
    %dma_wait3A_359 = arith.constant 0 : i32
    %dma_wait3A_360 = tpu.memref_slice %arg3[%add3A_185, %dma_wait3A_359] : memref<64x100000xf32, #tpu.memory_space<hbm>> -> memref<1x100000xf32, #tpu.memory_space<hbm>>
    %dma_wait3A_361 = tpu.memref_squeeze %dma_wait3A_360 : memref<1x100000xf32, #tpu.memory_space<hbm>> -> memref<100000xf32, #tpu.memory_space<hbm>>
    %dma_wait3A_362 = tpu.memref_slice %arg8[%dma_wait3A_358] : memref<5x!tpu.dma_semaphore, #tpu.memory_space<semaphore_mem>> -> memref<1x!tpu.dma_semaphore, #tpu.memory_space<semaphore_mem>>
    %dma_wait3A_363 = tpu.memref_squeeze %dma_wait3A_362 : memref<1x!tpu.dma_semaphore, #tpu.memory_space<semaphore_mem>> -> memref<!tpu.dma_semaphore, #tpu.memory_space<semaphore_mem>>
    %dma_wait3A_364 = arith.constant 0 : i32
    %dma_wait3A_365 = tpu.memref_slice %arg3[%add3A_185, %dma_wait3A_364] : memref<64x100000xf32, #tpu.memory_space<hbm>> -> memref<1x100000xf32, #tpu.memory_space<hbm>>
    %dma_wait3A_366 = tpu.memref_squeeze %dma_wait3A_365 : memref<1x100000xf32, #tpu.memory_space<hbm>> -> memref<100000xf32, #tpu.memory_space<hbm>>
    tpu.wait_dma2 semaphore(%dma_wait3A_363 : memref<!tpu.dma_semaphore, #tpu.memory_space<semaphore_mem>>) src(%arg4 : memref<100000xf32, #tpu.memory_space<vmem>>) dst(%dma_wait3A_366 : memref<100000xf32, #tpu.memory_space<hbm>>)
    return
  }
}

</mosaic_0001>

<sc_bundles>
// kernel: kernel.3.cloned.1.call-start
scs
__scs_entry_jumppad:
0x0: {  	(pc) =	sbr.rel $0x88, $3  }
0x1: {  	(tag) =	ssettag $0x0;
	lr =	simm.s32 $0x1  }
0x2: {  	[smem:$0x3FA0] =	sst lr;
	_ =	strace $0xD0000000  }
0x3: {  	_ = 	snop  }
0x4: {  	_ = 	snop  }
0x5: {  	_ = 	snop  }
0x6: {  	_ = 	snop  }
0x7: {  	_ = 	snop  }
__scs_overlays_trampoline_lowered:
0x8: {  	[smem:$0x3FAF] =	sst s0  }
0x9: {  	[smem:$0x3FB0] =	sst s1  }
0xa: {  	[smem:$0x3FB1] =	sst s2  }
0xb: {  	[smem:$0x3FB2] =	sst s3  }
0xc: {  	[smem:$0x3FB3] =	sst s4  }
0xd: {  	[smem:$0x3FB4] =	sst s5  }
0xe: {  	[smem:$0x3FB5] =	sst s6  }
0xf: {  	[smem:$0x3FB6] =	sst s7  }
0x10: {  	[smem:$0x3FB7] =	sst s8  }
0x11: {  	[smem:$0x3FB8] =	sst s9;
	s0 =	simm.s32 @!p0 $0x0  }
0x12: {  	s1 =	sld [smem:$0x3F9E];
	s0 =	simm.s32 @p0 $0x1  }
0x13: {  	[smem:$0x3FB9] =	sst s0;
	s0 =	simm.s32 @!p1 $0x0  }
0x14: {  	s2 =	sld [smem:$0x3F9D];
	s0 =	simm.s32 @p1 $0x1  }
0x15: {  	[smem:$0x3FBA] =	sst s0;
	s0 =	simm.s32 @!p2 $0x0  }
0x16: {  	s3 =	sld [smem:$0x3FDB];
	s0 =	simm.s32 @p2 $0x1  }
0x17: {  	s4 =	simm.s32 $0x1BF5;
	[smem:$0x3FBC] =	sst s0  }
0x18: {  	s0 =	sld [smem:$0x3F9F];
	_ =	swait.ge [sflag:s4], $0x0  }
0x19: {  	s7 =	sld [smem:$0x3FA0]  }
0x1a: {  	s8 =	sadd.s32 $0xFFFFE003, lr  }
0x1b: {  	s9 =	sadd.s32 $0xFFFFFEF7, lr;
	s5 =	simm.s32 $0xFFFFFFFF;
	p2 =	slt.u32 s8, $0xFFFFF086  }
0x1c: {  	p1 =	slt.u32 s9, $0xF7A;
	s5 =	simm.s32 @!p2 $0x0  }
0x1d: {  	s5 =	simm.s32 @p1 $0x1;
	p0 =	seq.s32 s7, s2  }
0x1e: {  	s7 =	smul.u32 @!p0 $0xF7A, s2;
	p2 =	seq.s32 @!p0 s5, $0x0  }
0x1f: {  	s9 =	smul.u32 $0xF7A, s1;
	s8 =	simm.s32 @!p0 $0x1BF5;
	p2 =	por !p2, p0  }
0x20: {  	[sflag:s8] =	ssyncset.s32 @!p0 $0xFFFFF086;
	s6 =	sadd.s32 @!p0 s3, s7;
	s7 =	simm.s32 @!p0 $0x108  }
0x21: {  	s3 =	sadd.s32 s3, s9;
	s6 =	sadd.s32 @!p0 $0x88, s6;
	s7 =	simm.s32 @p2 $0x1082  }
0x22: {  	[simem:s7], [sflag:s8] =	dma.local @!p0 [hbm:s6], $0xF7A  }
0x23: {  	s9 =	sor.u32 $0xD0000000, s2;
	s6 =	simm.s32 $0x108;
	_ =	swait.ge @!p0 [sflag:s8], $0x0  }
0x24: {  	s3 =	sadd.s32 $0x88, s3;
	s6 =	simm.s32 @!p1 $0x1082;
	[sflag:s4] =	ssyncset.s32 $0xFFFFF086  }
0x25: {  	[simem:s6], [sflag:s4] =	dma.local [hbm:s3], $0xF7A  }
0x26: {  	[smem:$0x3FA0] =	sst s1;
	(tag) =	ssettag s2;
	_ =	strace s9  }
0x27: {  	s1 =	sld [smem:$0x3FB0]  }
0x28: {  	s2 =	sld [smem:$0x3FB1]  }
0x29: {  	s4 =	sld [smem:$0x3FB3]  }
0x2a: {  	p0 =	seq.s32 s5, $0x0;
	s5 =	sld [smem:$0x3FB4]  }
0x2b: {  	s6 =	sld [smem:$0x3FB5]  }
0x2c: {  	s7 =	sld [smem:$0x3FB6]  }
0x2d: {  	s3 =	simm.s32 $0x108;
	s8 =	sld [smem:$0x3FB7]  }
0x2e: {  	s3 =	simm.s32 @!p0 $0x1082;
	s9 =	sld [smem:$0x3FB8]  }
0x2f: {  	lr =	sadd.s32 s0, s3;
	s0 =	sld [smem:$0x3FAF]  }
0x30: {  	s3 =	sld [smem:$0x3FB2]  }
0x31: {  	[smem:$0x3FBB] =	sst s10  }
0x32: {  	s10 =	sld [smem:$0x3FB9];
	_ =	sdelay $0x3  }
0x33: {  	p0 =	seq.s32 s10, $0x1;
	s10 =	sld [smem:$0x3FBB];
	_ =	sdelay $0x3  }
0x34: {  	[smem:$0x3FBB] =	sst s10  }
0x35: {  	s10 =	sld [smem:$0x3FBA];
	_ =	sdelay $0x3  }
0x36: {  	p1 =	seq.s32 s10, $0x1;
	s10 =	sld [smem:$0x3FBB];
	_ =	sdelay $0x3  }
0x37: {  	[smem:$0x3FBB] =	sst s10  }
0x38: {  	s10 =	sld [smem:$0x3FBC]  }
0x39: {  	_ = 	snop;
	(pc) =	sbr.ind lr, $3  }
0x3a: {  	_ = 	snop  }
0x3b: {  	_ = 	snop  }
0x3c: {  	p2 =	seq.s32 s10, $0x1;
	s10 =	sld [smem:$0x3FBB]  }
0x3d: {  	_ =	shalt  }
0x3e: {  	_ =	shalt  }
0x3f: {  	_ =	shalt  }
0x40: {  	_ =	shalt  }
0x41: {  	_ =	shalt  }
0x42: {  	_ =	shalt  }
0x43: {  	_ =	shalt  }
0x44: {  	_ =	shalt  }
0x45: {  	_ =	shalt  }
0x46: {  	_ =	shalt  }
0x47: {  	_ =	shalt  }
0x48: {  	_ =	shalt  }
0x49: {  	_ =	shalt  }
0x4a: {  	_ =	shalt  }
0x4b: {  	_ =	shalt  }
0x4c: {  	_ =	shalt  }
0x4d: {  	_ =	shalt  }
0x4e: {  	_ =	shalt  }
0x4f: {  	_ =	shalt  }
0x50: {  	_ =	shalt  }
0x51: {  	_ =	shalt  }
0x52: {  	_ =	shalt  }
0x53: {  	_ =	shalt  }
0x54: {  	_ =	shalt  }
0x55: {  	_ =	shalt  }
0x56: {  	_ =	shalt  }
0x57: {  	_ =	shalt  }
0x58: {  	_ =	shalt  }
0x59: {  	_ =	shalt  }
0x5a: {  	_ =	shalt  }
0x5b: {  	_ =	shalt  }
0x5c: {  	_ =	shalt  }
0x5d: {  	_ =	shalt  }
0x5e: {  	_ =	shalt  }
0x5f: {  	_ =	shalt  }
0x60: {  	_ =	shalt  }
0x61: {  	_ =	shalt  }
0x62: {  	_ =	shalt  }
0x63: {  	_ =	shalt  }
0x64: {  	_ =	shalt  }
0x65: {  	_ =	shalt  }
0x66: {  	_ =	shalt  }
0x67: {  	_ =	shalt  }
0x68: {  	_ =	shalt  }
0x69: {  	_ =	shalt  }
0x6a: {  	_ =	shalt  }
0x6b: {  	_ =	shalt  }
0x6c: {  	_ =	shalt  }
0x6d: {  	_ =	shalt  }
0x6e: {  	_ =	shalt  }
0x6f: {  	_ =	shalt  }
0x70: {  	_ =	shalt  }
0x71: {  	_ =	shalt  }
0x72: {  	_ =	shalt  }
0x73: {  	_ =	shalt  }
0x74: {  	_ =	shalt  }
0x75: {  	_ =	shalt  }
0x76: {  	_ =	shalt  }
0x77: {  	_ =	shalt  }
0x78: {  	_ =	shalt  }
0x79: {  	_ =	shalt  }
0x7a: {  	_ =	shalt  }
0x7b: {  	_ =	shalt  }
0x7c: {  	_ =	shalt  }
0x7d: {  	_ =	shalt  }
0x7e: {  	_ =	shalt  }
0x7f: {  	_ =	shalt  }
0x80: {  	_ =	shalt  }
0x81: {  	_ =	shalt  }
0x82: {  	_ =	shalt  }
0x83: {  	_ =	shalt  }
0x84: {  	_ =	shalt  }
0x85: {  	_ =	shalt  }
0x86: {  	_ =	shalt  }
0x87: {  	_ =	shalt  }
.Lfunc_end0:
.L_simem_size_0:
called_computation_lowered:
.L_overlay_start_0:
0x88: {  	s2 =	sld [smem:$0x3FD9]  }
0x89: {  	s3 =	sld [smem:$0x3FFE];
	_ =	sdelay $0x1  }
0x8a: {  	s1 =	srdreg.scid  }
0x8b: {  	s0 =	sand.u32 $0x1, s1  }
0x8c: {  	s18 =	sshll.u32 s0, $0xA;
	s2 =	sadd.s32 s3, s2  }
0x8d: {  	s2 =	sadd.s32 s2, s18  }
0x8e: {  	[smem:$0x3FC7] =	sst s2  }
0x8f: {  	_ = 	snop  }
0x90: {  	s2 =	sld [smem:$0x3FC9]  }
0x91: {  	s19 =	sld [smem:$0x3FD0];
	(tm) =	ssettm $0x1  }
0x92: {  	s4 =	sld [smem:$0x3FFB];
	_ =	sdelay $0x3  }
0x93: {  	_ =	strace s4  }
0x94: {  	s4 =	sld [smem:$0x3FFC];
	_ =	sdelay $0x3  }
0x95: {  	_ =	strace s4  }
0x96: {  	s4 =	sld [smem:$0x3FFD];
	_ =	sdelay $0x3  }
0x97: {  	_ =	strace s4  }
0x98: {  	_ =	strace $0x8FFFFFFF  }
0x99: {  	s20 =	sld [smem:$0x3FDB];
	_ =	sdelay $0x1  }
0x9a: {  	s5 =	simm.s32 $_scs_section_size  }
0x9b: {  	s6 =	simm.s32 $_size__tile_overlayer_lowered;
	s7 =	simm.s32 $_tile_overlayer_lowered  }
0x9c: {  	s23 =	simm.s32 $0x1BFF;
	s22 =	sshll.u32 s7, $0x1;
	s4 =	sadd.s32 s5, s20  }
0x9d: {  	s8 =	simm.s32 $0x0;
	s21 =	sshll.u32 s6, $0x1;
	s6 =	sadd.s32 s22, s4  }
0x9e: {  	[timem:s8], [sflag:s23] =	dma.local [hbm:s6], s21  }
0x9f: {  	_ =	swait.ge [sflag:s23], s21  }
0xa0: {  	s5 =	ssub.s32 $0x0, s21;
	[sflag:s23] =	ssyncset.done $0x0  }
0xa1: {  	[sflag:s23] =	ssyncadd.s32 s5;
	_ =	sdelay $0x1  }
0xa2: {  	s24 =	simm.s32 $0x1B8B  }
0xa3: {  	_ =	swait.ge [sflag:s24], $0x1  }
0xa4: {  	[sflag:s24] =	ssyncset.done $0x0  }
0xa5: {  	s25 =	simm.s32 $0x1B8E;
	[sflag:s24] =	ssyncadd.s32 $0xFFFFFFFF  }
0xa6: {  	s26 =	simm.s32 $execute0_lowered;
	[smem:$0x3FD2] =	sst s25  }
0xa7: {  	s5 =	sshll.u32 s26, $0x1;
	_ =	strace $0x80000046;
	[dreg:$0x1] =	wrdreg $0xFFFFFFFF  }
0xa8: {  	s28 =	simm.s32 $_size_execute0_lowered;
	s4 =	sadd.s32 s4, s5;
	[dreg:$0x0] =	wrdreg $0x0  }
0xa9: {  	s5 =	sshll.u32 s28, $0x1;
	[dreg:$0x2] =	wrdreg s4  }
0xaa: {  	[dreg:$0x3] =	wrdreg s5  }
0xab: {  	[dreg:$0x4] =	wrdreg $0xC0  }
0xac: {  	_ =	task [dreg:s8], $0x5FFFF  }
0xad: {  	[dreg:$0x1] =	wrdreg $0xFFFFFFFF  }
0xae: {  	[dreg:$0x0] =	wrdreg $0x60  }
0xaf: {  	[dreg:$0x2] =	wrdreg s2  }
0xb0: {  	[dreg:$0x3] =	wrdreg s19  }
0xb1: {  	[dreg:$0x4] =	wrdreg $0x9  }
0xb2: {  	_ =	task.clear_ibuf [dreg:s8], $0x5FFFF;
	_ =	strace $0x90000046  }
0xb3: {  	s29 =	simm.s32 $0x9;
	_ =	strace $0x80000048  }
0xb4: {  	_ =	swait.ge [sflag:s29], $0x1  }
0xb5: {  	[sflag:s29] =	ssyncadd.s32 $0xFFFFFFFF  }
0xb6: {  	_ =	strace $0x90000048  }
0xb7: {  	_ =	sfence  }
0xb8: {  	s30 =	sld [smem:$0x0];
	_ =	sdelay $0x2  }
0xb9: {  	s31 =	sshll.u32 s1, $0xD;
	s1 =	sshrl.u32 s1, $0x2  }
0xba: {  	s3 =	sand.u32 $0x4000, s31;
	s1 =	sadd.s32 s1, s30  }
0xbb: {  	s0 =	sor.u32 s3, s0;
	s1 =	sshll.u32 s1, $0x11  }
0xbc: {  	s0 =	sor.u32 s1, s0  }
0xbd: {  	s0 =	sadd.s32 $0x8F2B, s0  }
0xbe: {  	[sflag:s0] =	ssyncadd.remote.s32 $0x1  }
0xbf: {  	_ =	sfence.sel $0xFFFF  }
0xc0: {  	[dreg:$0x0] =	wrdreg $0xFFFFFFFF;
	(pc) =	sbr.abs _section_cstart, $3  }
0xc1: {  	[dreg:$0x1] =	wrdreg $0xFFFFFFFF  }
0xc2: {  	_ =	task.clear_ibuf [dreg:s8], $0x2FFFF;
	_ =	strace $0x9FFFFFFF  }
0xc3: {  	(tm) =	ssettm $0x7FFFFFFF  }
tec
execute0_lowered:
.L_overlay_start_1:
0x0: {  	(tag) =	ssettag $0x1  }
0x1: {  	s5 =	rddreg [dreg:$0x0]  }
0x2: {  	s6 =	rddreg [dreg:$0x1];
	s1 =	srdreg.scid  }
0x3: {  	s0 =	stileid.u32;
	s9 =	simm.s32 $0x400;
	s10 =	simm.s32 $0x1  }
0x4: {  	s11 =	simm.s32 $0x18700;
	s12 =	simm.s32 $0x1A700;
	s13 =	simm.s32 $0x6  }
0x5: {  	s14 =	simm.s32 $0x0;
	s3 =	sand.u32 $0x1, s1;
	s29 =	sshll.u32 s0, $0x9  }
0x6: {  	s2 =	sshrl.u32 s0, $0x1;
	s1 =	rddreg [dreg:$0x2];
	s4 =	sshll.u32 s3, $0x8  }
0x7: {  	s7 =	smul.u32 $0xC3800, s2;
	s30 =	sand.u32 $0x200, s29;
	s3 =	ssub.s32 $0x2, s3  }
0x8: {  	s2 =	simm.s32 $0x0;
	s4 =	sor.u32 s4, s30;
	s31 =	sshrl.u32 s3, $0x1  }
0x9: {  	v1 =	vlaneseq.u32;
	[smem:$0x7FF] =	sst s2;
	s4 =	sor.u32 s7, s4;
	s7 =	ssub.s32 s3, s31  }
0xa: {  	v2 =	vmul.u32 $0xFFFFFFFF, v1;
	_ =	strace $0x80000047;
	s4 =	sshrl.u32 s4, $0x3;
	s7 =	smax.u32 s7, $0x1  }
0xb: {  	s8 =	sor.u32 $0x10, s4;
	s3 =	sadd.s32 s5, s4;
	s4 =	sadd.s32 s6, s4  }
0xc: {  	v0 =	vimm.f32 $0.0e+00;
	v1 =	vmul.u32 $0x200, v1;
	v2 =	vadd.s32 $0xF, v2;
	s5 =	sadd.s32 s5, s8;
	s6 =	sadd.s32 s6, s8;
	s8 =	simm.s32 $0x80  }
.LBB2_1:
0xd: {  	[tilespmem:s2], [sflag:$0x1] =	stream.strided.gather [hbm4b:s3+s8], $0x18700, s9, s8, $0x38;
	[tilespmem:$0x1A980] =	vst v63  }
0xe: {  	_ =	swait.ge [sflag:s10], $0x18700  }
0xf: {  	[sflag:s10] =	ssyncset.done $0x0  }
0x10: {  	s15 =	simm.s32 $0x0;
	s16 =	simm.s32 $0x200;
	[sflag:s10] =	ssyncadd.s32 $0xFFFE7900  }
.LBB2_2:
0x11: {  	p0 =	sne.s32 s16, $0x7E00;
	[tilespmem:s15+$0x18770] =	vst v0  }
0x12: {  	[tilespmem:s15+$0x18700] =	vst v0  }
0x13: {  	[tilespmem:s15+$0x18710] =	vst v0  }
.Ltmp0:
0x14: {  	[tilespmem:s15+$0x18720] =	vst v0;
	(pc) =	sbr.rel @p0 .LBB2_2-.Ltmp0, $4  }
0x15: {  	[tilespmem:s15+$0x18730] =	vst v0  }
0x16: {  	[tilespmem:s15+$0x18740] =	vst v0  }
0x17: {  	[tilespmem:s15+$0x18750] =	vst v0  }
0x18: {  	[tilespmem:s15+$0x18760] =	vst v0;
	s15 =	sshra.s32 s16, $0x2;
	s16 =	sadd.s32 $0x200, s16  }
0x19: {  	[tilespmem:s15+$0x18770] =	vst v0  }
0x1a: {  	[tilespmem:s15+$0x18700] =	vst v0  }
0x1b: {  	[tilespmem:s15+$0x18710] =	vst v0  }
0x1c: {  	[tilespmem:s15+$0x18720] =	vst v0  }
0x1d: {  	[tilespmem:s15+$0x18730] =	vst v0  }
0x1e: {  	[tilespmem:s15+$0x18740] =	vst v0  }
0x1f: {  	[tilespmem:s15+$0x18750] =	vst v0  }
0x20: {  	[tilespmem:s15+$0x18760] =	vst v0;
	s15 =	simm.s32 $0x50  }
0x21: {  	v3 =	vld [tilespmem:s15+$0xFFFFFFB0]  }
0x22: {  	v4 =	vld [tilespmem:s15+$0xFFFFFFC0]  }
0x23: {  	v5 =	vld [tilespmem:s15+$0xFFFFFFD0]  }
0x24: {  	v6 =	vld [tilespmem:s15+$0x10]  }
0x25: {  	v9 =	vld [tilespmem:s15+$0x0];
	_ =	sdelay $0x2  }
0x26: {  	v7 =	vld [tilespmem:s15+$0xFFFFFFE0];
	v3 =	vmul.f32 $1.442695020e+00, v3  }
0x27: {  	v8 =	vld [tilespmem:s15+$0xFFFFFFF0];
	v4 =	vmul.f32 $1.442695020e+00, v4;
	v5 =	vmul.f32 $1.442695020e+00, v5  }
0x28: {  	v6 =	vmul.f32 $1.442695020e+00, v6;
	v9 =	vmul.f32 $1.442695020e+00, v9;
	v10 =	vadd.f32 $1.258291200e+07, v3  }
0x29: {  	v11 =	vadd.f32 $1.258291200e+07, v4;
	v12 =	vadd.f32 $1.258291200e+07, v5  }
0x2a: {  	v14 =	vadd.f32 $1.258291200e+07, v6;
	v19 =	vadd.f32 $1.258291200e+07, v9  }
0x2b: {  	v7 =	vmul.f32 $1.442695020e+00, v7;
	v13 =	vadd.f32 $-1.258291200e+07, v10;
	v15 =	vadd.f32 $-1.258291200e+07, v11  }
0x2c: {  	v16 =	vshll.u32 v11, $0x17;
	v11 =	vmul.f32 $1.442695020e+00, v8;
	v17 =	vadd.f32 $-1.258291200e+07, v14  }
0x2d: {  	v8 =	vshll.u32 v14, $0x17;
	v14 =	vadd.f32 $1.258291200e+07, v7;
	v3 =	vsub.f32 v3, v13  }
0x2e: {  	v23 =	vshll.u32 v19, $0x17;
	v19 =	vadd.f32 $-1.258291200e+07, v19;
	v4 =	vsub.f32 v4, v15  }
0x2f: {  	v13 =	vshll.u32 v12, $0x17;
	v12 =	vadd.f32 $-1.258291200e+07, v12;
	v18 =	vmul.f32 $9.554111400e-03, v3  }
0x30: {  	v15 =	vadd.f32 $1.258291200e+07, v11;
	v6 =	vsub.f32 v6, v17;
	v20 =	vmul.f32 $9.554111400e-03, v4  }
0x31: {  	v22 =	vsub.f32 v5, v12;
	v18 =	vadd.f32 $5.587037280e-02, v18  }
0x32: {  	v19 =	vsub.f32 v9, v19;
	v17 =	vadd.f32 $5.587037280e-02, v20  }
0x33: {  	v21 =	vshll.u32 v15, $0x17;
	v20 =	vld [tilespmem:s15+$0x20];
	v9 =	vmul.f32 $9.554111400e-03, v22;
	v18 =	vmul.f32 v18, v3  }
0x34: {  	v15 =	vadd.f32 $-1.258291200e+07, v15;
	v12 =	vadd.f32 $-1.258291200e+07, v14;
	v5 =	vmul.f32 v17, v4  }
0x35: {  	v10 =	vshll.u32 v10, $0x17;
	v9 =	vadd.f32 $5.587037280e-02, v9;
	v18 =	vadd.f32 $2.402469660e-01, v18  }
0x36: {  	v24 =	vsub.f32 v7, v12;
	v17 =	vmul.f32 $9.554111400e-03, v6;
	v5 =	vadd.f32 $2.402469660e-01, v5  }
0x37: {  	v11 =	vsub.f32 v11, v15;
	v9 =	vmul.f32 v9, v22;
	v12 =	vmul.f32 v18, v3  }
0x38: {  	v7 =	vadd.f32 $5.587037280e-02, v17;
	v5 =	vmul.f32 v5, v4;
	v18 =	vmul.f32 $1.442695020e+00, v20  }
0x39: {  	v20 =	vmul.f32 $9.554111400e-03, v24;
	v9 =	vadd.f32 $2.402469660e-01, v9;
	v12 =	vadd.f32 $6.931280490e-01, v12  }
0x3a: {  	v17 =	vmul.f32 $9.554111400e-03, v19;
	v5 =	vadd.f32 $6.931280490e-01, v5;
	v26 =	vadd.f32 $1.258291200e+07, v18  }
0x3b: {  	s16 =	simm.s32 $0x0;
	v15 =	vadd.f32 $5.587037280e-02, v20;
	v9 =	vmul.f32 v9, v22;
	v3 =	vmul.f32 v12, v3  }
0x3c: {  	s17 =	sand.u32 $0x3FFE0, s16;
	v12 =	vadd.f32 $5.587037280e-02, v17;
	v4 =	vmul.f32 v5, v4;
	v5 =	vmul.f32 $9.554111400e-03, v11  }
0x3d: {  	v27 =	vmul.f32 v7, v6;
	v17 =	vld [tilespmem:s17+$0x80];
	v9 =	vadd.f32 $6.931280490e-01, v9;
	v3 =	vadd.f32 $9.999994630e-01, v3  }
0x3e: {  	v20 =	vmul.f32 v12, v19;
	v12 =	vadd.f32 $9.999994630e-01, v4;
	v4 =	vadd.s32 $0x3F800000, v10  }
0x3f: {  	v25 =	vadd.f32 $5.587037280e-02, v5;
	v5 =	vadd.s32 $0x3F800000, v16;
	v9 =	vmul.f32 v9, v22  }
0x40: {  	v10 =	vmul.f32 v15, v24;
	v16 =	vadd.s32 $0x3F800000, v13;
	v4 =	vmul.f32 v4, v3  }
0x41: {  	v3 =	vmul.f32 v5, v12;
	v12 =	vadd.f32 $-1.258291200e+07, v26;
	v9 =	vadd.f32 $9.999994630e-01, v9  }
0x42: {  	v25 =	vmul.f32 v25, v11;
	v26 =	vshll.u32 v26, $0x17;
	v28 =	vmul.f32 $1.442695020e+00, v17  }
0x43: {  	v5 =	vshrl.u32 v4, $0x16;
	v7 =	vshrl.u32 v3, $0x16;
	v12 =	vsub.f32 v18, v12  }
0x44: {  	v18 =	vadd.f32 $2.402469660e-01, v20;
	v9 =	vmul.f32 v16, v9;
	v13 =	vadd.s32 v1, v5  }
0x45: {  	v16 =	vadd.s32 $0x3F800000, v23;
	v5 =	vand.u32 $0x7F, v5;
	v15 =	vand.u32 $0x3F80, v13  }
0x46: {  	v17 =	vadd.s32 v1, v7;
	v5 =	vor.u32 v5, v15;
	v15 =	vadd.f32 $2.402469660e-01, v10  }
0x47: {  	v20 =	vld [tilespmem:s15+$0x40];
	v13 =	vadd.s32 $0x3F800000, v21;
	v21 =	vmul.f32 $9.554111400e-03, v12;
	v10 =	vadd.f32 $1.258291200e+07, v28  }
0x48: {  	v22 =	vmul.f32 v15, v24;
	v15 =	vshll.u32 v14, $0x17;
	v14 =	vmul.f32 v18, v19  }
0x49: {  	v7 =	vand.u32 $0x7F, v7;
	v17 =	vand.u32 $0x3F80, v17;
	v18 =	vadd.f32 $-1.258291200e+07, v10  }
0x4a: {  	v30 =	vshrl.u32 v9, $0x16;
	v21 =	vadd.f32 $5.587037280e-02, v21;
	v29 =	vadd.f32 $6.931280490e-01, v14  }
0x4b: {  	v7 =	vor.u32 v7, v17;
	v14 =	vsub.f32 v28, v18;
	v18 =	vadd.f32 $2.402469660e-01, v25  }
0x4c: {  	v17 =	vadd.f32 $2.402469660e-01, v27;
	v20 =	vmul.f32 $1.442695020e+00, v20;
	v27 =	vadd.f32 $6.931280490e-01, v22  }
0x4d: {  	v22 =	vmul.f32 v21, v12;
	v25 =	vadd.s32 v1, v30;
	v21 =	vmul.f32 v18, v11  }
0x4e: {  	[tilespmem:s15+$0xFFFFFFB0] =	vst v4;
	v28 =	vmul.f32 $9.554111400e-03, v14;
	v18 =	vadd.f32 $1.258291200e+07, v20;
	v23 =	vmul.f32 v29, v19  }
0x4f: {  	s18 =	simm.s32 $0xA0;
	[tilespmem:s15+$0xFFFFFFC0] =	vst v3;
	v19 =	vand.u32 $0x3F80, v25;
	v25 =	vadd.f32 $6.931280490e-01, v21;
	v21 =	vmul.f32 v27, v24  }
0x50: {  	s16 =	simm.s32 $0x50;
	[tilespmem:s15+$0xFFFFFFD0] =	vst v9;
	v27 =	vadd.f32 $-1.258291200e+07, v18;
	v28 =	vadd.f32 $5.587037280e-02, v28;
	v24 =	vand.u32 $0x7F, v30  }
.LBB2_4:
0x51: {  	p0 =	sne.s32 s18, $0x18600  }
0x52: {  	v22 =	vadd.f32 $2.402469660e-01, v22;
	v17 =	vmul.f32 v17, v6;
	v8 =	vadd.s32 $0x3F800000, v8;
	s15 =	sadd.s32 $0xA0, s15;
	s19 =	smov.u32 s18;
	s18 =	sadd.s32 $0xA0, s18  }
0x53: {  	v26 =	vadd.s32 $0x3F800000, v26;
	v20 =	vsub.f32 v20, v27;
	v27 =	vmul.f32 v28, v14  }
0x54: {  	v11 =	vmul.f32 v25, v11;
	v23 =	vadd.f32 $9.999994630e-01, v23;
	v17 =	vadd.f32 $6.931280490e-01, v17  }
0x55: {  	v15 =	vadd.s32 $0x3F800000, v15;
	v25 =	vmul.f32 $9.554111400e-03, v20;
	v27 =	vadd.f32 $2.402469660e-01, v27  }
0x56: {  	v21 =	vadd.f32 $9.999994630e-01, v21;
	v19 =	vor.u32 v24, v19;
	v16 =	vmul.f32 v16, v23  }
0x57: {  	v6 =	vmul.f32 v17, v6;
	v23 =	vadd.f32 $5.587037280e-02, v25;
	v24 =	vmul.f32 v27, v14  }
0x58: {  	v15 =	vmul.f32 v15, v21;
	v17 =	vshll.u32 v18, $0x17;
	v18 =	vshrl.u32 v16, $0x16  }
0x59: {  	v22 =	vmul.f32 v22, v12;
	v11 =	vadd.f32 $9.999994630e-01, v11;
	v21 =	vmul.f32 v23, v20;
	[tilespmem:s16+$0x0] =	vst v16  }
0x5a: {  	v6 =	vadd.f32 $9.999994630e-01, v6;
	v23 =	vadd.f32 $6.931280490e-01, v24;
	v24 =	vadd.s32 v1, v18  }
0x5b: {  	v22 =	vadd.f32 $6.931280490e-01, v22;
	v25 =	vshrl.u32 v15, $0x16;
	v21 =	vadd.f32 $2.402469660e-01, v21  }
0x5c: {  	v11 =	vmul.f32 v13, v11;
	v6 =	vmul.f32 v8, v6;
	v8 =	vand.u32 $0x7F, v18;
	[tilespmem:s16+$0xFFFFFFE0] =	vst v15  }
0x5d: {  	v18 =	vadd.s32 v1, v25;
	v14 =	vmul.f32 v23, v14;
	v13 =	vmul.f32 v21, v20  }
0x5e: {  	v18 =	vand.u32 $0x3F80, v18;
	v23 =	vand.u32 $0x3F80, v24;
	v21 =	vshrl.u32 v6, $0x16  }
0x5f: {  	v24 =	vand.u32 $0x7F, v25;
	v8 =	vor.u32 v8, v23;
	v13 =	vadd.f32 $6.931280490e-01, v13  }
0x60: {  	v23 =	vshrl.u32 v11, $0x16;
	v18 =	vor.u32 v24, v18;
	v25 =	vadd.s32 v1, v21;
	[tilespmem:s16+$0xFFFFFFF0] =	vst v11  }
0x61: {  	v12 =	vmul.f32 v22, v12;
	v13 =	vmul.f32 v13, v20;
	v20 =	vadd.s32 v1, v23  }
0x62: {  	v10 =	vshll.u32 v10, $0x17;
	v14 =	vadd.f32 $9.999994630e-01, v14  }
0x63: {  	v12 =	vadd.f32 $9.999994630e-01, v12;
	v20 =	vand.u32 $0x3F80, v20;
	v13 =	vadd.f32 $9.999994630e-01, v13;
	[tilespmem:s16+$0x10] =	vst v6  }
0x64: {  	v17 =	vadd.s32 $0x3F800000, v17;
	v22 =	vand.u32 $0x7F, v23;
	v23 =	vand.u32 $0x3F80, v25  }
0x65: {  	v13 =	vmul.f32 v17, v13;
	v17 =	vor.u32 v22, v20  }
0x66: {  	v10 =	vadd.s32 $0x3F800000, v10;
	v12 =	vmul.f32 v26, v12;
	v20 =	vand.u32 $0x7F, v21  }
0x67: {  	v10 =	vmul.f32 v10, v14;
	v20 =	vor.u32 v20, v23;
	v14 =	vshrl.u32 v13, $0x16  }
0x68: {  	v21 =	vshrl.u32 v12, $0x16;
	[tilespmem:s16+$0x20] =	vst v12;
	v22 =	vadd.s32 v1, v14  }
0x69: {  	v23 =	vadd.s32 v1, v21;
	v14 =	vand.u32 $0x7F, v14;
	[tilespmem:s17+$0x80] =	vst v10;
	v22 =	vand.u32 $0x3F80, v22  }
0x6a: {  	v21 =	vand.u32 $0x7F, v21;
	v23 =	vand.u32 $0x3F80, v23;
	[tilespmem:s16+$0x40] =	vst v13;
	v14 =	vor.u32 v14, v22;
	s16 =	smov.u32 s15  }
0x6b: {  	v22 =	vshrl.u32 v10, $0x16;
	[tilespmem:v5+s11+$0x0] =	vst.idx.add.f32.msk $0xffff, v4;
	v4 =	vor.u32 v21, v23  }
0x6c: {  	v5 =	vadd.s32 v1, v22;
	[tilespmem:v7+s11+$0x0] =	vst.idx.add.f32.msk $0xffff, v3  }
0x6d: {  	v3 =	vand.u32 $0x3F80, v5;
	v5 =	vand.u32 $0x7F, v22;
	[tilespmem:v19+s11+$0x0] =	vst.idx.add.f32.msk $0xffff, v9  }
0x6e: {  	v3 =	vor.u32 v5, v3;
	[tilespmem:v18+s11+$0x0] =	vst.idx.add.f32.msk $0xffff, v15  }
0x6f: {  	[tilespmem:v17+s11+$0x0] =	vst.idx.add.f32.msk $0xffff, v11  }
0x70: {  	[tilespmem:v8+s11+$0x0] =	vst.idx.add.f32.msk $0xffff, v16  }
0x71: {  	[tilespmem:v20+s11+$0x0] =	vst.idx.add.f32.msk $0xffff, v6  }
0x72: {  	[tilespmem:v4+s11+$0x0] =	vst.idx.add.f32.msk $0xffff, v12  }
0x73: {  	[tilespmem:v3+s11+$0x0] =	vst.idx.add.f32.msk $0xffff, v10  }
0x74: {  	[tilespmem:v14+s11+$0x0] =	vst.idx.add.f32.msk $0xffff, v13  }
0x75: {  	v3 =	vld [tilespmem:s15+$0xFFFFFFB0]  }
0x76: {  	v4 =	vld [tilespmem:s15+$0xFFFFFFC0]  }
0x77: {  	v5 =	vld [tilespmem:s15+$0xFFFFFFD0]  }
0x78: {  	v6 =	vld [tilespmem:s15+$0x10]  }
0x79: {  	v7 =	vld [tilespmem:s15+$0xFFFFFFE0]  }
0x7a: {  	v8 =	vld [tilespmem:s15+$0x0];
	v3 =	vmul.f32 $1.442695020e+00, v3  }
0x7b: {  	v9 =	vld [tilespmem:s15+$0xFFFFFFF0];
	v4 =	vmul.f32 $1.442695020e+00, v4  }
0x7c: {  	v5 =	vmul.f32 $1.442695020e+00, v5;
	v10 =	vadd.f32 $1.258291200e+07, v3  }
0x7d: {  	v6 =	vmul.f32 $1.442695020e+00, v6;
	v11 =	vadd.f32 $1.258291200e+07, v4  }
0x7e: {  	v7 =	vmul.f32 $1.442695020e+00, v7;
	v12 =	vadd.f32 $1.258291200e+07, v5;
	v13 =	vadd.f32 $-1.258291200e+07, v10  }
0x7f: {  	v14 =	vadd.f32 $1.258291200e+07, v6;
	v15 =	vadd.f32 $-1.258291200e+07, v11;
	v16 =	vshll.u32 v11, $0x17  }
0x80: {  	v9 =	vmul.f32 $1.442695020e+00, v9;
	v3 =	vsub.f32 v3, v13;
	v13 =	vshll.u32 v12, $0x17  }
0x81: {  	v11 =	vmul.f32 $1.442695020e+00, v8;
	v4 =	vsub.f32 v4, v15;
	v8 =	vshll.u32 v14, $0x17  }
0x82: {  	v14 =	vadd.f32 $-1.258291200e+07, v14;
	v15 =	vadd.f32 $1.258291200e+07, v9;
	v17 =	vmul.f32 $9.554111400e-03, v3  }
0x83: {  	v12 =	vadd.f32 $-1.258291200e+07, v12;
	v18 =	vadd.f32 $1.258291200e+07, v11;
	v19 =	vmul.f32 $9.554111400e-03, v4  }
0x84: {  	v20 =	vadd.f32 $1.258291200e+07, v7;
	v17 =	vadd.f32 $5.587037280e-02, v17;
	v21 =	vshll.u32 v15, $0x17  }
0x85: {  	v6 =	vsub.f32 v6, v14;
	v14 =	vadd.f32 $5.587037280e-02, v19;
	v19 =	vshll.u32 v18, $0x17  }
0x86: {  	v15 =	vadd.f32 $-1.258291200e+07, v15;
	v18 =	vadd.f32 $-1.258291200e+07, v18;
	v17 =	vmul.f32 v17, v3  }
0x87: {  	v23 =	vsub.f32 v5, v12;
	v22 =	vld [tilespmem:s15+$0x20];
	v5 =	vmul.f32 v14, v4  }
0x88: {  	v12 =	vadd.f32 $-1.258291200e+07, v20;
	v14 =	vmul.f32 $9.554111400e-03, v6;
	v17 =	vadd.f32 $2.402469660e-01, v17  }
0x89: {  	v24 =	vsub.f32 v11, v18;
	v11 =	vmul.f32 $9.554111400e-03, v23;
	v5 =	vadd.f32 $2.402469660e-01, v5  }
0x8a: {  	v26 =	vsub.f32 v7, v12;
	v7 =	vadd.f32 $5.587037280e-02, v14;
	v12 =	vmul.f32 v17, v3  }
0x8b: {  	v14 =	vadd.f32 $5.587037280e-02, v11;
	v17 =	vmul.f32 $9.554111400e-03, v24;
	v5 =	vmul.f32 v5, v4  }
0x8c: {  	v18 =	vmul.f32 $1.442695020e+00, v22;
	v22 =	vmul.f32 $9.554111400e-03, v26;
	v12 =	vadd.f32 $6.931280490e-01, v12  }
0x8d: {  	v11 =	vsub.f32 v9, v15;
	v9 =	vmul.f32 v14, v23;
	v5 =	vadd.f32 $6.931280490e-01, v5  }
0x8e: {  	s17 =	sand.u32 $0x3FFE0, s19;
	v27 =	vadd.f32 $1.258291200e+07, v18;
	v14 =	vadd.f32 $5.587037280e-02, v22;
	v3 =	vmul.f32 v12, v3  }
0x8f: {  	v15 =	vadd.f32 $5.587037280e-02, v17;
	v9 =	vadd.f32 $2.402469660e-01, v9;
	v12 =	vld [tilespmem:s17+$0x80];
	v4 =	vmul.f32 v5, v4  }
0x90: {  	v10 =	vshll.u32 v10, $0x17;
	v5 =	vmul.f32 $9.554111400e-03, v11;
	v3 =	vadd.f32 $9.999994630e-01, v3  }
0x91: {  	v15 =	vmul.f32 v15, v24;
	v17 =	vadd.f32 $9.999994630e-01, v4;
	v4 =	vadd.s32 $0x3F800000, v10  }
0x92: {  	v22 =	vadd.f32 $5.587037280e-02, v5;
	v5 =	vadd.s32 $0x3F800000, v16;
	v4 =	vmul.f32 v4, v3  }
0x93: {  	v10 =	vmul.f32 v14, v26;
	v14 =	vadd.s32 $0x3F800000, v13;
	v3 =	vmul.f32 v5, v17  }
0x94: {  	v9 =	vmul.f32 v9, v23;
	v16 =	vadd.f32 $-1.258291200e+07, v27;
	v5 =	vshrl.u32 v4, $0x16  }
0x95: {  	v17 =	vmul.f32 v7, v6;
	v7 =	vshrl.u32 v3, $0x16;
	v13 =	vadd.s32 v1, v5  }
0x96: {  	v25 =	vmul.f32 $1.442695020e+00, v12;
	v5 =	vand.u32 $0x7F, v5;
	v12 =	vand.u32 $0x3F80, v13  }
0x97: {  	v13 =	vadd.s32 $0x3F800000, v21;
	v21 =	vadd.s32 v1, v7;
	[tilespmem:s15+$0xFFFFFFB0] =	vst v4;
	v5 =	vor.u32 v5, v12  }
0x98: {  	v9 =	vadd.f32 $6.931280490e-01, v9;
	v28 =	vadd.f32 $2.402469660e-01, v10;
	v21 =	vand.u32 $0x3F80, v21;
	[tilespmem:s15+$0xFFFFFFC0] =	vst v3  }
0x99: {  	v7 =	vand.u32 $0x7F, v7;
	v12 =	vsub.f32 v18, v16;
	v16 =	vadd.f32 $2.402469660e-01, v15;
	v29 =	vld [tilespmem:s15+$0x40]  }
0x9a: {  	v9 =	vmul.f32 v9, v23;
	v10 =	vadd.f32 $1.258291200e+07, v25;
	v7 =	vor.u32 v7, v21  }
0x9b: {  	v15 =	vshll.u32 v20, $0x17;
	v21 =	vmul.f32 v28, v26;
	v18 =	vmul.f32 $9.554111400e-03, v12  }
0x9c: {  	v17 =	vadd.f32 $2.402469660e-01, v17;
	v9 =	vadd.f32 $9.999994630e-01, v9;
	v16 =	vmul.f32 v16, v24  }
0x9d: {  	v22 =	vmul.f32 v22, v11;
	v20 =	vadd.f32 $-1.258291200e+07, v10;
	v18 =	vadd.f32 $5.587037280e-02, v18  }
0x9e: {  	v9 =	vmul.f32 v14, v9;
	v21 =	vadd.f32 $6.931280490e-01, v21;
	v23 =	vadd.f32 $6.931280490e-01, v16  }
0x9f: {  	v14 =	vsub.f32 v25, v20;
	v25 =	vadd.f32 $2.402469660e-01, v22;
	v22 =	vmul.f32 v18, v12  }
.Ltmp1:
0xa0: {  	v16 =	vadd.s32 $0x3F800000, v19;
	v20 =	vmul.f32 $1.442695020e+00, v29;
	v29 =	vshrl.u32 v9, $0x16;
	[tilespmem:s15+$0xFFFFFFD0] =	vst v9;
	(pc) =	sbr.rel @p0 .LBB2_4-.Ltmp1, $4  }
0xa1: {  	v28 =	vmul.f32 $9.554111400e-03, v14;
	v25 =	vmul.f32 v25, v11;
	v19 =	vadd.s32 v1, v29  }
0xa2: {  	v23 =	vmul.f32 v23, v24;
	v18 =	vadd.f32 $1.258291200e+07, v20;
	v19 =	vand.u32 $0x3F80, v19  }
0xa3: {  	v21 =	vmul.f32 v21, v26;
	v26 =	vshll.u32 v27, $0x17;
	v25 =	vadd.f32 $6.931280490e-01, v25  }
0xa4: {  	v28 =	vadd.f32 $5.587037280e-02, v28;
	v24 =	vand.u32 $0x7F, v29;
	v27 =	vadd.f32 $-1.258291200e+07, v18  }
0xa5: {  	v22 =	vadd.f32 $2.402469660e-01, v22;
	v17 =	vmul.f32 v17, v6  }
0xa6: {  	v8 =	vadd.s32 $0x3F800000, v8;
	v26 =	vadd.s32 $0x3F800000, v26;
	v20 =	vsub.f32 v20, v27  }
0xa7: {  	v23 =	vadd.f32 $9.999994630e-01, v23;
	v11 =	vmul.f32 v25, v11;
	v15 =	vadd.s32 $0x3F800000, v15  }
0xa8: {  	v21 =	vadd.f32 $9.999994630e-01, v21;
	v19 =	vor.u32 v24, v19;
	v63 =	vmul.f32 $9.554111400e-03, v20  }
0xa9: {  	v32 =	vshll.u32 v18, $0x17;
	v10 =	vshll.u32 v10, $0x17;
	v62 =	vmul.f32 v28, v14  }
0xaa: {  	v10 =	vadd.s32 $0x3F800000, v10;
	v16 =	vmul.f32 v16, v23;
	v30 =	vadd.f32 $5.587037280e-02, v63  }
0xab: {  	v17 =	vadd.f32 $6.931280490e-01, v17;
	v15 =	vmul.f32 v15, v21;
	v34 =	vmul.f32 v22, v12  }
0xac: {  	v11 =	vadd.f32 $9.999994630e-01, v11;
	v27 =	vadd.f32 $2.402469660e-01, v62;
	v33 =	vmul.f32 v30, v20  }
0xad: {  	v6 =	vmul.f32 v17, v6;
	v35 =	vshrl.u32 v16, $0x16;
	v21 =	vadd.f32 $6.931280490e-01, v34  }
0xae: {  	v38 =	vshrl.u32 v15, $0x16;
	v11 =	vmul.f32 v13, v11;
	v18 =	vadd.f32 $2.402469660e-01, v33  }
0xaf: {  	v17 =	vadd.s32 $0x3F800000, v32;
	v31 =	vmul.f32 v27, v14;
	v37 =	vadd.s32 v1, v35  }
0xb0: {  	v40 =	vadd.s32 v1, v38;
	v45 =	vand.u32 $0x7F, v38;
	v39 =	vmul.f32 v18, v20  }
0xb1: {  	v6 =	vadd.f32 $9.999994630e-01, v6;
	v43 =	vand.u32 $0x3F80, v37;
	v36 =	vadd.f32 $6.931280490e-01, v31  }
0xb2: {  	v44 =	vmul.f32 v21, v12;
	v46 =	vshrl.u32 v11, $0x16;
	v13 =	vadd.f32 $6.931280490e-01, v39  }
0xb3: {  	v48 =	vadd.s32 v1, v46;
	v50 =	vand.u32 $0x7F, v46;
	v41 =	vmul.f32 v36, v14  }
0xb4: {  	[tilespmem:s16+$0x0] =	vst v16;
	v6 =	vmul.f32 v8, v6;
	v12 =	vadd.f32 $9.999994630e-01, v44;
	v13 =	vmul.f32 v13, v20  }
0xb5: {  	[tilespmem:s16+$0xFFFFFFE0] =	vst v15;
	v8 =	vand.u32 $0x7F, v35;
	v49 =	vand.u32 $0x3F80, v48;
	v14 =	vadd.f32 $9.999994630e-01, v41  }
0xb6: {  	[tilespmem:s16+$0xFFFFFFF0] =	vst v11;
	v8 =	vor.u32 v8, v43;
	v12 =	vmul.f32 v26, v12;
	v13 =	vadd.f32 $9.999994630e-01, v13  }
0xb7: {  	v42 =	vshrl.u32 v6, $0x16;
	[tilespmem:s16+$0x10] =	vst v6;
	v18 =	vand.u32 $0x3F80, v40;
	v10 =	vmul.f32 v10, v14  }
0xb8: {  	v47 =	vadd.s32 v1, v42;
	v52 =	vand.u32 $0x7F, v42;
	[tilespmem:s16+$0x20] =	vst v12;
	v13 =	vmul.f32 v17, v13  }
0xb9: {  	v18 =	vor.u32 v45, v18;
	v51 =	vand.u32 $0x3F80, v47;
	v54 =	vshrl.u32 v12, $0x16;
	[tilespmem:s17+$0x80] =	vst v10  }
0xba: {  	v14 =	vor.u32 v50, v49;
	v56 =	vadd.s32 v1, v54;
	v57 =	vshrl.u32 v10, $0x16;
	[tilespmem:s16+$0x40] =	vst v13  }
0xbb: {  	v58 =	vadd.s32 v1, v57;
	v17 =	vor.u32 v52, v51;
	v53 =	vshrl.u32 v13, $0x16;
	[tilespmem:v5+s11+$0x0] =	vst.idx.add.f32.msk $0xffff, v4  }
0xbc: {  	v55 =	vadd.s32 v1, v53;
	v4 =	vand.u32 $0x3F80, v56;
	v5 =	vand.u32 $0x7F, v54;
	[tilespmem:v7+s11+$0x0] =	vst.idx.add.f32.msk $0xffff, v3  }
0xbd: {  	v3 =	vor.u32 v5, v4;
	v4 =	vand.u32 $0x3F80, v58;
	v5 =	vand.u32 $0x7F, v57;
	[tilespmem:v19+s11+$0x0] =	vst.idx.add.f32.msk $0xffff, v9  }
0xbe: {  	v7 =	vand.u32 $0x3F80, v55;
	v9 =	vand.u32 $0x7F, v53;
	v4 =	vor.u32 v5, v4;
	[tilespmem:v18+s11+$0x0] =	vst.idx.add.f32.msk $0xffff, v15  }
0xbf: {  	v5 =	vor.u32 v9, v7;
	[tilespmem:v14+s11+$0x0] =	vst.idx.add.f32.msk $0xffff, v11  }
0xc0: {  	[tilespmem:v8+s11+$0x0] =	vst.idx.add.f32.msk $0xffff, v16  }
0xc1: {  	[tilespmem:v17+s11+$0x0] =	vst.idx.add.f32.msk $0xffff, v6  }
0xc2: {  	[tilespmem:v3+s11+$0x0] =	vst.idx.add.f32.msk $0xffff, v12  }
0xc3: {  	[tilespmem:v4+s11+$0x0] =	vst.idx.add.f32.msk $0xffff, v10  }
0xc4: {  	v3 =	vimm.f32 $0.0e+00;
	[tilespmem:v5+s11+$0x0] =	vst.idx.add.f32.msk $0xffff, v13  }
0xc5: {  	s17 =	simm.s32 $0x0;
	[tilespmem:$0x1A900] =	vst v3  }
0xc6: {  	v4 =	vld [tilespmem:s17+$0x188F0];
	_ =	sdelay $0x1  }
0xc7: {  	v5 =	vld [tilespmem:s17+$0x18AF0];
	_ =	sdelay $0x1  }
0xc8: {  	v6 =	vld [tilespmem:s17+$0x18CF0]  }
0xc9: {  	v4 =	vadd.f32 $0.0e+00, v4  }
0xca: {  	v7 =	vld [tilespmem:s17+$0x18EF0]  }
0xcb: {  	v4 =	vadd.f32 v5, v4  }
0xcc: {  	v8 =	vld [tilespmem:s17+$0x190F0]  }
0xcd: {  	v4 =	vadd.f32 v6, v4  }
0xce: {  	v9 =	vld [tilespmem:s17+$0x192F0]  }
0xcf: {  	v4 =	vadd.f32 v7, v4  }
0xd0: {  	v10 =	vld [tilespmem:s17+$0x194F0]  }
0xd1: {  	v4 =	vadd.f32 v8, v4  }
0xd2: {  	v5 =	vld [tilespmem:s17+$0x196F0]  }
0xd3: {  	s16 =	simm.s32 $0xFFFFFFF0;
	v11 =	vld [tilespmem:s17+$0x198F0];
	v4 =	vadd.f32 v9, v4  }
0xd4: {  	v6 =	vld [tilespmem:s16+$0x188F0]  }
0xd5: {  	v12 =	vld [tilespmem:s17+$0x19AF0];
	v4 =	vadd.f32 v10, v4  }
0xd6: {  	v7 =	vld [tilespmem:s16+$0x18AF0]  }
0xd7: {  	v13 =	vld [tilespmem:s17+$0x19CF0];
	v4 =	vadd.f32 v5, v4  }
0xd8: {  	v8 =	vld [tilespmem:s16+$0x18CF0]  }
0xd9: {  	v14 =	vld [tilespmem:s17+$0x19EF0];
	v6 =	vadd.f32 $0.0e+00, v6;
	v4 =	vadd.f32 v11, v4  }
0xda: {  	v9 =	vld [tilespmem:s16+$0x18EF0]  }
0xdb: {  	v6 =	vadd.f32 v7, v6;
	v7 =	vld [tilespmem:s17+$0x1A0F0];
	v4 =	vadd.f32 v12, v4  }
0xdc: {  	v10 =	vld [tilespmem:s16+$0x190F0]  }
0xdd: {  	v6 =	vadd.f32 v8, v6;
	v8 =	vld [tilespmem:s17+$0x1A2F0];
	v4 =	vadd.f32 v13, v4  }
0xde: {  	v5 =	vld [tilespmem:s16+$0x192F0]  }
0xdf: {  	v6 =	vadd.f32 v9, v6;
	v9 =	vld [tilespmem:s17+$0x1A4F0];
	v4 =	vadd.f32 v14, v4  }
0xe0: {  	v11 =	vld [tilespmem:s16+$0x194F0]  }
0xe1: {  	v59 =	vld [tilespmem:s16+$0x196F0];
	v6 =	vadd.f32 v10, v6;
	v4 =	vadd.f32 v7, v4  }
0xe2: {  	s15 =	simm.s32 $0xFFFFFFE0;
	v10 =	vld [tilespmem:s17+$0x1A6F0]  }
0xe3: {  	v60 =	vld [tilespmem:s15+$0x188F0];
	v5 =	vadd.f32 v5, v6;
	v4 =	vadd.f32 v8, v4  }
0xe4: {  	v6 =	vld [tilespmem:s16+$0x198F0]  }
0xe5: {  	v61 =	vld [tilespmem:s15+$0x18AF0];
	v5 =	vadd.f32 v11, v5;
	v4 =	vadd.f32 v9, v4  }
0xe6: {  	v11 =	vld [tilespmem:s16+$0x19AF0]  }
0xe7: {  	v62 =	vld [tilespmem:s16+$0x19CF0];
	v5 =	vadd.f32 v59, v5;
	v4 =	vadd.f32 v10, v4  }
0xe8: {  	v7 =	vld [tilespmem:s15+$0x18CF0]  }
0xe9: {  	v13 =	vadd.f32 $0.0e+00, v60;
	v5 =	vadd.f32 v6, v5;
	v6 =	vld [tilespmem:s16+$0x19EF0];
	v4 =	vperm.xlane v4, v2  }
0xea: {  	v8 =	vld [tilespmem:s15+$0x18EF0]  }
0xeb: {  	v13 =	vadd.f32 v61, v13;
	v5 =	vadd.f32 v11, v5;
	v11 =	vld [tilespmem:s16+$0x1A0F0];
	(xrf2) =	vadd.scan.msk.f32 $0xffff, v4  }
0xec: {  	v9 =	vld [tilespmem:s15+$0x190F0]  }
0xed: {  	v63 =	vld [tilespmem:s16+$0x1A2F0];
	v7 =	vadd.f32 v7, v13;
	v5 =	vadd.f32 v62, v5  }
0xee: {  	v10 =	vld [tilespmem:s15+$0x192F0]  }
0xef: {  	v13 =	vadd.f32 v8, v7;
	v5 =	vadd.f32 v6, v5;
	v8 =	vld [tilespmem:s16+$0x1A4F0]  }
0xf0: {  	v7 =	vld [tilespmem:s15+$0x194F0]  }
0xf1: {  	v6 =	vld [tilespmem:s15+$0x196F0];
	v9 =	vadd.f32 v9, v13;
	v11 =	vadd.f32 v11, v5  }
0xf2: {  	v5 =	vld [tilespmem:s16+$0x1A6F0]  }
0xf3: {  	s18 =	simm.s32 $0xFFFFFFD0;
	s19 =	simm.s32 $0xFFFFFF00;
	v4 =	vld [tilespmem:s15+$0x198F0];
	v9 =	vadd.f32 v10, v9;
	v10 =	vadd.f32 v63, v11  }
.LBB2_6:
0xf4: {  	p0 =	sne.s32 s19, $0xFFFFF840;
	v11 =	vld [tilespmem:s18+$0x188F0]  }
0xf5: {  	v7 =	vadd.f32 v7, v9;
	v9 =	vld [tilespmem:s15+$0x19AF0];
	v8 =	vadd.f32 v8, v10;
	v10, _, _ =	vpop (xrf2)  }
0xf6: {  	v12 =	vld [tilespmem:s18+$0x18AF0];
	v10 =	vperm.xlane v10, v2  }
0xf7: {  	v6 =	vadd.f32 v6, v7;
	v7 =	vld [tilespmem:s15+$0x19CF0];
	v5 =	vadd.f32 v5, v8  }
0xf8: {  	v8 =	vld [tilespmem:s18+$0x18CF0];
	v3 =	vadd.f32 v10, v3  }
0xf9: {  	v10 =	vadd.f32 $0.0e+00, v11;
	v4 =	vadd.f32 v4, v6;
	v6 =	vld [tilespmem:s15+$0x19EF0];
	v5 =	vperm.xlane v5, v2  }
0xfa: {  	v11 =	vld [tilespmem:s18+$0x18EF0];
	[tilespmem:s17+$0x1A8F0] =	vst v3;
	(xrf0) =	vmax.scan.msk.f32 $0xffff, v3;
	s17 =	smov.u32 s16;
	s16 =	smov.u32 s15;
	s15 =	smov.u32 s18  }
0xfb: {  	v3 =	vadd.f32 v12, v10;
	v4 =	vadd.f32 v9, v4;
	v9 =	vld [tilespmem:s16+$0x1A0F0];
	(xrf2) =	vadd.scan.msk.f32 $0xffff, v5  }
0xfc: {  	v5 =	vld [tilespmem:s15+$0x190F0]  }
0xfd: {  	v3 =	vadd.f32 v8, v3;
	v4 =	vadd.f32 v7, v4;
	v10 =	vld [tilespmem:s16+$0x1A2F0]  }
0xfe: {  	v12 =	vld [tilespmem:s15+$0x192F0]  }
.Ltmp2:
0xff: {  	v3 =	vadd.f32 v11, v3;
	v4 =	vadd.f32 v6, v4;
	v8 =	vld [tilespmem:s16+$0x1A4F0];
	(pc) =	sbr.rel @p0 .LBB2_6-.Ltmp2, $4  }
0x100: {  	v7 =	vld [tilespmem:s15+$0x194F0];
	v6, _, _ =	vpop (xrf0)  }
0x101: {  	v11 =	vadd.f32 v5, v3;
	v13 =	vadd.f32 v9, v4;
	v5 =	vld [tilespmem:s16+$0x1A6F0];
	v3 =	vbroadcast v6, $0xF  }
0x102: {  	v6 =	vld [tilespmem:s15+$0x196F0]  }
0x103: {  	s18 =	sshra.s32 s19, $0x2;
	s19 =	sadd.s32 $0xFFFFFFC0, s19;
	v9 =	vadd.f32 v12, v11;
	v4 =	vld [tilespmem:s15+$0x198F0];
	v10 =	vadd.f32 v10, v13  }
0x104: {  	v11 =	vld [tilespmem:s18+$0x188F0];
	_ =	sdelay $0x1  }
0x105: {  	v13 =	vld [tilespmem:s18+$0x18AF0];
	v8 =	vadd.f32 v8, v10;
	v57, _, _ =	vpop (xrf2)  }
0x106: {  	v12 =	vld [tilespmem:s15+$0x19AF0];
	v10 =	vperm.xlane v57, v2  }
0x107: {  	v7 =	vadd.f32 v7, v9;
	v5 =	vadd.f32 v5, v8;
	v8 =	vld [tilespmem:s18+$0x18CF0]  }
0x108: {  	v14 =	vld [tilespmem:s15+$0x19CF0];
	v3 =	vadd.f32 v10, v3;
	v58 =	vadd.f32 $0.0e+00, v11  }
0x109: {  	v6 =	vadd.f32 v6, v7;
	v7 =	vld [tilespmem:s18+$0x18EF0];
	v5 =	vperm.xlane v5, v2  }
0x10a: {  	v59 =	vld [tilespmem:s15+$0x19EF0];
	[tilespmem:s17+$0x1A8F0] =	vst v3;
	v9 =	vadd.f32 v13, v58  }
0x10b: {  	v4 =	vadd.f32 v4, v6;
	(xrf2) =	vadd.scan.msk.f32 $0xffff, v5;
	v5 =	vld [tilespmem:s18+$0x190F0]  }
0x10c: {  	v6 =	vadd.f32 v8, v9  }
0x10d: {  	v4 =	vadd.f32 v12, v4;
	v8 =	vld [tilespmem:s18+$0x192F0]  }
0x10e: {  	(xrf0) =	vmax.scan.msk.f32 $0xffff, v3;
	v3 =	vld [tilespmem:s15+$0x1A0F0];
	v6 =	vadd.f32 v7, v6  }
0x10f: {  	v4 =	vadd.f32 v14, v4;
	v7 =	vld [tilespmem:s18+$0x194F0]  }
0x110: {  	v60 =	vld [tilespmem:s15+$0x1A2F0];
	v5 =	vadd.f32 v5, v6  }
0x111: {  	v4 =	vadd.f32 v59, v4;
	v6 =	vld [tilespmem:s18+$0x196F0]  }
0x112: {  	v61 =	vld [tilespmem:s15+$0x1A4F0];
	v5 =	vadd.f32 v8, v5  }
0x113: {  	v3 =	vadd.f32 v3, v4;
	v4 =	vld [tilespmem:s18+$0x198F0]  }
0x114: {  	v62 =	vld [tilespmem:s15+$0x1A6F0];
	v8, _, _ =	vpop (xrf0);
	v5 =	vadd.f32 v7, v5  }
0x115: {  	v3 =	vadd.f32 v60, v3;
	v7 =	vld [tilespmem:s18+$0x19AF0];
	v63, _, _ =	vpop (xrf2)  }
0x116: {  	v8 =	vbroadcast v8, $0xF;
	v9 =	vperm.xlane v63, v2;
	v5 =	vadd.f32 v6, v5  }
0x117: {  	v3 =	vadd.f32 v61, v3;
	v6 =	vld [tilespmem:s18+$0x19CF0]  }
0x118: {  	v8 =	vadd.f32 v9, v8;
	v4 =	vadd.f32 v4, v5  }
0x119: {  	v5 =	vld [tilespmem:s18+$0x19EF0]  }
0x11a: {  	v3 =	vadd.f32 v62, v3;
	[tilespmem:s16+$0x1A8F0] =	vst v8;
	v4 =	vadd.f32 v7, v4  }
0x11b: {  	v7 =	vld [tilespmem:s18+$0x1A0F0]  }
0x11c: {  	v3 =	vperm.xlane v3, v2;
	v4 =	vadd.f32 v6, v4  }
0x11d: {  	v6 =	vld [tilespmem:s18+$0x1A2F0]  }
0x11e: {  	(xrf2) =	vadd.scan.msk.f32 $0xffff, v3;
	v3 =	vadd.f32 v5, v4  }
0x11f: {  	v4 =	vld [tilespmem:s18+$0x1A4F0]  }
0x120: {  	v3 =	vadd.f32 v7, v3  }
0x121: {  	(xrf0) =	vmax.scan.msk.f32 $0xffff, v8;
	v5 =	vld [tilespmem:s18+$0x1A6F0]  }
0x122: {  	v3 =	vadd.f32 v6, v3;
	_ =	sdelay $0x1  }
0x123: {  	v3 =	vadd.f32 v4, v3;
	_ =	sdelay $0x1  }
0x124: {  	v3 =	vadd.f32 v5, v3  }
0x125: {  	v4, _, _ =	vpop (xrf0)  }
0x126: {  	v5, _, _ =	vpop (xrf2);
	v3 =	vperm.xlane v3, v2  }
0x127: {  	v4 =	vbroadcast v4, $0xF;
	v5 =	vperm.xlane v5, v2  }
0x128: {  	(xrf2) =	vadd.scan.msk.f32 $0xffff, v3  }
0x129: {  	v3 =	vadd.f32 v5, v4;
	_ =	sdelay $0x1  }
0x12a: {  	(xrf0) =	vmax.scan.msk.f32 $0xffff, v3;
	_ =	sdelay $0x5  }
0x12b: {  	v4, _, _ =	vpop (xrf0)  }
0x12c: {  	v5, _, _ =	vpop (xrf2)  }
0x12d: {  	v4 =	vbroadcast v4, $0xF;
	v5 =	vperm.xlane v5, v2;
	_ =	sdelay $0x1  }
0x12e: {  	v4 =	vadd.f32 v5, v4;
	_ =	sdelay $0x1  }
0x12f: {  	(xrf0) =	vmax.scan.msk.f32 $0xffff, v4;
	_ =	sdelay $0x5  }
0x130: {  	v5, _, _ =	vpop (xrf0)  }
0x131: {  	[tilespmem:s15+$0x1A8F0] =	vst v3;
	v3 =	vbroadcast v5, $0xF  }
0x132: {  	s31 =	simm.s32 $0x0;
	[tilespmem:s18+$0x1A8F0] =	vst v4  }
0x133: {  	s15 =	simm.s32 $0x40;
	v6 =	vld [tilespmem:s31+$0x1A700];
	v5 =	vimm.s32 $0x0;
	v4 =	vmul.f32 $5.000000000e-01, v3  }
.LBB2_8:
0x134: {  	_ =	sdelay $0x1  }
0x135: {  	p0 =	sne.s32 s15, $0x7C0  }
.Ltmp3:
0x136: {  	_ = 	snop;
	(pc) =	sbr.rel @p0 .LBB2_8-.Ltmp3, $4  }
0x137: {  	vm0 =	vge.f32 v6, v4  }
0x138: {  	v7 =	vmpcnt.ones.xlane vm0  }
0x139: {  	s16 =	sshra.s32 s15, $0x2  }
0x13a: {  	s15 =	sadd.s32 $0x40, s15;
	v6 =	vld [tilespmem:s16+$0x1A700];
	v5 =	vadd.s32 v5, v7  }
0x13b: {  	_ =	sdelay $0x3  }
0x13c: {  	vm0 =	vge.f32 v6, v4  }
0x13d: {  	v6 =	vmpcnt.ones.xlane vm0;
	_ =	sdelay $0x1  }
0x13e: {  	v5 =	vadd.s32 v5, v6  }
0x13f: {  	v5 =	vadd.s32 $0xFFFFFFFF, v5  }
0x140: {  	vm15 =	vgt.s32 v5, $0x0  }
0x141: {  	v5 =	vnsel vm15, $0x0, v5  }
0x142: {  	v6 =	vadd.s32 $0x1, v5;
	_ =	sdelay $0x4  }
0x143: {  	s16 =	simm.s32 $0x0;
	s15 =	simm.s32 $0x0;
	s17 =	simm.s32 $0x200;
	v6 =	vld.idx.msk [tilespmem:v6+s12+$0x0], $0xffff  }
.LBB2_10:
0x144: {  	p0 =	sne.s32 s17, $0x7E00;
	[tilespmem:s15+$0x18770] =	vst v0  }
0x145: {  	[tilespmem:s15+$0x18700] =	vst v0  }
0x146: {  	[tilespmem:s15+$0x18710] =	vst v0  }
.Ltmp4:
0x147: {  	[tilespmem:s15+$0x18720] =	vst v0;
	(pc) =	sbr.rel @p0 .LBB2_10-.Ltmp4, $4  }
0x148: {  	[tilespmem:s15+$0x18730] =	vst v0  }
0x149: {  	[tilespmem:s15+$0x18740] =	vst v0  }
0x14a: {  	[tilespmem:s15+$0x18750] =	vst v0  }
0x14b: {  	[tilespmem:s15+$0x18760] =	vst v0;
	s15 =	sshra.s32 s17, $0x2;
	s17 =	sadd.s32 $0x200, s17  }
0x14c: {  	[tilespmem:s15+$0x18770] =	vst v0  }
0x14d: {  	[tilespmem:s15+$0x18700] =	vst v0  }
0x14e: {  	[tilespmem:s15+$0x18710] =	vst v0  }
0x14f: {  	[tilespmem:s15+$0x18720] =	vst v0  }
0x150: {  	[tilespmem:s15+$0x18730] =	vst v0  }
0x151: {  	[tilespmem:s15+$0x18740] =	vst v0  }
0x152: {  	[tilespmem:s15+$0x18750] =	vst v0  }
0x153: {  	[tilespmem:s15+$0x18760] =	vst v0;
	s15 =	simm.s32 $0x50  }
0x154: {  	v13 =	vld [tilespmem:s15+$0xFFFFFFB0]  }
0x155: {  	v14 =	vld [tilespmem:s15+$0xFFFFFFC0]  }
0x156: {  	v15 =	vld [tilespmem:s15+$0xFFFFFFD0]  }
0x157: {  	v16 =	vld [tilespmem:s15+$0xFFFFFFE0]  }
0x158: {  	v17 =	vld [tilespmem:s15+$0xFFFFFFF0];
	_ =	sdelay $0x1  }
0x159: {  	v7 =	vshrl.u32 v13, $0x16;
	v8 =	vshrl.u32 v13, $0xD  }
0x15a: {  	v9 =	vshrl.u32 v14, $0x16;
	v10 =	vshrl.u32 v14, $0xD;
	v11 =	vshrl.u32 v15, $0x16  }
0x15b: {  	v12 =	vshrl.u32 v15, $0xD;
	v20 =	vshrl.u32 v16, $0x16;
	vm1 =	veq.s32 v7, v5;
	v7 =	vld [tilespmem:s15+$0x40]  }
0x15c: {  	v22 =	vshrl.u32 v17, $0x16;
	v8 =	vand.u32 $0x1FF, v8;
	vm2 =	veq.s32 v9, v5;
	v9 =	vld [tilespmem:s15+$0x0]  }
0x15d: {  	s16 =	sand.u32 $0x3FFE0, s16;
	v23 =	vshrl.u32 v17, $0xD;
	v10 =	vand.u32 $0x1FF, v10;
	v18 =	vor.u32 v1, v8;
	v8 =	vld [tilespmem:s15+$0x10]  }
0x15e: {  	vm3 =	veq.s32 v11, v5;
	v11 =	vshrl.u32 v16, $0xD;
	v19 =	vor.u32 v1, v10;
	v10 =	vld [tilespmem:s16+$0x80]  }
0x15f: {  	v12 =	vand.u32 $0x1FF, v12;
	vm4 =	veq.s32 v20, v5;
	v11 =	vand.u32 $0x1FF, v11  }
0x160: {  	vm5 =	veq.s32 v22, v5;
	v23 =	vand.u32 $0x1FF, v23;
	v21 =	vor.u32 v1, v11;
	v11 =	vld [tilespmem:s15+$0x20]  }
0x161: {  	v61 =	vor.u32 v1, v12;
	v23 =	vor.u32 v1, v23;
	v62 =	vshrl.u32 v9, $0x16  }
0x162: {  	v12 =	vshrl.u32 v7, $0x16;
	v63 =	vshrl.u32 v9, $0xD;
	vm0 =	veq.s32 v62, v5  }
0x163: {  	v24 =	vshrl.u32 v8, $0x16;
	v25 =	vshrl.u32 v10, $0xD;
	v22 =	vand.u32 $0x1FF, v63  }
0x164: {  	[tilespmem:v18+s11+$0x0] =	vst.idx.add.f32.msk vm1, v13;
	v18 =	vshrl.u32 v10, $0x16;
	vm1 =	veq.s32 v24, v5;
	v13 =	vor.u32 v1, v22  }
0x165: {  	[tilespmem:v19+s11+$0x0] =	vst.idx.add.f32.msk vm2, v14;
	v14 =	vshrl.u32 v11, $0x16;
	vm2 =	veq.s32 v18, v5;
	v18 =	vshrl.u32 v11, $0xD  }
0x166: {  	[tilespmem:v61+s11+$0x0] =	vst.idx.add.f32.msk vm3, v15;
	vm3 =	veq.s32 v14, v5;
	v14 =	vshrl.u32 v8, $0xD;
	v15 =	vand.u32 $0x1FF, v18  }
0x167: {  	[tilespmem:v21+s11+$0x0] =	vst.idx.add.f32.msk vm4, v16;
	v16 =	vand.u32 $0x1FF, v14;
	v14 =	vor.u32 v1, v15;
	v15 =	vand.u32 $0x1FF, v25  }
0x168: {  	s16 =	simm.s32 $0xA0;
	[tilespmem:v23+s11+$0x0] =	vst.idx.add.f32.msk vm5, v17;
	v17 =	vshrl.u32 v7, $0xD;
	v16 =	vor.u32 v1, v16;
	v15 =	vor.u32 v1, v15  }
.LBB2_12:
0x169: {  	p0 =	sne.s32 s16, $0x18600  }
0x16a: {  	vm4 =	veq.s32 v12, v5;
	[tilespmem:v13+s11+$0x0] =	vst.idx.add.f32.msk vm0, v9;
	v9 =	vand.u32 $0x1FF, v17;
	s15 =	sadd.s32 $0xA0, s15;
	s17 =	smov.u32 s16;
	s16 =	sadd.s32 $0xA0, s16  }
0x16b: {  	v9 =	vor.u32 v1, v9;
	_ =	sdelay $0x2  }
0x16c: {  	[tilespmem:v16+s11+$0x0] =	vst.idx.add.f32.msk vm1, v8  }
0x16d: {  	[tilespmem:v14+s11+$0x0] =	vst.idx.add.f32.msk vm3, v11  }
0x16e: {  	[tilespmem:v15+s11+$0x0] =	vst.idx.add.f32.msk vm2, v10  }
0x16f: {  	[tilespmem:v9+s11+$0x0] =	vst.idx.add.f32.msk vm4, v7  }
0x170: {  	v13 =	vld [tilespmem:s15+$0xFFFFFFB0]  }
0x171: {  	v14 =	vld [tilespmem:s15+$0xFFFFFFC0]  }
0x172: {  	v15 =	vld [tilespmem:s15+$0xFFFFFFD0];
	_ =	sdelay $0x1  }
0x173: {  	v16 =	vld [tilespmem:s15+$0xFFFFFFE0]  }
0x174: {  	v7 =	vshrl.u32 v13, $0x16;
	v8 =	vshrl.u32 v13, $0xD  }
0x175: {  	v17 =	vld [tilespmem:s15+$0xFFFFFFF0];
	vm0 =	veq.s32 v7, v5;
	v9 =	vshrl.u32 v14, $0x16;
	v8 =	vand.u32 $0x1FF, v8  }
0x176: {  	v10 =	vshrl.u32 v14, $0xD;
	v7 =	vld [tilespmem:s15+$0x40];
	vm1 =	veq.s32 v9, v5;
	v18 =	vor.u32 v1, v8  }
0x177: {  	v11 =	vshrl.u32 v15, $0x16;
	v12 =	vshrl.u32 v15, $0xD;
	v10 =	vand.u32 $0x1FF, v10;
	v9 =	vld [tilespmem:s15+$0x0]  }
0x178: {  	s17 =	sand.u32 $0x3FFE0, s17;
	vm2 =	veq.s32 v11, v5;
	v19 =	vor.u32 v1, v10;
	v8 =	vld [tilespmem:s15+$0x10];
	v11 =	vshrl.u32 v16, $0xD  }
0x179: {  	v12 =	vand.u32 $0x1FF, v12;
	v20 =	vshrl.u32 v16, $0x16;
	v10 =	vld [tilespmem:s17+$0x80];
	v21 =	vand.u32 $0x1FF, v11  }
0x17a: {  	vm3 =	veq.s32 v20, v5;
	v20 =	vor.u32 v1, v12;
	v11 =	vld [tilespmem:s15+$0x20];
	v21 =	vor.u32 v1, v21  }
0x17b: {  	v22 =	vshrl.u32 v17, $0x16;
	v23 =	vshrl.u32 v17, $0xD;
	v12 =	vshrl.u32 v7, $0x16;
	[tilespmem:v18+s11+$0x0] =	vst.idx.add.f32.msk vm0, v13  }
0x17c: {  	vm4 =	veq.s32 v22, v5;
	v18 =	vand.u32 $0x1FF, v23;
	v13 =	vshrl.u32 v9, $0x16  }
0x17d: {  	vm0 =	veq.s32 v13, v5;
	v13 =	vshrl.u32 v9, $0xD;
	[tilespmem:v19+s11+$0x0] =	vst.idx.add.f32.msk vm1, v14;
	v14 =	vor.u32 v1, v18  }
0x17e: {  	v18 =	vshrl.u32 v8, $0x16;
	v19 =	vshrl.u32 v10, $0xD;
	v13 =	vand.u32 $0x1FF, v13  }
.Ltmp5:
0x17f: {  	vm1 =	veq.s32 v18, v5;
	v18 =	vshrl.u32 v10, $0x16;
	[tilespmem:v20+s11+$0x0] =	vst.idx.add.f32.msk vm2, v15;
	v13 =	vor.u32 v1, v13;
	(pc) =	sbr.rel @p0 .LBB2_12-.Ltmp5, $4  }
0x180: {  	v15 =	vshrl.u32 v11, $0x16;
	vm2 =	veq.s32 v18, v5;
	v18 =	vshrl.u32 v11, $0xD;
	[tilespmem:v21+s11+$0x0] =	vst.idx.add.f32.msk vm3, v16  }
0x181: {  	vm3 =	veq.s32 v15, v5;
	v15 =	vshrl.u32 v8, $0xD;
	v16 =	vand.u32 $0x1FF, v18  }
0x182: {  	v18 =	vand.u32 $0x1FF, v19;
	v15 =	vand.u32 $0x1FF, v15;
	[tilespmem:v14+s11+$0x0] =	vst.idx.add.f32.msk vm4, v17;
	v14 =	vor.u32 v1, v16  }
0x183: {  	v17 =	vshrl.u32 v7, $0xD;
	v16 =	vor.u32 v1, v15;
	v15 =	vor.u32 v1, v18  }
0x184: {  	_ =	sdelay $0x2  }
0x185: {  	vm4 =	veq.s32 v12, v5;
	v12 =	vand.u32 $0x1FF, v17  }
0x186: {  	v12 =	vor.u32 v1, v12  }
0x187: {  	[tilespmem:v13+s11+$0x0] =	vst.idx.add.f32.msk vm0, v9  }
0x188: {  	[tilespmem:v16+s11+$0x0] =	vst.idx.add.f32.msk vm1, v8  }
0x189: {  	[tilespmem:v14+s11+$0x0] =	vst.idx.add.f32.msk vm3, v11  }
0x18a: {  	[tilespmem:v15+s11+$0x0] =	vst.idx.add.f32.msk vm2, v10  }
0x18b: {  	[tilespmem:v12+s11+$0x0] =	vst.idx.add.f32.msk vm4, v7  }
0x18c: {  	s15 =	simm.s32 $0x0;
	[tilespmem:$0x1A900] =	vst v6  }
0x18d: {  	v7 =	vld [tilespmem:s15+$0x188F0];
	_ =	sdelay $0x1  }
0x18e: {  	v8 =	vld [tilespmem:s15+$0x18AF0];
	_ =	sdelay $0x1  }
0x18f: {  	v9 =	vld [tilespmem:s15+$0x18CF0]  }
0x190: {  	v7 =	vadd.f32 $0.0e+00, v7  }
0x191: {  	v10 =	vld [tilespmem:s15+$0x18EF0]  }
0x192: {  	v7 =	vadd.f32 v8, v7  }
0x193: {  	v11 =	vld [tilespmem:s15+$0x190F0]  }
0x194: {  	v7 =	vadd.f32 v9, v7  }
0x195: {  	v12 =	vld [tilespmem:s15+$0x192F0]  }
0x196: {  	v7 =	vadd.f32 v10, v7  }
0x197: {  	v13 =	vld [tilespmem:s15+$0x194F0]  }
0x198: {  	v7 =	vadd.f32 v11, v7  }
0x199: {  	v8 =	vld [tilespmem:s15+$0x196F0]  }
0x19a: {  	s16 =	simm.s32 $0xFFFFFFF0;
	v14 =	vld [tilespmem:s15+$0x198F0];
	v7 =	vadd.f32 v12, v7  }
0x19b: {  	v9 =	vld [tilespmem:s16+$0x188F0]  }
0x19c: {  	v15 =	vld [tilespmem:s15+$0x19AF0];
	v7 =	vadd.f32 v13, v7  }
0x19d: {  	v10 =	vld [tilespmem:s16+$0x18AF0]  }
0x19e: {  	v16 =	vld [tilespmem:s15+$0x19CF0];
	v7 =	vadd.f32 v8, v7  }
0x19f: {  	v11 =	vld [tilespmem:s16+$0x18CF0]  }
0x1a0: {  	v61 =	vld [tilespmem:s15+$0x19EF0];
	v9 =	vadd.f32 $0.0e+00, v9;
	v7 =	vadd.f32 v14, v7  }
0x1a1: {  	v12 =	vld [tilespmem:s16+$0x18EF0]  }
0x1a2: {  	v9 =	vadd.f32 v10, v9;
	v10 =	vld [tilespmem:s15+$0x1A0F0];
	v7 =	vadd.f32 v15, v7  }
0x1a3: {  	v13 =	vld [tilespmem:s16+$0x190F0]  }
0x1a4: {  	v9 =	vadd.f32 v11, v9;
	v11 =	vld [tilespmem:s15+$0x1A2F0];
	v7 =	vadd.f32 v16, v7  }
0x1a5: {  	v8 =	vld [tilespmem:s16+$0x192F0]  }
0x1a6: {  	v9 =	vadd.f32 v12, v9;
	v12 =	vld [tilespmem:s15+$0x1A4F0];
	v7 =	vadd.f32 v61, v7  }
0x1a7: {  	v14 =	vld [tilespmem:s16+$0x194F0]  }
0x1a8: {  	v9 =	vadd.f32 v13, v9;
	v13 =	vld [tilespmem:s15+$0x1A6F0];
	v7 =	vadd.f32 v10, v7  }
0x1a9: {  	s17 =	simm.s32 $0xFFFFFFE0;
	v15 =	vld [tilespmem:s16+$0x196F0]  }
0x1aa: {  	v62 =	vld [tilespmem:s17+$0x188F0];
	v8 =	vadd.f32 v8, v9;
	v7 =	vadd.f32 v11, v7  }
0x1ab: {  	v9 =	vld [tilespmem:s16+$0x198F0]  }
0x1ac: {  	v63 =	vld [tilespmem:s17+$0x18AF0];
	v8 =	vadd.f32 v14, v8;
	v7 =	vadd.f32 v12, v7  }
0x1ad: {  	v14 =	vld [tilespmem:s16+$0x19AF0]  }
0x1ae: {  	v8 =	vadd.f32 v15, v8;
	v15 =	vld [tilespmem:s16+$0x19CF0];
	v7 =	vadd.f32 v13, v7  }
0x1af: {  	v10 =	vld [tilespmem:s17+$0x18CF0]  }
0x1b0: {  	v16 =	vadd.f32 $0.0e+00, v62;
	v8 =	vadd.f32 v9, v8;
	v9 =	vld [tilespmem:s16+$0x19EF0];
	v7 =	vperm.xlane v7, v2  }
0x1b1: {  	v11 =	vld [tilespmem:s17+$0x18EF0]  }
0x1b2: {  	v16 =	vadd.f32 v63, v16;
	v8 =	vadd.f32 v14, v8;
	v14 =	vld [tilespmem:s16+$0x1A0F0];
	(xrf2) =	vadd.scan.msk.f32 $0xffff, v7  }
0x1b3: {  	v12 =	vld [tilespmem:s17+$0x190F0]  }
0x1b4: {  	v10 =	vadd.f32 v10, v16;
	v8 =	vadd.f32 v15, v8;
	v15 =	vld [tilespmem:s16+$0x1A2F0]  }
0x1b5: {  	v13 =	vld [tilespmem:s17+$0x192F0]  }
0x1b6: {  	v16 =	vadd.f32 v11, v10;
	v8 =	vadd.f32 v9, v8;
	v11 =	vld [tilespmem:s16+$0x1A4F0]  }
0x1b7: {  	v10 =	vld [tilespmem:s17+$0x194F0]  }
0x1b8: {  	v9 =	vld [tilespmem:s17+$0x196F0];
	v12 =	vadd.f32 v12, v16;
	v14 =	vadd.f32 v14, v8  }
0x1b9: {  	v8 =	vld [tilespmem:s16+$0x1A6F0]  }
0x1ba: {  	s18 =	simm.s32 $0xFFFFFFD0;
	s20 =	simm.s32 $0xFFFFFF00;
	s19 =	simm.s32 $0x0;
	v7 =	vld [tilespmem:s17+$0x198F0];
	v12 =	vadd.f32 v13, v12;
	v13 =	vadd.f32 v15, v14  }
.LBB2_14:
0x1bb: {  	p0 =	sne.s32 s20, $0xFFFFF840;
	v14 =	vld [tilespmem:s18+$0x188F0]  }
0x1bc: {  	v10 =	vadd.f32 v10, v12;
	v12 =	vld [tilespmem:s17+$0x19AF0];
	v11 =	vadd.f32 v11, v13;
	v13, _, _ =	vpop (xrf2)  }
0x1bd: {  	v15 =	vld [tilespmem:s18+$0x18AF0];
	v13 =	vperm.xlane v13, v2  }
0x1be: {  	v9 =	vadd.f32 v9, v10;
	v10 =	vld [tilespmem:s17+$0x19CF0];
	v8 =	vadd.f32 v8, v11  }
0x1bf: {  	v11 =	vld [tilespmem:s18+$0x18CF0];
	v6 =	vadd.f32 v13, v6  }
0x1c0: {  	v13 =	vadd.f32 $0.0e+00, v14;
	v7 =	vadd.f32 v7, v9;
	v9 =	vld [tilespmem:s17+$0x19EF0];
	v8 =	vperm.xlane v8, v2  }
0x1c1: {  	v14 =	vld [tilespmem:s18+$0x18EF0];
	[tilespmem:s19+$0x1A8F0] =	vst v6;
	(xrf0) =	vmax.scan.msk.f32 $0xffff, v6;
	s19 =	smov.u32 s16;
	s16 =	smov.u32 s17;
	s17 =	smov.u32 s18  }
0x1c2: {  	v6 =	vadd.f32 v15, v13;
	v7 =	vadd.f32 v12, v7;
	v12 =	vld [tilespmem:s16+$0x1A0F0];
	(xrf2) =	vadd.scan.msk.f32 $0xffff, v8  }
0x1c3: {  	v8 =	vld [tilespmem:s17+$0x190F0]  }
0x1c4: {  	v6 =	vadd.f32 v11, v6;
	v7 =	vadd.f32 v10, v7;
	v13 =	vld [tilespmem:s16+$0x1A2F0]  }
0x1c5: {  	v15 =	vld [tilespmem:s17+$0x192F0]  }
.Ltmp6:
0x1c6: {  	v6 =	vadd.f32 v14, v6;
	v7 =	vadd.f32 v9, v7;
	v11 =	vld [tilespmem:s16+$0x1A4F0];
	(pc) =	sbr.rel @p0 .LBB2_14-.Ltmp6, $4  }
0x1c7: {  	v10 =	vld [tilespmem:s17+$0x194F0];
	v9, _, _ =	vpop (xrf0)  }
0x1c8: {  	v14 =	vadd.f32 v8, v6;
	v16 =	vadd.f32 v12, v7;
	v8 =	vld [tilespmem:s16+$0x1A6F0];
	v6 =	vbroadcast v9, $0xF  }
0x1c9: {  	v9 =	vld [tilespmem:s17+$0x196F0]  }
0x1ca: {  	s18 =	sshra.s32 s20, $0x2;
	s20 =	sadd.s32 $0xFFFFFFC0, s20;
	v12 =	vadd.f32 v15, v14;
	v7 =	vld [tilespmem:s17+$0x198F0];
	v13 =	vadd.f32 v13, v16  }
0x1cb: {  	v14 =	vld [tilespmem:s18+$0x188F0];
	_ =	sdelay $0x1  }
0x1cc: {  	v16 =	vld [tilespmem:s18+$0x18AF0];
	v11 =	vadd.f32 v11, v13;
	v46, _, _ =	vpop (xrf2)  }
0x1cd: {  	v15 =	vld [tilespmem:s17+$0x19AF0];
	v13 =	vperm.xlane v46, v2  }
0x1ce: {  	v47 =	vld [tilespmem:s18+$0x18CF0];
	v10 =	vadd.f32 v10, v12;
	v8 =	vadd.f32 v8, v11  }
0x1cf: {  	v17 =	vld [tilespmem:s17+$0x19CF0];
	v6 =	vadd.f32 v13, v6;
	v48 =	vadd.f32 $0.0e+00, v14  }
0x1d0: {  	v50 =	vld [tilespmem:s18+$0x18EF0];
	v9 =	vadd.f32 v9, v10;
	v8 =	vperm.xlane v8, v2  }
0x1d1: {  	v49 =	vld [tilespmem:s17+$0x19EF0];
	[tilespmem:s19+$0x1A8F0] =	vst v6;
	v12 =	vadd.f32 v16, v48  }
0x1d2: {  	v7 =	vadd.f32 v7, v9;
	(xrf2) =	vadd.scan.msk.f32 $0xffff, v8;
	v8 =	vld [tilespmem:s18+$0x190F0]  }
0x1d3: {  	v51 =	vadd.f32 v47, v12  }
0x1d4: {  	v7 =	vadd.f32 v15, v7;
	v52 =	vld [tilespmem:s18+$0x192F0]  }
0x1d5: {  	(xrf0) =	vmax.scan.msk.f32 $0xffff, v6;
	v6 =	vld [tilespmem:s17+$0x1A0F0];
	v9 =	vadd.f32 v50, v51  }
0x1d6: {  	v53 =	vld [tilespmem:s18+$0x194F0];
	v7 =	vadd.f32 v17, v7  }
0x1d7: {  	v54 =	vld [tilespmem:s17+$0x1A2F0];
	v8 =	vadd.f32 v8, v9  }
0x1d8: {  	v55 =	vld [tilespmem:s18+$0x196F0];
	v7 =	vadd.f32 v49, v7  }
0x1d9: {  	v56 =	vld [tilespmem:s17+$0x1A4F0];
	v8 =	vadd.f32 v52, v8  }
0x1da: {  	v6 =	vadd.f32 v6, v7;
	v7 =	vld [tilespmem:s18+$0x198F0]  }
0x1db: {  	v58 =	vld [tilespmem:s17+$0x1A6F0];
	v57, _, _ =	vpop (xrf0);
	v8 =	vadd.f32 v53, v8  }
0x1dc: {  	v59 =	vld [tilespmem:s18+$0x19AF0];
	v6 =	vadd.f32 v54, v6;
	v60, _, _ =	vpop (xrf2)  }
0x1dd: {  	v11 =	vbroadcast v57, $0xF;
	v12 =	vperm.xlane v60, v2;
	v8 =	vadd.f32 v55, v8  }
0x1de: {  	v61 =	vld [tilespmem:s18+$0x19CF0];
	v6 =	vadd.f32 v56, v6  }
0x1df: {  	v11 =	vadd.f32 v12, v11;
	v7 =	vadd.f32 v7, v8  }
0x1e0: {  	v8 =	vld [tilespmem:s18+$0x19EF0]  }
0x1e1: {  	v6 =	vadd.f32 v58, v6;
	[tilespmem:s16+$0x1A8F0] =	vst v11;
	v7 =	vadd.f32 v59, v7  }
0x1e2: {  	v62 =	vld [tilespmem:s18+$0x1A0F0]  }
0x1e3: {  	v6 =	vperm.xlane v6, v2;
	v7 =	vadd.f32 v61, v7  }
0x1e4: {  	v63 =	vld [tilespmem:s18+$0x1A2F0]  }
0x1e5: {  	(xrf2) =	vadd.scan.msk.f32 $0xffff, v6;
	v6 =	vadd.f32 v8, v7  }
0x1e6: {  	v7 =	vld [tilespmem:s18+$0x1A4F0]  }
0x1e7: {  	v6 =	vadd.f32 v62, v6  }
0x1e8: {  	(xrf0) =	vmax.scan.msk.f32 $0xffff, v11;
	v8 =	vld [tilespmem:s18+$0x1A6F0]  }
0x1e9: {  	v6 =	vadd.f32 v63, v6;
	_ =	sdelay $0x1  }
0x1ea: {  	v6 =	vadd.f32 v7, v6;
	_ =	sdelay $0x1  }
0x1eb: {  	v6 =	vadd.f32 v8, v6  }
0x1ec: {  	v7, _, _ =	vpop (xrf0)  }
0x1ed: {  	v8, _, _ =	vpop (xrf2);
	v6 =	vperm.xlane v6, v2  }
0x1ee: {  	v7 =	vbroadcast v7, $0xF;
	v8 =	vperm.xlane v8, v2  }
0x1ef: {  	(xrf2) =	vadd.scan.msk.f32 $0xffff, v6  }
0x1f0: {  	v6 =	vadd.f32 v8, v7;
	_ =	sdelay $0x1  }
0x1f1: {  	(xrf0) =	vmax.scan.msk.f32 $0xffff, v6;
	_ =	sdelay $0x5  }
0x1f2: {  	v7, _, _ =	vpop (xrf0)  }
0x1f3: {  	v8, _, _ =	vpop (xrf2)  }
0x1f4: {  	v7 =	vbroadcast v7, $0xF;
	v8 =	vperm.xlane v8, v2;
	_ =	sdelay $0x1  }
0x1f5: {  	v7 =	vadd.f32 v8, v7;
	_ =	sdelay $0x1  }
0x1f6: {  	(xrf0) =	vmax.scan.msk.f32 $0xffff, v7;
	_ =	sdelay $0x4  }
0x1f7: {  	[tilespmem:s17+$0x1A8F0] =	vst v6  }
0x1f8: {  	[tilespmem:s18+$0x1A8F0] =	vst v7;
	v6, _, _ =	vpop (xrf0)  }
0x1f9: {  	s16 =	simm.s32 $0x40;
	v7 =	vld [tilespmem:s15+$0x1A700];
	v6 =	vimm.s32 $0x0  }
.LBB2_16:
0x1fa: {  	_ =	sdelay $0x1  }
0x1fb: {  	p0 =	sne.s32 s16, $0x7C0  }
.Ltmp7:
0x1fc: {  	_ = 	snop;
	(pc) =	sbr.rel @p0 .LBB2_16-.Ltmp7, $4  }
0x1fd: {  	vm0 =	vge.f32 v7, v4  }
0x1fe: {  	v8 =	vmpcnt.ones.xlane vm0  }
0x1ff: {  	s15 =	sshra.s32 s16, $0x2  }
0x200: {  	s16 =	sadd.s32 $0x40, s16;
	v7 =	vld [tilespmem:s15+$0x1A700];
	v6 =	vadd.s32 v6, v8  }
0x201: {  	_ =	sdelay $0x3  }
0x202: {  	vm0 =	vge.f32 v7, v4  }
0x203: {  	v7 =	vmpcnt.ones.xlane vm0;
	_ =	sdelay $0x1  }
0x204: {  	v6 =	vadd.s32 v6, v7  }
0x205: {  	v6 =	vadd.s32 $0xFFFFFFFF, v6  }
0x206: {  	vm15 =	vgt.s32 v6, $0x0  }
0x207: {  	v7 =	vnsel vm15, $0x0, v6  }
0x208: {  	v6 =	vadd.s32 $0x1, v7;
	_ =	sdelay $0x4  }
0x209: {  	s15 =	simm.s32 $0x0;
	s16 =	simm.s32 $0x200;
	v6 =	vld.idx.msk [tilespmem:v6+s12+$0x0], $0xffff  }
.LBB2_18:
0x20a: {  	p0 =	sne.s32 s16, $0x7E00;
	[tilespmem:s15+$0x18770] =	vst v0  }
0x20b: {  	[tilespmem:s15+$0x18700] =	vst v0  }
0x20c: {  	[tilespmem:s15+$0x18710] =	vst v0  }
.Ltmp8:
0x20d: {  	[tilespmem:s15+$0x18720] =	vst v0;
	(pc) =	sbr.rel @p0 .LBB2_18-.Ltmp8, $4  }
0x20e: {  	[tilespmem:s15+$0x18730] =	vst v0  }
0x20f: {  	[tilespmem:s15+$0x18740] =	vst v0  }
0x210: {  	[tilespmem:s15+$0x18750] =	vst v0  }
0x211: {  	[tilespmem:s15+$0x18760] =	vst v0;
	s15 =	sshra.s32 s16, $0x2;
	s16 =	sadd.s32 $0x200, s16  }
0x212: {  	[tilespmem:s15+$0x18770] =	vst v0  }
0x213: {  	[tilespmem:s15+$0x18700] =	vst v0  }
0x214: {  	[tilespmem:s15+$0x18710] =	vst v0  }
0x215: {  	[tilespmem:s15+$0x18720] =	vst v0  }
0x216: {  	[tilespmem:s15+$0x18730] =	vst v0  }
0x217: {  	[tilespmem:s15+$0x18740] =	vst v0  }
0x218: {  	[tilespmem:s15+$0x18750] =	vst v0  }
0x219: {  	[tilespmem:s15+$0x18760] =	vst v0;
	s15 =	simm.s32 $0x50  }
0x21a: {  	v13 =	vld [tilespmem:s15+$0xFFFFFFB0]  }
0x21b: {  	v14 =	vld [tilespmem:s15+$0xFFFFFFC0]  }
0x21c: {  	v15 =	vld [tilespmem:s15+$0xFFFFFFD0]  }
0x21d: {  	v16 =	vld [tilespmem:s15+$0xFFFFFFE0]  }
0x21e: {  	v17 =	vld [tilespmem:s15+$0xFFFFFFF0]  }
0x21f: {  	v5 =	vshll.u32 v5, $0x9  }
0x220: {  	v5 =	vadd.s32 v5, v7;
	v7 =	vshrl.u32 v13, $0xD;
	v8 =	vshrl.u32 v13, $0x4  }
0x221: {  	v9 =	vshrl.u32 v14, $0xD;
	v10 =	vshrl.u32 v14, $0x4;
	v11 =	vshrl.u32 v15, $0xD  }
0x222: {  	v12 =	vshrl.u32 v15, $0x4;
	v20 =	vshrl.u32 v16, $0xD;
	vm1 =	veq.s32 v7, v5;
	v7 =	vld [tilespmem:s15+$0x40]  }
0x223: {  	s16 =	simm.s32 $0x0;
	v22 =	vshrl.u32 v17, $0xD;
	v8 =	vand.u32 $0x1FF, v8;
	vm2 =	veq.s32 v9, v5;
	v9 =	vld [tilespmem:s15+$0x0]  }
0x224: {  	s16 =	sand.u32 $0x3FFE0, s16;
	v23 =	vshrl.u32 v17, $0x4;
	v10 =	vand.u32 $0x1FF, v10;
	v18 =	vor.u32 v1, v8;
	v8 =	vld [tilespmem:s15+$0x10]  }
0x225: {  	vm3 =	veq.s32 v11, v5;
	v11 =	vshrl.u32 v16, $0x4;
	v19 =	vor.u32 v1, v10;
	v10 =	vld [tilespmem:s16+$0x80]  }
0x226: {  	v12 =	vand.u32 $0x1FF, v12;
	vm4 =	veq.s32 v20, v5;
	v11 =	vand.u32 $0x1FF, v11  }
0x227: {  	vm5 =	veq.s32 v22, v5;
	v23 =	vand.u32 $0x1FF, v23;
	v21 =	vor.u32 v1, v11;
	v11 =	vld [tilespmem:s15+$0x20]  }
0x228: {  	v61 =	vor.u32 v1, v12;
	v23 =	vor.u32 v1, v23;
	v62 =	vshrl.u32 v9, $0xD  }
0x229: {  	v12 =	vshrl.u32 v7, $0xD;
	v63 =	vshrl.u32 v9, $0x4;
	vm0 =	veq.s32 v62, v5  }
0x22a: {  	v24 =	vshrl.u32 v8, $0xD;
	v25 =	vshrl.u32 v10, $0x4;
	v22 =	vand.u32 $0x1FF, v63  }
0x22b: {  	[tilespmem:v18+s11+$0x0] =	vst.idx.add.f32.msk vm1, v13;
	v18 =	vshrl.u32 v10, $0xD;
	vm1 =	veq.s32 v24, v5;
	v13 =	vor.u32 v1, v22  }
0x22c: {  	[tilespmem:v19+s11+$0x0] =	vst.idx.add.f32.msk vm2, v14;
	v14 =	vshrl.u32 v11, $0xD;
	vm2 =	veq.s32 v18, v5;
	v18 =	vshrl.u32 v11, $0x4  }
0x22d: {  	[tilespmem:v61+s11+$0x0] =	vst.idx.add.f32.msk vm3, v15;
	vm3 =	veq.s32 v14, v5;
	v14 =	vshrl.u32 v8, $0x4;
	v15 =	vand.u32 $0x1FF, v18  }
0x22e: {  	[tilespmem:v21+s11+$0x0] =	vst.idx.add.f32.msk vm4, v16;
	v16 =	vand.u32 $0x1FF, v14;
	v14 =	vor.u32 v1, v15;
	v15 =	vand.u32 $0x1FF, v25  }
0x22f: {  	s16 =	simm.s32 $0xA0;
	[tilespmem:v23+s11+$0x0] =	vst.idx.add.f32.msk vm5, v17;
	v17 =	vshrl.u32 v7, $0x4;
	v16 =	vor.u32 v1, v16;
	v15 =	vor.u32 v1, v15  }
.LBB2_20:
0x230: {  	p0 =	sne.s32 s16, $0x18600  }
0x231: {  	vm4 =	veq.s32 v12, v5;
	[tilespmem:v13+s11+$0x0] =	vst.idx.add.f32.msk vm0, v9;
	v9 =	vand.u32 $0x1FF, v17;
	s15 =	sadd.s32 $0xA0, s15;
	s17 =	smov.u32 s16;
	s16 =	sadd.s32 $0xA0, s16  }
0x232: {  	v9 =	vor.u32 v1, v9;
	_ =	sdelay $0x2  }
0x233: {  	[tilespmem:v16+s11+$0x0] =	vst.idx.add.f32.msk vm1, v8  }
0x234: {  	[tilespmem:v14+s11+$0x0] =	vst.idx.add.f32.msk vm3, v11  }
0x235: {  	[tilespmem:v15+s11+$0x0] =	vst.idx.add.f32.msk vm2, v10  }
0x236: {  	[tilespmem:v9+s11+$0x0] =	vst.idx.add.f32.msk vm4, v7  }
0x237: {  	v13 =	vld [tilespmem:s15+$0xFFFFFFB0]  }
0x238: {  	v14 =	vld [tilespmem:s15+$0xFFFFFFC0]  }
0x239: {  	v15 =	vld [tilespmem:s15+$0xFFFFFFD0];
	_ =	sdelay $0x1  }
0x23a: {  	v16 =	vld [tilespmem:s15+$0xFFFFFFE0]  }
0x23b: {  	v7 =	vshrl.u32 v13, $0xD;
	v8 =	vshrl.u32 v13, $0x4  }
0x23c: {  	v17 =	vld [tilespmem:s15+$0xFFFFFFF0];
	vm0 =	veq.s32 v7, v5;
	v9 =	vshrl.u32 v14, $0xD;
	v8 =	vand.u32 $0x1FF, v8  }
0x23d: {  	v10 =	vshrl.u32 v14, $0x4;
	v7 =	vld [tilespmem:s15+$0x40];
	vm1 =	veq.s32 v9, v5;
	v18 =	vor.u32 v1, v8  }
0x23e: {  	v11 =	vshrl.u32 v15, $0xD;
	v12 =	vshrl.u32 v15, $0x4;
	v10 =	vand.u32 $0x1FF, v10;
	v9 =	vld [tilespmem:s15+$0x0]  }
0x23f: {  	s17 =	sand.u32 $0x3FFE0, s17;
	vm2 =	veq.s32 v11, v5;
	v19 =	vor.u32 v1, v10;
	v8 =	vld [tilespmem:s15+$0x10];
	v11 =	vshrl.u32 v16, $0x4  }
0x240: {  	v12 =	vand.u32 $0x1FF, v12;
	v20 =	vshrl.u32 v16, $0xD;
	v10 =	vld [tilespmem:s17+$0x80];
	v21 =	vand.u32 $0x1FF, v11  }
0x241: {  	vm3 =	veq.s32 v20, v5;
	v20 =	vor.u32 v1, v12;
	v11 =	vld [tilespmem:s15+$0x20];
	v21 =	vor.u32 v1, v21  }
0x242: {  	v22 =	vshrl.u32 v17, $0xD;
	v23 =	vshrl.u32 v17, $0x4;
	v12 =	vshrl.u32 v7, $0xD;
	[tilespmem:v18+s11+$0x0] =	vst.idx.add.f32.msk vm0, v13  }
0x243: {  	vm4 =	veq.s32 v22, v5;
	v18 =	vand.u32 $0x1FF, v23;
	v13 =	vshrl.u32 v9, $0xD  }
0x244: {  	vm0 =	veq.s32 v13, v5;
	v13 =	vshrl.u32 v9, $0x4;
	[tilespmem:v19+s11+$0x0] =	vst.idx.add.f32.msk vm1, v14;
	v14 =	vor.u32 v1, v18  }
0x245: {  	v18 =	vshrl.u32 v8, $0xD;
	v19 =	vshrl.u32 v10, $0x4;
	v13 =	vand.u32 $0x1FF, v13  }
.Ltmp9:
0x246: {  	vm1 =	veq.s32 v18, v5;
	v18 =	vshrl.u32 v10, $0xD;
	[tilespmem:v20+s11+$0x0] =	vst.idx.add.f32.msk vm2, v15;
	v13 =	vor.u32 v1, v13;
	(pc) =	sbr.rel @p0 .LBB2_20-.Ltmp9, $4  }
0x247: {  	v15 =	vshrl.u32 v11, $0xD;
	vm2 =	veq.s32 v18, v5;
	v18 =	vshrl.u32 v11, $0x4;
	[tilespmem:v21+s11+$0x0] =	vst.idx.add.f32.msk vm3, v16  }
0x248: {  	vm3 =	veq.s32 v15, v5;
	v15 =	vshrl.u32 v8, $0x4;
	v16 =	vand.u32 $0x1FF, v18  }
0x249: {  	v18 =	vand.u32 $0x1FF, v19;
	v15 =	vand.u32 $0x1FF, v15;
	[tilespmem:v14+s11+$0x0] =	vst.idx.add.f32.msk vm4, v17;
	v14 =	vor.u32 v1, v16  }
0x24a: {  	v17 =	vshrl.u32 v7, $0x4;
	v16 =	vor.u32 v1, v15;
	v15 =	vor.u32 v1, v18  }
0x24b: {  	_ =	sdelay $0x2  }
0x24c: {  	vm4 =	veq.s32 v12, v5;
	v12 =	vand.u32 $0x1FF, v17  }
0x24d: {  	v12 =	vor.u32 v1, v12  }
0x24e: {  	[tilespmem:v13+s11+$0x0] =	vst.idx.add.f32.msk vm0, v9  }
0x24f: {  	[tilespmem:v16+s11+$0x0] =	vst.idx.add.f32.msk vm1, v8  }
0x250: {  	[tilespmem:v14+s11+$0x0] =	vst.idx.add.f32.msk vm3, v11  }
0x251: {  	[tilespmem:v15+s11+$0x0] =	vst.idx.add.f32.msk vm2, v10  }
0x252: {  	[tilespmem:v12+s11+$0x0] =	vst.idx.add.f32.msk vm4, v7  }
0x253: {  	s15 =	simm.s32 $0x0;
	[tilespmem:$0x1A900] =	vst v6  }
0x254: {  	v7 =	vld [tilespmem:s15+$0x188F0];
	_ =	sdelay $0x1  }
0x255: {  	v8 =	vld [tilespmem:s15+$0x18AF0];
	_ =	sdelay $0x1  }
0x256: {  	v9 =	vld [tilespmem:s15+$0x18CF0]  }
0x257: {  	v7 =	vadd.f32 $0.0e+00, v7  }
0x258: {  	v10 =	vld [tilespmem:s15+$0x18EF0]  }
0x259: {  	v7 =	vadd.f32 v8, v7  }
0x25a: {  	v11 =	vld [tilespmem:s15+$0x190F0]  }
0x25b: {  	v7 =	vadd.f32 v9, v7  }
0x25c: {  	v12 =	vld [tilespmem:s15+$0x192F0]  }
0x25d: {  	v7 =	vadd.f32 v10, v7  }
0x25e: {  	v13 =	vld [tilespmem:s15+$0x194F0]  }
0x25f: {  	v7 =	vadd.f32 v11, v7  }
0x260: {  	v8 =	vld [tilespmem:s15+$0x196F0]  }
0x261: {  	s16 =	simm.s32 $0xFFFFFFF0;
	v14 =	vld [tilespmem:s15+$0x198F0];
	v7 =	vadd.f32 v12, v7  }
0x262: {  	v9 =	vld [tilespmem:s16+$0x188F0]  }
0x263: {  	v15 =	vld [tilespmem:s15+$0x19AF0];
	v7 =	vadd.f32 v13, v7  }
0x264: {  	v10 =	vld [tilespmem:s16+$0x18AF0]  }
0x265: {  	v16 =	vld [tilespmem:s15+$0x19CF0];
	v7 =	vadd.f32 v8, v7  }
0x266: {  	v11 =	vld [tilespmem:s16+$0x18CF0]  }
0x267: {  	v61 =	vld [tilespmem:s15+$0x19EF0];
	v9 =	vadd.f32 $0.0e+00, v9;
	v7 =	vadd.f32 v14, v7  }
0x268: {  	v12 =	vld [tilespmem:s16+$0x18EF0]  }
0x269: {  	v9 =	vadd.f32 v10, v9;
	v10 =	vld [tilespmem:s15+$0x1A0F0];
	v7 =	vadd.f32 v15, v7  }
0x26a: {  	v13 =	vld [tilespmem:s16+$0x190F0]  }
0x26b: {  	v9 =	vadd.f32 v11, v9;
	v11 =	vld [tilespmem:s15+$0x1A2F0];
	v7 =	vadd.f32 v16, v7  }
0x26c: {  	v8 =	vld [tilespmem:s16+$0x192F0]  }
0x26d: {  	v9 =	vadd.f32 v12, v9;
	v12 =	vld [tilespmem:s15+$0x1A4F0];
	v7 =	vadd.f32 v61, v7  }
0x26e: {  	v14 =	vld [tilespmem:s16+$0x194F0]  }
0x26f: {  	v9 =	vadd.f32 v13, v9;
	v13 =	vld [tilespmem:s15+$0x1A6F0];
	v7 =	vadd.f32 v10, v7  }
0x270: {  	s17 =	simm.s32 $0xFFFFFFE0;
	v15 =	vld [tilespmem:s16+$0x196F0]  }
0x271: {  	v62 =	vld [tilespmem:s17+$0x188F0];
	v8 =	vadd.f32 v8, v9;
	v7 =	vadd.f32 v11, v7  }
0x272: {  	v9 =	vld [tilespmem:s16+$0x198F0]  }
0x273: {  	v63 =	vld [tilespmem:s17+$0x18AF0];
	v8 =	vadd.f32 v14, v8;
	v7 =	vadd.f32 v12, v7  }
0x274: {  	v14 =	vld [tilespmem:s16+$0x19AF0]  }
0x275: {  	v8 =	vadd.f32 v15, v8;
	v15 =	vld [tilespmem:s16+$0x19CF0];
	v7 =	vadd.f32 v13, v7  }
0x276: {  	v10 =	vld [tilespmem:s17+$0x18CF0]  }
0x277: {  	v16 =	vadd.f32 $0.0e+00, v62;
	v8 =	vadd.f32 v9, v8;
	v9 =	vld [tilespmem:s16+$0x19EF0];
	v7 =	vperm.xlane v7, v2  }
0x278: {  	v11 =	vld [tilespmem:s17+$0x18EF0]  }
0x279: {  	v16 =	vadd.f32 v63, v16;
	v8 =	vadd.f32 v14, v8;
	v14 =	vld [tilespmem:s16+$0x1A0F0];
	(xrf2) =	vadd.scan.msk.f32 $0xffff, v7  }
0x27a: {  	v12 =	vld [tilespmem:s17+$0x190F0]  }
0x27b: {  	v10 =	vadd.f32 v10, v16;
	v8 =	vadd.f32 v15, v8;
	v15 =	vld [tilespmem:s16+$0x1A2F0]  }
0x27c: {  	v13 =	vld [tilespmem:s17+$0x192F0]  }
0x27d: {  	v16 =	vadd.f32 v11, v10;
	v8 =	vadd.f32 v9, v8;
	v11 =	vld [tilespmem:s16+$0x1A4F0]  }
0x27e: {  	v10 =	vld [tilespmem:s17+$0x194F0]  }
0x27f: {  	v9 =	vld [tilespmem:s17+$0x196F0];
	v12 =	vadd.f32 v12, v16;
	v14 =	vadd.f32 v14, v8  }
0x280: {  	v8 =	vld [tilespmem:s16+$0x1A6F0]  }
0x281: {  	s18 =	simm.s32 $0xFFFFFFD0;
	s20 =	simm.s32 $0xFFFFFF00;
	s19 =	simm.s32 $0x0;
	v7 =	vld [tilespmem:s17+$0x198F0];
	v12 =	vadd.f32 v13, v12;
	v13 =	vadd.f32 v15, v14  }
.LBB2_22:
0x282: {  	p0 =	sne.s32 s20, $0xFFFFF840;
	v14 =	vld [tilespmem:s18+$0x188F0]  }
0x283: {  	v10 =	vadd.f32 v10, v12;
	v12 =	vld [tilespmem:s17+$0x19AF0];
	v11 =	vadd.f32 v11, v13;
	v13, _, _ =	vpop (xrf2)  }
0x284: {  	v15 =	vld [tilespmem:s18+$0x18AF0];
	v13 =	vperm.xlane v13, v2  }
0x285: {  	v9 =	vadd.f32 v9, v10;
	v10 =	vld [tilespmem:s17+$0x19CF0];
	v8 =	vadd.f32 v8, v11  }
0x286: {  	v11 =	vld [tilespmem:s18+$0x18CF0];
	v6 =	vadd.f32 v13, v6  }
0x287: {  	v13 =	vadd.f32 $0.0e+00, v14;
	v7 =	vadd.f32 v7, v9;
	v9 =	vld [tilespmem:s17+$0x19EF0];
	v8 =	vperm.xlane v8, v2  }
0x288: {  	v14 =	vld [tilespmem:s18+$0x18EF0];
	[tilespmem:s19+$0x1A8F0] =	vst v6;
	(xrf0) =	vmax.scan.msk.f32 $0xffff, v6;
	s19 =	smov.u32 s16;
	s16 =	smov.u32 s17;
	s17 =	smov.u32 s18  }
0x289: {  	v6 =	vadd.f32 v15, v13;
	v7 =	vadd.f32 v12, v7;
	v12 =	vld [tilespmem:s16+$0x1A0F0];
	(xrf2) =	vadd.scan.msk.f32 $0xffff, v8  }
0x28a: {  	v8 =	vld [tilespmem:s17+$0x190F0]  }
0x28b: {  	v6 =	vadd.f32 v11, v6;
	v7 =	vadd.f32 v10, v7;
	v13 =	vld [tilespmem:s16+$0x1A2F0]  }
0x28c: {  	v15 =	vld [tilespmem:s17+$0x192F0]  }
.Ltmp10:
0x28d: {  	v6 =	vadd.f32 v14, v6;
	v7 =	vadd.f32 v9, v7;
	v11 =	vld [tilespmem:s16+$0x1A4F0];
	(pc) =	sbr.rel @p0 .LBB2_22-.Ltmp10, $4  }
0x28e: {  	v10 =	vld [tilespmem:s17+$0x194F0];
	v9, _, _ =	vpop (xrf0)  }
0x28f: {  	v14 =	vadd.f32 v8, v6;
	v16 =	vadd.f32 v12, v7;
	v8 =	vld [tilespmem:s16+$0x1A6F0];
	v6 =	vbroadcast v9, $0xF  }
0x290: {  	v9 =	vld [tilespmem:s17+$0x196F0]  }
0x291: {  	s18 =	sshra.s32 s20, $0x2;
	s20 =	sadd.s32 $0xFFFFFFC0, s20;
	v12 =	vadd.f32 v15, v14;
	v7 =	vld [tilespmem:s17+$0x198F0];
	v13 =	vadd.f32 v13, v16  }
0x292: {  	v14 =	vld [tilespmem:s18+$0x188F0];
	_ =	sdelay $0x1  }
0x293: {  	v16 =	vld [tilespmem:s18+$0x18AF0];
	v11 =	vadd.f32 v11, v13;
	v46, _, _ =	vpop (xrf2)  }
0x294: {  	v15 =	vld [tilespmem:s17+$0x19AF0];
	v13 =	vperm.xlane v46, v2  }
0x295: {  	v47 =	vld [tilespmem:s18+$0x18CF0];
	v10 =	vadd.f32 v10, v12;
	v8 =	vadd.f32 v8, v11  }
0x296: {  	v17 =	vld [tilespmem:s17+$0x19CF0];
	v6 =	vadd.f32 v13, v6;
	v48 =	vadd.f32 $0.0e+00, v14  }
0x297: {  	v50 =	vld [tilespmem:s18+$0x18EF0];
	v9 =	vadd.f32 v9, v10;
	v8 =	vperm.xlane v8, v2  }
0x298: {  	v49 =	vld [tilespmem:s17+$0x19EF0];
	[tilespmem:s19+$0x1A8F0] =	vst v6;
	v12 =	vadd.f32 v16, v48  }
0x299: {  	v7 =	vadd.f32 v7, v9;
	(xrf2) =	vadd.scan.msk.f32 $0xffff, v8;
	v8 =	vld [tilespmem:s18+$0x190F0]  }
0x29a: {  	v51 =	vadd.f32 v47, v12  }
0x29b: {  	v7 =	vadd.f32 v15, v7;
	v52 =	vld [tilespmem:s18+$0x192F0]  }
0x29c: {  	(xrf0) =	vmax.scan.msk.f32 $0xffff, v6;
	v6 =	vld [tilespmem:s17+$0x1A0F0];
	v9 =	vadd.f32 v50, v51  }
0x29d: {  	v53 =	vld [tilespmem:s18+$0x194F0];
	v7 =	vadd.f32 v17, v7  }
0x29e: {  	v54 =	vld [tilespmem:s17+$0x1A2F0];
	v8 =	vadd.f32 v8, v9  }
0x29f: {  	v55 =	vld [tilespmem:s18+$0x196F0];
	v7 =	vadd.f32 v49, v7  }
0x2a0: {  	v56 =	vld [tilespmem:s17+$0x1A4F0];
	v8 =	vadd.f32 v52, v8  }
0x2a1: {  	v6 =	vadd.f32 v6, v7;
	v7 =	vld [tilespmem:s18+$0x198F0]  }
0x2a2: {  	v58 =	vld [tilespmem:s17+$0x1A6F0];
	v57, _, _ =	vpop (xrf0);
	v8 =	vadd.f32 v53, v8  }
0x2a3: {  	v59 =	vld [tilespmem:s18+$0x19AF0];
	v6 =	vadd.f32 v54, v6;
	v60, _, _ =	vpop (xrf2)  }
0x2a4: {  	v11 =	vbroadcast v57, $0xF;
	v12 =	vperm.xlane v60, v2;
	v8 =	vadd.f32 v55, v8  }
0x2a5: {  	v61 =	vld [tilespmem:s18+$0x19CF0];
	v6 =	vadd.f32 v56, v6  }
0x2a6: {  	v11 =	vadd.f32 v12, v11;
	v7 =	vadd.f32 v7, v8  }
0x2a7: {  	v8 =	vld [tilespmem:s18+$0x19EF0]  }
0x2a8: {  	v6 =	vadd.f32 v58, v6;
	[tilespmem:s16+$0x1A8F0] =	vst v11;
	v7 =	vadd.f32 v59, v7  }
0x2a9: {  	v62 =	vld [tilespmem:s18+$0x1A0F0]  }
0x2aa: {  	v6 =	vperm.xlane v6, v2;
	v7 =	vadd.f32 v61, v7  }
0x2ab: {  	v63 =	vld [tilespmem:s18+$0x1A2F0]  }
0x2ac: {  	(xrf2) =	vadd.scan.msk.f32 $0xffff, v6;
	v6 =	vadd.f32 v8, v7  }
0x2ad: {  	v7 =	vld [tilespmem:s18+$0x1A4F0]  }
0x2ae: {  	v6 =	vadd.f32 v62, v6  }
0x2af: {  	(xrf0) =	vmax.scan.msk.f32 $0xffff, v11;
	v8 =	vld [tilespmem:s18+$0x1A6F0]  }
0x2b0: {  	v6 =	vadd.f32 v63, v6;
	_ =	sdelay $0x1  }
0x2b1: {  	v6 =	vadd.f32 v7, v6;
	_ =	sdelay $0x1  }
0x2b2: {  	v6 =	vadd.f32 v8, v6  }
0x2b3: {  	v7, _, _ =	vpop (xrf0)  }
0x2b4: {  	v8, _, _ =	vpop (xrf2);
	v6 =	vperm.xlane v6, v2  }
0x2b5: {  	v7 =	vbroadcast v7, $0xF;
	v8 =	vperm.xlane v8, v2  }
0x2b6: {  	(xrf2) =	vadd.scan.msk.f32 $0xffff, v6  }
0x2b7: {  	v6 =	vadd.f32 v8, v7;
	_ =	sdelay $0x1  }
0x2b8: {  	(xrf0) =	vmax.scan.msk.f32 $0xffff, v6;
	_ =	sdelay $0x5  }
0x2b9: {  	v7, _, _ =	vpop (xrf0)  }
0x2ba: {  	v8, _, _ =	vpop (xrf2)  }
0x2bb: {  	v7 =	vbroadcast v7, $0xF;
	v8 =	vperm.xlane v8, v2;
	_ =	sdelay $0x1  }
0x2bc: {  	v7 =	vadd.f32 v8, v7;
	_ =	sdelay $0x1  }
0x2bd: {  	(xrf0) =	vmax.scan.msk.f32 $0xffff, v7;
	_ =	sdelay $0x4  }
0x2be: {  	[tilespmem:s17+$0x1A8F0] =	vst v6  }
0x2bf: {  	[tilespmem:s18+$0x1A8F0] =	vst v7;
	v6, _, _ =	vpop (xrf0)  }
0x2c0: {  	s16 =	simm.s32 $0x40;
	v7 =	vld [tilespmem:s15+$0x1A700];
	v6 =	vimm.s32 $0x0  }
.LBB2_24:
0x2c1: {  	_ =	sdelay $0x1  }
0x2c2: {  	p0 =	sne.s32 s16, $0x7C0  }
.Ltmp11:
0x2c3: {  	_ = 	snop;
	(pc) =	sbr.rel @p0 .LBB2_24-.Ltmp11, $4  }
0x2c4: {  	vm0 =	vge.f32 v7, v4  }
0x2c5: {  	v8 =	vmpcnt.ones.xlane vm0  }
0x2c6: {  	s15 =	sshra.s32 s16, $0x2  }
0x2c7: {  	s16 =	sadd.s32 $0x40, s16;
	v7 =	vld [tilespmem:s15+$0x1A700];
	v6 =	vadd.s32 v6, v8  }
0x2c8: {  	_ =	sdelay $0x1  }
0x2c9: {  	(erf) = vrcp.f32 v3;
	_ =	sdelay $0x1  }
0x2ca: {  	vm0 =	vge.f32 v7, v4  }
0x2cb: {  	v3 =	vmpcnt.ones.xlane vm0;
	_ =	sdelay $0x1  }
0x2cc: {  	v3 =	vadd.s32 v6, v3  }
0x2cd: {  	v3 =	vadd.s32 $0xFFFFFFFF, v3  }
0x2ce: {  	s15 =	simm.s32 $0x0;
	s17 =	simm.s32 $0x50;
	vm15 =	vgt.s32 v3, $0x0  }
0x2cf: {  	v5 =	vshll.u32 v5, $0x9;
	s16 =	simm.s32 $0xA0;
	s19 =	simm.s32 $0x140;
	s20 =	simm.s32 $0xF0;
	v6 =	vld [tilespmem:s17+$0xFFFFFFD0];
	v4 =	vnsel vm15, $0x0, v3  }
0x2d0: {  	s18 =	sand.u32 $0x3FFE0, s15;
	s15 =	sand.u32 $0x3FFE0, s16;
	s16 =	simm.s32 $0xF0;
	v3 =	vpop (erf);
	v4 =	vadd.s32 v5, v4;
	v5 =	vld [tilespmem:s17+$0xFFFFFFF0]  }
.LBB2_26:
0x2d1: {  	p0 =	sne.s32 s19, $0x18600  }
0x2d2: {  	s20 =	sadd.s32 $0xA0, s20;
	v7 =	vld [tilespmem:s17+$0x20];
	s21 =	smov.u32 s19;
	s19 =	sadd.s32 $0xA0, s19  }
0x2d3: {  	v8 =	vld [tilespmem:s17+$0x0]  }
0x2d4: {  	v9 =	vld [tilespmem:s17+$0xFFFFFFC0]  }
0x2d5: {  	v10 =	vld [tilespmem:s17+$0xFFFFFFB0];
	v11 =	vshrl.u32 v6, $0x4;
	v6 =	vmul.f32 v6, v3  }
0x2d6: {  	v12 =	vld [tilespmem:s17+$0x10];
	vm0 =	vlt.s32 v11, v4  }
0x2d7: {  	v11 =	vld [tilespmem:s17+$0xFFFFFFE0];
	v13 =	vshrl.u32 v7, $0x4;
	v6 =	vsel vm0, $0x0, v6;
	v7 =	vmul.f32 v7, v3  }
0x2d8: {  	v14 =	vshrl.u32 v5, $0x4;
	v5 =	vmul.f32 v5, v3;
	v15 =	vshrl.u32 v8, $0x4  }
0x2d9: {  	vm0 =	vlt.s32 v14, v4;
	v16 =	vshrl.u32 v9, $0x4;
	vm1 =	vlt.s32 v15, v4  }
0x2da: {  	v5 =	vsel vm0, $0x0, v5;
	v9 =	vmul.f32 v9, v3;
	v14 =	vld [tilespmem:s18+$0x80];
	vm2 =	vlt.s32 v16, v4  }
0x2db: {  	vm0 =	vlt.s32 v13, v4;
	v8 =	vmul.f32 v8, v3;
	v15 =	vshrl.u32 v12, $0x4;
	[tilespmem:s17+$0xFFFFFFD0] =	vst v6  }
0x2dc: {  	s21 =	sand.u32 $0x3FFE0, s21;
	v7 =	vsel vm0, $0x0, v7;
	v9 =	vsel vm2, $0x0, v9;
	v6 =	vld [tilespmem:s17+$0x40];
	vm3 =	vlt.s32 v15, v4;
	[tilespmem:s17+$0xFFFFFFF0] =	vst v5  }
0x2dd: {  	v8 =	vsel vm1, $0x0, v8;
	v12 =	vmul.f32 v12, v3;
	v5 =	vmul.f32 v11, v3;
	[tilespmem:s17+$0xFFFFFFC0] =	vst v9  }
0x2de: {  	v11 =	vshrl.u32 v11, $0x4;
	v9 =	vshrl.u32 v10, $0x4;
	v10 =	vmul.f32 v10, v3;
	[tilespmem:s17+$0x0] =	vst v8  }
0x2df: {  	vm0 =	vlt.s32 v11, v4;
	v8 =	vsel vm3, $0x0, v12;
	v11 =	vmul.f32 v14, v3;
	[tilespmem:s17+$0x20] =	vst v7  }
0x2e0: {  	vm1 =	vlt.s32 v9, v4;
	v5 =	vsel vm0, $0x0, v5;
	v7 =	vshrl.u32 v14, $0x4;
	[tilespmem:s17+$0x10] =	vst v8  }
.Ltmp12:
0x2e1: {  	vm0 =	vlt.s32 v7, v4;
	v8 =	vsel vm1, $0x0, v10;
	v7 =	vshrl.u32 v6, $0x4;
	[tilespmem:s17+$0xFFFFFFE0] =	vst v5;
	(pc) =	sbr.rel @p0 .LBB2_26-.Ltmp12, $4  }
0x2e2: {  	v5 =	vsel vm0, $0x0, v11;
	vm1 =	vlt.s32 v7, v4;
	v7 =	vmul.f32 v6, v3;
	[tilespmem:s17+$0xFFFFFFB0] =	vst v8  }
0x2e3: {  	[tilespmem:s18+$0x80] =	vst v5;
	s18 =	smov.u32 s15;
	s15 =	smov.u32 s21  }
0x2e4: {  	v6 =	vld [tilespmem:s16+$0xFFFFFFD0];
	v7 =	vsel vm1, $0x0, v7  }
0x2e5: {  	v5 =	vld [tilespmem:s16+$0xFFFFFFF0];
	[tilespmem:s17+$0x40] =	vst v7;
	s17 =	smov.u32 s16;
	s16 =	smov.u32 s20  }
0x2e6: {  	v7 =	vld [tilespmem:s17+$0x20]  }
0x2e7: {  	v8 =	vld [tilespmem:s17+$0x0]  }
0x2e8: {  	v9 =	vld [tilespmem:s17+$0xFFFFFFC0]  }
0x2e9: {  	v11 =	vld [tilespmem:s17+$0x10]  }
0x2ea: {  	v12 =	vld [tilespmem:s17+$0xFFFFFFE0];
	v10 =	vshrl.u32 v6, $0x4  }
0x2eb: {  	v21 =	vmul.f32 v6, v3;
	vm0 =	vlt.s32 v10, v4  }
0x2ec: {  	v15 =	vld [tilespmem:s17+$0xFFFFFFB0];
	v13 =	vshrl.u32 v5, $0x4;
	v23 =	vmul.f32 v5, v3;
	v22 =	vshrl.u32 v7, $0x4  }
0x2ed: {  	v6 =	vsel vm0, $0x0, v21;
	v7 =	vmul.f32 v7, v3;
	v14 =	vshrl.u32 v8, $0x4  }
0x2ee: {  	v16 =	vshrl.u32 v9, $0x4;
	vm12 =	vlt.s32 v13, v4;
	v9 =	vmul.f32 v9, v3  }
0x2ef: {  	v24 =	vld [tilespmem:s18+$0x80];
	v25 =	vshrl.u32 v11, $0x4;
	v8 =	vmul.f32 v8, v3;
	v28 =	vmul.f32 v12, v3  }
0x2f0: {  	v29 =	vmul.f32 v11, v3;
	vm2 =	vlt.s32 v16, v4;
	v5 =	vsel vm12, $0x0, v23;
	[tilespmem:s17+$0xFFFFFFD0] =	vst v6  }
0x2f1: {  	v30 =	vshrl.u32 v15, $0x4;
	vm1 =	vlt.s32 v14, v4;
	v26 =	vsel vm2, $0x0, v9;
	[tilespmem:s17+$0xFFFFFFF0] =	vst v5  }
0x2f2: {  	v31 =	vshrl.u32 v12, $0x4;
	vm13 =	vlt.s32 v22, v4;
	v8 =	vsel vm1, $0x0, v8;
	[tilespmem:s17+$0xFFFFFFC0] =	vst v26  }
0x2f3: {  	v32 =	vmul.f32 v15, v3;
	vm3 =	vlt.s32 v25, v4;
	v7 =	vsel vm13, $0x0, v7;
	[tilespmem:s17+$0x0] =	vst v8  }
0x2f4: {  	v34 =	vmul.f32 v24, v3;
	vm14 =	vlt.s32 v31, v4;
	v33 =	vsel vm3, $0x0, v29;
	[tilespmem:s17+$0x20] =	vst v7  }
0x2f5: {  	v35 =	vshrl.u32 v24, $0x4;
	vm15 =	vlt.s32 v30, v4;
	v36 =	vsel vm14, $0x0, v28;
	[tilespmem:s17+$0x10] =	vst v33  }
0x2f6: {  	v27 =	vld [tilespmem:s17+$0x40];
	vm4 =	vlt.s32 v35, v4;
	v37 =	vsel vm15, $0x0, v32;
	[tilespmem:s17+$0xFFFFFFE0] =	vst v36  }
0x2f7: {  	v39 =	vsel vm4, $0x0, v34;
	[tilespmem:s17+$0xFFFFFFB0] =	vst v37  }
0x2f8: {  	[tilespmem:s18+$0x80] =	vst v39  }
0x2f9: {  	v6 =	vld [tilespmem:s16+$0xFFFFFFD0]  }
0x2fa: {  	v40 =	vld [tilespmem:s16+$0xFFFFFFF0]  }
0x2fb: {  	v38 =	vshrl.u32 v27, $0x4;
	v5 =	vmul.f32 v27, v3;
	v8 =	vld [tilespmem:s16+$0x0]  }
0x2fc: {  	vm5 =	vlt.s32 v38, v4;
	v41 =	vld [tilespmem:s16+$0xFFFFFFC0]  }
0x2fd: {  	v5 =	vsel vm5, $0x0, v5;
	v45 =	vld [tilespmem:s16+$0xFFFFFFE0]  }
0x2fe: {  	[tilespmem:s17+$0x40] =	vst v5;
	v49 =	vld [tilespmem:s16+$0xFFFFFFB0]  }
0x2ff: {  	v5 =	vld [tilespmem:s16+$0x20];
	v42 =	vshrl.u32 v6, $0x4  }
0x300: {  	v6 =	vmul.f32 v6, v3;
	v46 =	vshrl.u32 v40, $0x4;
	v47 =	vshrl.u32 v8, $0x4  }
0x301: {  	v43 =	vld [tilespmem:s16+$0x10];
	v7 =	vmul.f32 v40, v3;
	v48 =	vshrl.u32 v41, $0x4;
	v9 =	vmul.f32 v41, v3  }
0x302: {  	v8 =	vmul.f32 v8, v3;
	v53 =	vmul.f32 v45, v3;
	v55 =	vshrl.u32 v45, $0x4  }
0x303: {  	v56 =	vshrl.u32 v49, $0x4;
	v57 =	vmul.f32 v49, v3;
	vm6 =	vlt.s32 v42, v4  }
0x304: {  	v50 =	vld [tilespmem:s15+$0x80];
	v44 =	vshrl.u32 v5, $0x4;
	vm7 =	vlt.s32 v46, v4;
	v6 =	vsel vm6, $0x0, v6  }
0x305: {  	v52 =	vld [tilespmem:s16+$0x40];
	v5 =	vmul.f32 v5, v3;
	vm9 =	vlt.s32 v48, v4;
	v7 =	vsel vm7, $0x0, v7;
	[tilespmem:s16+$0xFFFFFFD0] =	vst v6  }
0x306: {  	vm8 =	vlt.s32 v47, v4;
	v51 =	vshrl.u32 v43, $0x4;
	v9 =	vsel vm9, $0x0, v9;
	[tilespmem:s16+$0xFFFFFFF0] =	vst v7  }
0x307: {  	v54 =	vmul.f32 v43, v3;
	vm13 =	vlt.s32 v56, v4;
	v8 =	vsel vm8, $0x0, v8;
	[tilespmem:s16+$0xFFFFFFC0] =	vst v9  }
0x308: {  	vm12 =	vlt.s32 v55, v4;
	vm10 =	vlt.s32 v44, v4;
	v62 =	vsel vm13, $0x0, v57;
	[tilespmem:s16+$0x0] =	vst v8  }
0x309: {  	v59 =	vmul.f32 v50, v3;
	vm11 =	vlt.s32 v51, v4;
	v5 =	vsel vm10, $0x0, v5;
	[tilespmem:s16+$0xFFFFFFB0] =	vst v62  }
0x30a: {  	v60 =	vshrl.u32 v50, $0x4;
	v61 =	vshrl.u32 v52, $0x4;
	v58 =	vsel vm11, $0x0, v54;
	[tilespmem:s16+$0x20] =	vst v5  }
0x30b: {  	v3 =	vmul.f32 v52, v3;
	vm14 =	vlt.s32 v60, v4;
	v7 =	vsel vm12, $0x0, v53;
	[tilespmem:s16+$0x10] =	vst v58  }
0x30c: {  	vm15 =	vlt.s32 v61, v4;
	v63 =	vsel vm14, $0x0, v59;
	[tilespmem:s16+$0xFFFFFFE0] =	vst v7  }
0x30d: {  	v3 =	vsel vm15, $0x0, v3;
	[tilespmem:s15+$0x80] =	vst v63  }
0x30e: {  	[tilespmem:s16+$0x40] =	vst v3;
	s16 =	simm.s32 $0x0  }
0x30f: {  	[hbm4b:s4+s8] =	stream.strided.scatter [tilespmem:s16], [sflag:$0x6], $0x18700, s9, s8, $0x38;
	[tilespmem:$0x1A980] =	vst v63  }
0x310: {  	_ =	swait.ge [sflag:s13], $0x18700  }
0x311: {  	[sflag:s13] =	ssyncset.done $0x0  }
0x312: {  	[sflag:s13] =	ssyncadd.s32 $0xFFFE7900  }
0x313: {  	[tilespmem:s16], [sflag:$0x1] =	stream.strided.gather [hbm4b:s5+s8], $0x18700, s9, s8, $0x38;
	[tilespmem:$0x1A980] =	vst v63  }
0x314: {  	_ =	swait.ge [sflag:s10], $0x18700  }
0x315: {  	[sflag:s10] =	ssyncset.done $0x0  }
0x316: {  	s17 =	simm.s32 $0x200;
	s15 =	simm.s32 $0x0;
	[sflag:s10] =	ssyncadd.s32 $0xFFFE7900  }
.LBB2_28:
0x317: {  	p0 =	sne.s32 s17, $0x7E00;
	[tilespmem:s15+$0x18770] =	vst v0  }
0x318: {  	[tilespmem:s15+$0x18700] =	vst v0  }
0x319: {  	[tilespmem:s15+$0x18710] =	vst v0  }
.Ltmp13:
0x31a: {  	[tilespmem:s15+$0x18720] =	vst v0;
	(pc) =	sbr.rel @p0 .LBB2_28-.Ltmp13, $4  }
0x31b: {  	[tilespmem:s15+$0x18730] =	vst v0  }
0x31c: {  	[tilespmem:s15+$0x18740] =	vst v0  }
0x31d: {  	[tilespmem:s15+$0x18750] =	vst v0  }
0x31e: {  	[tilespmem:s15+$0x18760] =	vst v0;
	s15 =	sshra.s32 s17, $0x2;
	s17 =	sadd.s32 $0x200, s17  }
0x31f: {  	[tilespmem:s15+$0x18770] =	vst v0  }
0x320: {  	[tilespmem:s15+$0x18700] =	vst v0  }
0x321: {  	[tilespmem:s15+$0x18710] =	vst v0  }
0x322: {  	[tilespmem:s15+$0x18720] =	vst v0  }
0x323: {  	[tilespmem:s15+$0x18730] =	vst v0  }
0x324: {  	[tilespmem:s15+$0x18740] =	vst v0  }
0x325: {  	[tilespmem:s15+$0x18750] =	vst v0  }
0x326: {  	[tilespmem:s15+$0x18760] =	vst v0;
	s15 =	simm.s32 $0x50  }
0x327: {  	v3 =	vld [tilespmem:s15+$0xFFFFFFB0]  }
0x328: {  	v4 =	vld [tilespmem:s15+$0xFFFFFFC0]  }
0x329: {  	v5 =	vld [tilespmem:s15+$0xFFFFFFD0]  }
0x32a: {  	v6 =	vld [tilespmem:s15+$0x10]  }
0x32b: {  	v9 =	vld [tilespmem:s15+$0x0];
	_ =	sdelay $0x2  }
0x32c: {  	v7 =	vld [tilespmem:s15+$0xFFFFFFE0];
	v3 =	vmul.f32 $1.442695020e+00, v3  }
0x32d: {  	v8 =	vld [tilespmem:s15+$0xFFFFFFF0];
	v4 =	vmul.f32 $1.442695020e+00, v4;
	v5 =	vmul.f32 $1.442695020e+00, v5  }
0x32e: {  	v6 =	vmul.f32 $1.442695020e+00, v6;
	v9 =	vmul.f32 $1.442695020e+00, v9;
	v10 =	vadd.f32 $1.258291200e+07, v3  }
0x32f: {  	v11 =	vadd.f32 $1.258291200e+07, v4;
	v12 =	vadd.f32 $1.258291200e+07, v5  }
0x330: {  	v14 =	vadd.f32 $1.258291200e+07, v6;
	v19 =	vadd.f32 $1.258291200e+07, v9  }
0x331: {  	v7 =	vmul.f32 $1.442695020e+00, v7;
	v13 =	vadd.f32 $-1.258291200e+07, v10;
	v15 =	vadd.f32 $-1.258291200e+07, v11  }
0x332: {  	v16 =	vshll.u32 v11, $0x17;
	v11 =	vmul.f32 $1.442695020e+00, v8;
	v17 =	vadd.f32 $-1.258291200e+07, v14  }
0x333: {  	v8 =	vshll.u32 v14, $0x17;
	v14 =	vadd.f32 $1.258291200e+07, v7;
	v3 =	vsub.f32 v3, v13  }
0x334: {  	v23 =	vshll.u32 v19, $0x17;
	v19 =	vadd.f32 $-1.258291200e+07, v19;
	v4 =	vsub.f32 v4, v15  }
0x335: {  	v13 =	vshll.u32 v12, $0x17;
	v12 =	vadd.f32 $-1.258291200e+07, v12;
	v18 =	vmul.f32 $9.554111400e-03, v3  }
0x336: {  	v15 =	vadd.f32 $1.258291200e+07, v11;
	v6 =	vsub.f32 v6, v17;
	v20 =	vmul.f32 $9.554111400e-03, v4  }
0x337: {  	v22 =	vsub.f32 v5, v12;
	v18 =	vadd.f32 $5.587037280e-02, v18  }
0x338: {  	v19 =	vsub.f32 v9, v19;
	v17 =	vadd.f32 $5.587037280e-02, v20  }
0x339: {  	v21 =	vshll.u32 v15, $0x17;
	v20 =	vld [tilespmem:s15+$0x20];
	v9 =	vmul.f32 $9.554111400e-03, v22;
	v18 =	vmul.f32 v18, v3  }
0x33a: {  	v15 =	vadd.f32 $-1.258291200e+07, v15;
	v12 =	vadd.f32 $-1.258291200e+07, v14;
	v5 =	vmul.f32 v17, v4  }
0x33b: {  	v10 =	vshll.u32 v10, $0x17;
	v9 =	vadd.f32 $5.587037280e-02, v9;
	v18 =	vadd.f32 $2.402469660e-01, v18  }
0x33c: {  	v24 =	vsub.f32 v7, v12;
	v17 =	vmul.f32 $9.554111400e-03, v6;
	v5 =	vadd.f32 $2.402469660e-01, v5  }
0x33d: {  	v11 =	vsub.f32 v11, v15;
	v9 =	vmul.f32 v9, v22;
	v12 =	vmul.f32 v18, v3  }
0x33e: {  	v7 =	vadd.f32 $5.587037280e-02, v17;
	v5 =	vmul.f32 v5, v4;
	v18 =	vmul.f32 $1.442695020e+00, v20  }
0x33f: {  	v20 =	vmul.f32 $9.554111400e-03, v24;
	v9 =	vadd.f32 $2.402469660e-01, v9;
	v12 =	vadd.f32 $6.931280490e-01, v12  }
0x340: {  	v17 =	vmul.f32 $9.554111400e-03, v19;
	v5 =	vadd.f32 $6.931280490e-01, v5;
	v26 =	vadd.f32 $1.258291200e+07, v18  }
0x341: {  	v15 =	vadd.f32 $5.587037280e-02, v20;
	v9 =	vmul.f32 v9, v22;
	v3 =	vmul.f32 v12, v3  }
0x342: {  	s17 =	sand.u32 $0x3FFE0, s16;
	v12 =	vadd.f32 $5.587037280e-02, v17;
	v4 =	vmul.f32 v5, v4;
	v5 =	vmul.f32 $9.554111400e-03, v11  }
0x343: {  	v27 =	vmul.f32 v7, v6;
	v17 =	vld [tilespmem:s17+$0x80];
	v9 =	vadd.f32 $6.931280490e-01, v9;
	v3 =	vadd.f32 $9.999994630e-01, v3  }
0x344: {  	v20 =	vmul.f32 v12, v19;
	v12 =	vadd.f32 $9.999994630e-01, v4;
	v4 =	vadd.s32 $0x3F800000, v10  }
0x345: {  	v25 =	vadd.f32 $5.587037280e-02, v5;
	v5 =	vadd.s32 $0x3F800000, v16;
	v9 =	vmul.f32 v9, v22  }
0x346: {  	v10 =	vmul.f32 v15, v24;
	v16 =	vadd.s32 $0x3F800000, v13;
	v4 =	vmul.f32 v4, v3  }
0x347: {  	v3 =	vmul.f32 v5, v12;
	v12 =	vadd.f32 $-1.258291200e+07, v26;
	v9 =	vadd.f32 $9.999994630e-01, v9  }
0x348: {  	v25 =	vmul.f32 v25, v11;
	v26 =	vshll.u32 v26, $0x17;
	v28 =	vmul.f32 $1.442695020e+00, v17  }
0x349: {  	v5 =	vshrl.u32 v4, $0x16;
	v7 =	vshrl.u32 v3, $0x16;
	v12 =	vsub.f32 v18, v12  }
0x34a: {  	v18 =	vadd.f32 $2.402469660e-01, v20;
	v9 =	vmul.f32 v16, v9;
	v13 =	vadd.s32 v1, v5  }
0x34b: {  	v16 =	vadd.s32 $0x3F800000, v23;
	v5 =	vand.u32 $0x7F, v5;
	v15 =	vand.u32 $0x3F80, v13  }
0x34c: {  	v17 =	vadd.s32 v1, v7;
	v5 =	vor.u32 v5, v15;
	v15 =	vadd.f32 $2.402469660e-01, v10  }
0x34d: {  	v20 =	vld [tilespmem:s15+$0x40];
	v13 =	vadd.s32 $0x3F800000, v21;
	v21 =	vmul.f32 $9.554111400e-03, v12;
	v10 =	vadd.f32 $1.258291200e+07, v28  }
0x34e: {  	v22 =	vmul.f32 v15, v24;
	v15 =	vshll.u32 v14, $0x17;
	v14 =	vmul.f32 v18, v19  }
0x34f: {  	v7 =	vand.u32 $0x7F, v7;
	v17 =	vand.u32 $0x3F80, v17;
	v18 =	vadd.f32 $-1.258291200e+07, v10  }
0x350: {  	v30 =	vshrl.u32 v9, $0x16;
	v21 =	vadd.f32 $5.587037280e-02, v21;
	v29 =	vadd.f32 $6.931280490e-01, v14  }
0x351: {  	v7 =	vor.u32 v7, v17;
	v14 =	vsub.f32 v28, v18;
	v18 =	vadd.f32 $2.402469660e-01, v25  }
0x352: {  	v17 =	vadd.f32 $2.402469660e-01, v27;
	v20 =	vmul.f32 $1.442695020e+00, v20;
	v27 =	vadd.f32 $6.931280490e-01, v22  }
0x353: {  	v22 =	vmul.f32 v21, v12;
	v25 =	vadd.s32 v1, v30;
	v21 =	vmul.f32 v18, v11  }
0x354: {  	[tilespmem:s15+$0xFFFFFFB0] =	vst v4;
	v28 =	vmul.f32 $9.554111400e-03, v14;
	v18 =	vadd.f32 $1.258291200e+07, v20;
	v23 =	vmul.f32 v29, v19  }
0x355: {  	s18 =	simm.s32 $0xA0;
	[tilespmem:s15+$0xFFFFFFC0] =	vst v3;
	v19 =	vand.u32 $0x3F80, v25;
	v25 =	vadd.f32 $6.931280490e-01, v21;
	v21 =	vmul.f32 v27, v24  }
0x356: {  	s16 =	simm.s32 $0x50;
	[tilespmem:s15+$0xFFFFFFD0] =	vst v9;
	v27 =	vadd.f32 $-1.258291200e+07, v18;
	v28 =	vadd.f32 $5.587037280e-02, v28;
	v24 =	vand.u32 $0x7F, v30  }
.LBB2_30:
0x357: {  	p0 =	sne.s32 s18, $0x18600  }
0x358: {  	v22 =	vadd.f32 $2.402469660e-01, v22;
	v17 =	vmul.f32 v17, v6;
	v8 =	vadd.s32 $0x3F800000, v8;
	s15 =	sadd.s32 $0xA0, s15;
	s19 =	smov.u32 s18;
	s18 =	sadd.s32 $0xA0, s18  }
0x359: {  	v26 =	vadd.s32 $0x3F800000, v26;
	v20 =	vsub.f32 v20, v27;
	v27 =	vmul.f32 v28, v14  }
0x35a: {  	v11 =	vmul.f32 v25, v11;
	v23 =	vadd.f32 $9.999994630e-01, v23;
	v17 =	vadd.f32 $6.931280490e-01, v17  }
0x35b: {  	v15 =	vadd.s32 $0x3F800000, v15;
	v25 =	vmul.f32 $9.554111400e-03, v20;
	v27 =	vadd.f32 $2.402469660e-01, v27  }
0x35c: {  	v21 =	vadd.f32 $9.999994630e-01, v21;
	v19 =	vor.u32 v24, v19;
	v16 =	vmul.f32 v16, v23  }
0x35d: {  	v6 =	vmul.f32 v17, v6;
	v23 =	vadd.f32 $5.587037280e-02, v25;
	v24 =	vmul.f32 v27, v14  }
0x35e: {  	v15 =	vmul.f32 v15, v21;
	v17 =	vshll.u32 v18, $0x17;
	v18 =	vshrl.u32 v16, $0x16  }
0x35f: {  	v22 =	vmul.f32 v22, v12;
	v11 =	vadd.f32 $9.999994630e-01, v11;
	v21 =	vmul.f32 v23, v20;
	[tilespmem:s16+$0x0] =	vst v16  }
0x360: {  	v6 =	vadd.f32 $9.999994630e-01, v6;
	v23 =	vadd.f32 $6.931280490e-01, v24;
	v24 =	vadd.s32 v1, v18  }
0x361: {  	v22 =	vadd.f32 $6.931280490e-01, v22;
	v25 =	vshrl.u32 v15, $0x16;
	v21 =	vadd.f32 $2.402469660e-01, v21  }
0x362: {  	v11 =	vmul.f32 v13, v11;
	v6 =	vmul.f32 v8, v6;
	v8 =	vand.u32 $0x7F, v18;
	[tilespmem:s16+$0xFFFFFFE0] =	vst v15  }
0x363: {  	v18 =	vadd.s32 v1, v25;
	v14 =	vmul.f32 v23, v14;
	v13 =	vmul.f32 v21, v20  }
0x364: {  	v18 =	vand.u32 $0x3F80, v18;
	v23 =	vand.u32 $0x3F80, v24;
	v21 =	vshrl.u32 v6, $0x16  }
0x365: {  	v24 =	vand.u32 $0x7F, v25;
	v8 =	vor.u32 v8, v23;
	v13 =	vadd.f32 $6.931280490e-01, v13  }
0x366: {  	v23 =	vshrl.u32 v11, $0x16;
	v18 =	vor.u32 v24, v18;
	v25 =	vadd.s32 v1, v21;
	[tilespmem:s16+$0xFFFFFFF0] =	vst v11  }
0x367: {  	v12 =	vmul.f32 v22, v12;
	v13 =	vmul.f32 v13, v20;
	v20 =	vadd.s32 v1, v23  }
0x368: {  	v10 =	vshll.u32 v10, $0x17;
	v14 =	vadd.f32 $9.999994630e-01, v14  }
0x369: {  	v12 =	vadd.f32 $9.999994630e-01, v12;
	v20 =	vand.u32 $0x3F80, v20;
	v13 =	vadd.f32 $9.999994630e-01, v13;
	[tilespmem:s16+$0x10] =	vst v6  }
0x36a: {  	v17 =	vadd.s32 $0x3F800000, v17;
	v22 =	vand.u32 $0x7F, v23;
	v23 =	vand.u32 $0x3F80, v25  }
0x36b: {  	v13 =	vmul.f32 v17, v13;
	v17 =	vor.u32 v22, v20  }
0x36c: {  	v10 =	vadd.s32 $0x3F800000, v10;
	v12 =	vmul.f32 v26, v12;
	v20 =	vand.u32 $0x7F, v21  }
0x36d: {  	v10 =	vmul.f32 v10, v14;
	v20 =	vor.u32 v20, v23;
	v14 =	vshrl.u32 v13, $0x16  }
0x36e: {  	v21 =	vshrl.u32 v12, $0x16;
	[tilespmem:s16+$0x20] =	vst v12;
	v22 =	vadd.s32 v1, v14  }
0x36f: {  	v23 =	vadd.s32 v1, v21;
	v14 =	vand.u32 $0x7F, v14;
	[tilespmem:s17+$0x80] =	vst v10;
	v22 =	vand.u32 $0x3F80, v22  }
0x370: {  	v21 =	vand.u32 $0x7F, v21;
	v23 =	vand.u32 $0x3F80, v23;
	[tilespmem:s16+$0x40] =	vst v13;
	v14 =	vor.u32 v14, v22;
	s16 =	smov.u32 s15  }
0x371: {  	v22 =	vshrl.u32 v10, $0x16;
	[tilespmem:v5+s11+$0x0] =	vst.idx.add.f32.msk $0xffff, v4;
	v4 =	vor.u32 v21, v23  }
0x372: {  	v5 =	vadd.s32 v1, v22;
	[tilespmem:v7+s11+$0x0] =	vst.idx.add.f32.msk $0xffff, v3  }
0x373: {  	v3 =	vand.u32 $0x3F80, v5;
	v5 =	vand.u32 $0x7F, v22;
	[tilespmem:v19+s11+$0x0] =	vst.idx.add.f32.msk $0xffff, v9  }
0x374: {  	v3 =	vor.u32 v5, v3;
	[tilespmem:v18+s11+$0x0] =	vst.idx.add.f32.msk $0xffff, v15  }
0x375: {  	[tilespmem:v17+s11+$0x0] =	vst.idx.add.f32.msk $0xffff, v11  }
0x376: {  	[tilespmem:v8+s11+$0x0] =	vst.idx.add.f32.msk $0xffff, v16  }
0x377: {  	[tilespmem:v20+s11+$0x0] =	vst.idx.add.f32.msk $0xffff, v6  }
0x378: {  	[tilespmem:v4+s11+$0x0] =	vst.idx.add.f32.msk $0xffff, v12  }
0x379: {  	[tilespmem:v3+s11+$0x0] =	vst.idx.add.f32.msk $0xffff, v10  }
0x37a: {  	[tilespmem:v14+s11+$0x0] =	vst.idx.add.f32.msk $0xffff, v13  }
0x37b: {  	v3 =	vld [tilespmem:s15+$0xFFFFFFB0]  }
0x37c: {  	v4 =	vld [tilespmem:s15+$0xFFFFFFC0]  }
0x37d: {  	v5 =	vld [tilespmem:s15+$0xFFFFFFD0]  }
0x37e: {  	v6 =	vld [tilespmem:s15+$0x10]  }
0x37f: {  	v7 =	vld [tilespmem:s15+$0xFFFFFFE0]  }
0x380: {  	v8 =	vld [tilespmem:s15+$0x0];
	v3 =	vmul.f32 $1.442695020e+00, v3  }
0x381: {  	v9 =	vld [tilespmem:s15+$0xFFFFFFF0];
	v4 =	vmul.f32 $1.442695020e+00, v4  }
0x382: {  	v5 =	vmul.f32 $1.442695020e+00, v5;
	v10 =	vadd.f32 $1.258291200e+07, v3  }
0x383: {  	v6 =	vmul.f32 $1.442695020e+00, v6;
	v11 =	vadd.f32 $1.258291200e+07, v4  }
0x384: {  	v7 =	vmul.f32 $1.442695020e+00, v7;
	v12 =	vadd.f32 $1.258291200e+07, v5;
	v13 =	vadd.f32 $-1.258291200e+07, v10  }
0x385: {  	v14 =	vadd.f32 $1.258291200e+07, v6;
	v15 =	vadd.f32 $-1.258291200e+07, v11;
	v16 =	vshll.u32 v11, $0x17  }
0x386: {  	v9 =	vmul.f32 $1.442695020e+00, v9;
	v3 =	vsub.f32 v3, v13;
	v13 =	vshll.u32 v12, $0x17  }
0x387: {  	v11 =	vmul.f32 $1.442695020e+00, v8;
	v4 =	vsub.f32 v4, v15;
	v8 =	vshll.u32 v14, $0x17  }
0x388: {  	v14 =	vadd.f32 $-1.258291200e+07, v14;
	v15 =	vadd.f32 $1.258291200e+07, v9;
	v17 =	vmul.f32 $9.554111400e-03, v3  }
0x389: {  	v12 =	vadd.f32 $-1.258291200e+07, v12;
	v18 =	vadd.f32 $1.258291200e+07, v11;
	v19 =	vmul.f32 $9.554111400e-03, v4  }
0x38a: {  	v20 =	vadd.f32 $1.258291200e+07, v7;
	v17 =	vadd.f32 $5.587037280e-02, v17;
	v21 =	vshll.u32 v15, $0x17  }
0x38b: {  	v6 =	vsub.f32 v6, v14;
	v14 =	vadd.f32 $5.587037280e-02, v19;
	v19 =	vshll.u32 v18, $0x17  }
0x38c: {  	v15 =	vadd.f32 $-1.258291200e+07, v15;
	v18 =	vadd.f32 $-1.258291200e+07, v18;
	v17 =	vmul.f32 v17, v3  }
0x38d: {  	v23 =	vsub.f32 v5, v12;
	v22 =	vld [tilespmem:s15+$0x20];
	v5 =	vmul.f32 v14, v4  }
0x38e: {  	v12 =	vadd.f32 $-1.258291200e+07, v20;
	v14 =	vmul.f32 $9.554111400e-03, v6;
	v17 =	vadd.f32 $2.402469660e-01, v17  }
0x38f: {  	v24 =	vsub.f32 v11, v18;
	v11 =	vmul.f32 $9.554111400e-03, v23;
	v5 =	vadd.f32 $2.402469660e-01, v5  }
0x390: {  	v26 =	vsub.f32 v7, v12;
	v7 =	vadd.f32 $5.587037280e-02, v14;
	v12 =	vmul.f32 v17, v3  }
0x391: {  	v14 =	vadd.f32 $5.587037280e-02, v11;
	v17 =	vmul.f32 $9.554111400e-03, v24;
	v5 =	vmul.f32 v5, v4  }
0x392: {  	v18 =	vmul.f32 $1.442695020e+00, v22;
	v22 =	vmul.f32 $9.554111400e-03, v26;
	v12 =	vadd.f32 $6.931280490e-01, v12  }
0x393: {  	v11 =	vsub.f32 v9, v15;
	v9 =	vmul.f32 v14, v23;
	v5 =	vadd.f32 $6.931280490e-01, v5  }
0x394: {  	s17 =	sand.u32 $0x3FFE0, s19;
	v27 =	vadd.f32 $1.258291200e+07, v18;
	v14 =	vadd.f32 $5.587037280e-02, v22;
	v3 =	vmul.f32 v12, v3  }
0x395: {  	v15 =	vadd.f32 $5.587037280e-02, v17;
	v9 =	vadd.f32 $2.402469660e-01, v9;
	v12 =	vld [tilespmem:s17+$0x80];
	v4 =	vmul.f32 v5, v4  }
0x396: {  	v10 =	vshll.u32 v10, $0x17;
	v5 =	vmul.f32 $9.554111400e-03, v11;
	v3 =	vadd.f32 $9.999994630e-01, v3  }
0x397: {  	v15 =	vmul.f32 v15, v24;
	v17 =	vadd.f32 $9.999994630e-01, v4;
	v4 =	vadd.s32 $0x3F800000, v10  }
0x398: {  	v22 =	vadd.f32 $5.587037280e-02, v5;
	v5 =	vadd.s32 $0x3F800000, v16;
	v4 =	vmul.f32 v4, v3  }
0x399: {  	v10 =	vmul.f32 v14, v26;
	v14 =	vadd.s32 $0x3F800000, v13;
	v3 =	vmul.f32 v5, v17  }
0x39a: {  	v9 =	vmul.f32 v9, v23;
	v16 =	vadd.f32 $-1.258291200e+07, v27;
	v5 =	vshrl.u32 v4, $0x16  }
0x39b: {  	v17 =	vmul.f32 v7, v6;
	v7 =	vshrl.u32 v3, $0x16;
	v13 =	vadd.s32 v1, v5  }
0x39c: {  	v25 =	vmul.f32 $1.442695020e+00, v12;
	v5 =	vand.u32 $0x7F, v5;
	v12 =	vand.u32 $0x3F80, v13  }
0x39d: {  	v13 =	vadd.s32 $0x3F800000, v21;
	v21 =	vadd.s32 v1, v7;
	[tilespmem:s15+$0xFFFFFFB0] =	vst v4;
	v5 =	vor.u32 v5, v12  }
0x39e: {  	v9 =	vadd.f32 $6.931280490e-01, v9;
	v28 =	vadd.f32 $2.402469660e-01, v10;
	v21 =	vand.u32 $0x3F80, v21;
	[tilespmem:s15+$0xFFFFFFC0] =	vst v3  }
0x39f: {  	v7 =	vand.u32 $0x7F, v7;
	v12 =	vsub.f32 v18, v16;
	v16 =	vadd.f32 $2.402469660e-01, v15;
	v29 =	vld [tilespmem:s15+$0x40]  }
0x3a0: {  	v9 =	vmul.f32 v9, v23;
	v10 =	vadd.f32 $1.258291200e+07, v25;
	v7 =	vor.u32 v7, v21  }
0x3a1: {  	v15 =	vshll.u32 v20, $0x17;
	v21 =	vmul.f32 v28, v26;
	v18 =	vmul.f32 $9.554111400e-03, v12  }
0x3a2: {  	v17 =	vadd.f32 $2.402469660e-01, v17;
	v9 =	vadd.f32 $9.999994630e-01, v9;
	v16 =	vmul.f32 v16, v24  }
0x3a3: {  	v22 =	vmul.f32 v22, v11;
	v20 =	vadd.f32 $-1.258291200e+07, v10;
	v18 =	vadd.f32 $5.587037280e-02, v18  }
0x3a4: {  	v9 =	vmul.f32 v14, v9;
	v21 =	vadd.f32 $6.931280490e-01, v21;
	v23 =	vadd.f32 $6.931280490e-01, v16  }
0x3a5: {  	v14 =	vsub.f32 v25, v20;
	v25 =	vadd.f32 $2.402469660e-01, v22;
	v22 =	vmul.f32 v18, v12  }
.Ltmp14:
0x3a6: {  	v16 =	vadd.s32 $0x3F800000, v19;
	v20 =	vmul.f32 $1.442695020e+00, v29;
	v29 =	vshrl.u32 v9, $0x16;
	[tilespmem:s15+$0xFFFFFFD0] =	vst v9;
	(pc) =	sbr.rel @p0 .LBB2_30-.Ltmp14, $4  }
0x3a7: {  	v28 =	vmul.f32 $9.554111400e-03, v14;
	v25 =	vmul.f32 v25, v11;
	v19 =	vadd.s32 v1, v29  }
0x3a8: {  	v23 =	vmul.f32 v23, v24;
	v18 =	vadd.f32 $1.258291200e+07, v20;
	v19 =	vand.u32 $0x3F80, v19  }
0x3a9: {  	v21 =	vmul.f32 v21, v26;
	v26 =	vshll.u32 v27, $0x17;
	v25 =	vadd.f32 $6.931280490e-01, v25  }
0x3aa: {  	v28 =	vadd.f32 $5.587037280e-02, v28;
	v24 =	vand.u32 $0x7F, v29;
	v27 =	vadd.f32 $-1.258291200e+07, v18  }
0x3ab: {  	v22 =	vadd.f32 $2.402469660e-01, v22;
	v17 =	vmul.f32 v17, v6  }
0x3ac: {  	v8 =	vadd.s32 $0x3F800000, v8;
	v26 =	vadd.s32 $0x3F800000, v26;
	v20 =	vsub.f32 v20, v27  }
0x3ad: {  	v23 =	vadd.f32 $9.999994630e-01, v23;
	v11 =	vmul.f32 v25, v11;
	v15 =	vadd.s32 $0x3F800000, v15  }
0x3ae: {  	v21 =	vadd.f32 $9.999994630e-01, v21;
	v19 =	vor.u32 v24, v19;
	v63 =	vmul.f32 $9.554111400e-03, v20  }
0x3af: {  	v32 =	vshll.u32 v18, $0x17;
	v10 =	vshll.u32 v10, $0x17;
	v62 =	vmul.f32 v28, v14  }
0x3b0: {  	v10 =	vadd.s32 $0x3F800000, v10;
	v16 =	vmul.f32 v16, v23;
	v30 =	vadd.f32 $5.587037280e-02, v63  }
0x3b1: {  	v17 =	vadd.f32 $6.931280490e-01, v17;
	v15 =	vmul.f32 v15, v21;
	v34 =	vmul.f32 v22, v12  }
0x3b2: {  	v11 =	vadd.f32 $9.999994630e-01, v11;
	v27 =	vadd.f32 $2.402469660e-01, v62;
	v33 =	vmul.f32 v30, v20  }
0x3b3: {  	v6 =	vmul.f32 v17, v6;
	v35 =	vshrl.u32 v16, $0x16;
	v21 =	vadd.f32 $6.931280490e-01, v34  }
0x3b4: {  	v38 =	vshrl.u32 v15, $0x16;
	v11 =	vmul.f32 v13, v11;
	v18 =	vadd.f32 $2.402469660e-01, v33  }
0x3b5: {  	v17 =	vadd.s32 $0x3F800000, v32;
	v31 =	vmul.f32 v27, v14;
	v37 =	vadd.s32 v1, v35  }
0x3b6: {  	v40 =	vadd.s32 v1, v38;
	v45 =	vand.u32 $0x7F, v38;
	v39 =	vmul.f32 v18, v20  }
0x3b7: {  	v6 =	vadd.f32 $9.999994630e-01, v6;
	v43 =	vand.u32 $0x3F80, v37;
	v36 =	vadd.f32 $6.931280490e-01, v31  }
0x3b8: {  	v44 =	vmul.f32 v21, v12;
	v46 =	vshrl.u32 v11, $0x16;
	v13 =	vadd.f32 $6.931280490e-01, v39  }
0x3b9: {  	v48 =	vadd.s32 v1, v46;
	v50 =	vand.u32 $0x7F, v46;
	v41 =	vmul.f32 v36, v14  }
0x3ba: {  	[tilespmem:s16+$0x0] =	vst v16;
	v6 =	vmul.f32 v8, v6;
	v12 =	vadd.f32 $9.999994630e-01, v44;
	v13 =	vmul.f32 v13, v20  }
0x3bb: {  	[tilespmem:s16+$0xFFFFFFE0] =	vst v15;
	v8 =	vand.u32 $0x7F, v35;
	v49 =	vand.u32 $0x3F80, v48;
	v14 =	vadd.f32 $9.999994630e-01, v41  }
0x3bc: {  	[tilespmem:s16+$0xFFFFFFF0] =	vst v11;
	v8 =	vor.u32 v8, v43;
	v12 =	vmul.f32 v26, v12;
	v13 =	vadd.f32 $9.999994630e-01, v13  }
0x3bd: {  	v42 =	vshrl.u32 v6, $0x16;
	[tilespmem:s16+$0x10] =	vst v6;
	v18 =	vand.u32 $0x3F80, v40;
	v10 =	vmul.f32 v10, v14  }
0x3be: {  	v47 =	vadd.s32 v1, v42;
	v52 =	vand.u32 $0x7F, v42;
	[tilespmem:s16+$0x20] =	vst v12;
	v13 =	vmul.f32 v17, v13  }
0x3bf: {  	v18 =	vor.u32 v45, v18;
	v51 =	vand.u32 $0x3F80, v47;
	v54 =	vshrl.u32 v12, $0x16;
	[tilespmem:s17+$0x80] =	vst v10  }
0x3c0: {  	v14 =	vor.u32 v50, v49;
	v56 =	vadd.s32 v1, v54;
	v57 =	vshrl.u32 v10, $0x16;
	[tilespmem:s16+$0x40] =	vst v13  }
0x3c1: {  	v58 =	vadd.s32 v1, v57;
	v17 =	vor.u32 v52, v51;
	v53 =	vshrl.u32 v13, $0x16;
	[tilespmem:v5+s11+$0x0] =	vst.idx.add.f32.msk $0xffff, v4  }
0x3c2: {  	v55 =	vadd.s32 v1, v53;
	v4 =	vand.u32 $0x3F80, v56;
	v5 =	vand.u32 $0x7F, v54;
	[tilespmem:v7+s11+$0x0] =	vst.idx.add.f32.msk $0xffff, v3  }
0x3c3: {  	v3 =	vor.u32 v5, v4;
	v4 =	vand.u32 $0x3F80, v58;
	v5 =	vand.u32 $0x7F, v57;
	[tilespmem:v19+s11+$0x0] =	vst.idx.add.f32.msk $0xffff, v9  }
0x3c4: {  	v7 =	vand.u32 $0x3F80, v55;
	v9 =	vand.u32 $0x7F, v53;
	v4 =	vor.u32 v5, v4;
	[tilespmem:v18+s11+$0x0] =	vst.idx.add.f32.msk $0xffff, v15  }
0x3c5: {  	v5 =	vor.u32 v9, v7;
	[tilespmem:v14+s11+$0x0] =	vst.idx.add.f32.msk $0xffff, v11  }
0x3c6: {  	[tilespmem:v8+s11+$0x0] =	vst.idx.add.f32.msk $0xffff, v16  }
0x3c7: {  	[tilespmem:v17+s11+$0x0] =	vst.idx.add.f32.msk $0xffff, v6  }
0x3c8: {  	[tilespmem:v3+s11+$0x0] =	vst.idx.add.f32.msk $0xffff, v12  }
0x3c9: {  	[tilespmem:v4+s11+$0x0] =	vst.idx.add.f32.msk $0xffff, v10  }
0x3ca: {  	v3 =	vimm.f32 $0.0e+00;
	[tilespmem:v5+s11+$0x0] =	vst.idx.add.f32.msk $0xffff, v13  }
0x3cb: {  	s17 =	simm.s32 $0x0;
	[tilespmem:$0x1A900] =	vst v3  }
0x3cc: {  	v4 =	vld [tilespmem:s17+$0x188F0];
	_ =	sdelay $0x1  }
0x3cd: {  	v5 =	vld [tilespmem:s17+$0x18AF0];
	_ =	sdelay $0x1  }
0x3ce: {  	v6 =	vld [tilespmem:s17+$0x18CF0]  }
0x3cf: {  	v4 =	vadd.f32 $0.0e+00, v4  }
0x3d0: {  	v7 =	vld [tilespmem:s17+$0x18EF0]  }
0x3d1: {  	v4 =	vadd.f32 v5, v4  }
0x3d2: {  	v8 =	vld [tilespmem:s17+$0x190F0]  }
0x3d3: {  	v4 =	vadd.f32 v6, v4  }
0x3d4: {  	v9 =	vld [tilespmem:s17+$0x192F0]  }
0x3d5: {  	v4 =	vadd.f32 v7, v4  }
0x3d6: {  	v10 =	vld [tilespmem:s17+$0x194F0]  }
0x3d7: {  	v4 =	vadd.f32 v8, v4  }
0x3d8: {  	v5 =	vld [tilespmem:s17+$0x196F0]  }
0x3d9: {  	s16 =	simm.s32 $0xFFFFFFF0;
	v11 =	vld [tilespmem:s17+$0x198F0];
	v4 =	vadd.f32 v9, v4  }
0x3da: {  	v6 =	vld [tilespmem:s16+$0x188F0]  }
0x3db: {  	v12 =	vld [tilespmem:s17+$0x19AF0];
	v4 =	vadd.f32 v10, v4  }
0x3dc: {  	v7 =	vld [tilespmem:s16+$0x18AF0]  }
0x3dd: {  	v13 =	vld [tilespmem:s17+$0x19CF0];
	v4 =	vadd.f32 v5, v4  }
0x3de: {  	v8 =	vld [tilespmem:s16+$0x18CF0]  }
0x3df: {  	v14 =	vld [tilespmem:s17+$0x19EF0];
	v6 =	vadd.f32 $0.0e+00, v6;
	v4 =	vadd.f32 v11, v4  }
0x3e0: {  	v9 =	vld [tilespmem:s16+$0x18EF0]  }
0x3e1: {  	v6 =	vadd.f32 v7, v6;
	v7 =	vld [tilespmem:s17+$0x1A0F0];
	v4 =	vadd.f32 v12, v4  }
0x3e2: {  	v10 =	vld [tilespmem:s16+$0x190F0]  }
0x3e3: {  	v6 =	vadd.f32 v8, v6;
	v8 =	vld [tilespmem:s17+$0x1A2F0];
	v4 =	vadd.f32 v13, v4  }
0x3e4: {  	v5 =	vld [tilespmem:s16+$0x192F0]  }
0x3e5: {  	v6 =	vadd.f32 v9, v6;
	v9 =	vld [tilespmem:s17+$0x1A4F0];
	v4 =	vadd.f32 v14, v4  }
0x3e6: {  	v11 =	vld [tilespmem:s16+$0x194F0]  }
0x3e7: {  	v59 =	vld [tilespmem:s16+$0x196F0];
	v6 =	vadd.f32 v10, v6;
	v4 =	vadd.f32 v7, v4  }
0x3e8: {  	s15 =	simm.s32 $0xFFFFFFE0;
	v10 =	vld [tilespmem:s17+$0x1A6F0]  }
0x3e9: {  	v60 =	vld [tilespmem:s15+$0x188F0];
	v5 =	vadd.f32 v5, v6;
	v4 =	vadd.f32 v8, v4  }
0x3ea: {  	v6 =	vld [tilespmem:s16+$0x198F0]  }
0x3eb: {  	v61 =	vld [tilespmem:s15+$0x18AF0];
	v5 =	vadd.f32 v11, v5;
	v4 =	vadd.f32 v9, v4  }
0x3ec: {  	v11 =	vld [tilespmem:s16+$0x19AF0]  }
0x3ed: {  	v62 =	vld [tilespmem:s16+$0x19CF0];
	v5 =	vadd.f32 v59, v5;
	v4 =	vadd.f32 v10, v4  }
0x3ee: {  	v7 =	vld [tilespmem:s15+$0x18CF0]  }
0x3ef: {  	v13 =	vadd.f32 $0.0e+00, v60;
	v5 =	vadd.f32 v6, v5;
	v6 =	vld [tilespmem:s16+$0x19EF0];
	v4 =	vperm.xlane v4, v2  }
0x3f0: {  	v8 =	vld [tilespmem:s15+$0x18EF0]  }
0x3f1: {  	v13 =	vadd.f32 v61, v13;
	v5 =	vadd.f32 v11, v5;
	v11 =	vld [tilespmem:s16+$0x1A0F0];
	(xrf2) =	vadd.scan.msk.f32 $0xffff, v4  }
0x3f2: {  	v9 =	vld [tilespmem:s15+$0x190F0]  }
0x3f3: {  	v63 =	vld [tilespmem:s16+$0x1A2F0];
	v7 =	vadd.f32 v7, v13;
	v5 =	vadd.f32 v62, v5  }
0x3f4: {  	v10 =	vld [tilespmem:s15+$0x192F0]  }
0x3f5: {  	v13 =	vadd.f32 v8, v7;
	v5 =	vadd.f32 v6, v5;
	v8 =	vld [tilespmem:s16+$0x1A4F0]  }
0x3f6: {  	v7 =	vld [tilespmem:s15+$0x194F0]  }
0x3f7: {  	v6 =	vld [tilespmem:s15+$0x196F0];
	v9 =	vadd.f32 v9, v13;
	v11 =	vadd.f32 v11, v5  }
0x3f8: {  	v5 =	vld [tilespmem:s16+$0x1A6F0]  }
0x3f9: {  	s18 =	simm.s32 $0xFFFFFFD0;
	s19 =	simm.s32 $0xFFFFFF00;
	v4 =	vld [tilespmem:s15+$0x198F0];
	v9 =	vadd.f32 v10, v9;
	v10 =	vadd.f32 v63, v11  }
.LBB2_32:
0x3fa: {  	p0 =	sne.s32 s19, $0xFFFFF840;
	v11 =	vld [tilespmem:s18+$0x188F0]  }
0x3fb: {  	v7 =	vadd.f32 v7, v9;
	v9 =	vld [tilespmem:s15+$0x19AF0];
	v8 =	vadd.f32 v8, v10;
	v10, _, _ =	vpop (xrf2)  }
0x3fc: {  	v12 =	vld [tilespmem:s18+$0x18AF0];
	v10 =	vperm.xlane v10, v2  }
0x3fd: {  	v6 =	vadd.f32 v6, v7;
	v7 =	vld [tilespmem:s15+$0x19CF0];
	v5 =	vadd.f32 v5, v8  }
0x3fe: {  	v8 =	vld [tilespmem:s18+$0x18CF0];
	v3 =	vadd.f32 v10, v3  }
0x3ff: {  	v10 =	vadd.f32 $0.0e+00, v11;
	v4 =	vadd.f32 v4, v6;
	v6 =	vld [tilespmem:s15+$0x19EF0];
	v5 =	vperm.xlane v5, v2  }
0x400: {  	v11 =	vld [tilespmem:s18+$0x18EF0];
	[tilespmem:s17+$0x1A8F0] =	vst v3;
	(xrf0) =	vmax.scan.msk.f32 $0xffff, v3;
	s17 =	smov.u32 s16;
	s16 =	smov.u32 s15;
	s15 =	smov.u32 s18  }
0x401: {  	v3 =	vadd.f32 v12, v10;
	v4 =	vadd.f32 v9, v4;
	v9 =	vld [tilespmem:s16+$0x1A0F0];
	(xrf2) =	vadd.scan.msk.f32 $0xffff, v5  }
0x402: {  	v5 =	vld [tilespmem:s15+$0x190F0]  }
0x403: {  	v3 =	vadd.f32 v8, v3;
	v4 =	vadd.f32 v7, v4;
	v10 =	vld [tilespmem:s16+$0x1A2F0]  }
0x404: {  	v12 =	vld [tilespmem:s15+$0x192F0]  }
.Ltmp15:
0x405: {  	v3 =	vadd.f32 v11, v3;
	v4 =	vadd.f32 v6, v4;
	v8 =	vld [tilespmem:s16+$0x1A4F0];
	(pc) =	sbr.rel @p0 .LBB2_32-.Ltmp15, $4  }
0x406: {  	v7 =	vld [tilespmem:s15+$0x194F0];
	v6, _, _ =	vpop (xrf0)  }
0x407: {  	v11 =	vadd.f32 v5, v3;
	v13 =	vadd.f32 v9, v4;
	v5 =	vld [tilespmem:s16+$0x1A6F0];
	v3 =	vbroadcast v6, $0xF  }
0x408: {  	v6 =	vld [tilespmem:s15+$0x196F0]  }
0x409: {  	s18 =	sshra.s32 s19, $0x2;
	s19 =	sadd.s32 $0xFFFFFFC0, s19;
	v9 =	vadd.f32 v12, v11;
	v4 =	vld [tilespmem:s15+$0x198F0];
	v10 =	vadd.f32 v10, v13  }
0x40a: {  	v11 =	vld [tilespmem:s18+$0x188F0];
	_ =	sdelay $0x1  }
0x40b: {  	v13 =	vld [tilespmem:s18+$0x18AF0];
	v8 =	vadd.f32 v8, v10;
	v57, _, _ =	vpop (xrf2)  }
0x40c: {  	v12 =	vld [tilespmem:s15+$0x19AF0];
	v10 =	vperm.xlane v57, v2  }
0x40d: {  	v7 =	vadd.f32 v7, v9;
	v5 =	vadd.f32 v5, v8;
	v8 =	vld [tilespmem:s18+$0x18CF0]  }
0x40e: {  	v14 =	vld [tilespmem:s15+$0x19CF0];
	v3 =	vadd.f32 v10, v3;
	v58 =	vadd.f32 $0.0e+00, v11  }
0x40f: {  	v6 =	vadd.f32 v6, v7;
	v7 =	vld [tilespmem:s18+$0x18EF0];
	v5 =	vperm.xlane v5, v2  }
0x410: {  	v59 =	vld [tilespmem:s15+$0x19EF0];
	[tilespmem:s17+$0x1A8F0] =	vst v3;
	v9 =	vadd.f32 v13, v58  }
0x411: {  	v4 =	vadd.f32 v4, v6;
	(xrf2) =	vadd.scan.msk.f32 $0xffff, v5;
	v5 =	vld [tilespmem:s18+$0x190F0]  }
0x412: {  	v6 =	vadd.f32 v8, v9  }
0x413: {  	v4 =	vadd.f32 v12, v4;
	v8 =	vld [tilespmem:s18+$0x192F0]  }
0x414: {  	(xrf0) =	vmax.scan.msk.f32 $0xffff, v3;
	v3 =	vld [tilespmem:s15+$0x1A0F0];
	v6 =	vadd.f32 v7, v6  }
0x415: {  	v4 =	vadd.f32 v14, v4;
	v7 =	vld [tilespmem:s18+$0x194F0]  }
0x416: {  	v60 =	vld [tilespmem:s15+$0x1A2F0];
	v5 =	vadd.f32 v5, v6  }
0x417: {  	v4 =	vadd.f32 v59, v4;
	v6 =	vld [tilespmem:s18+$0x196F0]  }
0x418: {  	v61 =	vld [tilespmem:s15+$0x1A4F0];
	v5 =	vadd.f32 v8, v5  }
0x419: {  	v3 =	vadd.f32 v3, v4;
	v4 =	vld [tilespmem:s18+$0x198F0]  }
0x41a: {  	v62 =	vld [tilespmem:s15+$0x1A6F0];
	v8, _, _ =	vpop (xrf0);
	v5 =	vadd.f32 v7, v5  }
0x41b: {  	v3 =	vadd.f32 v60, v3;
	v7 =	vld [tilespmem:s18+$0x19AF0];
	v63, _, _ =	vpop (xrf2)  }
0x41c: {  	v8 =	vbroadcast v8, $0xF;
	v9 =	vperm.xlane v63, v2;
	v5 =	vadd.f32 v6, v5  }
0x41d: {  	v3 =	vadd.f32 v61, v3;
	v6 =	vld [tilespmem:s18+$0x19CF0]  }
0x41e: {  	v8 =	vadd.f32 v9, v8;
	v4 =	vadd.f32 v4, v5  }
0x41f: {  	v5 =	vld [tilespmem:s18+$0x19EF0]  }
0x420: {  	v3 =	vadd.f32 v62, v3;
	[tilespmem:s16+$0x1A8F0] =	vst v8;
	v4 =	vadd.f32 v7, v4  }
0x421: {  	v7 =	vld [tilespmem:s18+$0x1A0F0]  }
0x422: {  	v3 =	vperm.xlane v3, v2;
	v4 =	vadd.f32 v6, v4  }
0x423: {  	v6 =	vld [tilespmem:s18+$0x1A2F0]  }
0x424: {  	(xrf2) =	vadd.scan.msk.f32 $0xffff, v3;
	v3 =	vadd.f32 v5, v4  }
0x425: {  	v4 =	vld [tilespmem:s18+$0x1A4F0]  }
0x426: {  	v3 =	vadd.f32 v7, v3  }
0x427: {  	(xrf0) =	vmax.scan.msk.f32 $0xffff, v8;
	v5 =	vld [tilespmem:s18+$0x1A6F0]  }
0x428: {  	v3 =	vadd.f32 v6, v3;
	_ =	sdelay $0x1  }
0x429: {  	v3 =	vadd.f32 v4, v3;
	_ =	sdelay $0x1  }
0x42a: {  	v3 =	vadd.f32 v5, v3  }
0x42b: {  	v4, _, _ =	vpop (xrf0)  }
0x42c: {  	v5, _, _ =	vpop (xrf2);
	v3 =	vperm.xlane v3, v2  }
0x42d: {  	v4 =	vbroadcast v4, $0xF;
	v5 =	vperm.xlane v5, v2  }
0x42e: {  	(xrf2) =	vadd.scan.msk.f32 $0xffff, v3  }
0x42f: {  	v3 =	vadd.f32 v5, v4;
	_ =	sdelay $0x1  }
0x430: {  	(xrf0) =	vmax.scan.msk.f32 $0xffff, v3;
	_ =	sdelay $0x5  }
0x431: {  	v4, _, _ =	vpop (xrf0)  }
0x432: {  	v5, _, _ =	vpop (xrf2)  }
0x433: {  	v4 =	vbroadcast v4, $0xF;
	v5 =	vperm.xlane v5, v2;
	_ =	sdelay $0x1  }
0x434: {  	v4 =	vadd.f32 v5, v4;
	_ =	sdelay $0x1  }
0x435: {  	(xrf0) =	vmax.scan.msk.f32 $0xffff, v4;
	_ =	sdelay $0x5  }
0x436: {  	v5, _, _ =	vpop (xrf0)  }
0x437: {  	[tilespmem:s15+$0x1A8F0] =	vst v3;
	v3 =	vbroadcast v5, $0xF  }
0x438: {  	s31 =	simm.s32 $0x0;
	[tilespmem:s18+$0x1A8F0] =	vst v4  }
0x439: {  	s15 =	simm.s32 $0x40;
	v6 =	vld [tilespmem:s31+$0x1A700];
	v5 =	vimm.s32 $0x0;
	v4 =	vmul.f32 $5.000000000e-01, v3  }
.LBB2_34:
0x43a: {  	_ =	sdelay $0x1  }
0x43b: {  	p0 =	sne.s32 s15, $0x7C0  }
.Ltmp16:
0x43c: {  	_ = 	snop;
	(pc) =	sbr.rel @p0 .LBB2_34-.Ltmp16, $4  }
0x43d: {  	vm0 =	vge.f32 v6, v4  }
0x43e: {  	v7 =	vmpcnt.ones.xlane vm0  }
0x43f: {  	s16 =	sshra.s32 s15, $0x2  }
0x440: {  	s15 =	sadd.s32 $0x40, s15;
	v6 =	vld [tilespmem:s16+$0x1A700];
	v5 =	vadd.s32 v5, v7  }
0x441: {  	_ =	sdelay $0x3  }
0x442: {  	vm0 =	vge.f32 v6, v4  }
0x443: {  	v6 =	vmpcnt.ones.xlane vm0;
	_ =	sdelay $0x1  }
0x444: {  	v5 =	vadd.s32 v5, v6  }
0x445: {  	v5 =	vadd.s32 $0xFFFFFFFF, v5  }
0x446: {  	vm15 =	vgt.s32 v5, $0x0  }
0x447: {  	v5 =	vnsel vm15, $0x0, v5  }
0x448: {  	v6 =	vadd.s32 $0x1, v5;
	_ =	sdelay $0x4  }
0x449: {  	s16 =	simm.s32 $0x0;
	s15 =	simm.s32 $0x0;
	s17 =	simm.s32 $0x200;
	v6 =	vld.idx.msk [tilespmem:v6+s12+$0x0], $0xffff  }
.LBB2_36:
0x44a: {  	p0 =	sne.s32 s17, $0x7E00;
	[tilespmem:s15+$0x18770] =	vst v0  }
0x44b: {  	[tilespmem:s15+$0x18700] =	vst v0  }
0x44c: {  	[tilespmem:s15+$0x18710] =	vst v0  }
.Ltmp17:
0x44d: {  	[tilespmem:s15+$0x18720] =	vst v0;
	(pc) =	sbr.rel @p0 .LBB2_36-.Ltmp17, $4  }
0x44e: {  	[tilespmem:s15+$0x18730] =	vst v0  }
0x44f: {  	[tilespmem:s15+$0x18740] =	vst v0  }
0x450: {  	[tilespmem:s15+$0x18750] =	vst v0  }
0x451: {  	[tilespmem:s15+$0x18760] =	vst v0;
	s15 =	sshra.s32 s17, $0x2;
	s17 =	sadd.s32 $0x200, s17  }
0x452: {  	[tilespmem:s15+$0x18770] =	vst v0  }
0x453: {  	[tilespmem:s15+$0x18700] =	vst v0  }
0x454: {  	[tilespmem:s15+$0x18710] =	vst v0  }
0x455: {  	[tilespmem:s15+$0x18720] =	vst v0  }
0x456: {  	[tilespmem:s15+$0x18730] =	vst v0  }
0x457: {  	[tilespmem:s15+$0x18740] =	vst v0  }
0x458: {  	[tilespmem:s15+$0x18750] =	vst v0  }
0x459: {  	[tilespmem:s15+$0x18760] =	vst v0;
	s15 =	simm.s32 $0x50  }
0x45a: {  	v13 =	vld [tilespmem:s15+$0xFFFFFFB0]  }
0x45b: {  	v14 =	vld [tilespmem:s15+$0xFFFFFFC0]  }
0x45c: {  	v15 =	vld [tilespmem:s15+$0xFFFFFFD0]  }
0x45d: {  	v16 =	vld [tilespmem:s15+$0xFFFFFFE0]  }
0x45e: {  	v17 =	vld [tilespmem:s15+$0xFFFFFFF0];
	_ =	sdelay $0x1  }
0x45f: {  	v7 =	vshrl.u32 v13, $0x16;
	v8 =	vshrl.u32 v13, $0xD  }
0x460: {  	v9 =	vshrl.u32 v14, $0x16;
	v10 =	vshrl.u32 v14, $0xD;
	v11 =	vshrl.u32 v15, $0x16  }
0x461: {  	v12 =	vshrl.u32 v15, $0xD;
	v20 =	vshrl.u32 v16, $0x16;
	vm1 =	veq.s32 v7, v5;
	v7 =	vld [tilespmem:s15+$0x40]  }
0x462: {  	v22 =	vshrl.u32 v17, $0x16;
	v8 =	vand.u32 $0x1FF, v8;
	vm2 =	veq.s32 v9, v5;
	v9 =	vld [tilespmem:s15+$0x0]  }
0x463: {  	s16 =	sand.u32 $0x3FFE0, s16;
	v23 =	vshrl.u32 v17, $0xD;
	v10 =	vand.u32 $0x1FF, v10;
	v18 =	vor.u32 v1, v8;
	v8 =	vld [tilespmem:s15+$0x10]  }
0x464: {  	vm3 =	veq.s32 v11, v5;
	v11 =	vshrl.u32 v16, $0xD;
	v19 =	vor.u32 v1, v10;
	v10 =	vld [tilespmem:s16+$0x80]  }
0x465: {  	v12 =	vand.u32 $0x1FF, v12;
	vm4 =	veq.s32 v20, v5;
	v11 =	vand.u32 $0x1FF, v11  }
0x466: {  	vm5 =	veq.s32 v22, v5;
	v23 =	vand.u32 $0x1FF, v23;
	v21 =	vor.u32 v1, v11;
	v11 =	vld [tilespmem:s15+$0x20]  }
0x467: {  	v61 =	vor.u32 v1, v12;
	v23 =	vor.u32 v1, v23;
	v62 =	vshrl.u32 v9, $0x16  }
0x468: {  	v12 =	vshrl.u32 v7, $0x16;
	v63 =	vshrl.u32 v9, $0xD;
	vm0 =	veq.s32 v62, v5  }
0x469: {  	v24 =	vshrl.u32 v8, $0x16;
	v25 =	vshrl.u32 v10, $0xD;
	v22 =	vand.u32 $0x1FF, v63  }
0x46a: {  	[tilespmem:v18+s11+$0x0] =	vst.idx.add.f32.msk vm1, v13;
	v18 =	vshrl.u32 v10, $0x16;
	vm1 =	veq.s32 v24, v5;
	v13 =	vor.u32 v1, v22  }
0x46b: {  	[tilespmem:v19+s11+$0x0] =	vst.idx.add.f32.msk vm2, v14;
	v14 =	vshrl.u32 v11, $0x16;
	vm2 =	veq.s32 v18, v5;
	v18 =	vshrl.u32 v11, $0xD  }
0x46c: {  	[tilespmem:v61+s11+$0x0] =	vst.idx.add.f32.msk vm3, v15;
	vm3 =	veq.s32 v14, v5;
	v14 =	vshrl.u32 v8, $0xD;
	v15 =	vand.u32 $0x1FF, v18  }
0x46d: {  	[tilespmem:v21+s11+$0x0] =	vst.idx.add.f32.msk vm4, v16;
	v16 =	vand.u32 $0x1FF, v14;
	v14 =	vor.u32 v1, v15;
	v15 =	vand.u32 $0x1FF, v25  }
0x46e: {  	s16 =	simm.s32 $0xA0;
	[tilespmem:v23+s11+$0x0] =	vst.idx.add.f32.msk vm5, v17;
	v17 =	vshrl.u32 v7, $0xD;
	v16 =	vor.u32 v1, v16;
	v15 =	vor.u32 v1, v15  }
.LBB2_38:
0x46f: {  	p0 =	sne.s32 s16, $0x18600  }
0x470: {  	vm4 =	veq.s32 v12, v5;
	[tilespmem:v13+s11+$0x0] =	vst.idx.add.f32.msk vm0, v9;
	v9 =	vand.u32 $0x1FF, v17;
	s15 =	sadd.s32 $0xA0, s15;
	s17 =	smov.u32 s16;
	s16 =	sadd.s32 $0xA0, s16  }
0x471: {  	v9 =	vor.u32 v1, v9;
	_ =	sdelay $0x2  }
0x472: {  	[tilespmem:v16+s11+$0x0] =	vst.idx.add.f32.msk vm1, v8  }
0x473: {  	[tilespmem:v14+s11+$0x0] =	vst.idx.add.f32.msk vm3, v11  }
0x474: {  	[tilespmem:v15+s11+$0x0] =	vst.idx.add.f32.msk vm2, v10  }
0x475: {  	[tilespmem:v9+s11+$0x0] =	vst.idx.add.f32.msk vm4, v7  }
0x476: {  	v13 =	vld [tilespmem:s15+$0xFFFFFFB0]  }
0x477: {  	v14 =	vld [tilespmem:s15+$0xFFFFFFC0]  }
0x478: {  	v15 =	vld [tilespmem:s15+$0xFFFFFFD0];
	_ =	sdelay $0x1  }
0x479: {  	v16 =	vld [tilespmem:s15+$0xFFFFFFE0]  }
0x47a: {  	v7 =	vshrl.u32 v13, $0x16;
	v8 =	vshrl.u32 v13, $0xD  }
0x47b: {  	v17 =	vld [tilespmem:s15+$0xFFFFFFF0];
	vm0 =	veq.s32 v7, v5;
	v9 =	vshrl.u32 v14, $0x16;
	v8 =	vand.u32 $0x1FF, v8  }
0x47c: {  	v10 =	vshrl.u32 v14, $0xD;
	v7 =	vld [tilespmem:s15+$0x40];
	vm1 =	veq.s32 v9, v5;
	v18 =	vor.u32 v1, v8  }
0x47d: {  	v11 =	vshrl.u32 v15, $0x16;
	v12 =	vshrl.u32 v15, $0xD;
	v10 =	vand.u32 $0x1FF, v10;
	v9 =	vld [tilespmem:s15+$0x0]  }
0x47e: {  	s17 =	sand.u32 $0x3FFE0, s17;
	vm2 =	veq.s32 v11, v5;
	v19 =	vor.u32 v1, v10;
	v8 =	vld [tilespmem:s15+$0x10];
	v11 =	vshrl.u32 v16, $0xD  }
0x47f: {  	v12 =	vand.u32 $0x1FF, v12;
	v20 =	vshrl.u32 v16, $0x16;
	v10 =	vld [tilespmem:s17+$0x80];
	v21 =	vand.u32 $0x1FF, v11  }
0x480: {  	vm3 =	veq.s32 v20, v5;
	v20 =	vor.u32 v1, v12;
	v11 =	vld [tilespmem:s15+$0x20];
	v21 =	vor.u32 v1, v21  }
0x481: {  	v22 =	vshrl.u32 v17, $0x16;
	v23 =	vshrl.u32 v17, $0xD;
	v12 =	vshrl.u32 v7, $0x16;
	[tilespmem:v18+s11+$0x0] =	vst.idx.add.f32.msk vm0, v13  }
0x482: {  	vm4 =	veq.s32 v22, v5;
	v18 =	vand.u32 $0x1FF, v23;
	v13 =	vshrl.u32 v9, $0x16  }
0x483: {  	vm0 =	veq.s32 v13, v5;
	v13 =	vshrl.u32 v9, $0xD;
	[tilespmem:v19+s11+$0x0] =	vst.idx.add.f32.msk vm1, v14;
	v14 =	vor.u32 v1, v18  }
0x484: {  	v18 =	vshrl.u32 v8, $0x16;
	v19 =	vshrl.u32 v10, $0xD;
	v13 =	vand.u32 $0x1FF, v13  }
.Ltmp18:
0x485: {  	vm1 =	veq.s32 v18, v5;
	v18 =	vshrl.u32 v10, $0x16;
	[tilespmem:v20+s11+$0x0] =	vst.idx.add.f32.msk vm2, v15;
	v13 =	vor.u32 v1, v13;
	(pc) =	sbr.rel @p0 .LBB2_38-.Ltmp18, $4  }
0x486: {  	v15 =	vshrl.u32 v11, $0x16;
	vm2 =	veq.s32 v18, v5;
	v18 =	vshrl.u32 v11, $0xD;
	[tilespmem:v21+s11+$0x0] =	vst.idx.add.f32.msk vm3, v16  }
0x487: {  	vm3 =	veq.s32 v15, v5;
	v15 =	vshrl.u32 v8, $0xD;
	v16 =	vand.u32 $0x1FF, v18  }
0x488: {  	v18 =	vand.u32 $0x1FF, v19;
	v15 =	vand.u32 $0x1FF, v15;
	[tilespmem:v14+s11+$0x0] =	vst.idx.add.f32.msk vm4, v17;
	v14 =	vor.u32 v1, v16  }
0x489: {  	v17 =	vshrl.u32 v7, $0xD;
	v16 =	vor.u32 v1, v15;
	v15 =	vor.u32 v1, v18  }
0x48a: {  	_ =	sdelay $0x2  }
0x48b: {  	vm4 =	veq.s32 v12, v5;
	v12 =	vand.u32 $0x1FF, v17  }
0x48c: {  	v12 =	vor.u32 v1, v12  }
0x48d: {  	[tilespmem:v13+s11+$0x0] =	vst.idx.add.f32.msk vm0, v9  }
0x48e: {  	[tilespmem:v16+s11+$0x0] =	vst.idx.add.f32.msk vm1, v8  }
0x48f: {  	[tilespmem:v14+s11+$0x0] =	vst.idx.add.f32.msk vm3, v11  }
0x490: {  	[tilespmem:v15+s11+$0x0] =	vst.idx.add.f32.msk vm2, v10  }
0x491: {  	[tilespmem:v12+s11+$0x0] =	vst.idx.add.f32.msk vm4, v7  }
0x492: {  	s15 =	simm.s32 $0x0;
	[tilespmem:$0x1A900] =	vst v6  }
0x493: {  	v7 =	vld [tilespmem:s15+$0x188F0];
	_ =	sdelay $0x1  }
0x494: {  	v8 =	vld [tilespmem:s15+$0x18AF0];
	_ =	sdelay $0x1  }
0x495: {  	v9 =	vld [tilespmem:s15+$0x18CF0]  }
0x496: {  	v7 =	vadd.f32 $0.0e+00, v7  }
0x497: {  	v10 =	vld [tilespmem:s15+$0x18EF0]  }
0x498: {  	v7 =	vadd.f32 v8, v7  }
0x499: {  	v11 =	vld [tilespmem:s15+$0x190F0]  }
0x49a: {  	v7 =	vadd.f32 v9, v7  }
0x49b: {  	v12 =	vld [tilespmem:s15+$0x192F0]  }
0x49c: {  	v7 =	vadd.f32 v10, v7  }
0x49d: {  	v13 =	vld [tilespmem:s15+$0x194F0]  }
0x49e: {  	v7 =	vadd.f32 v11, v7  }
0x49f: {  	v8 =	vld [tilespmem:s15+$0x196F0]  }
0x4a0: {  	s16 =	simm.s32 $0xFFFFFFF0;
	v14 =	vld [tilespmem:s15+$0x198F0];
	v7 =	vadd.f32 v12, v7  }
0x4a1: {  	v9 =	vld [tilespmem:s16+$0x188F0]  }
0x4a2: {  	v15 =	vld [tilespmem:s15+$0x19AF0];
	v7 =	vadd.f32 v13, v7  }
0x4a3: {  	v10 =	vld [tilespmem:s16+$0x18AF0]  }
0x4a4: {  	v16 =	vld [tilespmem:s15+$0x19CF0];
	v7 =	vadd.f32 v8, v7  }
0x4a5: {  	v11 =	vld [tilespmem:s16+$0x18CF0]  }
0x4a6: {  	v61 =	vld [tilespmem:s15+$0x19EF0];
	v9 =	vadd.f32 $0.0e+00, v9;
	v7 =	vadd.f32 v14, v7  }
0x4a7: {  	v12 =	vld [tilespmem:s16+$0x18EF0]  }
0x4a8: {  	v9 =	vadd.f32 v10, v9;
	v10 =	vld [tilespmem:s15+$0x1A0F0];
	v7 =	vadd.f32 v15, v7  }
0x4a9: {  	v13 =	vld [tilespmem:s16+$0x190F0]  }
0x4aa: {  	v9 =	vadd.f32 v11, v9;
	v11 =	vld [tilespmem:s15+$0x1A2F0];
	v7 =	vadd.f32 v16, v7  }
0x4ab: {  	v8 =	vld [tilespmem:s16+$0x192F0]  }
0x4ac: {  	v9 =	vadd.f32 v12, v9;
	v12 =	vld [tilespmem:s15+$0x1A4F0];
	v7 =	vadd.f32 v61, v7  }
0x4ad: {  	v14 =	vld [tilespmem:s16+$0x194F0]  }
0x4ae: {  	v9 =	vadd.f32 v13, v9;
	v13 =	vld [tilespmem:s15+$0x1A6F0];
	v7 =	vadd.f32 v10, v7  }
0x4af: {  	s17 =	simm.s32 $0xFFFFFFE0;
	v15 =	vld [tilespmem:s16+$0x196F0]  }
0x4b0: {  	v62 =	vld [tilespmem:s17+$0x188F0];
	v8 =	vadd.f32 v8, v9;
	v7 =	vadd.f32 v11, v7  }
0x4b1: {  	v9 =	vld [tilespmem:s16+$0x198F0]  }
0x4b2: {  	v63 =	vld [tilespmem:s17+$0x18AF0];
	v8 =	vadd.f32 v14, v8;
	v7 =	vadd.f32 v12, v7  }
0x4b3: {  	v14 =	vld [tilespmem:s16+$0x19AF0]  }
0x4b4: {  	v8 =	vadd.f32 v15, v8;
	v15 =	vld [tilespmem:s16+$0x19CF0];
	v7 =	vadd.f32 v13, v7  }
0x4b5: {  	v10 =	vld [tilespmem:s17+$0x18CF0]  }
0x4b6: {  	v16 =	vadd.f32 $0.0e+00, v62;
	v8 =	vadd.f32 v9, v8;
	v9 =	vld [tilespmem:s16+$0x19EF0];
	v7 =	vperm.xlane v7, v2  }
0x4b7: {  	v11 =	vld [tilespmem:s17+$0x18EF0]  }
0x4b8: {  	v16 =	vadd.f32 v63, v16;
	v8 =	vadd.f32 v14, v8;
	v14 =	vld [tilespmem:s16+$0x1A0F0];
	(xrf2) =	vadd.scan.msk.f32 $0xffff, v7  }
0x4b9: {  	v12 =	vld [tilespmem:s17+$0x190F0]  }
0x4ba: {  	v10 =	vadd.f32 v10, v16;
	v8 =	vadd.f32 v15, v8;
	v15 =	vld [tilespmem:s16+$0x1A2F0]  }
0x4bb: {  	v13 =	vld [tilespmem:s17+$0x192F0]  }
0x4bc: {  	v16 =	vadd.f32 v11, v10;
	v8 =	vadd.f32 v9, v8;
	v11 =	vld [tilespmem:s16+$0x1A4F0]  }
0x4bd: {  	v10 =	vld [tilespmem:s17+$0x194F0]  }
0x4be: {  	v9 =	vld [tilespmem:s17+$0x196F0];
	v12 =	vadd.f32 v12, v16;
	v14 =	vadd.f32 v14, v8  }
0x4bf: {  	v8 =	vld [tilespmem:s16+$0x1A6F0]  }
0x4c0: {  	s18 =	simm.s32 $0xFFFFFFD0;
	s20 =	simm.s32 $0xFFFFFF00;
	s19 =	simm.s32 $0x0;
	v7 =	vld [tilespmem:s17+$0x198F0];
	v12 =	vadd.f32 v13, v12;
	v13 =	vadd.f32 v15, v14  }
.LBB2_40:
0x4c1: {  	p0 =	sne.s32 s20, $0xFFFFF840;
	v14 =	vld [tilespmem:s18+$0x188F0]  }
0x4c2: {  	v10 =	vadd.f32 v10, v12;
	v12 =	vld [tilespmem:s17+$0x19AF0];
	v11 =	vadd.f32 v11, v13;
	v13, _, _ =	vpop (xrf2)  }
0x4c3: {  	v15 =	vld [tilespmem:s18+$0x18AF0];
	v13 =	vperm.xlane v13, v2  }
0x4c4: {  	v9 =	vadd.f32 v9, v10;
	v10 =	vld [tilespmem:s17+$0x19CF0];
	v8 =	vadd.f32 v8, v11  }
0x4c5: {  	v11 =	vld [tilespmem:s18+$0x18CF0];
	v6 =	vadd.f32 v13, v6  }
0x4c6: {  	v13 =	vadd.f32 $0.0e+00, v14;
	v7 =	vadd.f32 v7, v9;
	v9 =	vld [tilespmem:s17+$0x19EF0];
	v8 =	vperm.xlane v8, v2  }
0x4c7: {  	v14 =	vld [tilespmem:s18+$0x18EF0];
	[tilespmem:s19+$0x1A8F0] =	vst v6;
	(xrf0) =	vmax.scan.msk.f32 $0xffff, v6;
	s19 =	smov.u32 s16;
	s16 =	smov.u32 s17;
	s17 =	smov.u32 s18  }
0x4c8: {  	v6 =	vadd.f32 v15, v13;
	v7 =	vadd.f32 v12, v7;
	v12 =	vld [tilespmem:s16+$0x1A0F0];
	(xrf2) =	vadd.scan.msk.f32 $0xffff, v8  }
0x4c9: {  	v8 =	vld [tilespmem:s17+$0x190F0]  }
0x4ca: {  	v6 =	vadd.f32 v11, v6;
	v7 =	vadd.f32 v10, v7;
	v13 =	vld [tilespmem:s16+$0x1A2F0]  }
0x4cb: {  	v15 =	vld [tilespmem:s17+$0x192F0]  }
.Ltmp19:
0x4cc: {  	v6 =	vadd.f32 v14, v6;
	v7 =	vadd.f32 v9, v7;
	v11 =	vld [tilespmem:s16+$0x1A4F0];
	(pc) =	sbr.rel @p0 .LBB2_40-.Ltmp19, $4  }
0x4cd: {  	v10 =	vld [tilespmem:s17+$0x194F0];
	v9, _, _ =	vpop (xrf0)  }
0x4ce: {  	v14 =	vadd.f32 v8, v6;
	v16 =	vadd.f32 v12, v7;
	v8 =	vld [tilespmem:s16+$0x1A6F0];
	v6 =	vbroadcast v9, $0xF  }
0x4cf: {  	v9 =	vld [tilespmem:s17+$0x196F0]  }
0x4d0: {  	s18 =	sshra.s32 s20, $0x2;
	s20 =	sadd.s32 $0xFFFFFFC0, s20;
	v12 =	vadd.f32 v15, v14;
	v7 =	vld [tilespmem:s17+$0x198F0];
	v13 =	vadd.f32 v13, v16  }
0x4d1: {  	v14 =	vld [tilespmem:s18+$0x188F0];
	_ =	sdelay $0x1  }
0x4d2: {  	v16 =	vld [tilespmem:s18+$0x18AF0];
	v11 =	vadd.f32 v11, v13;
	v46, _, _ =	vpop (xrf2)  }
0x4d3: {  	v15 =	vld [tilespmem:s17+$0x19AF0];
	v13 =	vperm.xlane v46, v2  }
0x4d4: {  	v47 =	vld [tilespmem:s18+$0x18CF0];
	v10 =	vadd.f32 v10, v12;
	v8 =	vadd.f32 v8, v11  }
0x4d5: {  	v17 =	vld [tilespmem:s17+$0x19CF0];
	v6 =	vadd.f32 v13, v6;
	v48 =	vadd.f32 $0.0e+00, v14  }
0x4d6: {  	v50 =	vld [tilespmem:s18+$0x18EF0];
	v9 =	vadd.f32 v9, v10;
	v8 =	vperm.xlane v8, v2  }
0x4d7: {  	v49 =	vld [tilespmem:s17+$0x19EF0];
	[tilespmem:s19+$0x1A8F0] =	vst v6;
	v12 =	vadd.f32 v16, v48  }
0x4d8: {  	v7 =	vadd.f32 v7, v9;
	(xrf2) =	vadd.scan.msk.f32 $0xffff, v8;
	v8 =	vld [tilespmem:s18+$0x190F0]  }
0x4d9: {  	v51 =	vadd.f32 v47, v12  }
0x4da: {  	v7 =	vadd.f32 v15, v7;
	v52 =	vld [tilespmem:s18+$0x192F0]  }
0x4db: {  	(xrf0) =	vmax.scan.msk.f32 $0xffff, v6;
	v6 =	vld [tilespmem:s17+$0x1A0F0];
	v9 =	vadd.f32 v50, v51  }
0x4dc: {  	v53 =	vld [tilespmem:s18+$0x194F0];
	v7 =	vadd.f32 v17, v7  }
0x4dd: {  	v54 =	vld [tilespmem:s17+$0x1A2F0];
	v8 =	vadd.f32 v8, v9  }
0x4de: {  	v55 =	vld [tilespmem:s18+$0x196F0];
	v7 =	vadd.f32 v49, v7  }
0x4df: {  	v56 =	vld [tilespmem:s17+$0x1A4F0];
	v8 =	vadd.f32 v52, v8  }
0x4e0: {  	v6 =	vadd.f32 v6, v7;
	v7 =	vld [tilespmem:s18+$0x198F0]  }
0x4e1: {  	v58 =	vld [tilespmem:s17+$0x1A6F0];
	v57, _, _ =	vpop (xrf0);
	v8 =	vadd.f32 v53, v8  }
0x4e2: {  	v59 =	vld [tilespmem:s18+$0x19AF0];
	v6 =	vadd.f32 v54, v6;
	v60, _, _ =	vpop (xrf2)  }
0x4e3: {  	v11 =	vbroadcast v57, $0xF;
	v12 =	vperm.xlane v60, v2;
	v8 =	vadd.f32 v55, v8  }
0x4e4: {  	v61 =	vld [tilespmem:s18+$0x19CF0];
	v6 =	vadd.f32 v56, v6  }
0x4e5: {  	v11 =	vadd.f32 v12, v11;
	v7 =	vadd.f32 v7, v8  }
0x4e6: {  	v8 =	vld [tilespmem:s18+$0x19EF0]  }
0x4e7: {  	v6 =	vadd.f32 v58, v6;
	[tilespmem:s16+$0x1A8F0] =	vst v11;
	v7 =	vadd.f32 v59, v7  }
0x4e8: {  	v62 =	vld [tilespmem:s18+$0x1A0F0]  }
0x4e9: {  	v6 =	vperm.xlane v6, v2;
	v7 =	vadd.f32 v61, v7  }
0x4ea: {  	v63 =	vld [tilespmem:s18+$0x1A2F0]  }
0x4eb: {  	(xrf2) =	vadd.scan.msk.f32 $0xffff, v6;
	v6 =	vadd.f32 v8, v7  }
0x4ec: {  	v7 =	vld [tilespmem:s18+$0x1A4F0]  }
0x4ed: {  	v6 =	vadd.f32 v62, v6  }
0x4ee: {  	(xrf0) =	vmax.scan.msk.f32 $0xffff, v11;
	v8 =	vld [tilespmem:s18+$0x1A6F0]  }
0x4ef: {  	v6 =	vadd.f32 v63, v6;
	_ =	sdelay $0x1  }
0x4f0: {  	v6 =	vadd.f32 v7, v6;
	_ =	sdelay $0x1  }
0x4f1: {  	v6 =	vadd.f32 v8, v6  }
0x4f2: {  	v7, _, _ =	vpop (xrf0)  }
0x4f3: {  	v8, _, _ =	vpop (xrf2);
	v6 =	vperm.xlane v6, v2  }
0x4f4: {  	v7 =	vbroadcast v7, $0xF;
	v8 =	vperm.xlane v8, v2  }
0x4f5: {  	(xrf2) =	vadd.scan.msk.f32 $0xffff, v6  }
0x4f6: {  	v6 =	vadd.f32 v8, v7;
	_ =	sdelay $0x1  }
0x4f7: {  	(xrf0) =	vmax.scan.msk.f32 $0xffff, v6;
	_ =	sdelay $0x5  }
0x4f8: {  	v7, _, _ =	vpop (xrf0)  }
0x4f9: {  	v8, _, _ =	vpop (xrf2)  }
0x4fa: {  	v7 =	vbroadcast v7, $0xF;
	v8 =	vperm.xlane v8, v2;
	_ =	sdelay $0x1  }
0x4fb: {  	v7 =	vadd.f32 v8, v7;
	_ =	sdelay $0x1  }
0x4fc: {  	(xrf0) =	vmax.scan.msk.f32 $0xffff, v7;
	_ =	sdelay $0x4  }
0x4fd: {  	[tilespmem:s17+$0x1A8F0] =	vst v6  }
0x4fe: {  	[tilespmem:s18+$0x1A8F0] =	vst v7;
	v6, _, _ =	vpop (xrf0)  }
0x4ff: {  	s16 =	simm.s32 $0x40;
	v7 =	vld [tilespmem:s15+$0x1A700];
	v6 =	vimm.s32 $0x0  }
.LBB2_42:
0x500: {  	_ =	sdelay $0x1  }
0x501: {  	p0 =	sne.s32 s16, $0x7C0  }
.Ltmp20:
0x502: {  	_ = 	snop;
	(pc) =	sbr.rel @p0 .LBB2_42-.Ltmp20, $4  }
0x503: {  	vm0 =	vge.f32 v7, v4  }
0x504: {  	v8 =	vmpcnt.ones.xlane vm0  }
0x505: {  	s15 =	sshra.s32 s16, $0x2  }
0x506: {  	s16 =	sadd.s32 $0x40, s16;
	v7 =	vld [tilespmem:s15+$0x1A700];
	v6 =	vadd.s32 v6, v8  }
0x507: {  	_ =	sdelay $0x3  }
0x508: {  	vm0 =	vge.f32 v7, v4  }
0x509: {  	v7 =	vmpcnt.ones.xlane vm0;
	_ =	sdelay $0x1  }
0x50a: {  	v6 =	vadd.s32 v6, v7  }
0x50b: {  	v6 =	vadd.s32 $0xFFFFFFFF, v6  }
0x50c: {  	vm15 =	vgt.s32 v6, $0x0  }
0x50d: {  	v7 =	vnsel vm15, $0x0, v6  }
0x50e: {  	v6 =	vadd.s32 $0x1, v7;
	_ =	sdelay $0x4  }
0x50f: {  	s15 =	simm.s32 $0x0;
	s16 =	simm.s32 $0x200;
	v6 =	vld.idx.msk [tilespmem:v6+s12+$0x0], $0xffff  }
.LBB2_44:
0x510: {  	p0 =	sne.s32 s16, $0x7E00;
	[tilespmem:s15+$0x18770] =	vst v0  }
0x511: {  	[tilespmem:s15+$0x18700] =	vst v0  }
0x512: {  	[tilespmem:s15+$0x18710] =	vst v0  }
.Ltmp21:
0x513: {  	[tilespmem:s15+$0x18720] =	vst v0;
	(pc) =	sbr.rel @p0 .LBB2_44-.Ltmp21, $4  }
0x514: {  	[tilespmem:s15+$0x18730] =	vst v0  }
0x515: {  	[tilespmem:s15+$0x18740] =	vst v0  }
0x516: {  	[tilespmem:s15+$0x18750] =	vst v0  }
0x517: {  	[tilespmem:s15+$0x18760] =	vst v0;
	s15 =	sshra.s32 s16, $0x2;
	s16 =	sadd.s32 $0x200, s16  }
0x518: {  	[tilespmem:s15+$0x18770] =	vst v0  }
0x519: {  	[tilespmem:s15+$0x18700] =	vst v0  }
0x51a: {  	[tilespmem:s15+$0x18710] =	vst v0  }
0x51b: {  	[tilespmem:s15+$0x18720] =	vst v0  }
0x51c: {  	[tilespmem:s15+$0x18730] =	vst v0  }
0x51d: {  	[tilespmem:s15+$0x18740] =	vst v0  }
0x51e: {  	[tilespmem:s15+$0x18750] =	vst v0  }
0x51f: {  	[tilespmem:s15+$0x18760] =	vst v0;
	s15 =	simm.s32 $0x50  }
0x520: {  	v13 =	vld [tilespmem:s15+$0xFFFFFFB0]  }
0x521: {  	v14 =	vld [tilespmem:s15+$0xFFFFFFC0]  }
0x522: {  	v15 =	vld [tilespmem:s15+$0xFFFFFFD0]  }
0x523: {  	v16 =	vld [tilespmem:s15+$0xFFFFFFE0]  }
0x524: {  	v17 =	vld [tilespmem:s15+$0xFFFFFFF0]  }
0x525: {  	v5 =	vshll.u32 v5, $0x9  }
0x526: {  	v5 =	vadd.s32 v5, v7;
	v7 =	vshrl.u32 v13, $0xD;
	v8 =	vshrl.u32 v13, $0x4  }
0x527: {  	v9 =	vshrl.u32 v14, $0xD;
	v10 =	vshrl.u32 v14, $0x4;
	v11 =	vshrl.u32 v15, $0xD  }
0x528: {  	v12 =	vshrl.u32 v15, $0x4;
	v20 =	vshrl.u32 v16, $0xD;
	vm1 =	veq.s32 v7, v5;
	v7 =	vld [tilespmem:s15+$0x40]  }
0x529: {  	s16 =	simm.s32 $0x0;
	v22 =	vshrl.u32 v17, $0xD;
	v8 =	vand.u32 $0x1FF, v8;
	vm2 =	veq.s32 v9, v5;
	v9 =	vld [tilespmem:s15+$0x0]  }
0x52a: {  	s16 =	sand.u32 $0x3FFE0, s16;
	v23 =	vshrl.u32 v17, $0x4;
	v10 =	vand.u32 $0x1FF, v10;
	v18 =	vor.u32 v1, v8;
	v8 =	vld [tilespmem:s15+$0x10]  }
0x52b: {  	vm3 =	veq.s32 v11, v5;
	v11 =	vshrl.u32 v16, $0x4;
	v19 =	vor.u32 v1, v10;
	v10 =	vld [tilespmem:s16+$0x80]  }
0x52c: {  	v12 =	vand.u32 $0x1FF, v12;
	vm4 =	veq.s32 v20, v5;
	v11 =	vand.u32 $0x1FF, v11  }
0x52d: {  	vm5 =	veq.s32 v22, v5;
	v23 =	vand.u32 $0x1FF, v23;
	v21 =	vor.u32 v1, v11;
	v11 =	vld [tilespmem:s15+$0x20]  }
0x52e: {  	v61 =	vor.u32 v1, v12;
	v23 =	vor.u32 v1, v23;
	v62 =	vshrl.u32 v9, $0xD  }
0x52f: {  	v12 =	vshrl.u32 v7, $0xD;
	v63 =	vshrl.u32 v9, $0x4;
	vm0 =	veq.s32 v62, v5  }
0x530: {  	v24 =	vshrl.u32 v8, $0xD;
	v25 =	vshrl.u32 v10, $0x4;
	v22 =	vand.u32 $0x1FF, v63  }
0x531: {  	[tilespmem:v18+s11+$0x0] =	vst.idx.add.f32.msk vm1, v13;
	v18 =	vshrl.u32 v10, $0xD;
	vm1 =	veq.s32 v24, v5;
	v13 =	vor.u32 v1, v22  }
0x532: {  	[tilespmem:v19+s11+$0x0] =	vst.idx.add.f32.msk vm2, v14;
	v14 =	vshrl.u32 v11, $0xD;
	vm2 =	veq.s32 v18, v5;
	v18 =	vshrl.u32 v11, $0x4  }
0x533: {  	[tilespmem:v61+s11+$0x0] =	vst.idx.add.f32.msk vm3, v15;
	vm3 =	veq.s32 v14, v5;
	v14 =	vshrl.u32 v8, $0x4;
	v15 =	vand.u32 $0x1FF, v18  }
0x534: {  	[tilespmem:v21+s11+$0x0] =	vst.idx.add.f32.msk vm4, v16;
	v16 =	vand.u32 $0x1FF, v14;
	v14 =	vor.u32 v1, v15;
	v15 =	vand.u32 $0x1FF, v25  }
0x535: {  	s16 =	simm.s32 $0xA0;
	[tilespmem:v23+s11+$0x0] =	vst.idx.add.f32.msk vm5, v17;
	v17 =	vshrl.u32 v7, $0x4;
	v16 =	vor.u32 v1, v16;
	v15 =	vor.u32 v1, v15  }
.LBB2_46:
0x536: {  	p0 =	sne.s32 s16, $0x18600  }
0x537: {  	vm4 =	veq.s32 v12, v5;
	[tilespmem:v13+s11+$0x0] =	vst.idx.add.f32.msk vm0, v9;
	v9 =	vand.u32 $0x1FF, v17;
	s15 =	sadd.s32 $0xA0, s15;
	s17 =	smov.u32 s16;
	s16 =	sadd.s32 $0xA0, s16  }
0x538: {  	v9 =	vor.u32 v1, v9;
	_ =	sdelay $0x2  }
0x539: {  	[tilespmem:v16+s11+$0x0] =	vst.idx.add.f32.msk vm1, v8  }
0x53a: {  	[tilespmem:v14+s11+$0x0] =	vst.idx.add.f32.msk vm3, v11  }
0x53b: {  	[tilespmem:v15+s11+$0x0] =	vst.idx.add.f32.msk vm2, v10  }
0x53c: {  	[tilespmem:v9+s11+$0x0] =	vst.idx.add.f32.msk vm4, v7  }
0x53d: {  	v13 =	vld [tilespmem:s15+$0xFFFFFFB0]  }
0x53e: {  	v14 =	vld [tilespmem:s15+$0xFFFFFFC0]  }
0x53f: {  	v15 =	vld [tilespmem:s15+$0xFFFFFFD0];
	_ =	sdelay $0x1  }
0x540: {  	v16 =	vld [tilespmem:s15+$0xFFFFFFE0]  }
0x541: {  	v7 =	vshrl.u32 v13, $0xD;
	v8 =	vshrl.u32 v13, $0x4  }
0x542: {  	v17 =	vld [tilespmem:s15+$0xFFFFFFF0];
	vm0 =	veq.s32 v7, v5;
	v9 =	vshrl.u32 v14, $0xD;
	v8 =	vand.u32 $0x1FF, v8  }
0x543: {  	v10 =	vshrl.u32 v14, $0x4;
	v7 =	vld [tilespmem:s15+$0x40];
	vm1 =	veq.s32 v9, v5;
	v18 =	vor.u32 v1, v8  }
0x544: {  	v11 =	vshrl.u32 v15, $0xD;
	v12 =	vshrl.u32 v15, $0x4;
	v10 =	vand.u32 $0x1FF, v10;
	v9 =	vld [tilespmem:s15+$0x0]  }
0x545: {  	s17 =	sand.u32 $0x3FFE0, s17;
	vm2 =	veq.s32 v11, v5;
	v19 =	vor.u32 v1, v10;
	v8 =	vld [tilespmem:s15+$0x10];
	v11 =	vshrl.u32 v16, $0x4  }
0x546: {  	v12 =	vand.u32 $0x1FF, v12;
	v20 =	vshrl.u32 v16, $0xD;
	v10 =	vld [tilespmem:s17+$0x80];
	v21 =	vand.u32 $0x1FF, v11  }
0x547: {  	vm3 =	veq.s32 v20, v5;
	v20 =	vor.u32 v1, v12;
	v11 =	vld [tilespmem:s15+$0x20];
	v21 =	vor.u32 v1, v21  }
0x548: {  	v22 =	vshrl.u32 v17, $0xD;
	v23 =	vshrl.u32 v17, $0x4;
	v12 =	vshrl.u32 v7, $0xD;
	[tilespmem:v18+s11+$0x0] =	vst.idx.add.f32.msk vm0, v13  }
0x549: {  	vm4 =	veq.s32 v22, v5;
	v18 =	vand.u32 $0x1FF, v23;
	v13 =	vshrl.u32 v9, $0xD  }
0x54a: {  	vm0 =	veq.s32 v13, v5;
	v13 =	vshrl.u32 v9, $0x4;
	[tilespmem:v19+s11+$0x0] =	vst.idx.add.f32.msk vm1, v14;
	v14 =	vor.u32 v1, v18  }
0x54b: {  	v18 =	vshrl.u32 v8, $0xD;
	v19 =	vshrl.u32 v10, $0x4;
	v13 =	vand.u32 $0x1FF, v13  }
.Ltmp22:
0x54c: {  	vm1 =	veq.s32 v18, v5;
	v18 =	vshrl.u32 v10, $0xD;
	[tilespmem:v20+s11+$0x0] =	vst.idx.add.f32.msk vm2, v15;
	v13 =	vor.u32 v1, v13;
	(pc) =	sbr.rel @p0 .LBB2_46-.Ltmp22, $4  }
0x54d: {  	v15 =	vshrl.u32 v11, $0xD;
	vm2 =	veq.s32 v18, v5;
	v18 =	vshrl.u32 v11, $0x4;
	[tilespmem:v21+s11+$0x0] =	vst.idx.add.f32.msk vm3, v16  }
0x54e: {  	vm3 =	veq.s32 v15, v5;
	v15 =	vshrl.u32 v8, $0x4;
	v16 =	vand.u32 $0x1FF, v18  }
0x54f: {  	v18 =	vand.u32 $0x1FF, v19;
	v15 =	vand.u32 $0x1FF, v15;
	[tilespmem:v14+s11+$0x0] =	vst.idx.add.f32.msk vm4, v17;
	v14 =	vor.u32 v1, v16  }
0x550: {  	v17 =	vshrl.u32 v7, $0x4;
	v16 =	vor.u32 v1, v15;
	v15 =	vor.u32 v1, v18  }
0x551: {  	_ =	sdelay $0x2  }
0x552: {  	vm4 =	veq.s32 v12, v5;
	v12 =	vand.u32 $0x1FF, v17  }
0x553: {  	v12 =	vor.u32 v1, v12  }
0x554: {  	[tilespmem:v13+s11+$0x0] =	vst.idx.add.f32.msk vm0, v9  }
0x555: {  	[tilespmem:v16+s11+$0x0] =	vst.idx.add.f32.msk vm1, v8  }
0x556: {  	[tilespmem:v14+s11+$0x0] =	vst.idx.add.f32.msk vm3, v11  }
0x557: {  	[tilespmem:v15+s11+$0x0] =	vst.idx.add.f32.msk vm2, v10  }
0x558: {  	[tilespmem:v12+s11+$0x0] =	vst.idx.add.f32.msk vm4, v7  }
0x559: {  	s15 =	simm.s32 $0x0;
	[tilespmem:$0x1A900] =	vst v6  }
0x55a: {  	v7 =	vld [tilespmem:s15+$0x188F0];
	_ =	sdelay $0x1  }
0x55b: {  	v8 =	vld [tilespmem:s15+$0x18AF0];
	_ =	sdelay $0x1  }
0x55c: {  	v9 =	vld [tilespmem:s15+$0x18CF0]  }
0x55d: {  	v7 =	vadd.f32 $0.0e+00, v7  }
0x55e: {  	v10 =	vld [tilespmem:s15+$0x18EF0]  }
0x55f: {  	v7 =	vadd.f32 v8, v7  }
0x560: {  	v11 =	vld [tilespmem:s15+$0x190F0]  }
0x561: {  	v7 =	vadd.f32 v9, v7  }
0x562: {  	v12 =	vld [tilespmem:s15+$0x192F0]  }
0x563: {  	v7 =	vadd.f32 v10, v7  }
0x564: {  	v13 =	vld [tilespmem:s15+$0x194F0]  }
0x565: {  	v7 =	vadd.f32 v11, v7  }
0x566: {  	v8 =	vld [tilespmem:s15+$0x196F0]  }
0x567: {  	s16 =	simm.s32 $0xFFFFFFF0;
	v14 =	vld [tilespmem:s15+$0x198F0];
	v7 =	vadd.f32 v12, v7  }
0x568: {  	v9 =	vld [tilespmem:s16+$0x188F0]  }
0x569: {  	v15 =	vld [tilespmem:s15+$0x19AF0];
	v7 =	vadd.f32 v13, v7  }
0x56a: {  	v10 =	vld [tilespmem:s16+$0x18AF0]  }
0x56b: {  	v16 =	vld [tilespmem:s15+$0x19CF0];
	v7 =	vadd.f32 v8, v7  }
0x56c: {  	v11 =	vld [tilespmem:s16+$0x18CF0]  }
0x56d: {  	v61 =	vld [tilespmem:s15+$0x19EF0];
	v9 =	vadd.f32 $0.0e+00, v9;
	v7 =	vadd.f32 v14, v7  }
0x56e: {  	v12 =	vld [tilespmem:s16+$0x18EF0]  }
0x56f: {  	v9 =	vadd.f32 v10, v9;
	v10 =	vld [tilespmem:s15+$0x1A0F0];
	v7 =	vadd.f32 v15, v7  }
0x570: {  	v13 =	vld [tilespmem:s16+$0x190F0]  }
0x571: {  	v9 =	vadd.f32 v11, v9;
	v11 =	vld [tilespmem:s15+$0x1A2F0];
	v7 =	vadd.f32 v16, v7  }
0x572: {  	v8 =	vld [tilespmem:s16+$0x192F0]  }
0x573: {  	v9 =	vadd.f32 v12, v9;
	v12 =	vld [tilespmem:s15+$0x1A4F0];
	v7 =	vadd.f32 v61, v7  }
0x574: {  	v14 =	vld [tilespmem:s16+$0x194F0]  }
0x575: {  	v9 =	vadd.f32 v13, v9;
	v13 =	vld [tilespmem:s15+$0x1A6F0];
	v7 =	vadd.f32 v10, v7  }
0x576: {  	s17 =	simm.s32 $0xFFFFFFE0;
	v15 =	vld [tilespmem:s16+$0x196F0]  }
0x577: {  	v62 =	vld [tilespmem:s17+$0x188F0];
	v8 =	vadd.f32 v8, v9;
	v7 =	vadd.f32 v11, v7  }
0x578: {  	v9 =	vld [tilespmem:s16+$0x198F0]  }
0x579: {  	v63 =	vld [tilespmem:s17+$0x18AF0];
	v8 =	vadd.f32 v14, v8;
	v7 =	vadd.f32 v12, v7  }
0x57a: {  	v14 =	vld [tilespmem:s16+$0x19AF0]  }
0x57b: {  	v8 =	vadd.f32 v15, v8;
	v15 =	vld [tilespmem:s16+$0x19CF0];
	v7 =	vadd.f32 v13, v7  }
0x57c: {  	v10 =	vld [tilespmem:s17+$0x18CF0]  }
0x57d: {  	v16 =	vadd.f32 $0.0e+00, v62;
	v8 =	vadd.f32 v9, v8;
	v9 =	vld [tilespmem:s16+$0x19EF0];
	v7 =	vperm.xlane v7, v2  }
0x57e: {  	v11 =	vld [tilespmem:s17+$0x18EF0]  }
0x57f: {  	v16 =	vadd.f32 v63, v16;
	v8 =	vadd.f32 v14, v8;
	v14 =	vld [tilespmem:s16+$0x1A0F0];
	(xrf2) =	vadd.scan.msk.f32 $0xffff, v7  }
0x580: {  	v12 =	vld [tilespmem:s17+$0x190F0]  }
0x581: {  	v10 =	vadd.f32 v10, v16;
	v8 =	vadd.f32 v15, v8;
	v15 =	vld [tilespmem:s16+$0x1A2F0]  }
0x582: {  	v13 =	vld [tilespmem:s17+$0x192F0]  }
0x583: {  	v16 =	vadd.f32 v11, v10;
	v8 =	vadd.f32 v9, v8;
	v11 =	vld [tilespmem:s16+$0x1A4F0]  }
0x584: {  	v10 =	vld [tilespmem:s17+$0x194F0]  }
0x585: {  	v9 =	vld [tilespmem:s17+$0x196F0];
	v12 =	vadd.f32 v12, v16;
	v14 =	vadd.f32 v14, v8  }
0x586: {  	v8 =	vld [tilespmem:s16+$0x1A6F0]  }
0x587: {  	s18 =	simm.s32 $0xFFFFFFD0;
	s20 =	simm.s32 $0xFFFFFF00;
	s19 =	simm.s32 $0x0;
	v7 =	vld [tilespmem:s17+$0x198F0];
	v12 =	vadd.f32 v13, v12;
	v13 =	vadd.f32 v15, v14  }
.LBB2_48:
0x588: {  	p0 =	sne.s32 s20, $0xFFFFF840;
	v14 =	vld [tilespmem:s18+$0x188F0]  }
0x589: {  	v10 =	vadd.f32 v10, v12;
	v12 =	vld [tilespmem:s17+$0x19AF0];
	v11 =	vadd.f32 v11, v13;
	v13, _, _ =	vpop (xrf2)  }
0x58a: {  	v15 =	vld [tilespmem:s18+$0x18AF0];
	v13 =	vperm.xlane v13, v2  }
0x58b: {  	v9 =	vadd.f32 v9, v10;
	v10 =	vld [tilespmem:s17+$0x19CF0];
	v8 =	vadd.f32 v8, v11  }
0x58c: {  	v11 =	vld [tilespmem:s18+$0x18CF0];
	v6 =	vadd.f32 v13, v6  }
0x58d: {  	v13 =	vadd.f32 $0.0e+00, v14;
	v7 =	vadd.f32 v7, v9;
	v9 =	vld [tilespmem:s17+$0x19EF0];
	v8 =	vperm.xlane v8, v2  }
0x58e: {  	v14 =	vld [tilespmem:s18+$0x18EF0];
	[tilespmem:s19+$0x1A8F0] =	vst v6;
	(xrf0) =	vmax.scan.msk.f32 $0xffff, v6;
	s19 =	smov.u32 s16;
	s16 =	smov.u32 s17;
	s17 =	smov.u32 s18  }
0x58f: {  	v6 =	vadd.f32 v15, v13;
	v7 =	vadd.f32 v12, v7;
	v12 =	vld [tilespmem:s16+$0x1A0F0];
	(xrf2) =	vadd.scan.msk.f32 $0xffff, v8  }
0x590: {  	v8 =	vld [tilespmem:s17+$0x190F0]  }
0x591: {  	v6 =	vadd.f32 v11, v6;
	v7 =	vadd.f32 v10, v7;
	v13 =	vld [tilespmem:s16+$0x1A2F0]  }
0x592: {  	v15 =	vld [tilespmem:s17+$0x192F0]  }
.Ltmp23:
0x593: {  	v6 =	vadd.f32 v14, v6;
	v7 =	vadd.f32 v9, v7;
	v11 =	vld [tilespmem:s16+$0x1A4F0];
	(pc) =	sbr.rel @p0 .LBB2_48-.Ltmp23, $4  }
0x594: {  	v10 =	vld [tilespmem:s17+$0x194F0];
	v9, _, _ =	vpop (xrf0)  }
0x595: {  	v14 =	vadd.f32 v8, v6;
	v16 =	vadd.f32 v12, v7;
	v8 =	vld [tilespmem:s16+$0x1A6F0];
	v6 =	vbroadcast v9, $0xF  }
0x596: {  	v9 =	vld [tilespmem:s17+$0x196F0]  }
0x597: {  	s18 =	sshra.s32 s20, $0x2;
	s20 =	sadd.s32 $0xFFFFFFC0, s20;
	v12 =	vadd.f32 v15, v14;
	v7 =	vld [tilespmem:s17+$0x198F0];
	v13 =	vadd.f32 v13, v16  }
0x598: {  	v14 =	vld [tilespmem:s18+$0x188F0];
	_ =	sdelay $0x1  }
0x599: {  	v16 =	vld [tilespmem:s18+$0x18AF0];
	v11 =	vadd.f32 v11, v13;
	v46, _, _ =	vpop (xrf2)  }
0x59a: {  	v15 =	vld [tilespmem:s17+$0x19AF0];
	v13 =	vperm.xlane v46, v2  }
0x59b: {  	v47 =	vld [tilespmem:s18+$0x18CF0];
	v10 =	vadd.f32 v10, v12;
	v8 =	vadd.f32 v8, v11  }
0x59c: {  	v17 =	vld [tilespmem:s17+$0x19CF0];
	v6 =	vadd.f32 v13, v6;
	v48 =	vadd.f32 $0.0e+00, v14  }
0x59d: {  	v50 =	vld [tilespmem:s18+$0x18EF0];
	v9 =	vadd.f32 v9, v10;
	v8 =	vperm.xlane v8, v2  }
0x59e: {  	v49 =	vld [tilespmem:s17+$0x19EF0];
	[tilespmem:s19+$0x1A8F0] =	vst v6;
	v12 =	vadd.f32 v16, v48  }
0x59f: {  	v7 =	vadd.f32 v7, v9;
	(xrf2) =	vadd.scan.msk.f32 $0xffff, v8;
	v8 =	vld [tilespmem:s18+$0x190F0]  }
0x5a0: {  	v51 =	vadd.f32 v47, v12  }
0x5a1: {  	v7 =	vadd.f32 v15, v7;
	v52 =	vld [tilespmem:s18+$0x192F0]  }
0x5a2: {  	(xrf0) =	vmax.scan.msk.f32 $0xffff, v6;
	v6 =	vld [tilespmem:s17+$0x1A0F0];
	v9 =	vadd.f32 v50, v51  }
0x5a3: {  	v53 =	vld [tilespmem:s18+$0x194F0];
	v7 =	vadd.f32 v17, v7  }
0x5a4: {  	v54 =	vld [tilespmem:s17+$0x1A2F0];
	v8 =	vadd.f32 v8, v9  }
0x5a5: {  	v55 =	vld [tilespmem:s18+$0x196F0];
	v7 =	vadd.f32 v49, v7  }
0x5a6: {  	v56 =	vld [tilespmem:s17+$0x1A4F0];
	v8 =	vadd.f32 v52, v8  }
0x5a7: {  	v6 =	vadd.f32 v6, v7;
	v7 =	vld [tilespmem:s18+$0x198F0]  }
0x5a8: {  	v58 =	vld [tilespmem:s17+$0x1A6F0];
	v57, _, _ =	vpop (xrf0);
	v8 =	vadd.f32 v53, v8  }
0x5a9: {  	v59 =	vld [tilespmem:s18+$0x19AF0];
	v6 =	vadd.f32 v54, v6;
	v60, _, _ =	vpop (xrf2)  }
0x5aa: {  	v11 =	vbroadcast v57, $0xF;
	v12 =	vperm.xlane v60, v2;
	v8 =	vadd.f32 v55, v8  }
0x5ab: {  	v61 =	vld [tilespmem:s18+$0x19CF0];
	v6 =	vadd.f32 v56, v6  }
0x5ac: {  	v11 =	vadd.f32 v12, v11;
	v7 =	vadd.f32 v7, v8  }
0x5ad: {  	v8 =	vld [tilespmem:s18+$0x19EF0]  }
0x5ae: {  	v6 =	vadd.f32 v58, v6;
	[tilespmem:s16+$0x1A8F0] =	vst v11;
	v7 =	vadd.f32 v59, v7  }
0x5af: {  	v62 =	vld [tilespmem:s18+$0x1A0F0]  }
0x5b0: {  	v6 =	vperm.xlane v6, v2;
	v7 =	vadd.f32 v61, v7  }
0x5b1: {  	v63 =	vld [tilespmem:s18+$0x1A2F0]  }
0x5b2: {  	(xrf2) =	vadd.scan.msk.f32 $0xffff, v6;
	v6 =	vadd.f32 v8, v7  }
0x5b3: {  	v7 =	vld [tilespmem:s18+$0x1A4F0]  }
0x5b4: {  	v6 =	vadd.f32 v62, v6  }
0x5b5: {  	(xrf0) =	vmax.scan.msk.f32 $0xffff, v11;
	v8 =	vld [tilespmem:s18+$0x1A6F0]  }
0x5b6: {  	v6 =	vadd.f32 v63, v6;
	_ =	sdelay $0x1  }
0x5b7: {  	v6 =	vadd.f32 v7, v6;
	_ =	sdelay $0x1  }
0x5b8: {  	v6 =	vadd.f32 v8, v6  }
0x5b9: {  	v7, _, _ =	vpop (xrf0)  }
0x5ba: {  	v8, _, _ =	vpop (xrf2);
	v6 =	vperm.xlane v6, v2  }
0x5bb: {  	v7 =	vbroadcast v7, $0xF;
	v8 =	vperm.xlane v8, v2  }
0x5bc: {  	(xrf2) =	vadd.scan.msk.f32 $0xffff, v6  }
0x5bd: {  	v6 =	vadd.f32 v8, v7;
	_ =	sdelay $0x1  }
0x5be: {  	(xrf0) =	vmax.scan.msk.f32 $0xffff, v6;
	_ =	sdelay $0x5  }
0x5bf: {  	v7, _, _ =	vpop (xrf0)  }
0x5c0: {  	v8, _, _ =	vpop (xrf2)  }
0x5c1: {  	v7 =	vbroadcast v7, $0xF;
	v8 =	vperm.xlane v8, v2;
	_ =	sdelay $0x1  }
0x5c2: {  	v7 =	vadd.f32 v8, v7;
	_ =	sdelay $0x1  }
0x5c3: {  	(xrf0) =	vmax.scan.msk.f32 $0xffff, v7;
	_ =	sdelay $0x4  }
0x5c4: {  	[tilespmem:s17+$0x1A8F0] =	vst v6  }
0x5c5: {  	[tilespmem:s18+$0x1A8F0] =	vst v7;
	v6, _, _ =	vpop (xrf0)  }
0x5c6: {  	s16 =	simm.s32 $0x40;
	v7 =	vld [tilespmem:s15+$0x1A700];
	v6 =	vimm.s32 $0x0  }
.LBB2_50:
0x5c7: {  	_ =	sdelay $0x1  }
0x5c8: {  	p0 =	sne.s32 s16, $0x7C0  }
.Ltmp24:
0x5c9: {  	_ = 	snop;
	(pc) =	sbr.rel @p0 .LBB2_50-.Ltmp24, $4  }
0x5ca: {  	vm0 =	vge.f32 v7, v4  }
0x5cb: {  	v8 =	vmpcnt.ones.xlane vm0  }
0x5cc: {  	s15 =	sshra.s32 s16, $0x2  }
0x5cd: {  	s16 =	sadd.s32 $0x40, s16;
	v7 =	vld [tilespmem:s15+$0x1A700];
	v6 =	vadd.s32 v6, v8  }
0x5ce: {  	_ =	sdelay $0x1  }
0x5cf: {  	(erf) = vrcp.f32 v3;
	_ =	sdelay $0x1  }
0x5d0: {  	vm0 =	vge.f32 v7, v4  }
0x5d1: {  	v3 =	vmpcnt.ones.xlane vm0;
	_ =	sdelay $0x1  }
0x5d2: {  	v3 =	vadd.s32 v6, v3  }
0x5d3: {  	v3 =	vadd.s32 $0xFFFFFFFF, v3  }
0x5d4: {  	s15 =	simm.s32 $0x0;
	s17 =	simm.s32 $0x50;
	vm15 =	vgt.s32 v3, $0x0  }
0x5d5: {  	v5 =	vshll.u32 v5, $0x9;
	s16 =	simm.s32 $0xA0;
	s19 =	simm.s32 $0x140;
	s20 =	simm.s32 $0xF0;
	v6 =	vld [tilespmem:s17+$0xFFFFFFD0];
	v4 =	vnsel vm15, $0x0, v3  }
0x5d6: {  	s18 =	sand.u32 $0x3FFE0, s15;
	s15 =	sand.u32 $0x3FFE0, s16;
	s16 =	simm.s32 $0xF0;
	v3 =	vpop (erf);
	v4 =	vadd.s32 v5, v4;
	v5 =	vld [tilespmem:s17+$0xFFFFFFF0]  }
.LBB2_52:
0x5d7: {  	p0 =	sne.s32 s19, $0x18600  }
0x5d8: {  	s20 =	sadd.s32 $0xA0, s20;
	v7 =	vld [tilespmem:s17+$0x20];
	s21 =	smov.u32 s19;
	s19 =	sadd.s32 $0xA0, s19  }
0x5d9: {  	v8 =	vld [tilespmem:s17+$0x0]  }
0x5da: {  	v9 =	vld [tilespmem:s17+$0xFFFFFFC0]  }
0x5db: {  	v10 =	vld [tilespmem:s17+$0xFFFFFFB0];
	v11 =	vshrl.u32 v6, $0x4;
	v6 =	vmul.f32 v6, v3  }
0x5dc: {  	v12 =	vld [tilespmem:s17+$0x10];
	vm0 =	vlt.s32 v11, v4  }
0x5dd: {  	v11 =	vld [tilespmem:s17+$0xFFFFFFE0];
	v13 =	vshrl.u32 v7, $0x4;
	v6 =	vsel vm0, $0x0, v6;
	v7 =	vmul.f32 v7, v3  }
0x5de: {  	v14 =	vshrl.u32 v5, $0x4;
	v5 =	vmul.f32 v5, v3;
	v15 =	vshrl.u32 v8, $0x4  }
0x5df: {  	vm0 =	vlt.s32 v14, v4;
	v16 =	vshrl.u32 v9, $0x4;
	vm1 =	vlt.s32 v15, v4  }
0x5e0: {  	v5 =	vsel vm0, $0x0, v5;
	v9 =	vmul.f32 v9, v3;
	v14 =	vld [tilespmem:s18+$0x80];
	vm2 =	vlt.s32 v16, v4  }
0x5e1: {  	vm0 =	vlt.s32 v13, v4;
	v8 =	vmul.f32 v8, v3;
	v15 =	vshrl.u32 v12, $0x4;
	[tilespmem:s17+$0xFFFFFFD0] =	vst v6  }
0x5e2: {  	s21 =	sand.u32 $0x3FFE0, s21;
	v7 =	vsel vm0, $0x0, v7;
	v9 =	vsel vm2, $0x0, v9;
	v6 =	vld [tilespmem:s17+$0x40];
	vm3 =	vlt.s32 v15, v4;
	[tilespmem:s17+$0xFFFFFFF0] =	vst v5  }
0x5e3: {  	v8 =	vsel vm1, $0x0, v8;
	v12 =	vmul.f32 v12, v3;
	v5 =	vmul.f32 v11, v3;
	[tilespmem:s17+$0xFFFFFFC0] =	vst v9  }
0x5e4: {  	v11 =	vshrl.u32 v11, $0x4;
	v9 =	vshrl.u32 v10, $0x4;
	v10 =	vmul.f32 v10, v3;
	[tilespmem:s17+$0x0] =	vst v8  }
0x5e5: {  	vm0 =	vlt.s32 v11, v4;
	v8 =	vsel vm3, $0x0, v12;
	v11 =	vmul.f32 v14, v3;
	[tilespmem:s17+$0x20] =	vst v7  }
0x5e6: {  	vm1 =	vlt.s32 v9, v4;
	v5 =	vsel vm0, $0x0, v5;
	v7 =	vshrl.u32 v14, $0x4;
	[tilespmem:s17+$0x10] =	vst v8  }
.Ltmp25:
0x5e7: {  	vm0 =	vlt.s32 v7, v4;
	v8 =	vsel vm1, $0x0, v10;
	v7 =	vshrl.u32 v6, $0x4;
	[tilespmem:s17+$0xFFFFFFE0] =	vst v5;
	(pc) =	sbr.rel @p0 .LBB2_52-.Ltmp25, $4  }
0x5e8: {  	v5 =	vsel vm0, $0x0, v11;
	vm1 =	vlt.s32 v7, v4;
	v7 =	vmul.f32 v6, v3;
	[tilespmem:s17+$0xFFFFFFB0] =	vst v8  }
0x5e9: {  	[tilespmem:s18+$0x80] =	vst v5;
	s18 =	smov.u32 s15;
	s15 =	smov.u32 s21  }
0x5ea: {  	v6 =	vld [tilespmem:s16+$0xFFFFFFD0];
	v7 =	vsel vm1, $0x0, v7  }
0x5eb: {  	v5 =	vld [tilespmem:s16+$0xFFFFFFF0];
	[tilespmem:s17+$0x40] =	vst v7;
	s17 =	smov.u32 s16;
	s16 =	smov.u32 s20  }
0x5ec: {  	v7 =	vld [tilespmem:s17+$0x20]  }
0x5ed: {  	v8 =	vld [tilespmem:s17+$0x0]  }
0x5ee: {  	v9 =	vld [tilespmem:s17+$0xFFFFFFC0]  }
0x5ef: {  	v11 =	vld [tilespmem:s17+$0x10]  }
0x5f0: {  	v12 =	vld [tilespmem:s17+$0xFFFFFFE0];
	v10 =	vshrl.u32 v6, $0x4  }
0x5f1: {  	v21 =	vmul.f32 v6, v3;
	vm0 =	vlt.s32 v10, v4  }
0x5f2: {  	v15 =	vld [tilespmem:s17+$0xFFFFFFB0];
	v13 =	vshrl.u32 v5, $0x4;
	v23 =	vmul.f32 v5, v3;
	v22 =	vshrl.u32 v7, $0x4  }
0x5f3: {  	v6 =	vsel vm0, $0x0, v21;
	v7 =	vmul.f32 v7, v3;
	v14 =	vshrl.u32 v8, $0x4  }
0x5f4: {  	v16 =	vshrl.u32 v9, $0x4;
	vm12 =	vlt.s32 v13, v4;
	v9 =	vmul.f32 v9, v3  }
0x5f5: {  	v24 =	vld [tilespmem:s18+$0x80];
	v25 =	vshrl.u32 v11, $0x4;
	v8 =	vmul.f32 v8, v3;
	v28 =	vmul.f32 v12, v3  }
0x5f6: {  	v29 =	vmul.f32 v11, v3;
	vm2 =	vlt.s32 v16, v4;
	v5 =	vsel vm12, $0x0, v23;
	[tilespmem:s17+$0xFFFFFFD0] =	vst v6  }
0x5f7: {  	v30 =	vshrl.u32 v15, $0x4;
	vm1 =	vlt.s32 v14, v4;
	v26 =	vsel vm2, $0x0, v9;
	[tilespmem:s17+$0xFFFFFFF0] =	vst v5  }
0x5f8: {  	v31 =	vshrl.u32 v12, $0x4;
	vm13 =	vlt.s32 v22, v4;
	v8 =	vsel vm1, $0x0, v8;
	[tilespmem:s17+$0xFFFFFFC0] =	vst v26  }
0x5f9: {  	v32 =	vmul.f32 v15, v3;
	vm3 =	vlt.s32 v25, v4;
	v7 =	vsel vm13, $0x0, v7;
	[tilespmem:s17+$0x0] =	vst v8  }
0x5fa: {  	v34 =	vmul.f32 v24, v3;
	vm14 =	vlt.s32 v31, v4;
	v33 =	vsel vm3, $0x0, v29;
	[tilespmem:s17+$0x20] =	vst v7  }
0x5fb: {  	v35 =	vshrl.u32 v24, $0x4;
	vm15 =	vlt.s32 v30, v4;
	v36 =	vsel vm14, $0x0, v28;
	[tilespmem:s17+$0x10] =	vst v33  }
0x5fc: {  	v27 =	vld [tilespmem:s17+$0x40];
	vm4 =	vlt.s32 v35, v4;
	v37 =	vsel vm15, $0x0, v32;
	[tilespmem:s17+$0xFFFFFFE0] =	vst v36  }
0x5fd: {  	v39 =	vsel vm4, $0x0, v34;
	[tilespmem:s17+$0xFFFFFFB0] =	vst v37  }
0x5fe: {  	[tilespmem:s18+$0x80] =	vst v39  }
0x5ff: {  	v6 =	vld [tilespmem:s16+$0xFFFFFFD0]  }
0x600: {  	v40 =	vld [tilespmem:s16+$0xFFFFFFF0]  }
0x601: {  	v38 =	vshrl.u32 v27, $0x4;
	v5 =	vmul.f32 v27, v3;
	v8 =	vld [tilespmem:s16+$0x0]  }
0x602: {  	vm5 =	vlt.s32 v38, v4;
	v41 =	vld [tilespmem:s16+$0xFFFFFFC0]  }
0x603: {  	v5 =	vsel vm5, $0x0, v5;
	v45 =	vld [tilespmem:s16+$0xFFFFFFE0]  }
0x604: {  	[tilespmem:s17+$0x40] =	vst v5;
	v49 =	vld [tilespmem:s16+$0xFFFFFFB0]  }
0x605: {  	v5 =	vld [tilespmem:s16+$0x20];
	v42 =	vshrl.u32 v6, $0x4  }
0x606: {  	v6 =	vmul.f32 v6, v3;
	v46 =	vshrl.u32 v40, $0x4;
	v47 =	vshrl.u32 v8, $0x4  }
0x607: {  	v43 =	vld [tilespmem:s16+$0x10];
	v7 =	vmul.f32 v40, v3;
	v48 =	vshrl.u32 v41, $0x4;
	v9 =	vmul.f32 v41, v3  }
0x608: {  	v8 =	vmul.f32 v8, v3;
	v53 =	vmul.f32 v45, v3;
	v55 =	vshrl.u32 v45, $0x4  }
0x609: {  	v56 =	vshrl.u32 v49, $0x4;
	v57 =	vmul.f32 v49, v3;
	vm6 =	vlt.s32 v42, v4  }
0x60a: {  	v50 =	vld [tilespmem:s15+$0x80];
	v44 =	vshrl.u32 v5, $0x4;
	vm7 =	vlt.s32 v46, v4;
	v6 =	vsel vm6, $0x0, v6  }
0x60b: {  	v52 =	vld [tilespmem:s16+$0x40];
	v5 =	vmul.f32 v5, v3;
	vm9 =	vlt.s32 v48, v4;
	v7 =	vsel vm7, $0x0, v7;
	[tilespmem:s16+$0xFFFFFFD0] =	vst v6  }
0x60c: {  	vm8 =	vlt.s32 v47, v4;
	v51 =	vshrl.u32 v43, $0x4;
	v9 =	vsel vm9, $0x0, v9;
	[tilespmem:s16+$0xFFFFFFF0] =	vst v7  }
0x60d: {  	v54 =	vmul.f32 v43, v3;
	vm13 =	vlt.s32 v56, v4;
	v8 =	vsel vm8, $0x0, v8;
	[tilespmem:s16+$0xFFFFFFC0] =	vst v9  }
0x60e: {  	vm12 =	vlt.s32 v55, v4;
	vm10 =	vlt.s32 v44, v4;
	v62 =	vsel vm13, $0x0, v57;
	[tilespmem:s16+$0x0] =	vst v8  }
0x60f: {  	v59 =	vmul.f32 v50, v3;
	vm11 =	vlt.s32 v51, v4;
	v5 =	vsel vm10, $0x0, v5;
	[tilespmem:s16+$0xFFFFFFB0] =	vst v62  }
0x610: {  	v60 =	vshrl.u32 v50, $0x4;
	v61 =	vshrl.u32 v52, $0x4;
	v58 =	vsel vm11, $0x0, v54;
	[tilespmem:s16+$0x20] =	vst v5  }
0x611: {  	v3 =	vmul.f32 v52, v3;
	vm14 =	vlt.s32 v60, v4;
	v7 =	vsel vm12, $0x0, v53;
	[tilespmem:s16+$0x10] =	vst v58  }
0x612: {  	s14 =	sadd.s32 $0x1, s14;
	vm15 =	vlt.s32 v61, v4;
	v63 =	vsel vm14, $0x0, v59;
	[tilespmem:s16+$0xFFFFFFE0] =	vst v7  }
0x613: {  	p0 =	sne.s32 s14, s7;
	v3 =	vsel vm15, $0x0, v3;
	[tilespmem:s15+$0x80] =	vst v63  }
.Ltmp26:
0x614: {  	[tilespmem:s16+$0x40] =	vst v3;
	(pc) =	sbr.rel @p0 .LBB2_1-.Ltmp26, $4  }
0x615: {  	[hbm4b:s6+s8] =	stream.strided.scatter [tilespmem:s2], [sflag:$0x6], $0x18700, s9, s8, $0x38;
	[tilespmem:$0x1A980] =	vst v63  }
0x616: {  	_ =	swait.ge [sflag:s13], $0x18700  }
0x617: {  	[sflag:s13] =	ssyncset.done $0x0  }
0x618: {  	[sflag:s13] =	ssyncadd.s32 $0xFFFE7900  }
0x619: {  	_ =	sfence.sel $0x180000  }
0x61a: {  	[bflag:$0x0] =	sbarrier.arrive $0xFFFF  }
0x61b: {  	p0 =	sne.s32 s0, $0x0;
	_ =	strace $0x90000047  }
0x61c: {  	s0 =	sadd.s32 @!p0 $0x100000, s1;
	[bflag:$0x2] =	sbarrier.arrive $0xFFFF  }
0x61d: {  	[sflag:s0] =	ssyncadd.tile.s32 @!p0 $0x1;
	_ =	shalt  }
.Lfunc_end2:
_tile_overlayer_lowered:
.L_overlay_start_2:
0x61e: {  	(tag) =	ssettag $0x2  }
0x61f: {  	s0 =	rddreg [dreg:$0x0];
	s2 =	stileid.u32  }
0x620: {  	s1 =	rddreg [dreg:$0x1];
	p0 =	sne.s32 s2, $0x0  }
0x621: {  	s3 =	rddreg [dreg:$0x2];
	[bflag:$0x3] =	sbarrier.arrive $0xFFFF;
	s2 =	simm.s32 @!p0 $0x1C0B  }
0x622: {  	[timem:s3], [sflag:s2] =	dma.local @!p0 [hbm:s0], s1  }
0x623: {  	s0 =	simm.s32 @!p0 $0xB  }
0x624: {  	_ =	swait.ge @!p0 [sflag:s0], s1  }
0x625: {  	s1 =	ssub.s32 @!p0 $0x0, s1;
	[sflag:s0] =	ssyncset.done @!p0 $0x0  }
0x626: {  	[sflag:s0] =	ssyncadd.s32 @!p0 s1  }
0x627: {  	[bflag:$0x3] =	sbarrier.arrive $0xFFFF  }
0x628: {  	_ =	shalt  }

</sc_bundles>
